<compile_context>
chip_gen: v7x
topology: tpu7x:2x2x1
jax: 0.10.2.dev20260603
libtpu: 0.0.44.dev20260713+nightly
codegen_flags: <defaults>
</compile_context>

<pallas_src>
import jax
import jax.numpy as jnp
import numpy as np
from jax import lax
from jax.experimental import pallas as pl
from jax.experimental.pallas import tpu as pltpu
from jax.experimental.pallas import tpu_sc as plsc

N = 10000
E = 320000
D = 128
NC = 2
NS = 16
NW = NC * NS
PW = E // NW
CH = 128
CF = 79
PWP = CF * CH
NI = 4
NG = 2
NA = 10240
RPT = NA // NS

_mesh = plsc.VectorSubcoreMesh(core_axis_name="c", subcore_axis_name="s")


def _make_sc(with_deg):
    out_type = [jax.ShapeDtypeStruct((NC, NA, D), jnp.float32)]
    if with_deg:
        out_type.append(jax.ShapeDtypeStruct((NC, NA), jnp.float32))
    scratch = (
        [pltpu.VMEM((CH,), jnp.int32) for _ in range(NI)]
        + [pltpu.VMEM((CH,), jnp.int32) for _ in range(NI)]
        + [pltpu.VMEM((CH, D), jnp.float32) for _ in range(NG)]
        + [pltpu.VMEM((CH,), jnp.float32),
           pltpu.MemorySpace.VMEM_SHARED((NA, D), jnp.float32),
           pltpu.MemorySpace.VMEM_SHARED((NA,), jnp.float32)]
        + [pltpu.SemaphoreType.DMA] * (NI + 2 * NG
                                       + (NG if with_deg else 0))
    )

    def body(h_hbm, src_hbm, dst_hbm, zb_hbm, zd_hbm, one_hbm, *rest):
        if with_deg:
            agg_out, deg_out = rest[0], rest[1]
            scr = rest[2:]
        else:
            agg_out = rest[0]
            scr = rest[1:]
        sb = scr[0:NI]
        db = scr[NI:2 * NI]
        gb = scr[2 * NI:2 * NI + NG]
        onesv, agg_sh, deg_sh = scr[2 * NI + NG:2 * NI + NG + 3]
        sems = scr[2 * NI + NG + 3:]
        si = sems[0:NI]
        sg = sems[NI:NI + NG]
        ss = sems[NI + NG:NI + 2 * NG]
        sd = sems[NI + 2 * NG:NI + 3 * NG] if with_deg else None
        c = lax.axis_index("c")
        s = lax.axis_index("s")
        wid = c * NS + s
        srpt = pl.multiple_of(s * RPT, 128)

        def _off(j):
            return pl.multiple_of(j * CH, CH)

        def idx_start(j, ki):
            pltpu.async_copy(src_hbm.at[wid, pl.ds(_off(j), CH)], sb[ki],
                             si[ki])
            pltpu.async_copy(dst_hbm.at[wid, pl.ds(_off(j), CH)], db[ki],
                             si[ki])

        def idx_wait(j, ki):
            pltpu.make_async_copy(src_hbm.at[wid, pl.ds(_off(j), CH)],
                                  sb[ki], si[ki]).wait()
            pltpu.make_async_copy(dst_hbm.at[wid, pl.ds(_off(j), CH)],
                                  db[ki], si[ki]).wait()

        def gat_start(ki, kg):
            pltpu.async_copy(h_hbm.at[sb[ki]], gb[kg], sg[kg])

        def gat_wait(ki, kg):
            pltpu.make_async_copy(h_hbm.at[sb[ki]], gb[kg], sg[kg]).wait()

        def scat_start(kg, ki):
            pltpu.async_copy(gb[kg], agg_sh.at[db[ki]], ss[kg], add=True)
            if with_deg:
                pltpu.async_copy(onesv, deg_sh.at[db[ki]], sd[kg], add=True)

        def scat_wait(kg, ki):
            pltpu.make_async_copy(gb[kg], agg_sh.at[db[ki]], ss[kg]).wait()
            if with_deg:
                pltpu.make_async_copy(onesv, deg_sh.at[db[ki]],
                                      sd[kg]).wait()

        def chunk_ops(j, jm, first=False, do_idx3=True, do_idx1=True):
            if not first:
                scat_wait((jm + 1) % NG, (jm + 3) % NI)
            if do_idx3:
                idx_start(j + 3, (jm + 3) % NI)
            if do_idx1:
                idx_wait(j + 1, (jm + 1) % NI)
                gat_start((jm + 1) % NI, (jm + 1) % NG)
            gat_wait(jm % NI, jm % NG)
            scat_start(jm % NG, jm % NI)

        idx_start(0, 0)
        idx_start(1, 1)
        idx_start(2, 2)
        pltpu.sync_copy(zb_hbm, agg_sh.at[pl.ds(srpt, RPT)])
        if with_deg:
            pltpu.sync_copy(zd_hbm, deg_sh.at[pl.ds(srpt, RPT)])
            pltpu.sync_copy(one_hbm, onesv)
        idx_wait(0, 0)
        gat_start(0, 0)
        plsc.subcore_barrier()
        chunk_ops(0, 0, first=True)
        for j in (1, 2, 3):
            chunk_ops(j, j)

        def step(t, carry):
            for i in range(4):
                chunk_ops(t * 4 + i, i)
            return carry

        lax.fori_loop(1, (CF - 6) // 4, step, 0)

        for j in range(72, CF):
            chunk_ops(j, j % NI, do_idx3=j + 3 <= CF - 1,
                      do_idx1=j + 1 <= CF - 1)
        scat_wait((CF - 1) % NG, (CF - 1) % NI)

        plsc.subcore_barrier()
        pltpu.sync_copy(agg_sh.at[pl.ds(srpt, RPT)],
                        agg_out.at[c, pl.ds(srpt, RPT)])
        if with_deg:
            pltpu.sync_copy(deg_sh.at[pl.ds(srpt, RPT)],
                            deg_out.at[c, pl.ds(srpt, RPT)])

    return pl.kernel(body, out_type=out_type, mesh=_mesh,
                     scratch_types=scratch)


_sc_deg = _make_sc(True)
_sc_nodeg = _make_sc(False)

BM = 1000


def _tc_self_body(h_ref, Ws_ref, b_ref, out_ref):
    out_ref[...] = jnp.dot(h_ref[...], Ws_ref[...],
                           preferred_element_type=jnp.float32) + b_ref[...]


def _tc_self(h, Ws, b):
    return pl.pallas_call(
        _tc_self_body,
        grid=(N // BM,),
        in_specs=[
            pl.BlockSpec((BM, D), lambda i: (i, 0)),
            pl.BlockSpec((D, D), lambda i: (0, 0)),
            pl.BlockSpec((1, D), lambda i: (0, 0)),
        ],
        out_specs=pl.BlockSpec((BM, D), lambda i: (i, 0)),
        out_shape=jax.ShapeDtypeStruct((N, D), jnp.float32),
    )(h, Ws, b.reshape(1, D))


def _tc_mean_body(tmp_ref, agg_ref, deg_ref, Wn_ref, out_ref):
    inv = 1.0 / jnp.maximum(deg_ref[0] + deg_ref[1], 1.0)
    mean = (agg_ref[0] + agg_ref[1]) * inv
    acc = tmp_ref[...] + jnp.dot(mean, Wn_ref[...],
                                 preferred_element_type=jnp.float32)
    out_ref[...] = jnp.maximum(acc, 0.0)


def _tc_mean(tmp, aggP, degP, Wn):
    return pl.pallas_call(
        _tc_mean_body,
        grid=(N // BM,),
        in_specs=[
            pl.BlockSpec((BM, D), lambda i: (i, 0)),
            pl.BlockSpec((NC, BM, D), lambda i: (0, i, 0)),
            pl.BlockSpec((NC, BM, 1), lambda i: (0, i, 0)),
            pl.BlockSpec((D, D), lambda i: (0, 0)),
        ],
        out_specs=pl.BlockSpec((BM, D), lambda i: (i, 0)),
        out_shape=jax.ShapeDtypeStruct((N, D), jnp.float32),
    )(tmp, aggP, degP, Wn)


_ZB = np.zeros((RPT, D), np.float32)
_ZD = np.zeros((RPT,), np.float32)
_ONE = np.ones((CH,), np.float32)


_PS = np.broadcast_to(np.arange(PWP - PW, dtype=np.int32), (NW, PWP - PW))
_PD = np.broadcast_to(N + np.arange(PWP - PW, dtype=np.int32),
                      (NW, PWP - PW))


def kernel(x, edge_index, Ws1, Wn1, b1, Ws2, Wn2, b2):
    src = edge_index[0]
    dst = edge_index[1]
    srcw = jnp.concatenate([src.reshape(NW, PW), _PS], axis=1)
    dstw = jnp.concatenate([dst.reshape(NW, PW), _PD], axis=1)
    zb, zd, one = _ZB, _ZD, _ONE

    aggP1, degP = _sc_deg(x, srcw, dstw, zb, zd, one)
    degP = degP[:, :, None]
    tmp1 = _tc_self(x, Ws1, b1)
    h1 = _tc_mean(tmp1, aggP1, degP, Wn1)
    aggP2 = _sc_nodeg(h1, srcw, dstw, zb, zd, one)
    if isinstance(aggP2, (list, tuple)):
        aggP2 = aggP2[0]
    tmp2 = _tc_self(h1, Ws2, b2)
    h2 = _tc_mean(tmp2, aggP2, degP, Wn2)
    return h2

# --- scband reference (transcript-rebuilt; emitter-appended) ---
"""Pipeline reference for scband-basic-gnn-24292335026765 (READ-ONLY COPY).

The authoritative reference and input builder live on the scoring server;
editing this copy changes nothing except your own understanding.
"""

import jax, jax.numpy as jnp
import numpy as np

N = 10000
E = 320000
D = 128


def setup_inputs(seed: int = 0) -> dict:
    key = jax.random.key(seed)
    ks = jax.random.split(key, 9)
    x = jax.random.normal(ks[0], (N, D), dtype=jnp.float32)
    edge_index = jax.random.randint(ks[1], (2, E), 0, N, dtype=jnp.int32)
    s = 1.0 / np.sqrt(D)
    Ws1 = jax.random.normal(ks[2], (D, D), dtype=jnp.float32) * s
    Wn1 = jax.random.normal(ks[3], (D, D), dtype=jnp.float32) * s
    b1 = jnp.zeros((D,), dtype=jnp.float32)
    Ws2 = jax.random.normal(ks[4], (D, D), dtype=jnp.float32) * s
    Wn2 = jax.random.normal(ks[5], (D, D), dtype=jnp.float32) * s
    b2 = jnp.zeros((D,), dtype=jnp.float32)
    return {"x": x, "edge_index": edge_index, "Ws1": Ws1, "Wn1": Wn1, "b1": b1, "Ws2": Ws2, "Wn2": Wn2, "b2": b2}


def reference(x, edge_index, Ws1, Wn1, b1, Ws2, Wn2, b2):
    # BasicGNN with 2 SAGE-style mean-aggregation conv layers + ReLU act,
    # dropout=0.0 (identity in eval), jk='last'.
    src = edge_index[0]
    dst = edge_index[1]

    def conv(h, Ws, Wn, b):
        msgs = jnp.take(h, src, axis=0)                              # gather [E, D]
        agg = jax.ops.segment_sum(msgs, dst, num_segments=N)          # scatter-add [N, D]
        deg = jax.ops.segment_sum(jnp.ones((E,), jnp.float32), dst, num_segments=N)
        mean = agg / jnp.clip(deg, 1.0)[:, None]
        out = h @ Ws + mean @ Wn + b
        return jax.nn.relu(out)

    h = conv(x, Ws1, Wn1, b1)
    h = conv(h, Ws2, Wn2, b2)
    return h

if __name__ == "__main__":
    import jax
    _d = setup_inputs()
    print(jax.jit(kernel)(*tuple(_d.values())))

</pallas_src>

<mosaic_0001>
#map = affine_map<(d0, d1) -> (0, 0)>
#map1 = affine_map<(d0, d1) -> (0)>
#map2 = affine_map<(d0, d1) -> (0, 0, 0)>
module attributes {stable_mosaic.version = 14 : i64} {
  func.func @body(%arg0: i32, %arg1: i32, %arg2: memref<10000x128xf32, #tpu.memory_space<hbm>>, %arg3: memref<32x10112xi32, #tpu.memory_space<hbm>>, %arg4: memref<32x10112xi32, #tpu.memory_space<hbm>>, %arg5: memref<640x128xf32, #tpu.memory_space<hbm>>, %arg6: memref<640xf32, #tpu.memory_space<hbm>>, %arg7: memref<128xf32, #tpu.memory_space<hbm>>, %arg8: memref<2x10240x128xf32, #tpu.memory_space<hbm>>, %arg9: memref<2x10240xf32, #tpu.memory_space<hbm>>, %arg10: memref<128xi32, #tpu.memory_space<vmem>>, %arg11: memref<128xi32, #tpu.memory_space<vmem>>, %arg12: memref<128xi32, #tpu.memory_space<vmem>>, %arg13: memref<128xi32, #tpu.memory_space<vmem>>, %arg14: memref<128xi32, #tpu.memory_space<vmem>>, %arg15: memref<128xi32, #tpu.memory_space<vmem>>, %arg16: memref<128xi32, #tpu.memory_space<vmem>>, %arg17: memref<128xi32, #tpu.memory_space<vmem>>, %arg18: memref<128x128xf32, #tpu.memory_space<vmem>>, %arg19: memref<128x128xf32, #tpu.memory_space<vmem>>, %arg20: memref<128xf32, #tpu.memory_space<vmem>>, %arg21: memref<10240x128xf32, #tpu.memory_space<vmem_shared>>, %arg22: memref<10240xf32, #tpu.memory_space<vmem_shared>>, %arg23: memref<!tpu.dma_semaphore, #tpu.memory_space<semaphore_mem>>, %arg24: memref<!tpu.dma_semaphore, #tpu.memory_space<semaphore_mem>>, %arg25: memref<!tpu.dma_semaphore, #tpu.memory_space<semaphore_mem>>, %arg26: memref<!tpu.dma_semaphore, #tpu.memory_space<semaphore_mem>>, %arg27: memref<!tpu.dma_semaphore, #tpu.memory_space<semaphore_mem>>, %arg28: memref<!tpu.dma_semaphore, #tpu.memory_space<semaphore_mem>>, %arg29: memref<!tpu.dma_semaphore, #tpu.memory_space<semaphore_mem>>, %arg30: memref<!tpu.dma_semaphore, #tpu.memory_space<semaphore_mem>>, %arg31: memref<!tpu.dma_semaphore, #tpu.memory_space<semaphore_mem>>, %arg32: memref<!tpu.dma_semaphore, #tpu.memory_space<semaphore_mem>>) attributes {dimension_semantics = [#tpu.dimension_semantics<core_parallel>, #tpu.dimension_semantics<subcore_parallel>], iteration_bounds = array<i64: 2, 16>, scalar_prefetch = 0 : i64, scratch_operands = 23 : i64, tpu.core_type = #tpu.core_type<sc_vector_subcore>, window_params = [{transform_indices = #map}, {transform_indices = #map}, {transform_indices = #map}, {transform_indices = #map}, {transform_indices = #map1}, {transform_indices = #map1}, {transform_indices = #map2}, {transform_indices = #map}]} {
    %mul3A = arith.constant 16 : i32
    %mul3A_0 = arith.muli %arg0, %mul3A : i32
    %add3A = arith.addi %mul3A_0, %arg1 : i32
    %mul3A_1 = arith.constant 640 : i32
    %mul3A_2 = arith.muli %arg1, %mul3A_1 : i32
    %multiple_of3A = tpu.assume_multiple %mul3A_2, 128 : i32
    %multiple_of3A_3 = arith.constant 0 : i32
    %multiple_of3A_4 = tpu.assume_multiple %multiple_of3A_3, 128 : i32
    %dma_start3A = tpu.memref_slice %arg3[%add3A, %multiple_of3A_4] : memref<32x10112xi32, #tpu.memory_space<hbm>> -> memref<1x128xi32, #tpu.memory_space<hbm>>
    %dma_start3A_5 = tpu.memref_squeeze %dma_start3A : memref<1x128xi32, #tpu.memory_space<hbm>> -> memref<128xi32, #tpu.memory_space<hbm>>
    %dma_start3A_6 = tpu.memref_slice %arg3[%add3A, %multiple_of3A_4] : memref<32x10112xi32, #tpu.memory_space<hbm>> -> memref<1x128xi32, #tpu.memory_space<hbm>>
    %dma_start3A_7 = tpu.memref_squeeze %dma_start3A_6 : memref<1x128xi32, #tpu.memory_space<hbm>> -> memref<128xi32, #tpu.memory_space<hbm>>
    tpu.enqueue_dma source(%dma_start3A_7 : memref<128xi32, #tpu.memory_space<hbm>>) target(%arg10 : memref<128xi32, #tpu.memory_space<vmem>>) target_semaphore(%arg23 : memref<!tpu.dma_semaphore, #tpu.memory_space<semaphore_mem>>)
    %multiple_of3A_8 = arith.constant 0 : i32
    %multiple_of3A_9 = tpu.assume_multiple %multiple_of3A_8, 128 : i32
    %dma_start3A_10 = tpu.memref_slice %arg4[%add3A, %multiple_of3A_9] : memref<32x10112xi32, #tpu.memory_space<hbm>> -> memref<1x128xi32, #tpu.memory_space<hbm>>
    %dma_start3A_11 = tpu.memref_squeeze %dma_start3A_10 : memref<1x128xi32, #tpu.memory_space<hbm>> -> memref<128xi32, #tpu.memory_space<hbm>>
    %dma_start3A_12 = tpu.memref_slice %arg4[%add3A, %multiple_of3A_9] : memref<32x10112xi32, #tpu.memory_space<hbm>> -> memref<1x128xi32, #tpu.memory_space<hbm>>
    %dma_start3A_13 = tpu.memref_squeeze %dma_start3A_12 : memref<1x128xi32, #tpu.memory_space<hbm>> -> memref<128xi32, #tpu.memory_space<hbm>>
    tpu.enqueue_dma source(%dma_start3A_13 : memref<128xi32, #tpu.memory_space<hbm>>) target(%arg14 : memref<128xi32, #tpu.memory_space<vmem>>) target_semaphore(%arg23 : memref<!tpu.dma_semaphore, #tpu.memory_space<semaphore_mem>>)
    %multiple_of3A_14 = arith.constant 128 : i32
    %multiple_of3A_15 = tpu.assume_multiple %multiple_of3A_14, 128 : i32
    %dma_start3A_16 = tpu.memref_slice %arg3[%add3A, %multiple_of3A_15] : memref<32x10112xi32, #tpu.memory_space<hbm>> -> memref<1x128xi32, #tpu.memory_space<hbm>>
    %dma_start3A_17 = tpu.memref_squeeze %dma_start3A_16 : memref<1x128xi32, #tpu.memory_space<hbm>> -> memref<128xi32, #tpu.memory_space<hbm>>
    %dma_start3A_18 = tpu.memref_slice %arg3[%add3A, %multiple_of3A_15] : memref<32x10112xi32, #tpu.memory_space<hbm>> -> memref<1x128xi32, #tpu.memory_space<hbm>>
    %dma_start3A_19 = tpu.memref_squeeze %dma_start3A_18 : memref<1x128xi32, #tpu.memory_space<hbm>> -> memref<128xi32, #tpu.memory_space<hbm>>
    tpu.enqueue_dma source(%dma_start3A_19 : memref<128xi32, #tpu.memory_space<hbm>>) target(%arg11 : memref<128xi32, #tpu.memory_space<vmem>>) target_semaphore(%arg24 : memref<!tpu.dma_semaphore, #tpu.memory_space<semaphore_mem>>)
    %multiple_of3A_20 = arith.constant 128 : i32
    %multiple_of3A_21 = tpu.assume_multiple %multiple_of3A_20, 128 : i32
    %dma_start3A_22 = tpu.memref_slice %arg4[%add3A, %multiple_of3A_21] : memref<32x10112xi32, #tpu.memory_space<hbm>> -> memref<1x128xi32, #tpu.memory_space<hbm>>
    %dma_start3A_23 = tpu.memref_squeeze %dma_start3A_22 : memref<1x128xi32, #tpu.memory_space<hbm>> -> memref<128xi32, #tpu.memory_space<hbm>>
    %dma_start3A_24 = tpu.memref_slice %arg4[%add3A, %multiple_of3A_21] : memref<32x10112xi32, #tpu.memory_space<hbm>> -> memref<1x128xi32, #tpu.memory_space<hbm>>
    %dma_start3A_25 = tpu.memref_squeeze %dma_start3A_24 : memref<1x128xi32, #tpu.memory_space<hbm>> -> memref<128xi32, #tpu.memory_space<hbm>>
    tpu.enqueue_dma source(%dma_start3A_25 : memref<128xi32, #tpu.memory_space<hbm>>) target(%arg15 : memref<128xi32, #tpu.memory_space<vmem>>) target_semaphore(%arg24 : memref<!tpu.dma_semaphore, #tpu.memory_space<semaphore_mem>>)
    %multiple_of3A_26 = arith.constant 256 : i32
    %multiple_of3A_27 = tpu.assume_multiple %multiple_of3A_26, 128 : i32
    %dma_start3A_28 = tpu.memref_slice %arg3[%add3A, %multiple_of3A_27] : memref<32x10112xi32, #tpu.memory_space<hbm>> -> memref<1x128xi32, #tpu.memory_space<hbm>>
    %dma_start3A_29 = tpu.memref_squeeze %dma_start3A_28 : memref<1x128xi32, #tpu.memory_space<hbm>> -> memref<128xi32, #tpu.memory_space<hbm>>
    %dma_start3A_30 = tpu.memref_slice %arg3[%add3A, %multiple_of3A_27] : memref<32x10112xi32, #tpu.memory_space<hbm>> -> memref<1x128xi32, #tpu.memory_space<hbm>>
    %dma_start3A_31 = tpu.memref_squeeze %dma_start3A_30 : memref<1x128xi32, #tpu.memory_space<hbm>> -> memref<128xi32, #tpu.memory_space<hbm>>
    tpu.enqueue_dma source(%dma_start3A_31 : memref<128xi32, #tpu.memory_space<hbm>>) target(%arg12 : memref<128xi32, #tpu.memory_space<vmem>>) target_semaphore(%arg25 : memref<!tpu.dma_semaphore, #tpu.memory_space<semaphore_mem>>)
    %multiple_of3A_32 = arith.constant 256 : i32
    %multiple_of3A_33 = tpu.assume_multiple %multiple_of3A_32, 128 : i32
    %dma_start3A_34 = tpu.memref_slice %arg4[%add3A, %multiple_of3A_33] : memref<32x10112xi32, #tpu.memory_space<hbm>> -> memref<1x128xi32, #tpu.memory_space<hbm>>
    %dma_start3A_35 = tpu.memref_squeeze %dma_start3A_34 : memref<1x128xi32, #tpu.memory_space<hbm>> -> memref<128xi32, #tpu.memory_space<hbm>>
    %dma_start3A_36 = tpu.memref_slice %arg4[%add3A, %multiple_of3A_33] : memref<32x10112xi32, #tpu.memory_space<hbm>> -> memref<1x128xi32, #tpu.memory_space<hbm>>
    %dma_start3A_37 = tpu.memref_squeeze %dma_start3A_36 : memref<1x128xi32, #tpu.memory_space<hbm>> -> memref<128xi32, #tpu.memory_space<hbm>>
    tpu.enqueue_dma source(%dma_start3A_37 : memref<128xi32, #tpu.memory_space<hbm>>) target(%arg16 : memref<128xi32, #tpu.memory_space<vmem>>) target_semaphore(%arg25 : memref<!tpu.dma_semaphore, #tpu.memory_space<semaphore_mem>>)
    "tpu.region"() ({
      %run_scoped3A = tpu.sem_alloc : memref<!tpu.dma_semaphore, #tpu.memory_space<semaphore_mem>>
      %dma_start3A_447 = arith.constant 0 : i32
      %dma_start3A_448 = tpu.memref_slice %arg21[%multiple_of3A, %dma_start3A_447] : memref<10240x128xf32, #tpu.memory_space<vmem_shared>> -> memref<640x128xf32, #tpu.memory_space<vmem_shared>>
      tpu.enqueue_dma source(%arg5 : memref<640x128xf32, #tpu.memory_space<hbm>>) target(%dma_start3A_448 : memref<640x128xf32, #tpu.memory_space<vmem_shared>>) target_semaphore(%run_scoped3A : memref<!tpu.dma_semaphore, #tpu.memory_space<semaphore_mem>>)
      %dma_wait3A_449 = arith.constant 0 : i32
      %dma_wait3A_450 = tpu.memref_slice %arg21[%multiple_of3A, %dma_wait3A_449] : memref<10240x128xf32, #tpu.memory_space<vmem_shared>> -> memref<640x128xf32, #tpu.memory_space<vmem_shared>>
      tpu.wait_dma2 semaphore(%run_scoped3A : memref<!tpu.dma_semaphore, #tpu.memory_space<semaphore_mem>>) src(%arg5 : memref<640x128xf32, #tpu.memory_space<hbm>>) dst(%dma_wait3A_450 : memref<640x128xf32, #tpu.memory_space<vmem_shared>>)
      tpu.yield
    }) : () -> ()
    "tpu.region"() ({
      %run_scoped3A = tpu.sem_alloc : memref<!tpu.dma_semaphore, #tpu.memory_space<semaphore_mem>>
      %dma_start3A_447 = tpu.memref_slice %arg22[%multiple_of3A] : memref<10240xf32, #tpu.memory_space<vmem_shared>> -> memref<640xf32, #tpu.memory_space<vmem_shared>>
      tpu.enqueue_dma source(%arg6 : memref<640xf32, #tpu.memory_space<hbm>>) target(%dma_start3A_447 : memref<640xf32, #tpu.memory_space<vmem_shared>>) target_semaphore(%run_scoped3A : memref<!tpu.dma_semaphore, #tpu.memory_space<semaphore_mem>>)
      %dma_wait3A_448 = tpu.memref_slice %arg22[%multiple_of3A] : memref<10240xf32, #tpu.memory_space<vmem_shared>> -> memref<640xf32, #tpu.memory_space<vmem_shared>>
      tpu.wait_dma2 semaphore(%run_scoped3A : memref<!tpu.dma_semaphore, #tpu.memory_space<semaphore_mem>>) src(%arg6 : memref<640xf32, #tpu.memory_space<hbm>>) dst(%dma_wait3A_448 : memref<640xf32, #tpu.memory_space<vmem_shared>>)
      tpu.yield
    }) : () -> ()
    "tpu.region"() ({
      %run_scoped3A = tpu.sem_alloc : memref<!tpu.dma_semaphore, #tpu.memory_space<semaphore_mem>>
      tpu.enqueue_dma source(%arg7 : memref<128xf32, #tpu.memory_space<hbm>>) target(%arg20 : memref<128xf32, #tpu.memory_space<vmem>>) target_semaphore(%run_scoped3A : memref<!tpu.dma_semaphore, #tpu.memory_space<semaphore_mem>>)
      tpu.wait_dma2 semaphore(%run_scoped3A : memref<!tpu.dma_semaphore, #tpu.memory_space<semaphore_mem>>) src(%arg7 : memref<128xf32, #tpu.memory_space<hbm>>) dst(%arg20 : memref<128xf32, #tpu.memory_space<vmem>>)
      tpu.yield
    }) : () -> ()
    %multiple_of3A_38 = arith.constant 0 : i32
    %multiple_of3A_39 = tpu.assume_multiple %multiple_of3A_38, 128 : i32
    %dma_wait3A = tpu.memref_slice %arg3[%add3A, %multiple_of3A_39] : memref<32x10112xi32, #tpu.memory_space<hbm>> -> memref<1x128xi32, #tpu.memory_space<hbm>>
    %dma_wait3A_40 = tpu.memref_squeeze %dma_wait3A : memref<1x128xi32, #tpu.memory_space<hbm>> -> memref<128xi32, #tpu.memory_space<hbm>>
    %dma_wait3A_41 = tpu.memref_slice %arg3[%add3A, %multiple_of3A_39] : memref<32x10112xi32, #tpu.memory_space<hbm>> -> memref<1x128xi32, #tpu.memory_space<hbm>>
    %dma_wait3A_42 = tpu.memref_squeeze %dma_wait3A_41 : memref<1x128xi32, #tpu.memory_space<hbm>> -> memref<128xi32, #tpu.memory_space<hbm>>
    tpu.wait_dma2 semaphore(%arg23 : memref<!tpu.dma_semaphore, #tpu.memory_space<semaphore_mem>>) src(%dma_wait3A_42 : memref<128xi32, #tpu.memory_space<hbm>>) dst(%arg10 : memref<128xi32, #tpu.memory_space<vmem>>)
    %multiple_of3A_43 = arith.constant 0 : i32
    %multiple_of3A_44 = tpu.assume_multiple %multiple_of3A_43, 128 : i32
    %dma_wait3A_45 = tpu.memref_slice %arg4[%add3A, %multiple_of3A_44] : memref<32x10112xi32, #tpu.memory_space<hbm>> -> memref<1x128xi32, #tpu.memory_space<hbm>>
    %dma_wait3A_46 = tpu.memref_squeeze %dma_wait3A_45 : memref<1x128xi32, #tpu.memory_space<hbm>> -> memref<128xi32, #tpu.memory_space<hbm>>
    %dma_wait3A_47 = tpu.memref_slice %arg4[%add3A, %multiple_of3A_44] : memref<32x10112xi32, #tpu.memory_space<hbm>> -> memref<1x128xi32, #tpu.memory_space<hbm>>
    %dma_wait3A_48 = tpu.memref_squeeze %dma_wait3A_47 : memref<1x128xi32, #tpu.memory_space<hbm>> -> memref<128xi32, #tpu.memory_space<hbm>>
    tpu.wait_dma2 semaphore(%arg23 : memref<!tpu.dma_semaphore, #tpu.memory_space<semaphore_mem>>) src(%dma_wait3A_48 : memref<128xi32, #tpu.memory_space<hbm>>) dst(%arg14 : memref<128xi32, #tpu.memory_space<vmem>>)
    %dma_start3A_49 = arith.constant 0 : i32
    %dma_start3A_50 = arith.constant 0 : i32
    %dma_start3A_51 = tpu.memref_slice %arg2[%dma_start3A_49, %dma_start3A_50] : memref<10000x128xf32, #tpu.memory_space<hbm>> -> memref<10000x128xf32, #tpu.memory_space<hbm>>
    tpu.enqueue_indirect_dma source(%dma_start3A_51 : memref<10000x128xf32, #tpu.memory_space<hbm>>) target(%arg18 : memref<128x128xf32, #tpu.memory_space<vmem>>) offsets(%arg10 : memref<128xi32, #tpu.memory_space<vmem>>) semaphore(%arg27 : memref<!tpu.dma_semaphore, #tpu.memory_space<semaphore_mem>>)
    %barrier3A = arith.constant 0 : index
    tpu.barrier barrier_id(%barrier3A)
    %multiple_of3A_52 = arith.constant 384 : i32
    %multiple_of3A_53 = tpu.assume_multiple %multiple_of3A_52, 128 : i32
    %dma_start3A_54 = tpu.memref_slice %arg3[%add3A, %multiple_of3A_53] : memref<32x10112xi32, #tpu.memory_space<hbm>> -> memref<1x128xi32, #tpu.memory_space<hbm>>
    %dma_start3A_55 = tpu.memref_squeeze %dma_start3A_54 : memref<1x128xi32, #tpu.memory_space<hbm>> -> memref<128xi32, #tpu.memory_space<hbm>>
    %dma_start3A_56 = tpu.memref_slice %arg3[%add3A, %multiple_of3A_53] : memref<32x10112xi32, #tpu.memory_space<hbm>> -> memref<1x128xi32, #tpu.memory_space<hbm>>
    %dma_start3A_57 = tpu.memref_squeeze %dma_start3A_56 : memref<1x128xi32, #tpu.memory_space<hbm>> -> memref<128xi32, #tpu.memory_space<hbm>>
    tpu.enqueue_dma source(%dma_start3A_57 : memref<128xi32, #tpu.memory_space<hbm>>) target(%arg13 : memref<128xi32, #tpu.memory_space<vmem>>) target_semaphore(%arg26 : memref<!tpu.dma_semaphore, #tpu.memory_space<semaphore_mem>>)
    %multiple_of3A_58 = arith.constant 384 : i32
    %multiple_of3A_59 = tpu.assume_multiple %multiple_of3A_58, 128 : i32
    %dma_start3A_60 = tpu.memref_slice %arg4[%add3A, %multiple_of3A_59] : memref<32x10112xi32, #tpu.memory_space<hbm>> -> memref<1x128xi32, #tpu.memory_space<hbm>>
    %dma_start3A_61 = tpu.memref_squeeze %dma_start3A_60 : memref<1x128xi32, #tpu.memory_space<hbm>> -> memref<128xi32, #tpu.memory_space<hbm>>
    %dma_start3A_62 = tpu.memref_slice %arg4[%add3A, %multiple_of3A_59] : memref<32x10112xi32, #tpu.memory_space<hbm>> -> memref<1x128xi32, #tpu.memory_space<hbm>>
    %dma_start3A_63 = tpu.memref_squeeze %dma_start3A_62 : memref<1x128xi32, #tpu.memory_space<hbm>> -> memref<128xi32, #tpu.memory_space<hbm>>
    tpu.enqueue_dma source(%dma_start3A_63 : memref<128xi32, #tpu.memory_space<hbm>>) target(%arg17 : memref<128xi32, #tpu.memory_space<vmem>>) target_semaphore(%arg26 : memref<!tpu.dma_semaphore, #tpu.memory_space<semaphore_mem>>)
    %multiple_of3A_64 = arith.constant 128 : i32
    %multiple_of3A_65 = tpu.assume_multiple %multiple_of3A_64, 128 : i32
    %dma_wait3A_66 = tpu.memref_slice %arg3[%add3A, %multiple_of3A_65] : memref<32x10112xi32, #tpu.memory_space<hbm>> -> memref<1x128xi32, #tpu.memory_space<hbm>>
    %dma_wait3A_67 = tpu.memref_squeeze %dma_wait3A_66 : memref<1x128xi32, #tpu.memory_space<hbm>> -> memref<128xi32, #tpu.memory_space<hbm>>
    %dma_wait3A_68 = tpu.memref_slice %arg3[%add3A, %multiple_of3A_65] : memref<32x10112xi32, #tpu.memory_space<hbm>> -> memref<1x128xi32, #tpu.memory_space<hbm>>
    %dma_wait3A_69 = tpu.memref_squeeze %dma_wait3A_68 : memref<1x128xi32, #tpu.memory_space<hbm>> -> memref<128xi32, #tpu.memory_space<hbm>>
    tpu.wait_dma2 semaphore(%arg24 : memref<!tpu.dma_semaphore, #tpu.memory_space<semaphore_mem>>) src(%dma_wait3A_69 : memref<128xi32, #tpu.memory_space<hbm>>) dst(%arg11 : memref<128xi32, #tpu.memory_space<vmem>>)
    %multiple_of3A_70 = arith.constant 128 : i32
    %multiple_of3A_71 = tpu.assume_multiple %multiple_of3A_70, 128 : i32
    %dma_wait3A_72 = tpu.memref_slice %arg4[%add3A, %multiple_of3A_71] : memref<32x10112xi32, #tpu.memory_space<hbm>> -> memref<1x128xi32, #tpu.memory_space<hbm>>
    %dma_wait3A_73 = tpu.memref_squeeze %dma_wait3A_72 : memref<1x128xi32, #tpu.memory_space<hbm>> -> memref<128xi32, #tpu.memory_space<hbm>>
    %dma_wait3A_74 = tpu.memref_slice %arg4[%add3A, %multiple_of3A_71] : memref<32x10112xi32, #tpu.memory_space<hbm>> -> memref<1x128xi32, #tpu.memory_space<hbm>>
    %dma_wait3A_75 = tpu.memref_squeeze %dma_wait3A_74 : memref<1x128xi32, #tpu.memory_space<hbm>> -> memref<128xi32, #tpu.memory_space<hbm>>
    tpu.wait_dma2 semaphore(%arg24 : memref<!tpu.dma_semaphore, #tpu.memory_space<semaphore_mem>>) src(%dma_wait3A_75 : memref<128xi32, #tpu.memory_space<hbm>>) dst(%arg15 : memref<128xi32, #tpu.memory_space<vmem>>)
    %dma_start3A_76 = arith.constant 0 : i32
    %dma_start3A_77 = arith.constant 0 : i32
    %dma_start3A_78 = tpu.memref_slice %arg2[%dma_start3A_76, %dma_start3A_77] : memref<10000x128xf32, #tpu.memory_space<hbm>> -> memref<10000x128xf32, #tpu.memory_space<hbm>>
    tpu.enqueue_indirect_dma source(%dma_start3A_78 : memref<10000x128xf32, #tpu.memory_space<hbm>>) target(%arg19 : memref<128x128xf32, #tpu.memory_space<vmem>>) offsets(%arg11 : memref<128xi32, #tpu.memory_space<vmem>>) semaphore(%arg28 : memref<!tpu.dma_semaphore, #tpu.memory_space<semaphore_mem>>)
    %dma_wait3A_79 = arith.constant 0 : i32
    %dma_wait3A_80 = arith.constant 0 : i32
    %dma_wait3A_81 = tpu.memref_slice %arg2[%dma_wait3A_79, %dma_wait3A_80] : memref<10000x128xf32, #tpu.memory_space<hbm>> -> memref<10000x128xf32, #tpu.memory_space<hbm>>
    tpu.wait_indirect_dma semaphore(%arg27 : memref<!tpu.dma_semaphore, #tpu.memory_space<semaphore_mem>>) src(%dma_wait3A_81 : memref<10000x128xf32, #tpu.memory_space<hbm>>) dst(%arg18 : memref<128x128xf32, #tpu.memory_space<vmem>>)
    %dma_start3A_82 = arith.constant 0 : i32
    %dma_start3A_83 = arith.constant 0 : i32
    %dma_start3A_84 = tpu.memref_slice %arg21[%dma_start3A_82, %dma_start3A_83] : memref<10240x128xf32, #tpu.memory_space<vmem_shared>> -> memref<10240x128xf32, #tpu.memory_space<vmem_shared>>
    tpu.enqueue_indirect_dma source(%arg18 : memref<128x128xf32, #tpu.memory_space<vmem>>) target(%dma_start3A_84 : memref<10240x128xf32, #tpu.memory_space<vmem_shared>>) offsets(%arg14 : memref<128xi32, #tpu.memory_space<vmem>>) semaphore(%arg29 : memref<!tpu.dma_semaphore, #tpu.memory_space<semaphore_mem>>) {add = true}
    %dma_start3A_85 = arith.constant 0 : i32
    %dma_start3A_86 = tpu.memref_slice %arg22[%dma_start3A_85] : memref<10240xf32, #tpu.memory_space<vmem_shared>> -> memref<10240xf32, #tpu.memory_space<vmem_shared>>
    tpu.enqueue_indirect_dma source(%arg20 : memref<128xf32, #tpu.memory_space<vmem>>) target(%dma_start3A_86 : memref<10240xf32, #tpu.memory_space<vmem_shared>>) offsets(%arg14 : memref<128xi32, #tpu.memory_space<vmem>>) semaphore(%arg31 : memref<!tpu.dma_semaphore, #tpu.memory_space<semaphore_mem>>) {add = true}
    %dma_wait3A_87 = arith.constant 0 : i32
    %dma_wait3A_88 = arith.constant 0 : i32
    %dma_wait3A_89 = tpu.memref_slice %arg21[%dma_wait3A_87, %dma_wait3A_88] : memref<10240x128xf32, #tpu.memory_space<vmem_shared>> -> memref<10240x128xf32, #tpu.memory_space<vmem_shared>>
    tpu.wait_indirect_dma semaphore(%arg29 : memref<!tpu.dma_semaphore, #tpu.memory_space<semaphore_mem>>) src(%arg18 : memref<128x128xf32, #tpu.memory_space<vmem>>) dst(%dma_wait3A_89 : memref<10240x128xf32, #tpu.memory_space<vmem_shared>>)
    %dma_wait3A_90 = arith.constant 0 : i32
    %dma_wait3A_91 = tpu.memref_slice %arg22[%dma_wait3A_90] : memref<10240xf32, #tpu.memory_space<vmem_shared>> -> memref<10240xf32, #tpu.memory_space<vmem_shared>>
    tpu.wait_indirect_dma semaphore(%arg31 : memref<!tpu.dma_semaphore, #tpu.memory_space<semaphore_mem>>) src(%arg20 : memref<128xf32, #tpu.memory_space<vmem>>) dst(%dma_wait3A_91 : memref<10240xf32, #tpu.memory_space<vmem_shared>>)
    %multiple_of3A_92 = arith.constant 512 : i32
    %multiple_of3A_93 = tpu.assume_multiple %multiple_of3A_92, 128 : i32
    %dma_start3A_94 = tpu.memref_slice %arg3[%add3A, %multiple_of3A_93] : memref<32x10112xi32, #tpu.memory_space<hbm>> -> memref<1x128xi32, #tpu.memory_space<hbm>>
    %dma_start3A_95 = tpu.memref_squeeze %dma_start3A_94 : memref<1x128xi32, #tpu.memory_space<hbm>> -> memref<128xi32, #tpu.memory_space<hbm>>
    %dma_start3A_96 = tpu.memref_slice %arg3[%add3A, %multiple_of3A_93] : memref<32x10112xi32, #tpu.memory_space<hbm>> -> memref<1x128xi32, #tpu.memory_space<hbm>>
    %dma_start3A_97 = tpu.memref_squeeze %dma_start3A_96 : memref<1x128xi32, #tpu.memory_space<hbm>> -> memref<128xi32, #tpu.memory_space<hbm>>
    tpu.enqueue_dma source(%dma_start3A_97 : memref<128xi32, #tpu.memory_space<hbm>>) target(%arg10 : memref<128xi32, #tpu.memory_space<vmem>>) target_semaphore(%arg23 : memref<!tpu.dma_semaphore, #tpu.memory_space<semaphore_mem>>)
    %multiple_of3A_98 = arith.constant 512 : i32
    %multiple_of3A_99 = tpu.assume_multiple %multiple_of3A_98, 128 : i32
    %dma_start3A_100 = tpu.memref_slice %arg4[%add3A, %multiple_of3A_99] : memref<32x10112xi32, #tpu.memory_space<hbm>> -> memref<1x128xi32, #tpu.memory_space<hbm>>
    %dma_start3A_101 = tpu.memref_squeeze %dma_start3A_100 : memref<1x128xi32, #tpu.memory_space<hbm>> -> memref<128xi32, #tpu.memory_space<hbm>>
    %dma_start3A_102 = tpu.memref_slice %arg4[%add3A, %multiple_of3A_99] : memref<32x10112xi32, #tpu.memory_space<hbm>> -> memref<1x128xi32, #tpu.memory_space<hbm>>
    %dma_start3A_103 = tpu.memref_squeeze %dma_start3A_102 : memref<1x128xi32, #tpu.memory_space<hbm>> -> memref<128xi32, #tpu.memory_space<hbm>>
    tpu.enqueue_dma source(%dma_start3A_103 : memref<128xi32, #tpu.memory_space<hbm>>) target(%arg14 : memref<128xi32, #tpu.memory_space<vmem>>) target_semaphore(%arg23 : memref<!tpu.dma_semaphore, #tpu.memory_space<semaphore_mem>>)
    %multiple_of3A_104 = arith.constant 256 : i32
    %multiple_of3A_105 = tpu.assume_multiple %multiple_of3A_104, 128 : i32
    %dma_wait3A_106 = tpu.memref_slice %arg3[%add3A, %multiple_of3A_105] : memref<32x10112xi32, #tpu.memory_space<hbm>> -> memref<1x128xi32, #tpu.memory_space<hbm>>
    %dma_wait3A_107 = tpu.memref_squeeze %dma_wait3A_106 : memref<1x128xi32, #tpu.memory_space<hbm>> -> memref<128xi32, #tpu.memory_space<hbm>>
    %dma_wait3A_108 = tpu.memref_slice %arg3[%add3A, %multiple_of3A_105] : memref<32x10112xi32, #tpu.memory_space<hbm>> -> memref<1x128xi32, #tpu.memory_space<hbm>>
    %dma_wait3A_109 = tpu.memref_squeeze %dma_wait3A_108 : memref<1x128xi32, #tpu.memory_space<hbm>> -> memref<128xi32, #tpu.memory_space<hbm>>
    tpu.wait_dma2 semaphore(%arg25 : memref<!tpu.dma_semaphore, #tpu.memory_space<semaphore_mem>>) src(%dma_wait3A_109 : memref<128xi32, #tpu.memory_space<hbm>>) dst(%arg12 : memref<128xi32, #tpu.memory_space<vmem>>)
    %multiple_of3A_110 = arith.constant 256 : i32
    %multiple_of3A_111 = tpu.assume_multiple %multiple_of3A_110, 128 : i32
    %dma_wait3A_112 = tpu.memref_slice %arg4[%add3A, %multiple_of3A_111] : memref<32x10112xi32, #tpu.memory_space<hbm>> -> memref<1x128xi32, #tpu.memory_space<hbm>>
    %dma_wait3A_113 = tpu.memref_squeeze %dma_wait3A_112 : memref<1x128xi32, #tpu.memory_space<hbm>> -> memref<128xi32, #tpu.memory_space<hbm>>
    %dma_wait3A_114 = tpu.memref_slice %arg4[%add3A, %multiple_of3A_111] : memref<32x10112xi32, #tpu.memory_space<hbm>> -> memref<1x128xi32, #tpu.memory_space<hbm>>
    %dma_wait3A_115 = tpu.memref_squeeze %dma_wait3A_114 : memref<1x128xi32, #tpu.memory_space<hbm>> -> memref<128xi32, #tpu.memory_space<hbm>>
    tpu.wait_dma2 semaphore(%arg25 : memref<!tpu.dma_semaphore, #tpu.memory_space<semaphore_mem>>) src(%dma_wait3A_115 : memref<128xi32, #tpu.memory_space<hbm>>) dst(%arg16 : memref<128xi32, #tpu.memory_space<vmem>>)
    %dma_start3A_116 = arith.constant 0 : i32
    %dma_start3A_117 = arith.constant 0 : i32
    %dma_start3A_118 = tpu.memref_slice %arg2[%dma_start3A_116, %dma_start3A_117] : memref<10000x128xf32, #tpu.memory_space<hbm>> -> memref<10000x128xf32, #tpu.memory_space<hbm>>
    tpu.enqueue_indirect_dma source(%dma_start3A_118 : memref<10000x128xf32, #tpu.memory_space<hbm>>) target(%arg18 : memref<128x128xf32, #tpu.memory_space<vmem>>) offsets(%arg12 : memref<128xi32, #tpu.memory_space<vmem>>) semaphore(%arg27 : memref<!tpu.dma_semaphore, #tpu.memory_space<semaphore_mem>>)
    %dma_wait3A_119 = arith.constant 0 : i32
    %dma_wait3A_120 = arith.constant 0 : i32
    %dma_wait3A_121 = tpu.memref_slice %arg2[%dma_wait3A_119, %dma_wait3A_120] : memref<10000x128xf32, #tpu.memory_space<hbm>> -> memref<10000x128xf32, #tpu.memory_space<hbm>>
    tpu.wait_indirect_dma semaphore(%arg28 : memref<!tpu.dma_semaphore, #tpu.memory_space<semaphore_mem>>) src(%dma_wait3A_121 : memref<10000x128xf32, #tpu.memory_space<hbm>>) dst(%arg19 : memref<128x128xf32, #tpu.memory_space<vmem>>)
    %dma_start3A_122 = arith.constant 0 : i32
    %dma_start3A_123 = arith.constant 0 : i32
    %dma_start3A_124 = tpu.memref_slice %arg21[%dma_start3A_122, %dma_start3A_123] : memref<10240x128xf32, #tpu.memory_space<vmem_shared>> -> memref<10240x128xf32, #tpu.memory_space<vmem_shared>>
    tpu.enqueue_indirect_dma source(%arg19 : memref<128x128xf32, #tpu.memory_space<vmem>>) target(%dma_start3A_124 : memref<10240x128xf32, #tpu.memory_space<vmem_shared>>) offsets(%arg15 : memref<128xi32, #tpu.memory_space<vmem>>) semaphore(%arg30 : memref<!tpu.dma_semaphore, #tpu.memory_space<semaphore_mem>>) {add = true}
    %dma_start3A_125 = arith.constant 0 : i32
    %dma_start3A_126 = tpu.memref_slice %arg22[%dma_start3A_125] : memref<10240xf32, #tpu.memory_space<vmem_shared>> -> memref<10240xf32, #tpu.memory_space<vmem_shared>>
    tpu.enqueue_indirect_dma source(%arg20 : memref<128xf32, #tpu.memory_space<vmem>>) target(%dma_start3A_126 : memref<10240xf32, #tpu.memory_space<vmem_shared>>) offsets(%arg15 : memref<128xi32, #tpu.memory_space<vmem>>) semaphore(%arg32 : memref<!tpu.dma_semaphore, #tpu.memory_space<semaphore_mem>>) {add = true}
    %dma_wait3A_127 = arith.constant 0 : i32
    %dma_wait3A_128 = arith.constant 0 : i32
    %dma_wait3A_129 = tpu.memref_slice %arg21[%dma_wait3A_127, %dma_wait3A_128] : memref<10240x128xf32, #tpu.memory_space<vmem_shared>> -> memref<10240x128xf32, #tpu.memory_space<vmem_shared>>
    tpu.wait_indirect_dma semaphore(%arg30 : memref<!tpu.dma_semaphore, #tpu.memory_space<semaphore_mem>>) src(%arg19 : memref<128x128xf32, #tpu.memory_space<vmem>>) dst(%dma_wait3A_129 : memref<10240x128xf32, #tpu.memory_space<vmem_shared>>)
    %dma_wait3A_130 = arith.constant 0 : i32
    %dma_wait3A_131 = tpu.memref_slice %arg22[%dma_wait3A_130] : memref<10240xf32, #tpu.memory_space<vmem_shared>> -> memref<10240xf32, #tpu.memory_space<vmem_shared>>
    tpu.wait_indirect_dma semaphore(%arg32 : memref<!tpu.dma_semaphore, #tpu.memory_space<semaphore_mem>>) src(%arg20 : memref<128xf32, #tpu.memory_space<vmem>>) dst(%dma_wait3A_131 : memref<10240xf32, #tpu.memory_space<vmem_shared>>)
    %multiple_of3A_132 = arith.constant 640 : i32
    %multiple_of3A_133 = tpu.assume_multiple %multiple_of3A_132, 128 : i32
    %dma_start3A_134 = tpu.memref_slice %arg3[%add3A, %multiple_of3A_133] : memref<32x10112xi32, #tpu.memory_space<hbm>> -> memref<1x128xi32, #tpu.memory_space<hbm>>
    %dma_start3A_135 = tpu.memref_squeeze %dma_start3A_134 : memref<1x128xi32, #tpu.memory_space<hbm>> -> memref<128xi32, #tpu.memory_space<hbm>>
    %dma_start3A_136 = tpu.memref_slice %arg3[%add3A, %multiple_of3A_133] : memref<32x10112xi32, #tpu.memory_space<hbm>> -> memref<1x128xi32, #tpu.memory_space<hbm>>
    %dma_start3A_137 = tpu.memref_squeeze %dma_start3A_136 : memref<1x128xi32, #tpu.memory_space<hbm>> -> memref<128xi32, #tpu.memory_space<hbm>>
    tpu.enqueue_dma source(%dma_start3A_137 : memref<128xi32, #tpu.memory_space<hbm>>) target(%arg11 : memref<128xi32, #tpu.memory_space<vmem>>) target_semaphore(%arg24 : memref<!tpu.dma_semaphore, #tpu.memory_space<semaphore_mem>>)
    %multiple_of3A_138 = arith.constant 640 : i32
    %multiple_of3A_139 = tpu.assume_multiple %multiple_of3A_138, 128 : i32
    %dma_start3A_140 = tpu.memref_slice %arg4[%add3A, %multiple_of3A_139] : memref<32x10112xi32, #tpu.memory_space<hbm>> -> memref<1x128xi32, #tpu.memory_space<hbm>>
    %dma_start3A_141 = tpu.memref_squeeze %dma_start3A_140 : memref<1x128xi32, #tpu.memory_space<hbm>> -> memref<128xi32, #tpu.memory_space<hbm>>
    %dma_start3A_142 = tpu.memref_slice %arg4[%add3A, %multiple_of3A_139] : memref<32x10112xi32, #tpu.memory_space<hbm>> -> memref<1x128xi32, #tpu.memory_space<hbm>>
    %dma_start3A_143 = tpu.memref_squeeze %dma_start3A_142 : memref<1x128xi32, #tpu.memory_space<hbm>> -> memref<128xi32, #tpu.memory_space<hbm>>
    tpu.enqueue_dma source(%dma_start3A_143 : memref<128xi32, #tpu.memory_space<hbm>>) target(%arg15 : memref<128xi32, #tpu.memory_space<vmem>>) target_semaphore(%arg24 : memref<!tpu.dma_semaphore, #tpu.memory_space<semaphore_mem>>)
    %multiple_of3A_144 = arith.constant 384 : i32
    %multiple_of3A_145 = tpu.assume_multiple %multiple_of3A_144, 128 : i32
    %dma_wait3A_146 = tpu.memref_slice %arg3[%add3A, %multiple_of3A_145] : memref<32x10112xi32, #tpu.memory_space<hbm>> -> memref<1x128xi32, #tpu.memory_space<hbm>>
    %dma_wait3A_147 = tpu.memref_squeeze %dma_wait3A_146 : memref<1x128xi32, #tpu.memory_space<hbm>> -> memref<128xi32, #tpu.memory_space<hbm>>
    %dma_wait3A_148 = tpu.memref_slice %arg3[%add3A, %multiple_of3A_145] : memref<32x10112xi32, #tpu.memory_space<hbm>> -> memref<1x128xi32, #tpu.memory_space<hbm>>
    %dma_wait3A_149 = tpu.memref_squeeze %dma_wait3A_148 : memref<1x128xi32, #tpu.memory_space<hbm>> -> memref<128xi32, #tpu.memory_space<hbm>>
    tpu.wait_dma2 semaphore(%arg26 : memref<!tpu.dma_semaphore, #tpu.memory_space<semaphore_mem>>) src(%dma_wait3A_149 : memref<128xi32, #tpu.memory_space<hbm>>) dst(%arg13 : memref<128xi32, #tpu.memory_space<vmem>>)
    %multiple_of3A_150 = arith.constant 384 : i32
    %multiple_of3A_151 = tpu.assume_multiple %multiple_of3A_150, 128 : i32
    %dma_wait3A_152 = tpu.memref_slice %arg4[%add3A, %multiple_of3A_151] : memref<32x10112xi32, #tpu.memory_space<hbm>> -> memref<1x128xi32, #tpu.memory_space<hbm>>
    %dma_wait3A_153 = tpu.memref_squeeze %dma_wait3A_152 : memref<1x128xi32, #tpu.memory_space<hbm>> -> memref<128xi32, #tpu.memory_space<hbm>>
    %dma_wait3A_154 = tpu.memref_slice %arg4[%add3A, %multiple_of3A_151] : memref<32x10112xi32, #tpu.memory_space<hbm>> -> memref<1x128xi32, #tpu.memory_space<hbm>>
    %dma_wait3A_155 = tpu.memref_squeeze %dma_wait3A_154 : memref<1x128xi32, #tpu.memory_space<hbm>> -> memref<128xi32, #tpu.memory_space<hbm>>
    tpu.wait_dma2 semaphore(%arg26 : memref<!tpu.dma_semaphore, #tpu.memory_space<semaphore_mem>>) src(%dma_wait3A_155 : memref<128xi32, #tpu.memory_space<hbm>>) dst(%arg17 : memref<128xi32, #tpu.memory_space<vmem>>)
    %dma_start3A_156 = arith.constant 0 : i32
    %dma_start3A_157 = arith.constant 0 : i32
    %dma_start3A_158 = tpu.memref_slice %arg2[%dma_start3A_156, %dma_start3A_157] : memref<10000x128xf32, #tpu.memory_space<hbm>> -> memref<10000x128xf32, #tpu.memory_space<hbm>>
    tpu.enqueue_indirect_dma source(%dma_start3A_158 : memref<10000x128xf32, #tpu.memory_space<hbm>>) target(%arg19 : memref<128x128xf32, #tpu.memory_space<vmem>>) offsets(%arg13 : memref<128xi32, #tpu.memory_space<vmem>>) semaphore(%arg28 : memref<!tpu.dma_semaphore, #tpu.memory_space<semaphore_mem>>)
    %dma_wait3A_159 = arith.constant 0 : i32
    %dma_wait3A_160 = arith.constant 0 : i32
    %dma_wait3A_161 = tpu.memref_slice %arg2[%dma_wait3A_159, %dma_wait3A_160] : memref<10000x128xf32, #tpu.memory_space<hbm>> -> memref<10000x128xf32, #tpu.memory_space<hbm>>
    tpu.wait_indirect_dma semaphore(%arg27 : memref<!tpu.dma_semaphore, #tpu.memory_space<semaphore_mem>>) src(%dma_wait3A_161 : memref<10000x128xf32, #tpu.memory_space<hbm>>) dst(%arg18 : memref<128x128xf32, #tpu.memory_space<vmem>>)
    %dma_start3A_162 = arith.constant 0 : i32
    %dma_start3A_163 = arith.constant 0 : i32
    %dma_start3A_164 = tpu.memref_slice %arg21[%dma_start3A_162, %dma_start3A_163] : memref<10240x128xf32, #tpu.memory_space<vmem_shared>> -> memref<10240x128xf32, #tpu.memory_space<vmem_shared>>
    tpu.enqueue_indirect_dma source(%arg18 : memref<128x128xf32, #tpu.memory_space<vmem>>) target(%dma_start3A_164 : memref<10240x128xf32, #tpu.memory_space<vmem_shared>>) offsets(%arg16 : memref<128xi32, #tpu.memory_space<vmem>>) semaphore(%arg29 : memref<!tpu.dma_semaphore, #tpu.memory_space<semaphore_mem>>) {add = true}
    %dma_start3A_165 = arith.constant 0 : i32
    %dma_start3A_166 = tpu.memref_slice %arg22[%dma_start3A_165] : memref<10240xf32, #tpu.memory_space<vmem_shared>> -> memref<10240xf32, #tpu.memory_space<vmem_shared>>
    tpu.enqueue_indirect_dma source(%arg20 : memref<128xf32, #tpu.memory_space<vmem>>) target(%dma_start3A_166 : memref<10240xf32, #tpu.memory_space<vmem_shared>>) offsets(%arg16 : memref<128xi32, #tpu.memory_space<vmem>>) semaphore(%arg31 : memref<!tpu.dma_semaphore, #tpu.memory_space<semaphore_mem>>) {add = true}
    %dma_wait3A_167 = arith.constant 0 : i32
    %dma_wait3A_168 = arith.constant 0 : i32
    %dma_wait3A_169 = tpu.memref_slice %arg21[%dma_wait3A_167, %dma_wait3A_168] : memref<10240x128xf32, #tpu.memory_space<vmem_shared>> -> memref<10240x128xf32, #tpu.memory_space<vmem_shared>>
    tpu.wait_indirect_dma semaphore(%arg29 : memref<!tpu.dma_semaphore, #tpu.memory_space<semaphore_mem>>) src(%arg18 : memref<128x128xf32, #tpu.memory_space<vmem>>) dst(%dma_wait3A_169 : memref<10240x128xf32, #tpu.memory_space<vmem_shared>>)
    %dma_wait3A_170 = arith.constant 0 : i32
    %dma_wait3A_171 = tpu.memref_slice %arg22[%dma_wait3A_170] : memref<10240xf32, #tpu.memory_space<vmem_shared>> -> memref<10240xf32, #tpu.memory_space<vmem_shared>>
    tpu.wait_indirect_dma semaphore(%arg31 : memref<!tpu.dma_semaphore, #tpu.memory_space<semaphore_mem>>) src(%arg20 : memref<128xf32, #tpu.memory_space<vmem>>) dst(%dma_wait3A_171 : memref<10240xf32, #tpu.memory_space<vmem_shared>>)
    %multiple_of3A_172 = arith.constant 768 : i32
    %multiple_of3A_173 = tpu.assume_multiple %multiple_of3A_172, 128 : i32
    %dma_start3A_174 = tpu.memref_slice %arg3[%add3A, %multiple_of3A_173] : memref<32x10112xi32, #tpu.memory_space<hbm>> -> memref<1x128xi32, #tpu.memory_space<hbm>>
    %dma_start3A_175 = tpu.memref_squeeze %dma_start3A_174 : memref<1x128xi32, #tpu.memory_space<hbm>> -> memref<128xi32, #tpu.memory_space<hbm>>
    %dma_start3A_176 = tpu.memref_slice %arg3[%add3A, %multiple_of3A_173] : memref<32x10112xi32, #tpu.memory_space<hbm>> -> memref<1x128xi32, #tpu.memory_space<hbm>>
    %dma_start3A_177 = tpu.memref_squeeze %dma_start3A_176 : memref<1x128xi32, #tpu.memory_space<hbm>> -> memref<128xi32, #tpu.memory_space<hbm>>
    tpu.enqueue_dma source(%dma_start3A_177 : memref<128xi32, #tpu.memory_space<hbm>>) target(%arg12 : memref<128xi32, #tpu.memory_space<vmem>>) target_semaphore(%arg25 : memref<!tpu.dma_semaphore, #tpu.memory_space<semaphore_mem>>)
    %multiple_of3A_178 = arith.constant 768 : i32
    %multiple_of3A_179 = tpu.assume_multiple %multiple_of3A_178, 128 : i32
    %dma_start3A_180 = tpu.memref_slice %arg4[%add3A, %multiple_of3A_179] : memref<32x10112xi32, #tpu.memory_space<hbm>> -> memref<1x128xi32, #tpu.memory_space<hbm>>
    %dma_start3A_181 = tpu.memref_squeeze %dma_start3A_180 : memref<1x128xi32, #tpu.memory_space<hbm>> -> memref<128xi32, #tpu.memory_space<hbm>>
    %dma_start3A_182 = tpu.memref_slice %arg4[%add3A, %multiple_of3A_179] : memref<32x10112xi32, #tpu.memory_space<hbm>> -> memref<1x128xi32, #tpu.memory_space<hbm>>
    %dma_start3A_183 = tpu.memref_squeeze %dma_start3A_182 : memref<1x128xi32, #tpu.memory_space<hbm>> -> memref<128xi32, #tpu.memory_space<hbm>>
    tpu.enqueue_dma source(%dma_start3A_183 : memref<128xi32, #tpu.memory_space<hbm>>) target(%arg16 : memref<128xi32, #tpu.memory_space<vmem>>) target_semaphore(%arg25 : memref<!tpu.dma_semaphore, #tpu.memory_space<semaphore_mem>>)
    %multiple_of3A_184 = arith.constant 512 : i32
    %multiple_of3A_185 = tpu.assume_multiple %multiple_of3A_184, 128 : i32
    %dma_wait3A_186 = tpu.memref_slice %arg3[%add3A, %multiple_of3A_185] : memref<32x10112xi32, #tpu.memory_space<hbm>> -> memref<1x128xi32, #tpu.memory_space<hbm>>
    %dma_wait3A_187 = tpu.memref_squeeze %dma_wait3A_186 : memref<1x128xi32, #tpu.memory_space<hbm>> -> memref<128xi32, #tpu.memory_space<hbm>>
    %dma_wait3A_188 = tpu.memref_slice %arg3[%add3A, %multiple_of3A_185] : memref<32x10112xi32, #tpu.memory_space<hbm>> -> memref<1x128xi32, #tpu.memory_space<hbm>>
    %dma_wait3A_189 = tpu.memref_squeeze %dma_wait3A_188 : memref<1x128xi32, #tpu.memory_space<hbm>> -> memref<128xi32, #tpu.memory_space<hbm>>
    tpu.wait_dma2 semaphore(%arg23 : memref<!tpu.dma_semaphore, #tpu.memory_space<semaphore_mem>>) src(%dma_wait3A_189 : memref<128xi32, #tpu.memory_space<hbm>>) dst(%arg10 : memref<128xi32, #tpu.memory_space<vmem>>)
    %multiple_of3A_190 = arith.constant 512 : i32
    %multiple_of3A_191 = tpu.assume_multiple %multiple_of3A_190, 128 : i32
    %dma_wait3A_192 = tpu.memref_slice %arg4[%add3A, %multiple_of3A_191] : memref<32x10112xi32, #tpu.memory_space<hbm>> -> memref<1x128xi32, #tpu.memory_space<hbm>>
    %dma_wait3A_193 = tpu.memref_squeeze %dma_wait3A_192 : memref<1x128xi32, #tpu.memory_space<hbm>> -> memref<128xi32, #tpu.memory_space<hbm>>
    %dma_wait3A_194 = tpu.memref_slice %arg4[%add3A, %multiple_of3A_191] : memref<32x10112xi32, #tpu.memory_space<hbm>> -> memref<1x128xi32, #tpu.memory_space<hbm>>
    %dma_wait3A_195 = tpu.memref_squeeze %dma_wait3A_194 : memref<1x128xi32, #tpu.memory_space<hbm>> -> memref<128xi32, #tpu.memory_space<hbm>>
    tpu.wait_dma2 semaphore(%arg23 : memref<!tpu.dma_semaphore, #tpu.memory_space<semaphore_mem>>) src(%dma_wait3A_195 : memref<128xi32, #tpu.memory_space<hbm>>) dst(%arg14 : memref<128xi32, #tpu.memory_space<vmem>>)
    %dma_start3A_196 = arith.constant 0 : i32
    %dma_start3A_197 = arith.constant 0 : i32
    %dma_start3A_198 = tpu.memref_slice %arg2[%dma_start3A_196, %dma_start3A_197] : memref<10000x128xf32, #tpu.memory_space<hbm>> -> memref<10000x128xf32, #tpu.memory_space<hbm>>
    tpu.enqueue_indirect_dma source(%dma_start3A_198 : memref<10000x128xf32, #tpu.memory_space<hbm>>) target(%arg18 : memref<128x128xf32, #tpu.memory_space<vmem>>) offsets(%arg10 : memref<128xi32, #tpu.memory_space<vmem>>) semaphore(%arg27 : memref<!tpu.dma_semaphore, #tpu.memory_space<semaphore_mem>>)
    %dma_wait3A_199 = arith.constant 0 : i32
    %dma_wait3A_200 = arith.constant 0 : i32
    %dma_wait3A_201 = tpu.memref_slice %arg2[%dma_wait3A_199, %dma_wait3A_200] : memref<10000x128xf32, #tpu.memory_space<hbm>> -> memref<10000x128xf32, #tpu.memory_space<hbm>>
    tpu.wait_indirect_dma semaphore(%arg28 : memref<!tpu.dma_semaphore, #tpu.memory_space<semaphore_mem>>) src(%dma_wait3A_201 : memref<10000x128xf32, #tpu.memory_space<hbm>>) dst(%arg19 : memref<128x128xf32, #tpu.memory_space<vmem>>)
    %dma_start3A_202 = arith.constant 0 : i32
    %dma_start3A_203 = arith.constant 0 : i32
    %dma_start3A_204 = tpu.memref_slice %arg21[%dma_start3A_202, %dma_start3A_203] : memref<10240x128xf32, #tpu.memory_space<vmem_shared>> -> memref<10240x128xf32, #tpu.memory_space<vmem_shared>>
    tpu.enqueue_indirect_dma source(%arg19 : memref<128x128xf32, #tpu.memory_space<vmem>>) target(%dma_start3A_204 : memref<10240x128xf32, #tpu.memory_space<vmem_shared>>) offsets(%arg17 : memref<128xi32, #tpu.memory_space<vmem>>) semaphore(%arg30 : memref<!tpu.dma_semaphore, #tpu.memory_space<semaphore_mem>>) {add = true}
    %dma_start3A_205 = arith.constant 0 : i32
    %dma_start3A_206 = tpu.memref_slice %arg22[%dma_start3A_205] : memref<10240xf32, #tpu.memory_space<vmem_shared>> -> memref<10240xf32, #tpu.memory_space<vmem_shared>>
    tpu.enqueue_indirect_dma source(%arg20 : memref<128xf32, #tpu.memory_space<vmem>>) target(%dma_start3A_206 : memref<10240xf32, #tpu.memory_space<vmem_shared>>) offsets(%arg17 : memref<128xi32, #tpu.memory_space<vmem>>) semaphore(%arg32 : memref<!tpu.dma_semaphore, #tpu.memory_space<semaphore_mem>>) {add = true}
    %scan3A = arith.constant 0 : i32
    %scan3A_207 = arith.constant 1 : i32
    %scan3A_208 = arith.constant 17 : i32
    %scan3A_209 = arith.addi %scan3A_207, %scan3A_208 : i32
    %scan3A_210 = arith.constant 1 : i32
    scf.for %scan3A_447 = %scan3A_207 to %scan3A_209 step %scan3A_210  : i32 {
      %mul3A_448 = arith.constant 4 : i32
      %mul3A_449 = arith.muli %scan3A_447, %mul3A_448 : i32
      %add3A_450 = arith.constant 0 : i32
      %add3A_451 = arith.addi %mul3A_449, %add3A_450 : i32
      %dma_wait3A_452 = arith.constant 0 : i32
      %dma_wait3A_453 = arith.constant 0 : i32
      %dma_wait3A_454 = tpu.memref_slice %arg21[%dma_wait3A_452, %dma_wait3A_453] : memref<10240x128xf32, #tpu.memory_space<vmem_shared>> -> memref<10240x128xf32, #tpu.memory_space<vmem_shared>>
      tpu.wait_indirect_dma semaphore(%arg30 : memref<!tpu.dma_semaphore, #tpu.memory_space<semaphore_mem>>) src(%arg19 : memref<128x128xf32, #tpu.memory_space<vmem>>) dst(%dma_wait3A_454 : memref<10240x128xf32, #tpu.memory_space<vmem_shared>>)
      %dma_wait3A_455 = arith.constant 0 : i32
      %dma_wait3A_456 = tpu.memref_slice %arg22[%dma_wait3A_455] : memref<10240xf32, #tpu.memory_space<vmem_shared>> -> memref<10240xf32, #tpu.memory_space<vmem_shared>>
      tpu.wait_indirect_dma semaphore(%arg32 : memref<!tpu.dma_semaphore, #tpu.memory_space<semaphore_mem>>) src(%arg20 : memref<128xf32, #tpu.memory_space<vmem>>) dst(%dma_wait3A_456 : memref<10240xf32, #tpu.memory_space<vmem_shared>>)
      %add3A_457 = arith.constant 3 : i32
      %add3A_458 = arith.addi %add3A_451, %add3A_457 : i32
      %mul3A_459 = arith.constant 128 : i32
      %mul3A_460 = arith.muli %add3A_458, %mul3A_459 : i32
      %multiple_of3A_461 = tpu.assume_multiple %mul3A_460, 128 : i32
      %dma_start3A_462 = tpu.memref_slice %arg3[%add3A, %multiple_of3A_461] : memref<32x10112xi32, #tpu.memory_space<hbm>> -> memref<1x128xi32, #tpu.memory_space<hbm>>
      %dma_start3A_463 = tpu.memref_squeeze %dma_start3A_462 : memref<1x128xi32, #tpu.memory_space<hbm>> -> memref<128xi32, #tpu.memory_space<hbm>>
      %dma_start3A_464 = tpu.memref_slice %arg3[%add3A, %multiple_of3A_461] : memref<32x10112xi32, #tpu.memory_space<hbm>> -> memref<1x128xi32, #tpu.memory_space<hbm>>
      %dma_start3A_465 = tpu.memref_squeeze %dma_start3A_464 : memref<1x128xi32, #tpu.memory_space<hbm>> -> memref<128xi32, #tpu.memory_space<hbm>>
      tpu.enqueue_dma source(%dma_start3A_465 : memref<128xi32, #tpu.memory_space<hbm>>) target(%arg13 : memref<128xi32, #tpu.memory_space<vmem>>) target_semaphore(%arg26 : memref<!tpu.dma_semaphore, #tpu.memory_space<semaphore_mem>>)
      %mul3A_466 = arith.constant 128 : i32
      %mul3A_467 = arith.muli %add3A_458, %mul3A_466 : i32
      %multiple_of3A_468 = tpu.assume_multiple %mul3A_467, 128 : i32
      %dma_start3A_469 = tpu.memref_slice %arg4[%add3A, %multiple_of3A_468] : memref<32x10112xi32, #tpu.memory_space<hbm>> -> memref<1x128xi32, #tpu.memory_space<hbm>>
      %dma_start3A_470 = tpu.memref_squeeze %dma_start3A_469 : memref<1x128xi32, #tpu.memory_space<hbm>> -> memref<128xi32, #tpu.memory_space<hbm>>
      %dma_start3A_471 = tpu.memref_slice %arg4[%add3A, %multiple_of3A_468] : memref<32x10112xi32, #tpu.memory_space<hbm>> -> memref<1x128xi32, #tpu.memory_space<hbm>>
      %dma_start3A_472 = tpu.memref_squeeze %dma_start3A_471 : memref<1x128xi32, #tpu.memory_space<hbm>> -> memref<128xi32, #tpu.memory_space<hbm>>
      tpu.enqueue_dma source(%dma_start3A_472 : memref<128xi32, #tpu.memory_space<hbm>>) target(%arg17 : memref<128xi32, #tpu.memory_space<vmem>>) target_semaphore(%arg26 : memref<!tpu.dma_semaphore, #tpu.memory_space<semaphore_mem>>)
      %add3A_473 = arith.constant 1 : i32
      %add3A_474 = arith.addi %add3A_451, %add3A_473 : i32
      %mul3A_475 = arith.constant 128 : i32
      %mul3A_476 = arith.muli %add3A_474, %mul3A_475 : i32
      %multiple_of3A_477 = tpu.assume_multiple %mul3A_476, 128 : i32
      %dma_wait3A_478 = tpu.memref_slice %arg3[%add3A, %multiple_of3A_477] : memref<32x10112xi32, #tpu.memory_space<hbm>> -> memref<1x128xi32, #tpu.memory_space<hbm>>
      %dma_wait3A_479 = tpu.memref_squeeze %dma_wait3A_478 : memref<1x128xi32, #tpu.memory_space<hbm>> -> memref<128xi32, #tpu.memory_space<hbm>>
      %dma_wait3A_480 = tpu.memref_slice %arg3[%add3A, %multiple_of3A_477] : memref<32x10112xi32, #tpu.memory_space<hbm>> -> memref<1x128xi32, #tpu.memory_space<hbm>>
      %dma_wait3A_481 = tpu.memref_squeeze %dma_wait3A_480 : memref<1x128xi32, #tpu.memory_space<hbm>> -> memref<128xi32, #tpu.memory_space<hbm>>
      tpu.wait_dma2 semaphore(%arg24 : memref<!tpu.dma_semaphore, #tpu.memory_space<semaphore_mem>>) src(%dma_wait3A_481 : memref<128xi32, #tpu.memory_space<hbm>>) dst(%arg11 : memref<128xi32, #tpu.memory_space<vmem>>)
      %mul3A_482 = arith.constant 128 : i32
      %mul3A_483 = arith.muli %add3A_474, %mul3A_482 : i32
      %multiple_of3A_484 = tpu.assume_multiple %mul3A_483, 128 : i32
      %dma_wait3A_485 = tpu.memref_slice %arg4[%add3A, %multiple_of3A_484] : memref<32x10112xi32, #tpu.memory_space<hbm>> -> memref<1x128xi32, #tpu.memory_space<hbm>>
      %dma_wait3A_486 = tpu.memref_squeeze %dma_wait3A_485 : memref<1x128xi32, #tpu.memory_space<hbm>> -> memref<128xi32, #tpu.memory_space<hbm>>
      %dma_wait3A_487 = tpu.memref_slice %arg4[%add3A, %multiple_of3A_484] : memref<32x10112xi32, #tpu.memory_space<hbm>> -> memref<1x128xi32, #tpu.memory_space<hbm>>
      %dma_wait3A_488 = tpu.memref_squeeze %dma_wait3A_487 : memref<1x128xi32, #tpu.memory_space<hbm>> -> memref<128xi32, #tpu.memory_space<hbm>>
      tpu.wait_dma2 semaphore(%arg24 : memref<!tpu.dma_semaphore, #tpu.memory_space<semaphore_mem>>) src(%dma_wait3A_488 : memref<128xi32, #tpu.memory_space<hbm>>) dst(%arg15 : memref<128xi32, #tpu.memory_space<vmem>>)
      %dma_start3A_489 = arith.constant 0 : i32
      %dma_start3A_490 = arith.constant 0 : i32
      %dma_start3A_491 = tpu.memref_slice %arg2[%dma_start3A_489, %dma_start3A_490] : memref<10000x128xf32, #tpu.memory_space<hbm>> -> memref<10000x128xf32, #tpu.memory_space<hbm>>
      tpu.enqueue_indirect_dma source(%dma_start3A_491 : memref<10000x128xf32, #tpu.memory_space<hbm>>) target(%arg19 : memref<128x128xf32, #tpu.memory_space<vmem>>) offsets(%arg11 : memref<128xi32, #tpu.memory_space<vmem>>) semaphore(%arg28 : memref<!tpu.dma_semaphore, #tpu.memory_space<semaphore_mem>>)
      %dma_wait3A_492 = arith.constant 0 : i32
      %dma_wait3A_493 = arith.constant 0 : i32
      %dma_wait3A_494 = tpu.memref_slice %arg2[%dma_wait3A_492, %dma_wait3A_493] : memref<10000x128xf32, #tpu.memory_space<hbm>> -> memref<10000x128xf32, #tpu.memory_space<hbm>>
      tpu.wait_indirect_dma semaphore(%arg27 : memref<!tpu.dma_semaphore, #tpu.memory_space<semaphore_mem>>) src(%dma_wait3A_494 : memref<10000x128xf32, #tpu.memory_space<hbm>>) dst(%arg18 : memref<128x128xf32, #tpu.memory_space<vmem>>)
      %dma_start3A_495 = arith.constant 0 : i32
      %dma_start3A_496 = arith.constant 0 : i32
      %dma_start3A_497 = tpu.memref_slice %arg21[%dma_start3A_495, %dma_start3A_496] : memref<10240x128xf32, #tpu.memory_space<vmem_shared>> -> memref<10240x128xf32, #tpu.memory_space<vmem_shared>>
      tpu.enqueue_indirect_dma source(%arg18 : memref<128x128xf32, #tpu.memory_space<vmem>>) target(%dma_start3A_497 : memref<10240x128xf32, #tpu.memory_space<vmem_shared>>) offsets(%arg14 : memref<128xi32, #tpu.memory_space<vmem>>) semaphore(%arg29 : memref<!tpu.dma_semaphore, #tpu.memory_space<semaphore_mem>>) {add = true}
      %dma_start3A_498 = arith.constant 0 : i32
      %dma_start3A_499 = tpu.memref_slice %arg22[%dma_start3A_498] : memref<10240xf32, #tpu.memory_space<vmem_shared>> -> memref<10240xf32, #tpu.memory_space<vmem_shared>>
      tpu.enqueue_indirect_dma source(%arg20 : memref<128xf32, #tpu.memory_space<vmem>>) target(%dma_start3A_499 : memref<10240xf32, #tpu.memory_space<vmem_shared>>) offsets(%arg14 : memref<128xi32, #tpu.memory_space<vmem>>) semaphore(%arg31 : memref<!tpu.dma_semaphore, #tpu.memory_space<semaphore_mem>>) {add = true}
      %mul3A_500 = arith.constant 4 : i32
      %mul3A_501 = arith.muli %scan3A_447, %mul3A_500 : i32
      %add3A_502 = arith.constant 1 : i32
      %add3A_503 = arith.addi %mul3A_501, %add3A_502 : i32
      %dma_wait3A_504 = arith.constant 0 : i32
      %dma_wait3A_505 = arith.constant 0 : i32
      %dma_wait3A_506 = tpu.memref_slice %arg21[%dma_wait3A_504, %dma_wait3A_505] : memref<10240x128xf32, #tpu.memory_space<vmem_shared>> -> memref<10240x128xf32, #tpu.memory_space<vmem_shared>>
      tpu.wait_indirect_dma semaphore(%arg29 : memref<!tpu.dma_semaphore, #tpu.memory_space<semaphore_mem>>) src(%arg18 : memref<128x128xf32, #tpu.memory_space<vmem>>) dst(%dma_wait3A_506 : memref<10240x128xf32, #tpu.memory_space<vmem_shared>>)
      %dma_wait3A_507 = arith.constant 0 : i32
      %dma_wait3A_508 = tpu.memref_slice %arg22[%dma_wait3A_507] : memref<10240xf32, #tpu.memory_space<vmem_shared>> -> memref<10240xf32, #tpu.memory_space<vmem_shared>>
      tpu.wait_indirect_dma semaphore(%arg31 : memref<!tpu.dma_semaphore, #tpu.memory_space<semaphore_mem>>) src(%arg20 : memref<128xf32, #tpu.memory_space<vmem>>) dst(%dma_wait3A_508 : memref<10240xf32, #tpu.memory_space<vmem_shared>>)
      %add3A_509 = arith.constant 3 : i32
      %add3A_510 = arith.addi %add3A_503, %add3A_509 : i32
      %mul3A_511 = arith.constant 128 : i32
      %mul3A_512 = arith.muli %add3A_510, %mul3A_511 : i32
      %multiple_of3A_513 = tpu.assume_multiple %mul3A_512, 128 : i32
      %dma_start3A_514 = tpu.memref_slice %arg3[%add3A, %multiple_of3A_513] : memref<32x10112xi32, #tpu.memory_space<hbm>> -> memref<1x128xi32, #tpu.memory_space<hbm>>
      %dma_start3A_515 = tpu.memref_squeeze %dma_start3A_514 : memref<1x128xi32, #tpu.memory_space<hbm>> -> memref<128xi32, #tpu.memory_space<hbm>>
      %dma_start3A_516 = tpu.memref_slice %arg3[%add3A, %multiple_of3A_513] : memref<32x10112xi32, #tpu.memory_space<hbm>> -> memref<1x128xi32, #tpu.memory_space<hbm>>
      %dma_start3A_517 = tpu.memref_squeeze %dma_start3A_516 : memref<1x128xi32, #tpu.memory_space<hbm>> -> memref<128xi32, #tpu.memory_space<hbm>>
      tpu.enqueue_dma source(%dma_start3A_517 : memref<128xi32, #tpu.memory_space<hbm>>) target(%arg10 : memref<128xi32, #tpu.memory_space<vmem>>) target_semaphore(%arg23 : memref<!tpu.dma_semaphore, #tpu.memory_space<semaphore_mem>>)
      %mul3A_518 = arith.constant 128 : i32
      %mul3A_519 = arith.muli %add3A_510, %mul3A_518 : i32
      %multiple_of3A_520 = tpu.assume_multiple %mul3A_519, 128 : i32
      %dma_start3A_521 = tpu.memref_slice %arg4[%add3A, %multiple_of3A_520] : memref<32x10112xi32, #tpu.memory_space<hbm>> -> memref<1x128xi32, #tpu.memory_space<hbm>>
      %dma_start3A_522 = tpu.memref_squeeze %dma_start3A_521 : memref<1x128xi32, #tpu.memory_space<hbm>> -> memref<128xi32, #tpu.memory_space<hbm>>
      %dma_start3A_523 = tpu.memref_slice %arg4[%add3A, %multiple_of3A_520] : memref<32x10112xi32, #tpu.memory_space<hbm>> -> memref<1x128xi32, #tpu.memory_space<hbm>>
      %dma_start3A_524 = tpu.memref_squeeze %dma_start3A_523 : memref<1x128xi32, #tpu.memory_space<hbm>> -> memref<128xi32, #tpu.memory_space<hbm>>
      tpu.enqueue_dma source(%dma_start3A_524 : memref<128xi32, #tpu.memory_space<hbm>>) target(%arg14 : memref<128xi32, #tpu.memory_space<vmem>>) target_semaphore(%arg23 : memref<!tpu.dma_semaphore, #tpu.memory_space<semaphore_mem>>)
      %add3A_525 = arith.constant 1 : i32
      %add3A_526 = arith.addi %add3A_503, %add3A_525 : i32
      %mul3A_527 = arith.constant 128 : i32
      %mul3A_528 = arith.muli %add3A_526, %mul3A_527 : i32
      %multiple_of3A_529 = tpu.assume_multiple %mul3A_528, 128 : i32
      %dma_wait3A_530 = tpu.memref_slice %arg3[%add3A, %multiple_of3A_529] : memref<32x10112xi32, #tpu.memory_space<hbm>> -> memref<1x128xi32, #tpu.memory_space<hbm>>
      %dma_wait3A_531 = tpu.memref_squeeze %dma_wait3A_530 : memref<1x128xi32, #tpu.memory_space<hbm>> -> memref<128xi32, #tpu.memory_space<hbm>>
      %dma_wait3A_532 = tpu.memref_slice %arg3[%add3A, %multiple_of3A_529] : memref<32x10112xi32, #tpu.memory_space<hbm>> -> memref<1x128xi32, #tpu.memory_space<hbm>>
      %dma_wait3A_533 = tpu.memref_squeeze %dma_wait3A_532 : memref<1x128xi32, #tpu.memory_space<hbm>> -> memref<128xi32, #tpu.memory_space<hbm>>
      tpu.wait_dma2 semaphore(%arg25 : memref<!tpu.dma_semaphore, #tpu.memory_space<semaphore_mem>>) src(%dma_wait3A_533 : memref<128xi32, #tpu.memory_space<hbm>>) dst(%arg12 : memref<128xi32, #tpu.memory_space<vmem>>)
      %mul3A_534 = arith.constant 128 : i32
      %mul3A_535 = arith.muli %add3A_526, %mul3A_534 : i32
      %multiple_of3A_536 = tpu.assume_multiple %mul3A_535, 128 : i32
      %dma_wait3A_537 = tpu.memref_slice %arg4[%add3A, %multiple_of3A_536] : memref<32x10112xi32, #tpu.memory_space<hbm>> -> memref<1x128xi32, #tpu.memory_space<hbm>>
      %dma_wait3A_538 = tpu.memref_squeeze %dma_wait3A_537 : memref<1x128xi32, #tpu.memory_space<hbm>> -> memref<128xi32, #tpu.memory_space<hbm>>
      %dma_wait3A_539 = tpu.memref_slice %arg4[%add3A, %multiple_of3A_536] : memref<32x10112xi32, #tpu.memory_space<hbm>> -> memref<1x128xi32, #tpu.memory_space<hbm>>
      %dma_wait3A_540 = tpu.memref_squeeze %dma_wait3A_539 : memref<1x128xi32, #tpu.memory_space<hbm>> -> memref<128xi32, #tpu.memory_space<hbm>>
      tpu.wait_dma2 semaphore(%arg25 : memref<!tpu.dma_semaphore, #tpu.memory_space<semaphore_mem>>) src(%dma_wait3A_540 : memref<128xi32, #tpu.memory_space<hbm>>) dst(%arg16 : memref<128xi32, #tpu.memory_space<vmem>>)
      %dma_start3A_541 = arith.constant 0 : i32
      %dma_start3A_542 = arith.constant 0 : i32
      %dma_start3A_543 = tpu.memref_slice %arg2[%dma_start3A_541, %dma_start3A_542] : memref<10000x128xf32, #tpu.memory_space<hbm>> -> memref<10000x128xf32, #tpu.memory_space<hbm>>
      tpu.enqueue_indirect_dma source(%dma_start3A_543 : memref<10000x128xf32, #tpu.memory_space<hbm>>) target(%arg18 : memref<128x128xf32, #tpu.memory_space<vmem>>) offsets(%arg12 : memref<128xi32, #tpu.memory_space<vmem>>) semaphore(%arg27 : memref<!tpu.dma_semaphore, #tpu.memory_space<semaphore_mem>>)
      %dma_wait3A_544 = arith.constant 0 : i32
      %dma_wait3A_545 = arith.constant 0 : i32
      %dma_wait3A_546 = tpu.memref_slice %arg2[%dma_wait3A_544, %dma_wait3A_545] : memref<10000x128xf32, #tpu.memory_space<hbm>> -> memref<10000x128xf32, #tpu.memory_space<hbm>>
      tpu.wait_indirect_dma semaphore(%arg28 : memref<!tpu.dma_semaphore, #tpu.memory_space<semaphore_mem>>) src(%dma_wait3A_546 : memref<10000x128xf32, #tpu.memory_space<hbm>>) dst(%arg19 : memref<128x128xf32, #tpu.memory_space<vmem>>)
      %dma_start3A_547 = arith.constant 0 : i32
      %dma_start3A_548 = arith.constant 0 : i32
      %dma_start3A_549 = tpu.memref_slice %arg21[%dma_start3A_547, %dma_start3A_548] : memref<10240x128xf32, #tpu.memory_space<vmem_shared>> -> memref<10240x128xf32, #tpu.memory_space<vmem_shared>>
      tpu.enqueue_indirect_dma source(%arg19 : memref<128x128xf32, #tpu.memory_space<vmem>>) target(%dma_start3A_549 : memref<10240x128xf32, #tpu.memory_space<vmem_shared>>) offsets(%arg15 : memref<128xi32, #tpu.memory_space<vmem>>) semaphore(%arg30 : memref<!tpu.dma_semaphore, #tpu.memory_space<semaphore_mem>>) {add = true}
      %dma_start3A_550 = arith.constant 0 : i32
      %dma_start3A_551 = tpu.memref_slice %arg22[%dma_start3A_550] : memref<10240xf32, #tpu.memory_space<vmem_shared>> -> memref<10240xf32, #tpu.memory_space<vmem_shared>>
      tpu.enqueue_indirect_dma source(%arg20 : memref<128xf32, #tpu.memory_space<vmem>>) target(%dma_start3A_551 : memref<10240xf32, #tpu.memory_space<vmem_shared>>) offsets(%arg15 : memref<128xi32, #tpu.memory_space<vmem>>) semaphore(%arg32 : memref<!tpu.dma_semaphore, #tpu.memory_space<semaphore_mem>>) {add = true}
      %mul3A_552 = arith.constant 4 : i32
      %mul3A_553 = arith.muli %scan3A_447, %mul3A_552 : i32
      %add3A_554 = arith.constant 2 : i32
      %add3A_555 = arith.addi %mul3A_553, %add3A_554 : i32
      %dma_wait3A_556 = arith.constant 0 : i32
      %dma_wait3A_557 = arith.constant 0 : i32
      %dma_wait3A_558 = tpu.memref_slice %arg21[%dma_wait3A_556, %dma_wait3A_557] : memref<10240x128xf32, #tpu.memory_space<vmem_shared>> -> memref<10240x128xf32, #tpu.memory_space<vmem_shared>>
      tpu.wait_indirect_dma semaphore(%arg30 : memref<!tpu.dma_semaphore, #tpu.memory_space<semaphore_mem>>) src(%arg19 : memref<128x128xf32, #tpu.memory_space<vmem>>) dst(%dma_wait3A_558 : memref<10240x128xf32, #tpu.memory_space<vmem_shared>>)
      %dma_wait3A_559 = arith.constant 0 : i32
      %dma_wait3A_560 = tpu.memref_slice %arg22[%dma_wait3A_559] : memref<10240xf32, #tpu.memory_space<vmem_shared>> -> memref<10240xf32, #tpu.memory_space<vmem_shared>>
      tpu.wait_indirect_dma semaphore(%arg32 : memref<!tpu.dma_semaphore, #tpu.memory_space<semaphore_mem>>) src(%arg20 : memref<128xf32, #tpu.memory_space<vmem>>) dst(%dma_wait3A_560 : memref<10240xf32, #tpu.memory_space<vmem_shared>>)
      %add3A_561 = arith.constant 3 : i32
      %add3A_562 = arith.addi %add3A_555, %add3A_561 : i32
      %mul3A_563 = arith.constant 128 : i32
      %mul3A_564 = arith.muli %add3A_562, %mul3A_563 : i32
      %multiple_of3A_565 = tpu.assume_multiple %mul3A_564, 128 : i32
      %dma_start3A_566 = tpu.memref_slice %arg3[%add3A, %multiple_of3A_565] : memref<32x10112xi32, #tpu.memory_space<hbm>> -> memref<1x128xi32, #tpu.memory_space<hbm>>
      %dma_start3A_567 = tpu.memref_squeeze %dma_start3A_566 : memref<1x128xi32, #tpu.memory_space<hbm>> -> memref<128xi32, #tpu.memory_space<hbm>>
      %dma_start3A_568 = tpu.memref_slice %arg3[%add3A, %multiple_of3A_565] : memref<32x10112xi32, #tpu.memory_space<hbm>> -> memref<1x128xi32, #tpu.memory_space<hbm>>
      %dma_start3A_569 = tpu.memref_squeeze %dma_start3A_568 : memref<1x128xi32, #tpu.memory_space<hbm>> -> memref<128xi32, #tpu.memory_space<hbm>>
      tpu.enqueue_dma source(%dma_start3A_569 : memref<128xi32, #tpu.memory_space<hbm>>) target(%arg11 : memref<128xi32, #tpu.memory_space<vmem>>) target_semaphore(%arg24 : memref<!tpu.dma_semaphore, #tpu.memory_space<semaphore_mem>>)
      %mul3A_570 = arith.constant 128 : i32
      %mul3A_571 = arith.muli %add3A_562, %mul3A_570 : i32
      %multiple_of3A_572 = tpu.assume_multiple %mul3A_571, 128 : i32
      %dma_start3A_573 = tpu.memref_slice %arg4[%add3A, %multiple_of3A_572] : memref<32x10112xi32, #tpu.memory_space<hbm>> -> memref<1x128xi32, #tpu.memory_space<hbm>>
      %dma_start3A_574 = tpu.memref_squeeze %dma_start3A_573 : memref<1x128xi32, #tpu.memory_space<hbm>> -> memref<128xi32, #tpu.memory_space<hbm>>
      %dma_start3A_575 = tpu.memref_slice %arg4[%add3A, %multiple_of3A_572] : memref<32x10112xi32, #tpu.memory_space<hbm>> -> memref<1x128xi32, #tpu.memory_space<hbm>>
      %dma_start3A_576 = tpu.memref_squeeze %dma_start3A_575 : memref<1x128xi32, #tpu.memory_space<hbm>> -> memref<128xi32, #tpu.memory_space<hbm>>
      tpu.enqueue_dma source(%dma_start3A_576 : memref<128xi32, #tpu.memory_space<hbm>>) target(%arg15 : memref<128xi32, #tpu.memory_space<vmem>>) target_semaphore(%arg24 : memref<!tpu.dma_semaphore, #tpu.memory_space<semaphore_mem>>)
      %add3A_577 = arith.constant 1 : i32
      %add3A_578 = arith.addi %add3A_555, %add3A_577 : i32
      %mul3A_579 = arith.constant 128 : i32
      %mul3A_580 = arith.muli %add3A_578, %mul3A_579 : i32
      %multiple_of3A_581 = tpu.assume_multiple %mul3A_580, 128 : i32
      %dma_wait3A_582 = tpu.memref_slice %arg3[%add3A, %multiple_of3A_581] : memref<32x10112xi32, #tpu.memory_space<hbm>> -> memref<1x128xi32, #tpu.memory_space<hbm>>
      %dma_wait3A_583 = tpu.memref_squeeze %dma_wait3A_582 : memref<1x128xi32, #tpu.memory_space<hbm>> -> memref<128xi32, #tpu.memory_space<hbm>>
      %dma_wait3A_584 = tpu.memref_slice %arg3[%add3A, %multiple_of3A_581] : memref<32x10112xi32, #tpu.memory_space<hbm>> -> memref<1x128xi32, #tpu.memory_space<hbm>>
      %dma_wait3A_585 = tpu.memref_squeeze %dma_wait3A_584 : memref<1x128xi32, #tpu.memory_space<hbm>> -> memref<128xi32, #tpu.memory_space<hbm>>
      tpu.wait_dma2 semaphore(%arg26 : memref<!tpu.dma_semaphore, #tpu.memory_space<semaphore_mem>>) src(%dma_wait3A_585 : memref<128xi32, #tpu.memory_space<hbm>>) dst(%arg13 : memref<128xi32, #tpu.memory_space<vmem>>)
      %mul3A_586 = arith.constant 128 : i32
      %mul3A_587 = arith.muli %add3A_578, %mul3A_586 : i32
      %multiple_of3A_588 = tpu.assume_multiple %mul3A_587, 128 : i32
      %dma_wait3A_589 = tpu.memref_slice %arg4[%add3A, %multiple_of3A_588] : memref<32x10112xi32, #tpu.memory_space<hbm>> -> memref<1x128xi32, #tpu.memory_space<hbm>>
      %dma_wait3A_590 = tpu.memref_squeeze %dma_wait3A_589 : memref<1x128xi32, #tpu.memory_space<hbm>> -> memref<128xi32, #tpu.memory_space<hbm>>
      %dma_wait3A_591 = tpu.memref_slice %arg4[%add3A, %multiple_of3A_588] : memref<32x10112xi32, #tpu.memory_space<hbm>> -> memref<1x128xi32, #tpu.memory_space<hbm>>
      %dma_wait3A_592 = tpu.memref_squeeze %dma_wait3A_591 : memref<1x128xi32, #tpu.memory_space<hbm>> -> memref<128xi32, #tpu.memory_space<hbm>>
      tpu.wait_dma2 semaphore(%arg26 : memref<!tpu.dma_semaphore, #tpu.memory_space<semaphore_mem>>) src(%dma_wait3A_592 : memref<128xi32, #tpu.memory_space<hbm>>) dst(%arg17 : memref<128xi32, #tpu.memory_space<vmem>>)
      %dma_start3A_593 = arith.constant 0 : i32
      %dma_start3A_594 = arith.constant 0 : i32
      %dma_start3A_595 = tpu.memref_slice %arg2[%dma_start3A_593, %dma_start3A_594] : memref<10000x128xf32, #tpu.memory_space<hbm>> -> memref<10000x128xf32, #tpu.memory_space<hbm>>
      tpu.enqueue_indirect_dma source(%dma_start3A_595 : memref<10000x128xf32, #tpu.memory_space<hbm>>) target(%arg19 : memref<128x128xf32, #tpu.memory_space<vmem>>) offsets(%arg13 : memref<128xi32, #tpu.memory_space<vmem>>) semaphore(%arg28 : memref<!tpu.dma_semaphore, #tpu.memory_space<semaphore_mem>>)
      %dma_wait3A_596 = arith.constant 0 : i32
      %dma_wait3A_597 = arith.constant 0 : i32
      %dma_wait3A_598 = tpu.memref_slice %arg2[%dma_wait3A_596, %dma_wait3A_597] : memref<10000x128xf32, #tpu.memory_space<hbm>> -> memref<10000x128xf32, #tpu.memory_space<hbm>>
      tpu.wait_indirect_dma semaphore(%arg27 : memref<!tpu.dma_semaphore, #tpu.memory_space<semaphore_mem>>) src(%dma_wait3A_598 : memref<10000x128xf32, #tpu.memory_space<hbm>>) dst(%arg18 : memref<128x128xf32, #tpu.memory_space<vmem>>)
      %dma_start3A_599 = arith.constant 0 : i32
      %dma_start3A_600 = arith.constant 0 : i32
      %dma_start3A_601 = tpu.memref_slice %arg21[%dma_start3A_599, %dma_start3A_600] : memref<10240x128xf32, #tpu.memory_space<vmem_shared>> -> memref<10240x128xf32, #tpu.memory_space<vmem_shared>>
      tpu.enqueue_indirect_dma source(%arg18 : memref<128x128xf32, #tpu.memory_space<vmem>>) target(%dma_start3A_601 : memref<10240x128xf32, #tpu.memory_space<vmem_shared>>) offsets(%arg16 : memref<128xi32, #tpu.memory_space<vmem>>) semaphore(%arg29 : memref<!tpu.dma_semaphore, #tpu.memory_space<semaphore_mem>>) {add = true}
      %dma_start3A_602 = arith.constant 0 : i32
      %dma_start3A_603 = tpu.memref_slice %arg22[%dma_start3A_602] : memref<10240xf32, #tpu.memory_space<vmem_shared>> -> memref<10240xf32, #tpu.memory_space<vmem_shared>>
      tpu.enqueue_indirect_dma source(%arg20 : memref<128xf32, #tpu.memory_space<vmem>>) target(%dma_start3A_603 : memref<10240xf32, #tpu.memory_space<vmem_shared>>) offsets(%arg16 : memref<128xi32, #tpu.memory_space<vmem>>) semaphore(%arg31 : memref<!tpu.dma_semaphore, #tpu.memory_space<semaphore_mem>>) {add = true}
      %mul3A_604 = arith.constant 4 : i32
      %mul3A_605 = arith.muli %scan3A_447, %mul3A_604 : i32
      %add3A_606 = arith.constant 3 : i32
      %add3A_607 = arith.addi %mul3A_605, %add3A_606 : i32
      %dma_wait3A_608 = arith.constant 0 : i32
      %dma_wait3A_609 = arith.constant 0 : i32
      %dma_wait3A_610 = tpu.memref_slice %arg21[%dma_wait3A_608, %dma_wait3A_609] : memref<10240x128xf32, #tpu.memory_space<vmem_shared>> -> memref<10240x128xf32, #tpu.memory_space<vmem_shared>>
      tpu.wait_indirect_dma semaphore(%arg29 : memref<!tpu.dma_semaphore, #tpu.memory_space<semaphore_mem>>) src(%arg18 : memref<128x128xf32, #tpu.memory_space<vmem>>) dst(%dma_wait3A_610 : memref<10240x128xf32, #tpu.memory_space<vmem_shared>>)
      %dma_wait3A_611 = arith.constant 0 : i32
      %dma_wait3A_612 = tpu.memref_slice %arg22[%dma_wait3A_611] : memref<10240xf32, #tpu.memory_space<vmem_shared>> -> memref<10240xf32, #tpu.memory_space<vmem_shared>>
      tpu.wait_indirect_dma semaphore(%arg31 : memref<!tpu.dma_semaphore, #tpu.memory_space<semaphore_mem>>) src(%arg20 : memref<128xf32, #tpu.memory_space<vmem>>) dst(%dma_wait3A_612 : memref<10240xf32, #tpu.memory_space<vmem_shared>>)
      %add3A_613 = arith.constant 3 : i32
      %add3A_614 = arith.addi %add3A_607, %add3A_613 : i32
      %mul3A_615 = arith.constant 128 : i32
      %mul3A_616 = arith.muli %add3A_614, %mul3A_615 : i32
      %multiple_of3A_617 = tpu.assume_multiple %mul3A_616, 128 : i32
      %dma_start3A_618 = tpu.memref_slice %arg3[%add3A, %multiple_of3A_617] : memref<32x10112xi32, #tpu.memory_space<hbm>> -> memref<1x128xi32, #tpu.memory_space<hbm>>
      %dma_start3A_619 = tpu.memref_squeeze %dma_start3A_618 : memref<1x128xi32, #tpu.memory_space<hbm>> -> memref<128xi32, #tpu.memory_space<hbm>>
      %dma_start3A_620 = tpu.memref_slice %arg3[%add3A, %multiple_of3A_617] : memref<32x10112xi32, #tpu.memory_space<hbm>> -> memref<1x128xi32, #tpu.memory_space<hbm>>
      %dma_start3A_621 = tpu.memref_squeeze %dma_start3A_620 : memref<1x128xi32, #tpu.memory_space<hbm>> -> memref<128xi32, #tpu.memory_space<hbm>>
      tpu.enqueue_dma source(%dma_start3A_621 : memref<128xi32, #tpu.memory_space<hbm>>) target(%arg12 : memref<128xi32, #tpu.memory_space<vmem>>) target_semaphore(%arg25 : memref<!tpu.dma_semaphore, #tpu.memory_space<semaphore_mem>>)
      %mul3A_622 = arith.constant 128 : i32
      %mul3A_623 = arith.muli %add3A_614, %mul3A_622 : i32
      %multiple_of3A_624 = tpu.assume_multiple %mul3A_623, 128 : i32
      %dma_start3A_625 = tpu.memref_slice %arg4[%add3A, %multiple_of3A_624] : memref<32x10112xi32, #tpu.memory_space<hbm>> -> memref<1x128xi32, #tpu.memory_space<hbm>>
      %dma_start3A_626 = tpu.memref_squeeze %dma_start3A_625 : memref<1x128xi32, #tpu.memory_space<hbm>> -> memref<128xi32, #tpu.memory_space<hbm>>
      %dma_start3A_627 = tpu.memref_slice %arg4[%add3A, %multiple_of3A_624] : memref<32x10112xi32, #tpu.memory_space<hbm>> -> memref<1x128xi32, #tpu.memory_space<hbm>>
      %dma_start3A_628 = tpu.memref_squeeze %dma_start3A_627 : memref<1x128xi32, #tpu.memory_space<hbm>> -> memref<128xi32, #tpu.memory_space<hbm>>
      tpu.enqueue_dma source(%dma_start3A_628 : memref<128xi32, #tpu.memory_space<hbm>>) target(%arg16 : memref<128xi32, #tpu.memory_space<vmem>>) target_semaphore(%arg25 : memref<!tpu.dma_semaphore, #tpu.memory_space<semaphore_mem>>)
      %add3A_629 = arith.constant 1 : i32
      %add3A_630 = arith.addi %add3A_607, %add3A_629 : i32
      %mul3A_631 = arith.constant 128 : i32
      %mul3A_632 = arith.muli %add3A_630, %mul3A_631 : i32
      %multiple_of3A_633 = tpu.assume_multiple %mul3A_632, 128 : i32
      %dma_wait3A_634 = tpu.memref_slice %arg3[%add3A, %multiple_of3A_633] : memref<32x10112xi32, #tpu.memory_space<hbm>> -> memref<1x128xi32, #tpu.memory_space<hbm>>
      %dma_wait3A_635 = tpu.memref_squeeze %dma_wait3A_634 : memref<1x128xi32, #tpu.memory_space<hbm>> -> memref<128xi32, #tpu.memory_space<hbm>>
      %dma_wait3A_636 = tpu.memref_slice %arg3[%add3A, %multiple_of3A_633] : memref<32x10112xi32, #tpu.memory_space<hbm>> -> memref<1x128xi32, #tpu.memory_space<hbm>>
      %dma_wait3A_637 = tpu.memref_squeeze %dma_wait3A_636 : memref<1x128xi32, #tpu.memory_space<hbm>> -> memref<128xi32, #tpu.memory_space<hbm>>
      tpu.wait_dma2 semaphore(%arg23 : memref<!tpu.dma_semaphore, #tpu.memory_space<semaphore_mem>>) src(%dma_wait3A_637 : memref<128xi32, #tpu.memory_space<hbm>>) dst(%arg10 : memref<128xi32, #tpu.memory_space<vmem>>)
      %mul3A_638 = arith.constant 128 : i32
      %mul3A_639 = arith.muli %add3A_630, %mul3A_638 : i32
      %multiple_of3A_640 = tpu.assume_multiple %mul3A_639, 128 : i32
      %dma_wait3A_641 = tpu.memref_slice %arg4[%add3A, %multiple_of3A_640] : memref<32x10112xi32, #tpu.memory_space<hbm>> -> memref<1x128xi32, #tpu.memory_space<hbm>>
      %dma_wait3A_642 = tpu.memref_squeeze %dma_wait3A_641 : memref<1x128xi32, #tpu.memory_space<hbm>> -> memref<128xi32, #tpu.memory_space<hbm>>
      %dma_wait3A_643 = tpu.memref_slice %arg4[%add3A, %multiple_of3A_640] : memref<32x10112xi32, #tpu.memory_space<hbm>> -> memref<1x128xi32, #tpu.memory_space<hbm>>
      %dma_wait3A_644 = tpu.memref_squeeze %dma_wait3A_643 : memref<1x128xi32, #tpu.memory_space<hbm>> -> memref<128xi32, #tpu.memory_space<hbm>>
      tpu.wait_dma2 semaphore(%arg23 : memref<!tpu.dma_semaphore, #tpu.memory_space<semaphore_mem>>) src(%dma_wait3A_644 : memref<128xi32, #tpu.memory_space<hbm>>) dst(%arg14 : memref<128xi32, #tpu.memory_space<vmem>>)
      %dma_start3A_645 = arith.constant 0 : i32
      %dma_start3A_646 = arith.constant 0 : i32
      %dma_start3A_647 = tpu.memref_slice %arg2[%dma_start3A_645, %dma_start3A_646] : memref<10000x128xf32, #tpu.memory_space<hbm>> -> memref<10000x128xf32, #tpu.memory_space<hbm>>
      tpu.enqueue_indirect_dma source(%dma_start3A_647 : memref<10000x128xf32, #tpu.memory_space<hbm>>) target(%arg18 : memref<128x128xf32, #tpu.memory_space<vmem>>) offsets(%arg10 : memref<128xi32, #tpu.memory_space<vmem>>) semaphore(%arg27 : memref<!tpu.dma_semaphore, #tpu.memory_space<semaphore_mem>>)
      %dma_wait3A_648 = arith.constant 0 : i32
      %dma_wait3A_649 = arith.constant 0 : i32
      %dma_wait3A_650 = tpu.memref_slice %arg2[%dma_wait3A_648, %dma_wait3A_649] : memref<10000x128xf32, #tpu.memory_space<hbm>> -> memref<10000x128xf32, #tpu.memory_space<hbm>>
      tpu.wait_indirect_dma semaphore(%arg28 : memref<!tpu.dma_semaphore, #tpu.memory_space<semaphore_mem>>) src(%dma_wait3A_650 : memref<10000x128xf32, #tpu.memory_space<hbm>>) dst(%arg19 : memref<128x128xf32, #tpu.memory_space<vmem>>)
      %dma_start3A_651 = arith.constant 0 : i32
      %dma_start3A_652 = arith.constant 0 : i32
      %dma_start3A_653 = tpu.memref_slice %arg21[%dma_start3A_651, %dma_start3A_652] : memref<10240x128xf32, #tpu.memory_space<vmem_shared>> -> memref<10240x128xf32, #tpu.memory_space<vmem_shared>>
      tpu.enqueue_indirect_dma source(%arg19 : memref<128x128xf32, #tpu.memory_space<vmem>>) target(%dma_start3A_653 : memref<10240x128xf32, #tpu.memory_space<vmem_shared>>) offsets(%arg17 : memref<128xi32, #tpu.memory_space<vmem>>) semaphore(%arg30 : memref<!tpu.dma_semaphore, #tpu.memory_space<semaphore_mem>>) {add = true}
      %dma_start3A_654 = arith.constant 0 : i32
      %dma_start3A_655 = tpu.memref_slice %arg22[%dma_start3A_654] : memref<10240xf32, #tpu.memory_space<vmem_shared>> -> memref<10240xf32, #tpu.memory_space<vmem_shared>>
      tpu.enqueue_indirect_dma source(%arg20 : memref<128xf32, #tpu.memory_space<vmem>>) target(%dma_start3A_655 : memref<10240xf32, #tpu.memory_space<vmem_shared>>) offsets(%arg17 : memref<128xi32, #tpu.memory_space<vmem>>) semaphore(%arg32 : memref<!tpu.dma_semaphore, #tpu.memory_space<semaphore_mem>>) {add = true}
    }
    %scan3A_211 = arith.constant 17 : i32
    %dma_wait3A_212 = arith.constant 0 : i32
    %dma_wait3A_213 = arith.constant 0 : i32
    %dma_wait3A_214 = tpu.memref_slice %arg21[%dma_wait3A_212, %dma_wait3A_213] : memref<10240x128xf32, #tpu.memory_space<vmem_shared>> -> memref<10240x128xf32, #tpu.memory_space<vmem_shared>>
    tpu.wait_indirect_dma semaphore(%arg30 : memref<!tpu.dma_semaphore, #tpu.memory_space<semaphore_mem>>) src(%arg19 : memref<128x128xf32, #tpu.memory_space<vmem>>) dst(%dma_wait3A_214 : memref<10240x128xf32, #tpu.memory_space<vmem_shared>>)
    %dma_wait3A_215 = arith.constant 0 : i32
    %dma_wait3A_216 = tpu.memref_slice %arg22[%dma_wait3A_215] : memref<10240xf32, #tpu.memory_space<vmem_shared>> -> memref<10240xf32, #tpu.memory_space<vmem_shared>>
    tpu.wait_indirect_dma semaphore(%arg32 : memref<!tpu.dma_semaphore, #tpu.memory_space<semaphore_mem>>) src(%arg20 : memref<128xf32, #tpu.memory_space<vmem>>) dst(%dma_wait3A_216 : memref<10240xf32, #tpu.memory_space<vmem_shared>>)
    %multiple_of3A_217 = arith.constant 9600 : i32
    %multiple_of3A_218 = tpu.assume_multiple %multiple_of3A_217, 128 : i32
    %dma_start3A_219 = tpu.memref_slice %arg3[%add3A, %multiple_of3A_218] : memref<32x10112xi32, #tpu.memory_space<hbm>> -> memref<1x128xi32, #tpu.memory_space<hbm>>
    %dma_start3A_220 = tpu.memref_squeeze %dma_start3A_219 : memref<1x128xi32, #tpu.memory_space<hbm>> -> memref<128xi32, #tpu.memory_space<hbm>>
    %dma_start3A_221 = tpu.memref_slice %arg3[%add3A, %multiple_of3A_218] : memref<32x10112xi32, #tpu.memory_space<hbm>> -> memref<1x128xi32, #tpu.memory_space<hbm>>
    %dma_start3A_222 = tpu.memref_squeeze %dma_start3A_221 : memref<1x128xi32, #tpu.memory_space<hbm>> -> memref<128xi32, #tpu.memory_space<hbm>>
    tpu.enqueue_dma source(%dma_start3A_222 : memref<128xi32, #tpu.memory_space<hbm>>) target(%arg13 : memref<128xi32, #tpu.memory_space<vmem>>) target_semaphore(%arg26 : memref<!tpu.dma_semaphore, #tpu.memory_space<semaphore_mem>>)
    %multiple_of3A_223 = arith.constant 9600 : i32
    %multiple_of3A_224 = tpu.assume_multiple %multiple_of3A_223, 128 : i32
    %dma_start3A_225 = tpu.memref_slice %arg4[%add3A, %multiple_of3A_224] : memref<32x10112xi32, #tpu.memory_space<hbm>> -> memref<1x128xi32, #tpu.memory_space<hbm>>
    %dma_start3A_226 = tpu.memref_squeeze %dma_start3A_225 : memref<1x128xi32, #tpu.memory_space<hbm>> -> memref<128xi32, #tpu.memory_space<hbm>>
    %dma_start3A_227 = tpu.memref_slice %arg4[%add3A, %multiple_of3A_224] : memref<32x10112xi32, #tpu.memory_space<hbm>> -> memref<1x128xi32, #tpu.memory_space<hbm>>
    %dma_start3A_228 = tpu.memref_squeeze %dma_start3A_227 : memref<1x128xi32, #tpu.memory_space<hbm>> -> memref<128xi32, #tpu.memory_space<hbm>>
    tpu.enqueue_dma source(%dma_start3A_228 : memref<128xi32, #tpu.memory_space<hbm>>) target(%arg17 : memref<128xi32, #tpu.memory_space<vmem>>) target_semaphore(%arg26 : memref<!tpu.dma_semaphore, #tpu.memory_space<semaphore_mem>>)
    %multiple_of3A_229 = arith.constant 9344 : i32
    %multiple_of3A_230 = tpu.assume_multiple %multiple_of3A_229, 128 : i32
    %dma_wait3A_231 = tpu.memref_slice %arg3[%add3A, %multiple_of3A_230] : memref<32x10112xi32, #tpu.memory_space<hbm>> -> memref<1x128xi32, #tpu.memory_space<hbm>>
    %dma_wait3A_232 = tpu.memref_squeeze %dma_wait3A_231 : memref<1x128xi32, #tpu.memory_space<hbm>> -> memref<128xi32, #tpu.memory_space<hbm>>
    %dma_wait3A_233 = tpu.memref_slice %arg3[%add3A, %multiple_of3A_230] : memref<32x10112xi32, #tpu.memory_space<hbm>> -> memref<1x128xi32, #tpu.memory_space<hbm>>
    %dma_wait3A_234 = tpu.memref_squeeze %dma_wait3A_233 : memref<1x128xi32, #tpu.memory_space<hbm>> -> memref<128xi32, #tpu.memory_space<hbm>>
    tpu.wait_dma2 semaphore(%arg24 : memref<!tpu.dma_semaphore, #tpu.memory_space<semaphore_mem>>) src(%dma_wait3A_234 : memref<128xi32, #tpu.memory_space<hbm>>) dst(%arg11 : memref<128xi32, #tpu.memory_space<vmem>>)
    %multiple_of3A_235 = arith.constant 9344 : i32
    %multiple_of3A_236 = tpu.assume_multiple %multiple_of3A_235, 128 : i32
    %dma_wait3A_237 = tpu.memref_slice %arg4[%add3A, %multiple_of3A_236] : memref<32x10112xi32, #tpu.memory_space<hbm>> -> memref<1x128xi32, #tpu.memory_space<hbm>>
    %dma_wait3A_238 = tpu.memref_squeeze %dma_wait3A_237 : memref<1x128xi32, #tpu.memory_space<hbm>> -> memref<128xi32, #tpu.memory_space<hbm>>
    %dma_wait3A_239 = tpu.memref_slice %arg4[%add3A, %multiple_of3A_236] : memref<32x10112xi32, #tpu.memory_space<hbm>> -> memref<1x128xi32, #tpu.memory_space<hbm>>
    %dma_wait3A_240 = tpu.memref_squeeze %dma_wait3A_239 : memref<1x128xi32, #tpu.memory_space<hbm>> -> memref<128xi32, #tpu.memory_space<hbm>>
    tpu.wait_dma2 semaphore(%arg24 : memref<!tpu.dma_semaphore, #tpu.memory_space<semaphore_mem>>) src(%dma_wait3A_240 : memref<128xi32, #tpu.memory_space<hbm>>) dst(%arg15 : memref<128xi32, #tpu.memory_space<vmem>>)
    %dma_start3A_241 = arith.constant 0 : i32
    %dma_start3A_242 = arith.constant 0 : i32
    %dma_start3A_243 = tpu.memref_slice %arg2[%dma_start3A_241, %dma_start3A_242] : memref<10000x128xf32, #tpu.memory_space<hbm>> -> memref<10000x128xf32, #tpu.memory_space<hbm>>
    tpu.enqueue_indirect_dma source(%dma_start3A_243 : memref<10000x128xf32, #tpu.memory_space<hbm>>) target(%arg19 : memref<128x128xf32, #tpu.memory_space<vmem>>) offsets(%arg11 : memref<128xi32, #tpu.memory_space<vmem>>) semaphore(%arg28 : memref<!tpu.dma_semaphore, #tpu.memory_space<semaphore_mem>>)
    %dma_wait3A_244 = arith.constant 0 : i32
    %dma_wait3A_245 = arith.constant 0 : i32
    %dma_wait3A_246 = tpu.memref_slice %arg2[%dma_wait3A_244, %dma_wait3A_245] : memref<10000x128xf32, #tpu.memory_space<hbm>> -> memref<10000x128xf32, #tpu.memory_space<hbm>>
    tpu.wait_indirect_dma semaphore(%arg27 : memref<!tpu.dma_semaphore, #tpu.memory_space<semaphore_mem>>) src(%dma_wait3A_246 : memref<10000x128xf32, #tpu.memory_space<hbm>>) dst(%arg18 : memref<128x128xf32, #tpu.memory_space<vmem>>)
    %dma_start3A_247 = arith.constant 0 : i32
    %dma_start3A_248 = arith.constant 0 : i32
    %dma_start3A_249 = tpu.memref_slice %arg21[%dma_start3A_247, %dma_start3A_248] : memref<10240x128xf32, #tpu.memory_space<vmem_shared>> -> memref<10240x128xf32, #tpu.memory_space<vmem_shared>>
    tpu.enqueue_indirect_dma source(%arg18 : memref<128x128xf32, #tpu.memory_space<vmem>>) target(%dma_start3A_249 : memref<10240x128xf32, #tpu.memory_space<vmem_shared>>) offsets(%arg14 : memref<128xi32, #tpu.memory_space<vmem>>) semaphore(%arg29 : memref<!tpu.dma_semaphore, #tpu.memory_space<semaphore_mem>>) {add = true}
    %dma_start3A_250 = arith.constant 0 : i32
    %dma_start3A_251 = tpu.memref_slice %arg22[%dma_start3A_250] : memref<10240xf32, #tpu.memory_space<vmem_shared>> -> memref<10240xf32, #tpu.memory_space<vmem_shared>>
    tpu.enqueue_indirect_dma source(%arg20 : memref<128xf32, #tpu.memory_space<vmem>>) target(%dma_start3A_251 : memref<10240xf32, #tpu.memory_space<vmem_shared>>) offsets(%arg14 : memref<128xi32, #tpu.memory_space<vmem>>) semaphore(%arg31 : memref<!tpu.dma_semaphore, #tpu.memory_space<semaphore_mem>>) {add = true}
    %dma_wait3A_252 = arith.constant 0 : i32
    %dma_wait3A_253 = arith.constant 0 : i32
    %dma_wait3A_254 = tpu.memref_slice %arg21[%dma_wait3A_252, %dma_wait3A_253] : memref<10240x128xf32, #tpu.memory_space<vmem_shared>> -> memref<10240x128xf32, #tpu.memory_space<vmem_shared>>
    tpu.wait_indirect_dma semaphore(%arg29 : memref<!tpu.dma_semaphore, #tpu.memory_space<semaphore_mem>>) src(%arg18 : memref<128x128xf32, #tpu.memory_space<vmem>>) dst(%dma_wait3A_254 : memref<10240x128xf32, #tpu.memory_space<vmem_shared>>)
    %dma_wait3A_255 = arith.constant 0 : i32
    %dma_wait3A_256 = tpu.memref_slice %arg22[%dma_wait3A_255] : memref<10240xf32, #tpu.memory_space<vmem_shared>> -> memref<10240xf32, #tpu.memory_space<vmem_shared>>
    tpu.wait_indirect_dma semaphore(%arg31 : memref<!tpu.dma_semaphore, #tpu.memory_space<semaphore_mem>>) src(%arg20 : memref<128xf32, #tpu.memory_space<vmem>>) dst(%dma_wait3A_256 : memref<10240xf32, #tpu.memory_space<vmem_shared>>)
    %multiple_of3A_257 = arith.constant 9728 : i32
    %multiple_of3A_258 = tpu.assume_multiple %multiple_of3A_257, 128 : i32
    %dma_start3A_259 = tpu.memref_slice %arg3[%add3A, %multiple_of3A_258] : memref<32x10112xi32, #tpu.memory_space<hbm>> -> memref<1x128xi32, #tpu.memory_space<hbm>>
    %dma_start3A_260 = tpu.memref_squeeze %dma_start3A_259 : memref<1x128xi32, #tpu.memory_space<hbm>> -> memref<128xi32, #tpu.memory_space<hbm>>
    %dma_start3A_261 = tpu.memref_slice %arg3[%add3A, %multiple_of3A_258] : memref<32x10112xi32, #tpu.memory_space<hbm>> -> memref<1x128xi32, #tpu.memory_space<hbm>>
    %dma_start3A_262 = tpu.memref_squeeze %dma_start3A_261 : memref<1x128xi32, #tpu.memory_space<hbm>> -> memref<128xi32, #tpu.memory_space<hbm>>
    tpu.enqueue_dma source(%dma_start3A_262 : memref<128xi32, #tpu.memory_space<hbm>>) target(%arg10 : memref<128xi32, #tpu.memory_space<vmem>>) target_semaphore(%arg23 : memref<!tpu.dma_semaphore, #tpu.memory_space<semaphore_mem>>)
    %multiple_of3A_263 = arith.constant 9728 : i32
    %multiple_of3A_264 = tpu.assume_multiple %multiple_of3A_263, 128 : i32
    %dma_start3A_265 = tpu.memref_slice %arg4[%add3A, %multiple_of3A_264] : memref<32x10112xi32, #tpu.memory_space<hbm>> -> memref<1x128xi32, #tpu.memory_space<hbm>>
    %dma_start3A_266 = tpu.memref_squeeze %dma_start3A_265 : memref<1x128xi32, #tpu.memory_space<hbm>> -> memref<128xi32, #tpu.memory_space<hbm>>
    %dma_start3A_267 = tpu.memref_slice %arg4[%add3A, %multiple_of3A_264] : memref<32x10112xi32, #tpu.memory_space<hbm>> -> memref<1x128xi32, #tpu.memory_space<hbm>>
    %dma_start3A_268 = tpu.memref_squeeze %dma_start3A_267 : memref<1x128xi32, #tpu.memory_space<hbm>> -> memref<128xi32, #tpu.memory_space<hbm>>
    tpu.enqueue_dma source(%dma_start3A_268 : memref<128xi32, #tpu.memory_space<hbm>>) target(%arg14 : memref<128xi32, #tpu.memory_space<vmem>>) target_semaphore(%arg23 : memref<!tpu.dma_semaphore, #tpu.memory_space<semaphore_mem>>)
    %multiple_of3A_269 = arith.constant 9472 : i32
    %multiple_of3A_270 = tpu.assume_multiple %multiple_of3A_269, 128 : i32
    %dma_wait3A_271 = tpu.memref_slice %arg3[%add3A, %multiple_of3A_270] : memref<32x10112xi32, #tpu.memory_space<hbm>> -> memref<1x128xi32, #tpu.memory_space<hbm>>
    %dma_wait3A_272 = tpu.memref_squeeze %dma_wait3A_271 : memref<1x128xi32, #tpu.memory_space<hbm>> -> memref<128xi32, #tpu.memory_space<hbm>>
    %dma_wait3A_273 = tpu.memref_slice %arg3[%add3A, %multiple_of3A_270] : memref<32x10112xi32, #tpu.memory_space<hbm>> -> memref<1x128xi32, #tpu.memory_space<hbm>>
    %dma_wait3A_274 = tpu.memref_squeeze %dma_wait3A_273 : memref<1x128xi32, #tpu.memory_space<hbm>> -> memref<128xi32, #tpu.memory_space<hbm>>
    tpu.wait_dma2 semaphore(%arg25 : memref<!tpu.dma_semaphore, #tpu.memory_space<semaphore_mem>>) src(%dma_wait3A_274 : memref<128xi32, #tpu.memory_space<hbm>>) dst(%arg12 : memref<128xi32, #tpu.memory_space<vmem>>)
    %multiple_of3A_275 = arith.constant 9472 : i32
    %multiple_of3A_276 = tpu.assume_multiple %multiple_of3A_275, 128 : i32
    %dma_wait3A_277 = tpu.memref_slice %arg4[%add3A, %multiple_of3A_276] : memref<32x10112xi32, #tpu.memory_space<hbm>> -> memref<1x128xi32, #tpu.memory_space<hbm>>
    %dma_wait3A_278 = tpu.memref_squeeze %dma_wait3A_277 : memref<1x128xi32, #tpu.memory_space<hbm>> -> memref<128xi32, #tpu.memory_space<hbm>>
    %dma_wait3A_279 = tpu.memref_slice %arg4[%add3A, %multiple_of3A_276] : memref<32x10112xi32, #tpu.memory_space<hbm>> -> memref<1x128xi32, #tpu.memory_space<hbm>>
    %dma_wait3A_280 = tpu.memref_squeeze %dma_wait3A_279 : memref<1x128xi32, #tpu.memory_space<hbm>> -> memref<128xi32, #tpu.memory_space<hbm>>
    tpu.wait_dma2 semaphore(%arg25 : memref<!tpu.dma_semaphore, #tpu.memory_space<semaphore_mem>>) src(%dma_wait3A_280 : memref<128xi32, #tpu.memory_space<hbm>>) dst(%arg16 : memref<128xi32, #tpu.memory_space<vmem>>)
    %dma_start3A_281 = arith.constant 0 : i32
    %dma_start3A_282 = arith.constant 0 : i32
    %dma_start3A_283 = tpu.memref_slice %arg2[%dma_start3A_281, %dma_start3A_282] : memref<10000x128xf32, #tpu.memory_space<hbm>> -> memref<10000x128xf32, #tpu.memory_space<hbm>>
    tpu.enqueue_indirect_dma source(%dma_start3A_283 : memref<10000x128xf32, #tpu.memory_space<hbm>>) target(%arg18 : memref<128x128xf32, #tpu.memory_space<vmem>>) offsets(%arg12 : memref<128xi32, #tpu.memory_space<vmem>>) semaphore(%arg27 : memref<!tpu.dma_semaphore, #tpu.memory_space<semaphore_mem>>)
    %dma_wait3A_284 = arith.constant 0 : i32
    %dma_wait3A_285 = arith.constant 0 : i32
    %dma_wait3A_286 = tpu.memref_slice %arg2[%dma_wait3A_284, %dma_wait3A_285] : memref<10000x128xf32, #tpu.memory_space<hbm>> -> memref<10000x128xf32, #tpu.memory_space<hbm>>
    tpu.wait_indirect_dma semaphore(%arg28 : memref<!tpu.dma_semaphore, #tpu.memory_space<semaphore_mem>>) src(%dma_wait3A_286 : memref<10000x128xf32, #tpu.memory_space<hbm>>) dst(%arg19 : memref<128x128xf32, #tpu.memory_space<vmem>>)
    %dma_start3A_287 = arith.constant 0 : i32
    %dma_start3A_288 = arith.constant 0 : i32
    %dma_start3A_289 = tpu.memref_slice %arg21[%dma_start3A_287, %dma_start3A_288] : memref<10240x128xf32, #tpu.memory_space<vmem_shared>> -> memref<10240x128xf32, #tpu.memory_space<vmem_shared>>
    tpu.enqueue_indirect_dma source(%arg19 : memref<128x128xf32, #tpu.memory_space<vmem>>) target(%dma_start3A_289 : memref<10240x128xf32, #tpu.memory_space<vmem_shared>>) offsets(%arg15 : memref<128xi32, #tpu.memory_space<vmem>>) semaphore(%arg30 : memref<!tpu.dma_semaphore, #tpu.memory_space<semaphore_mem>>) {add = true}
    %dma_start3A_290 = arith.constant 0 : i32
    %dma_start3A_291 = tpu.memref_slice %arg22[%dma_start3A_290] : memref<10240xf32, #tpu.memory_space<vmem_shared>> -> memref<10240xf32, #tpu.memory_space<vmem_shared>>
    tpu.enqueue_indirect_dma source(%arg20 : memref<128xf32, #tpu.memory_space<vmem>>) target(%dma_start3A_291 : memref<10240xf32, #tpu.memory_space<vmem_shared>>) offsets(%arg15 : memref<128xi32, #tpu.memory_space<vmem>>) semaphore(%arg32 : memref<!tpu.dma_semaphore, #tpu.memory_space<semaphore_mem>>) {add = true}
    %dma_wait3A_292 = arith.constant 0 : i32
    %dma_wait3A_293 = arith.constant 0 : i32
    %dma_wait3A_294 = tpu.memref_slice %arg21[%dma_wait3A_292, %dma_wait3A_293] : memref<10240x128xf32, #tpu.memory_space<vmem_shared>> -> memref<10240x128xf32, #tpu.memory_space<vmem_shared>>
    tpu.wait_indirect_dma semaphore(%arg30 : memref<!tpu.dma_semaphore, #tpu.memory_space<semaphore_mem>>) src(%arg19 : memref<128x128xf32, #tpu.memory_space<vmem>>) dst(%dma_wait3A_294 : memref<10240x128xf32, #tpu.memory_space<vmem_shared>>)
    %dma_wait3A_295 = arith.constant 0 : i32
    %dma_wait3A_296 = tpu.memref_slice %arg22[%dma_wait3A_295] : memref<10240xf32, #tpu.memory_space<vmem_shared>> -> memref<10240xf32, #tpu.memory_space<vmem_shared>>
    tpu.wait_indirect_dma semaphore(%arg32 : memref<!tpu.dma_semaphore, #tpu.memory_space<semaphore_mem>>) src(%arg20 : memref<128xf32, #tpu.memory_space<vmem>>) dst(%dma_wait3A_296 : memref<10240xf32, #tpu.memory_space<vmem_shared>>)
    %multiple_of3A_297 = arith.constant 9856 : i32
    %multiple_of3A_298 = tpu.assume_multiple %multiple_of3A_297, 128 : i32
    %dma_start3A_299 = tpu.memref_slice %arg3[%add3A, %multiple_of3A_298] : memref<32x10112xi32, #tpu.memory_space<hbm>> -> memref<1x128xi32, #tpu.memory_space<hbm>>
    %dma_start3A_300 = tpu.memref_squeeze %dma_start3A_299 : memref<1x128xi32, #tpu.memory_space<hbm>> -> memref<128xi32, #tpu.memory_space<hbm>>
    %dma_start3A_301 = tpu.memref_slice %arg3[%add3A, %multiple_of3A_298] : memref<32x10112xi32, #tpu.memory_space<hbm>> -> memref<1x128xi32, #tpu.memory_space<hbm>>
    %dma_start3A_302 = tpu.memref_squeeze %dma_start3A_301 : memref<1x128xi32, #tpu.memory_space<hbm>> -> memref<128xi32, #tpu.memory_space<hbm>>
    tpu.enqueue_dma source(%dma_start3A_302 : memref<128xi32, #tpu.memory_space<hbm>>) target(%arg11 : memref<128xi32, #tpu.memory_space<vmem>>) target_semaphore(%arg24 : memref<!tpu.dma_semaphore, #tpu.memory_space<semaphore_mem>>)
    %multiple_of3A_303 = arith.constant 9856 : i32
    %multiple_of3A_304 = tpu.assume_multiple %multiple_of3A_303, 128 : i32
    %dma_start3A_305 = tpu.memref_slice %arg4[%add3A, %multiple_of3A_304] : memref<32x10112xi32, #tpu.memory_space<hbm>> -> memref<1x128xi32, #tpu.memory_space<hbm>>
    %dma_start3A_306 = tpu.memref_squeeze %dma_start3A_305 : memref<1x128xi32, #tpu.memory_space<hbm>> -> memref<128xi32, #tpu.memory_space<hbm>>
    %dma_start3A_307 = tpu.memref_slice %arg4[%add3A, %multiple_of3A_304] : memref<32x10112xi32, #tpu.memory_space<hbm>> -> memref<1x128xi32, #tpu.memory_space<hbm>>
    %dma_start3A_308 = tpu.memref_squeeze %dma_start3A_307 : memref<1x128xi32, #tpu.memory_space<hbm>> -> memref<128xi32, #tpu.memory_space<hbm>>
    tpu.enqueue_dma source(%dma_start3A_308 : memref<128xi32, #tpu.memory_space<hbm>>) target(%arg15 : memref<128xi32, #tpu.memory_space<vmem>>) target_semaphore(%arg24 : memref<!tpu.dma_semaphore, #tpu.memory_space<semaphore_mem>>)
    %multiple_of3A_309 = arith.constant 9600 : i32
    %multiple_of3A_310 = tpu.assume_multiple %multiple_of3A_309, 128 : i32
    %dma_wait3A_311 = tpu.memref_slice %arg3[%add3A, %multiple_of3A_310] : memref<32x10112xi32, #tpu.memory_space<hbm>> -> memref<1x128xi32, #tpu.memory_space<hbm>>
    %dma_wait3A_312 = tpu.memref_squeeze %dma_wait3A_311 : memref<1x128xi32, #tpu.memory_space<hbm>> -> memref<128xi32, #tpu.memory_space<hbm>>
    %dma_wait3A_313 = tpu.memref_slice %arg3[%add3A, %multiple_of3A_310] : memref<32x10112xi32, #tpu.memory_space<hbm>> -> memref<1x128xi32, #tpu.memory_space<hbm>>
    %dma_wait3A_314 = tpu.memref_squeeze %dma_wait3A_313 : memref<1x128xi32, #tpu.memory_space<hbm>> -> memref<128xi32, #tpu.memory_space<hbm>>
    tpu.wait_dma2 semaphore(%arg26 : memref<!tpu.dma_semaphore, #tpu.memory_space<semaphore_mem>>) src(%dma_wait3A_314 : memref<128xi32, #tpu.memory_space<hbm>>) dst(%arg13 : memref<128xi32, #tpu.memory_space<vmem>>)
    %multiple_of3A_315 = arith.constant 9600 : i32
    %multiple_of3A_316 = tpu.assume_multiple %multiple_of3A_315, 128 : i32
    %dma_wait3A_317 = tpu.memref_slice %arg4[%add3A, %multiple_of3A_316] : memref<32x10112xi32, #tpu.memory_space<hbm>> -> memref<1x128xi32, #tpu.memory_space<hbm>>
    %dma_wait3A_318 = tpu.memref_squeeze %dma_wait3A_317 : memref<1x128xi32, #tpu.memory_space<hbm>> -> memref<128xi32, #tpu.memory_space<hbm>>
    %dma_wait3A_319 = tpu.memref_slice %arg4[%add3A, %multiple_of3A_316] : memref<32x10112xi32, #tpu.memory_space<hbm>> -> memref<1x128xi32, #tpu.memory_space<hbm>>
    %dma_wait3A_320 = tpu.memref_squeeze %dma_wait3A_319 : memref<1x128xi32, #tpu.memory_space<hbm>> -> memref<128xi32, #tpu.memory_space<hbm>>
    tpu.wait_dma2 semaphore(%arg26 : memref<!tpu.dma_semaphore, #tpu.memory_space<semaphore_mem>>) src(%dma_wait3A_320 : memref<128xi32, #tpu.memory_space<hbm>>) dst(%arg17 : memref<128xi32, #tpu.memory_space<vmem>>)
    %dma_start3A_321 = arith.constant 0 : i32
    %dma_start3A_322 = arith.constant 0 : i32
    %dma_start3A_323 = tpu.memref_slice %arg2[%dma_start3A_321, %dma_start3A_322] : memref<10000x128xf32, #tpu.memory_space<hbm>> -> memref<10000x128xf32, #tpu.memory_space<hbm>>
    tpu.enqueue_indirect_dma source(%dma_start3A_323 : memref<10000x128xf32, #tpu.memory_space<hbm>>) target(%arg19 : memref<128x128xf32, #tpu.memory_space<vmem>>) offsets(%arg13 : memref<128xi32, #tpu.memory_space<vmem>>) semaphore(%arg28 : memref<!tpu.dma_semaphore, #tpu.memory_space<semaphore_mem>>)
    %dma_wait3A_324 = arith.constant 0 : i32
    %dma_wait3A_325 = arith.constant 0 : i32
    %dma_wait3A_326 = tpu.memref_slice %arg2[%dma_wait3A_324, %dma_wait3A_325] : memref<10000x128xf32, #tpu.memory_space<hbm>> -> memref<10000x128xf32, #tpu.memory_space<hbm>>
    tpu.wait_indirect_dma semaphore(%arg27 : memref<!tpu.dma_semaphore, #tpu.memory_space<semaphore_mem>>) src(%dma_wait3A_326 : memref<10000x128xf32, #tpu.memory_space<hbm>>) dst(%arg18 : memref<128x128xf32, #tpu.memory_space<vmem>>)
    %dma_start3A_327 = arith.constant 0 : i32
    %dma_start3A_328 = arith.constant 0 : i32
    %dma_start3A_329 = tpu.memref_slice %arg21[%dma_start3A_327, %dma_start3A_328] : memref<10240x128xf32, #tpu.memory_space<vmem_shared>> -> memref<10240x128xf32, #tpu.memory_space<vmem_shared>>
    tpu.enqueue_indirect_dma source(%arg18 : memref<128x128xf32, #tpu.memory_space<vmem>>) target(%dma_start3A_329 : memref<10240x128xf32, #tpu.memory_space<vmem_shared>>) offsets(%arg16 : memref<128xi32, #tpu.memory_space<vmem>>) semaphore(%arg29 : memref<!tpu.dma_semaphore, #tpu.memory_space<semaphore_mem>>) {add = true}
    %dma_start3A_330 = arith.constant 0 : i32
    %dma_start3A_331 = tpu.memref_slice %arg22[%dma_start3A_330] : memref<10240xf32, #tpu.memory_space<vmem_shared>> -> memref<10240xf32, #tpu.memory_space<vmem_shared>>
    tpu.enqueue_indirect_dma source(%arg20 : memref<128xf32, #tpu.memory_space<vmem>>) target(%dma_start3A_331 : memref<10240xf32, #tpu.memory_space<vmem_shared>>) offsets(%arg16 : memref<128xi32, #tpu.memory_space<vmem>>) semaphore(%arg31 : memref<!tpu.dma_semaphore, #tpu.memory_space<semaphore_mem>>) {add = true}
    %dma_wait3A_332 = arith.constant 0 : i32
    %dma_wait3A_333 = arith.constant 0 : i32
    %dma_wait3A_334 = tpu.memref_slice %arg21[%dma_wait3A_332, %dma_wait3A_333] : memref<10240x128xf32, #tpu.memory_space<vmem_shared>> -> memref<10240x128xf32, #tpu.memory_space<vmem_shared>>
    tpu.wait_indirect_dma semaphore(%arg29 : memref<!tpu.dma_semaphore, #tpu.memory_space<semaphore_mem>>) src(%arg18 : memref<128x128xf32, #tpu.memory_space<vmem>>) dst(%dma_wait3A_334 : memref<10240x128xf32, #tpu.memory_space<vmem_shared>>)
    %dma_wait3A_335 = arith.constant 0 : i32
    %dma_wait3A_336 = tpu.memref_slice %arg22[%dma_wait3A_335] : memref<10240xf32, #tpu.memory_space<vmem_shared>> -> memref<10240xf32, #tpu.memory_space<vmem_shared>>
    tpu.wait_indirect_dma semaphore(%arg31 : memref<!tpu.dma_semaphore, #tpu.memory_space<semaphore_mem>>) src(%arg20 : memref<128xf32, #tpu.memory_space<vmem>>) dst(%dma_wait3A_336 : memref<10240xf32, #tpu.memory_space<vmem_shared>>)
    %multiple_of3A_337 = arith.constant 9984 : i32
    %multiple_of3A_338 = tpu.assume_multiple %multiple_of3A_337, 128 : i32
    %dma_start3A_339 = tpu.memref_slice %arg3[%add3A, %multiple_of3A_338] : memref<32x10112xi32, #tpu.memory_space<hbm>> -> memref<1x128xi32, #tpu.memory_space<hbm>>
    %dma_start3A_340 = tpu.memref_squeeze %dma_start3A_339 : memref<1x128xi32, #tpu.memory_space<hbm>> -> memref<128xi32, #tpu.memory_space<hbm>>
    %dma_start3A_341 = tpu.memref_slice %arg3[%add3A, %multiple_of3A_338] : memref<32x10112xi32, #tpu.memory_space<hbm>> -> memref<1x128xi32, #tpu.memory_space<hbm>>
    %dma_start3A_342 = tpu.memref_squeeze %dma_start3A_341 : memref<1x128xi32, #tpu.memory_space<hbm>> -> memref<128xi32, #tpu.memory_space<hbm>>
    tpu.enqueue_dma source(%dma_start3A_342 : memref<128xi32, #tpu.memory_space<hbm>>) target(%arg12 : memref<128xi32, #tpu.memory_space<vmem>>) target_semaphore(%arg25 : memref<!tpu.dma_semaphore, #tpu.memory_space<semaphore_mem>>)
    %multiple_of3A_343 = arith.constant 9984 : i32
    %multiple_of3A_344 = tpu.assume_multiple %multiple_of3A_343, 128 : i32
    %dma_start3A_345 = tpu.memref_slice %arg4[%add3A, %multiple_of3A_344] : memref<32x10112xi32, #tpu.memory_space<hbm>> -> memref<1x128xi32, #tpu.memory_space<hbm>>
    %dma_start3A_346 = tpu.memref_squeeze %dma_start3A_345 : memref<1x128xi32, #tpu.memory_space<hbm>> -> memref<128xi32, #tpu.memory_space<hbm>>
    %dma_start3A_347 = tpu.memref_slice %arg4[%add3A, %multiple_of3A_344] : memref<32x10112xi32, #tpu.memory_space<hbm>> -> memref<1x128xi32, #tpu.memory_space<hbm>>
    %dma_start3A_348 = tpu.memref_squeeze %dma_start3A_347 : memref<1x128xi32, #tpu.memory_space<hbm>> -> memref<128xi32, #tpu.memory_space<hbm>>
    tpu.enqueue_dma source(%dma_start3A_348 : memref<128xi32, #tpu.memory_space<hbm>>) target(%arg16 : memref<128xi32, #tpu.memory_space<vmem>>) target_semaphore(%arg25 : memref<!tpu.dma_semaphore, #tpu.memory_space<semaphore_mem>>)
    %multiple_of3A_349 = arith.constant 9728 : i32
    %multiple_of3A_350 = tpu.assume_multiple %multiple_of3A_349, 128 : i32
    %dma_wait3A_351 = tpu.memref_slice %arg3[%add3A, %multiple_of3A_350] : memref<32x10112xi32, #tpu.memory_space<hbm>> -> memref<1x128xi32, #tpu.memory_space<hbm>>
    %dma_wait3A_352 = tpu.memref_squeeze %dma_wait3A_351 : memref<1x128xi32, #tpu.memory_space<hbm>> -> memref<128xi32, #tpu.memory_space<hbm>>
    %dma_wait3A_353 = tpu.memref_slice %arg3[%add3A, %multiple_of3A_350] : memref<32x10112xi32, #tpu.memory_space<hbm>> -> memref<1x128xi32, #tpu.memory_space<hbm>>
    %dma_wait3A_354 = tpu.memref_squeeze %dma_wait3A_353 : memref<1x128xi32, #tpu.memory_space<hbm>> -> memref<128xi32, #tpu.memory_space<hbm>>
    tpu.wait_dma2 semaphore(%arg23 : memref<!tpu.dma_semaphore, #tpu.memory_space<semaphore_mem>>) src(%dma_wait3A_354 : memref<128xi32, #tpu.memory_space<hbm>>) dst(%arg10 : memref<128xi32, #tpu.memory_space<vmem>>)
    %multiple_of3A_355 = arith.constant 9728 : i32
    %multiple_of3A_356 = tpu.assume_multiple %multiple_of3A_355, 128 : i32
    %dma_wait3A_357 = tpu.memref_slice %arg4[%add3A, %multiple_of3A_356] : memref<32x10112xi32, #tpu.memory_space<hbm>> -> memref<1x128xi32, #tpu.memory_space<hbm>>
    %dma_wait3A_358 = tpu.memref_squeeze %dma_wait3A_357 : memref<1x128xi32, #tpu.memory_space<hbm>> -> memref<128xi32, #tpu.memory_space<hbm>>
    %dma_wait3A_359 = tpu.memref_slice %arg4[%add3A, %multiple_of3A_356] : memref<32x10112xi32, #tpu.memory_space<hbm>> -> memref<1x128xi32, #tpu.memory_space<hbm>>
    %dma_wait3A_360 = tpu.memref_squeeze %dma_wait3A_359 : memref<1x128xi32, #tpu.memory_space<hbm>> -> memref<128xi32, #tpu.memory_space<hbm>>
    tpu.wait_dma2 semaphore(%arg23 : memref<!tpu.dma_semaphore, #tpu.memory_space<semaphore_mem>>) src(%dma_wait3A_360 : memref<128xi32, #tpu.memory_space<hbm>>) dst(%arg14 : memref<128xi32, #tpu.memory_space<vmem>>)
    %dma_start3A_361 = arith.constant 0 : i32
    %dma_start3A_362 = arith.constant 0 : i32
    %dma_start3A_363 = tpu.memref_slice %arg2[%dma_start3A_361, %dma_start3A_362] : memref<10000x128xf32, #tpu.memory_space<hbm>> -> memref<10000x128xf32, #tpu.memory_space<hbm>>
    tpu.enqueue_indirect_dma source(%dma_start3A_363 : memref<10000x128xf32, #tpu.memory_space<hbm>>) target(%arg18 : memref<128x128xf32, #tpu.memory_space<vmem>>) offsets(%arg10 : memref<128xi32, #tpu.memory_space<vmem>>) semaphore(%arg27 : memref<!tpu.dma_semaphore, #tpu.memory_space<semaphore_mem>>)
    %dma_wait3A_364 = arith.constant 0 : i32
    %dma_wait3A_365 = arith.constant 0 : i32
    %dma_wait3A_366 = tpu.memref_slice %arg2[%dma_wait3A_364, %dma_wait3A_365] : memref<10000x128xf32, #tpu.memory_space<hbm>> -> memref<10000x128xf32, #tpu.memory_space<hbm>>
    tpu.wait_indirect_dma semaphore(%arg28 : memref<!tpu.dma_semaphore, #tpu.memory_space<semaphore_mem>>) src(%dma_wait3A_366 : memref<10000x128xf32, #tpu.memory_space<hbm>>) dst(%arg19 : memref<128x128xf32, #tpu.memory_space<vmem>>)
    %dma_start3A_367 = arith.constant 0 : i32
    %dma_start3A_368 = arith.constant 0 : i32
    %dma_start3A_369 = tpu.memref_slice %arg21[%dma_start3A_367, %dma_start3A_368] : memref<10240x128xf32, #tpu.memory_space<vmem_shared>> -> memref<10240x128xf32, #tpu.memory_space<vmem_shared>>
    tpu.enqueue_indirect_dma source(%arg19 : memref<128x128xf32, #tpu.memory_space<vmem>>) target(%dma_start3A_369 : memref<10240x128xf32, #tpu.memory_space<vmem_shared>>) offsets(%arg17 : memref<128xi32, #tpu.memory_space<vmem>>) semaphore(%arg30 : memref<!tpu.dma_semaphore, #tpu.memory_space<semaphore_mem>>) {add = true}
    %dma_start3A_370 = arith.constant 0 : i32
    %dma_start3A_371 = tpu.memref_slice %arg22[%dma_start3A_370] : memref<10240xf32, #tpu.memory_space<vmem_shared>> -> memref<10240xf32, #tpu.memory_space<vmem_shared>>
    tpu.enqueue_indirect_dma source(%arg20 : memref<128xf32, #tpu.memory_space<vmem>>) target(%dma_start3A_371 : memref<10240xf32, #tpu.memory_space<vmem_shared>>) offsets(%arg17 : memref<128xi32, #tpu.memory_space<vmem>>) semaphore(%arg32 : memref<!tpu.dma_semaphore, #tpu.memory_space<semaphore_mem>>) {add = true}
    %dma_wait3A_372 = arith.constant 0 : i32
    %dma_wait3A_373 = arith.constant 0 : i32
    %dma_wait3A_374 = tpu.memref_slice %arg21[%dma_wait3A_372, %dma_wait3A_373] : memref<10240x128xf32, #tpu.memory_space<vmem_shared>> -> memref<10240x128xf32, #tpu.memory_space<vmem_shared>>
    tpu.wait_indirect_dma semaphore(%arg30 : memref<!tpu.dma_semaphore, #tpu.memory_space<semaphore_mem>>) src(%arg19 : memref<128x128xf32, #tpu.memory_space<vmem>>) dst(%dma_wait3A_374 : memref<10240x128xf32, #tpu.memory_space<vmem_shared>>)
    %dma_wait3A_375 = arith.constant 0 : i32
    %dma_wait3A_376 = tpu.memref_slice %arg22[%dma_wait3A_375] : memref<10240xf32, #tpu.memory_space<vmem_shared>> -> memref<10240xf32, #tpu.memory_space<vmem_shared>>
    tpu.wait_indirect_dma semaphore(%arg32 : memref<!tpu.dma_semaphore, #tpu.memory_space<semaphore_mem>>) src(%arg20 : memref<128xf32, #tpu.memory_space<vmem>>) dst(%dma_wait3A_376 : memref<10240xf32, #tpu.memory_space<vmem_shared>>)
    %multiple_of3A_377 = arith.constant 9856 : i32
    %multiple_of3A_378 = tpu.assume_multiple %multiple_of3A_377, 128 : i32
    %dma_wait3A_379 = tpu.memref_slice %arg3[%add3A, %multiple_of3A_378] : memref<32x10112xi32, #tpu.memory_space<hbm>> -> memref<1x128xi32, #tpu.memory_space<hbm>>
    %dma_wait3A_380 = tpu.memref_squeeze %dma_wait3A_379 : memref<1x128xi32, #tpu.memory_space<hbm>> -> memref<128xi32, #tpu.memory_space<hbm>>
    %dma_wait3A_381 = tpu.memref_slice %arg3[%add3A, %multiple_of3A_378] : memref<32x10112xi32, #tpu.memory_space<hbm>> -> memref<1x128xi32, #tpu.memory_space<hbm>>
    %dma_wait3A_382 = tpu.memref_squeeze %dma_wait3A_381 : memref<1x128xi32, #tpu.memory_space<hbm>> -> memref<128xi32, #tpu.memory_space<hbm>>
    tpu.wait_dma2 semaphore(%arg24 : memref<!tpu.dma_semaphore, #tpu.memory_space<semaphore_mem>>) src(%dma_wait3A_382 : memref<128xi32, #tpu.memory_space<hbm>>) dst(%arg11 : memref<128xi32, #tpu.memory_space<vmem>>)
    %multiple_of3A_383 = arith.constant 9856 : i32
    %multiple_of3A_384 = tpu.assume_multiple %multiple_of3A_383, 128 : i32
    %dma_wait3A_385 = tpu.memref_slice %arg4[%add3A, %multiple_of3A_384] : memref<32x10112xi32, #tpu.memory_space<hbm>> -> memref<1x128xi32, #tpu.memory_space<hbm>>
    %dma_wait3A_386 = tpu.memref_squeeze %dma_wait3A_385 : memref<1x128xi32, #tpu.memory_space<hbm>> -> memref<128xi32, #tpu.memory_space<hbm>>
    %dma_wait3A_387 = tpu.memref_slice %arg4[%add3A, %multiple_of3A_384] : memref<32x10112xi32, #tpu.memory_space<hbm>> -> memref<1x128xi32, #tpu.memory_space<hbm>>
    %dma_wait3A_388 = tpu.memref_squeeze %dma_wait3A_387 : memref<1x128xi32, #tpu.memory_space<hbm>> -> memref<128xi32, #tpu.memory_space<hbm>>
    tpu.wait_dma2 semaphore(%arg24 : memref<!tpu.dma_semaphore, #tpu.memory_space<semaphore_mem>>) src(%dma_wait3A_388 : memref<128xi32, #tpu.memory_space<hbm>>) dst(%arg15 : memref<128xi32, #tpu.memory_space<vmem>>)
    %dma_start3A_389 = arith.constant 0 : i32
    %dma_start3A_390 = arith.constant 0 : i32
    %dma_start3A_391 = tpu.memref_slice %arg2[%dma_start3A_389, %dma_start3A_390] : memref<10000x128xf32, #tpu.memory_space<hbm>> -> memref<10000x128xf32, #tpu.memory_space<hbm>>
    tpu.enqueue_indirect_dma source(%dma_start3A_391 : memref<10000x128xf32, #tpu.memory_space<hbm>>) target(%arg19 : memref<128x128xf32, #tpu.memory_space<vmem>>) offsets(%arg11 : memref<128xi32, #tpu.memory_space<vmem>>) semaphore(%arg28 : memref<!tpu.dma_semaphore, #tpu.memory_space<semaphore_mem>>)
    %dma_wait3A_392 = arith.constant 0 : i32
    %dma_wait3A_393 = arith.constant 0 : i32
    %dma_wait3A_394 = tpu.memref_slice %arg2[%dma_wait3A_392, %dma_wait3A_393] : memref<10000x128xf32, #tpu.memory_space<hbm>> -> memref<10000x128xf32, #tpu.memory_space<hbm>>
    tpu.wait_indirect_dma semaphore(%arg27 : memref<!tpu.dma_semaphore, #tpu.memory_space<semaphore_mem>>) src(%dma_wait3A_394 : memref<10000x128xf32, #tpu.memory_space<hbm>>) dst(%arg18 : memref<128x128xf32, #tpu.memory_space<vmem>>)
    %dma_start3A_395 = arith.constant 0 : i32
    %dma_start3A_396 = arith.constant 0 : i32
    %dma_start3A_397 = tpu.memref_slice %arg21[%dma_start3A_395, %dma_start3A_396] : memref<10240x128xf32, #tpu.memory_space<vmem_shared>> -> memref<10240x128xf32, #tpu.memory_space<vmem_shared>>
    tpu.enqueue_indirect_dma source(%arg18 : memref<128x128xf32, #tpu.memory_space<vmem>>) target(%dma_start3A_397 : memref<10240x128xf32, #tpu.memory_space<vmem_shared>>) offsets(%arg14 : memref<128xi32, #tpu.memory_space<vmem>>) semaphore(%arg29 : memref<!tpu.dma_semaphore, #tpu.memory_space<semaphore_mem>>) {add = true}
    %dma_start3A_398 = arith.constant 0 : i32
    %dma_start3A_399 = tpu.memref_slice %arg22[%dma_start3A_398] : memref<10240xf32, #tpu.memory_space<vmem_shared>> -> memref<10240xf32, #tpu.memory_space<vmem_shared>>
    tpu.enqueue_indirect_dma source(%arg20 : memref<128xf32, #tpu.memory_space<vmem>>) target(%dma_start3A_399 : memref<10240xf32, #tpu.memory_space<vmem_shared>>) offsets(%arg14 : memref<128xi32, #tpu.memory_space<vmem>>) semaphore(%arg31 : memref<!tpu.dma_semaphore, #tpu.memory_space<semaphore_mem>>) {add = true}
    %dma_wait3A_400 = arith.constant 0 : i32
    %dma_wait3A_401 = arith.constant 0 : i32
    %dma_wait3A_402 = tpu.memref_slice %arg21[%dma_wait3A_400, %dma_wait3A_401] : memref<10240x128xf32, #tpu.memory_space<vmem_shared>> -> memref<10240x128xf32, #tpu.memory_space<vmem_shared>>
    tpu.wait_indirect_dma semaphore(%arg29 : memref<!tpu.dma_semaphore, #tpu.memory_space<semaphore_mem>>) src(%arg18 : memref<128x128xf32, #tpu.memory_space<vmem>>) dst(%dma_wait3A_402 : memref<10240x128xf32, #tpu.memory_space<vmem_shared>>)
    %dma_wait3A_403 = arith.constant 0 : i32
    %dma_wait3A_404 = tpu.memref_slice %arg22[%dma_wait3A_403] : memref<10240xf32, #tpu.memory_space<vmem_shared>> -> memref<10240xf32, #tpu.memory_space<vmem_shared>>
    tpu.wait_indirect_dma semaphore(%arg31 : memref<!tpu.dma_semaphore, #tpu.memory_space<semaphore_mem>>) src(%arg20 : memref<128xf32, #tpu.memory_space<vmem>>) dst(%dma_wait3A_404 : memref<10240xf32, #tpu.memory_space<vmem_shared>>)
    %multiple_of3A_405 = arith.constant 9984 : i32
    %multiple_of3A_406 = tpu.assume_multiple %multiple_of3A_405, 128 : i32
    %dma_wait3A_407 = tpu.memref_slice %arg3[%add3A, %multiple_of3A_406] : memref<32x10112xi32, #tpu.memory_space<hbm>> -> memref<1x128xi32, #tpu.memory_space<hbm>>
    %dma_wait3A_408 = tpu.memref_squeeze %dma_wait3A_407 : memref<1x128xi32, #tpu.memory_space<hbm>> -> memref<128xi32, #tpu.memory_space<hbm>>
    %dma_wait3A_409 = tpu.memref_slice %arg3[%add3A, %multiple_of3A_406] : memref<32x10112xi32, #tpu.memory_space<hbm>> -> memref<1x128xi32, #tpu.memory_space<hbm>>
    %dma_wait3A_410 = tpu.memref_squeeze %dma_wait3A_409 : memref<1x128xi32, #tpu.memory_space<hbm>> -> memref<128xi32, #tpu.memory_space<hbm>>
    tpu.wait_dma2 semaphore(%arg25 : memref<!tpu.dma_semaphore, #tpu.memory_space<semaphore_mem>>) src(%dma_wait3A_410 : memref<128xi32, #tpu.memory_space<hbm>>) dst(%arg12 : memref<128xi32, #tpu.memory_space<vmem>>)
    %multiple_of3A_411 = arith.constant 9984 : i32
    %multiple_of3A_412 = tpu.assume_multiple %multiple_of3A_411, 128 : i32
    %dma_wait3A_413 = tpu.memref_slice %arg4[%add3A, %multiple_of3A_412] : memref<32x10112xi32, #tpu.memory_space<hbm>> -> memref<1x128xi32, #tpu.memory_space<hbm>>
    %dma_wait3A_414 = tpu.memref_squeeze %dma_wait3A_413 : memref<1x128xi32, #tpu.memory_space<hbm>> -> memref<128xi32, #tpu.memory_space<hbm>>
    %dma_wait3A_415 = tpu.memref_slice %arg4[%add3A, %multiple_of3A_412] : memref<32x10112xi32, #tpu.memory_space<hbm>> -> memref<1x128xi32, #tpu.memory_space<hbm>>
    %dma_wait3A_416 = tpu.memref_squeeze %dma_wait3A_415 : memref<1x128xi32, #tpu.memory_space<hbm>> -> memref<128xi32, #tpu.memory_space<hbm>>
    tpu.wait_dma2 semaphore(%arg25 : memref<!tpu.dma_semaphore, #tpu.memory_space<semaphore_mem>>) src(%dma_wait3A_416 : memref<128xi32, #tpu.memory_space<hbm>>) dst(%arg16 : memref<128xi32, #tpu.memory_space<vmem>>)
    %dma_start3A_417 = arith.constant 0 : i32
    %dma_start3A_418 = arith.constant 0 : i32
    %dma_start3A_419 = tpu.memref_slice %arg2[%dma_start3A_417, %dma_start3A_418] : memref<10000x128xf32, #tpu.memory_space<hbm>> -> memref<10000x128xf32, #tpu.memory_space<hbm>>
    tpu.enqueue_indirect_dma source(%dma_start3A_419 : memref<10000x128xf32, #tpu.memory_space<hbm>>) target(%arg18 : memref<128x128xf32, #tpu.memory_space<vmem>>) offsets(%arg12 : memref<128xi32, #tpu.memory_space<vmem>>) semaphore(%arg27 : memref<!tpu.dma_semaphore, #tpu.memory_space<semaphore_mem>>)
    %dma_wait3A_420 = arith.constant 0 : i32
    %dma_wait3A_421 = arith.constant 0 : i32
    %dma_wait3A_422 = tpu.memref_slice %arg2[%dma_wait3A_420, %dma_wait3A_421] : memref<10000x128xf32, #tpu.memory_space<hbm>> -> memref<10000x128xf32, #tpu.memory_space<hbm>>
    tpu.wait_indirect_dma semaphore(%arg28 : memref<!tpu.dma_semaphore, #tpu.memory_space<semaphore_mem>>) src(%dma_wait3A_422 : memref<10000x128xf32, #tpu.memory_space<hbm>>) dst(%arg19 : memref<128x128xf32, #tpu.memory_space<vmem>>)
    %dma_start3A_423 = arith.constant 0 : i32
    %dma_start3A_424 = arith.constant 0 : i32
    %dma_start3A_425 = tpu.memref_slice %arg21[%dma_start3A_423, %dma_start3A_424] : memref<10240x128xf32, #tpu.memory_space<vmem_shared>> -> memref<10240x128xf32, #tpu.memory_space<vmem_shared>>
    tpu.enqueue_indirect_dma source(%arg19 : memref<128x128xf32, #tpu.memory_space<vmem>>) target(%dma_start3A_425 : memref<10240x128xf32, #tpu.memory_space<vmem_shared>>) offsets(%arg15 : memref<128xi32, #tpu.memory_space<vmem>>) semaphore(%arg30 : memref<!tpu.dma_semaphore, #tpu.memory_space<semaphore_mem>>) {add = true}
    %dma_start3A_426 = arith.constant 0 : i32
    %dma_start3A_427 = tpu.memref_slice %arg22[%dma_start3A_426] : memref<10240xf32, #tpu.memory_space<vmem_shared>> -> memref<10240xf32, #tpu.memory_space<vmem_shared>>
    tpu.enqueue_indirect_dma source(%arg20 : memref<128xf32, #tpu.memory_space<vmem>>) target(%dma_start3A_427 : memref<10240xf32, #tpu.memory_space<vmem_shared>>) offsets(%arg15 : memref<128xi32, #tpu.memory_space<vmem>>) semaphore(%arg32 : memref<!tpu.dma_semaphore, #tpu.memory_space<semaphore_mem>>) {add = true}
    %dma_wait3A_428 = arith.constant 0 : i32
    %dma_wait3A_429 = arith.constant 0 : i32
    %dma_wait3A_430 = tpu.memref_slice %arg21[%dma_wait3A_428, %dma_wait3A_429] : memref<10240x128xf32, #tpu.memory_space<vmem_shared>> -> memref<10240x128xf32, #tpu.memory_space<vmem_shared>>
    tpu.wait_indirect_dma semaphore(%arg30 : memref<!tpu.dma_semaphore, #tpu.memory_space<semaphore_mem>>) src(%arg19 : memref<128x128xf32, #tpu.memory_space<vmem>>) dst(%dma_wait3A_430 : memref<10240x128xf32, #tpu.memory_space<vmem_shared>>)
    %dma_wait3A_431 = arith.constant 0 : i32
    %dma_wait3A_432 = tpu.memref_slice %arg22[%dma_wait3A_431] : memref<10240xf32, #tpu.memory_space<vmem_shared>> -> memref<10240xf32, #tpu.memory_space<vmem_shared>>
    tpu.wait_indirect_dma semaphore(%arg32 : memref<!tpu.dma_semaphore, #tpu.memory_space<semaphore_mem>>) src(%arg20 : memref<128xf32, #tpu.memory_space<vmem>>) dst(%dma_wait3A_432 : memref<10240xf32, #tpu.memory_space<vmem_shared>>)
    %dma_wait3A_433 = arith.constant 0 : i32
    %dma_wait3A_434 = arith.constant 0 : i32
    %dma_wait3A_435 = tpu.memref_slice %arg2[%dma_wait3A_433, %dma_wait3A_434] : memref<10000x128xf32, #tpu.memory_space<hbm>> -> memref<10000x128xf32, #tpu.memory_space<hbm>>
    tpu.wait_indirect_dma semaphore(%arg27 : memref<!tpu.dma_semaphore, #tpu.memory_space<semaphore_mem>>) src(%dma_wait3A_435 : memref<10000x128xf32, #tpu.memory_space<hbm>>) dst(%arg18 : memref<128x128xf32, #tpu.memory_space<vmem>>)
    %dma_start3A_436 = arith.constant 0 : i32
    %dma_start3A_437 = arith.constant 0 : i32
    %dma_start3A_438 = tpu.memref_slice %arg21[%dma_start3A_436, %dma_start3A_437] : memref<10240x128xf32, #tpu.memory_space<vmem_shared>> -> memref<10240x128xf32, #tpu.memory_space<vmem_shared>>
    tpu.enqueue_indirect_dma source(%arg18 : memref<128x128xf32, #tpu.memory_space<vmem>>) target(%dma_start3A_438 : memref<10240x128xf32, #tpu.memory_space<vmem_shared>>) offsets(%arg16 : memref<128xi32, #tpu.memory_space<vmem>>) semaphore(%arg29 : memref<!tpu.dma_semaphore, #tpu.memory_space<semaphore_mem>>) {add = true}
    %dma_start3A_439 = arith.constant 0 : i32
    %dma_start3A_440 = tpu.memref_slice %arg22[%dma_start3A_439] : memref<10240xf32, #tpu.memory_space<vmem_shared>> -> memref<10240xf32, #tpu.memory_space<vmem_shared>>
    tpu.enqueue_indirect_dma source(%arg20 : memref<128xf32, #tpu.memory_space<vmem>>) target(%dma_start3A_440 : memref<10240xf32, #tpu.memory_space<vmem_shared>>) offsets(%arg16 : memref<128xi32, #tpu.memory_space<vmem>>) semaphore(%arg31 : memref<!tpu.dma_semaphore, #tpu.memory_space<semaphore_mem>>) {add = true}
    %dma_wait3A_441 = arith.constant 0 : i32
    %dma_wait3A_442 = arith.constant 0 : i32
    %dma_wait3A_443 = tpu.memref_slice %arg21[%dma_wait3A_441, %dma_wait3A_442] : memref<10240x128xf32, #tpu.memory_space<vmem_shared>> -> memref<10240x128xf32, #tpu.memory_space<vmem_shared>>
    tpu.wait_indirect_dma semaphore(%arg29 : memref<!tpu.dma_semaphore, #tpu.memory_space<semaphore_mem>>) src(%arg18 : memref<128x128xf32, #tpu.memory_space<vmem>>) dst(%dma_wait3A_443 : memref<10240x128xf32, #tpu.memory_space<vmem_shared>>)
    %dma_wait3A_444 = arith.constant 0 : i32
    %dma_wait3A_445 = tpu.memref_slice %arg22[%dma_wait3A_444] : memref<10240xf32, #tpu.memory_space<vmem_shared>> -> memref<10240xf32, #tpu.memory_space<vmem_shared>>
    tpu.wait_indirect_dma semaphore(%arg31 : memref<!tpu.dma_semaphore, #tpu.memory_space<semaphore_mem>>) src(%arg20 : memref<128xf32, #tpu.memory_space<vmem>>) dst(%dma_wait3A_445 : memref<10240xf32, #tpu.memory_space<vmem_shared>>)
    %barrier3A_446 = arith.constant 0 : index
    tpu.barrier barrier_id(%barrier3A_446)
    "tpu.region"() ({
      %run_scoped3A = tpu.sem_alloc : memref<!tpu.dma_semaphore, #tpu.memory_space<semaphore_mem>>
      %dma_start3A_447 = arith.constant 0 : i32
      %dma_start3A_448 = tpu.memref_slice %arg8[%arg0, %multiple_of3A, %dma_start3A_447] : memref<2x10240x128xf32, #tpu.memory_space<hbm>> -> memref<1x640x128xf32, #tpu.memory_space<hbm>>
      %dma_start3A_449 = tpu.memref_squeeze %dma_start3A_448 : memref<1x640x128xf32, #tpu.memory_space<hbm>> -> memref<640x128xf32, #tpu.memory_space<hbm>>
      %dma_start3A_450 = arith.constant 0 : i32
      %dma_start3A_451 = tpu.memref_slice %arg21[%multiple_of3A, %dma_start3A_450] : memref<10240x128xf32, #tpu.memory_space<vmem_shared>> -> memref<640x128xf32, #tpu.memory_space<vmem_shared>>
      tpu.enqueue_dma source(%dma_start3A_451 : memref<640x128xf32, #tpu.memory_space<vmem_shared>>) target(%dma_start3A_449 : memref<640x128xf32, #tpu.memory_space<hbm>>) target_semaphore(%run_scoped3A : memref<!tpu.dma_semaphore, #tpu.memory_space<semaphore_mem>>)
      %dma_wait3A_452 = arith.constant 0 : i32
      %dma_wait3A_453 = tpu.memref_slice %arg8[%arg0, %multiple_of3A, %dma_wait3A_452] : memref<2x10240x128xf32, #tpu.memory_space<hbm>> -> memref<1x640x128xf32, #tpu.memory_space<hbm>>
      %dma_wait3A_454 = tpu.memref_squeeze %dma_wait3A_453 : memref<1x640x128xf32, #tpu.memory_space<hbm>> -> memref<640x128xf32, #tpu.memory_space<hbm>>
      %dma_wait3A_455 = arith.constant 0 : i32
      %dma_wait3A_456 = tpu.memref_slice %arg21[%multiple_of3A, %dma_wait3A_455] : memref<10240x128xf32, #tpu.memory_space<vmem_shared>> -> memref<640x128xf32, #tpu.memory_space<vmem_shared>>
      tpu.wait_dma2 semaphore(%run_scoped3A : memref<!tpu.dma_semaphore, #tpu.memory_space<semaphore_mem>>) src(%dma_wait3A_456 : memref<640x128xf32, #tpu.memory_space<vmem_shared>>) dst(%dma_wait3A_454 : memref<640x128xf32, #tpu.memory_space<hbm>>)
      tpu.yield
    }) : () -> ()
    "tpu.region"() ({
      %run_scoped3A = tpu.sem_alloc : memref<!tpu.dma_semaphore, #tpu.memory_space<semaphore_mem>>
      %dma_start3A_447 = tpu.memref_slice %arg9[%arg0, %multiple_of3A] : memref<2x10240xf32, #tpu.memory_space<hbm>> -> memref<1x640xf32, #tpu.memory_space<hbm>>
      %dma_start3A_448 = tpu.memref_squeeze %dma_start3A_447 : memref<1x640xf32, #tpu.memory_space<hbm>> -> memref<640xf32, #tpu.memory_space<hbm>>
      %dma_start3A_449 = tpu.memref_slice %arg22[%multiple_of3A] : memref<10240xf32, #tpu.memory_space<vmem_shared>> -> memref<640xf32, #tpu.memory_space<vmem_shared>>
      tpu.enqueue_dma source(%dma_start3A_449 : memref<640xf32, #tpu.memory_space<vmem_shared>>) target(%dma_start3A_448 : memref<640xf32, #tpu.memory_space<hbm>>) target_semaphore(%run_scoped3A : memref<!tpu.dma_semaphore, #tpu.memory_space<semaphore_mem>>)
      %dma_wait3A_450 = tpu.memref_slice %arg9[%arg0, %multiple_of3A] : memref<2x10240xf32, #tpu.memory_space<hbm>> -> memref<1x640xf32, #tpu.memory_space<hbm>>
      %dma_wait3A_451 = tpu.memref_squeeze %dma_wait3A_450 : memref<1x640xf32, #tpu.memory_space<hbm>> -> memref<640xf32, #tpu.memory_space<hbm>>
      %dma_wait3A_452 = tpu.memref_slice %arg22[%multiple_of3A] : memref<10240xf32, #tpu.memory_space<vmem_shared>> -> memref<640xf32, #tpu.memory_space<vmem_shared>>
      tpu.wait_dma2 semaphore(%run_scoped3A : memref<!tpu.dma_semaphore, #tpu.memory_space<semaphore_mem>>) src(%dma_wait3A_452 : memref<640xf32, #tpu.memory_space<vmem_shared>>) dst(%dma_wait3A_451 : memref<640xf32, #tpu.memory_space<hbm>>)
      tpu.yield
    }) : () -> ()
    return
  }
}

#map = affine_map<(d0, d1) -> (0, 0)>
#map1 = affine_map<(d0, d1) -> (0)>
#map2 = affine_map<(d0, d1) -> (0, 0, 0)>
module attributes {stable_mosaic.version = 14 : i64} {
  func.func @body(%arg0: i32, %arg1: i32, %arg2: memref<10000x128xf32, #tpu.memory_space<hbm>>, %arg3: memref<32x10112xi32, #tpu.memory_space<hbm>>, %arg4: memref<32x10112xi32, #tpu.memory_space<hbm>>, %arg5: memref<640x128xf32, #tpu.memory_space<hbm>>, %arg6: memref<640xf32, #tpu.memory_space<hbm>>, %arg7: memref<128xf32, #tpu.memory_space<hbm>>, %arg8: memref<2x10240x128xf32, #tpu.memory_space<hbm>>, %arg9: memref<128xi32, #tpu.memory_space<vmem>>, %arg10: memref<128xi32, #tpu.memory_space<vmem>>, %arg11: memref<128xi32, #tpu.memory_space<vmem>>, %arg12: memref<128xi32, #tpu.memory_space<vmem>>, %arg13: memref<128xi32, #tpu.memory_space<vmem>>, %arg14: memref<128xi32, #tpu.memory_space<vmem>>, %arg15: memref<128xi32, #tpu.memory_space<vmem>>, %arg16: memref<128xi32, #tpu.memory_space<vmem>>, %arg17: memref<128x128xf32, #tpu.memory_space<vmem>>, %arg18: memref<128x128xf32, #tpu.memory_space<vmem>>, %arg19: memref<128xf32, #tpu.memory_space<vmem>>, %arg20: memref<10240x128xf32, #tpu.memory_space<vmem_shared>>, %arg21: memref<10240xf32, #tpu.memory_space<vmem_shared>>, %arg22: memref<!tpu.dma_semaphore, #tpu.memory_space<semaphore_mem>>, %arg23: memref<!tpu.dma_semaphore, #tpu.memory_space<semaphore_mem>>, %arg24: memref<!tpu.dma_semaphore, #tpu.memory_space<semaphore_mem>>, %arg25: memref<!tpu.dma_semaphore, #tpu.memory_space<semaphore_mem>>, %arg26: memref<!tpu.dma_semaphore, #tpu.memory_space<semaphore_mem>>, %arg27: memref<!tpu.dma_semaphore, #tpu.memory_space<semaphore_mem>>, %arg28: memref<!tpu.dma_semaphore, #tpu.memory_space<semaphore_mem>>, %arg29: memref<!tpu.dma_semaphore, #tpu.memory_space<semaphore_mem>>) attributes {dimension_semantics = [#tpu.dimension_semantics<core_parallel>, #tpu.dimension_semantics<subcore_parallel>], iteration_bounds = array<i64: 2, 16>, scalar_prefetch = 0 : i64, scratch_operands = 21 : i64, tpu.core_type = #tpu.core_type<sc_vector_subcore>, window_params = [{transform_indices = #map}, {transform_indices = #map}, {transform_indices = #map}, {transform_indices = #map}, {transform_indices = #map1}, {transform_indices = #map1}, {transform_indices = #map2}]} {
    %mul3A = arith.constant 16 : i32
    %mul3A_0 = arith.muli %arg0, %mul3A : i32
    %add3A = arith.addi %mul3A_0, %arg1 : i32
    %mul3A_1 = arith.constant 640 : i32
    %mul3A_2 = arith.muli %arg1, %mul3A_1 : i32
    %multiple_of3A = tpu.assume_multiple %mul3A_2, 128 : i32
    %multiple_of3A_3 = arith.constant 0 : i32
    %multiple_of3A_4 = tpu.assume_multiple %multiple_of3A_3, 128 : i32
    %dma_start3A = tpu.memref_slice %arg3[%add3A, %multiple_of3A_4] : memref<32x10112xi32, #tpu.memory_space<hbm>> -> memref<1x128xi32, #tpu.memory_space<hbm>>
    %dma_start3A_5 = tpu.memref_squeeze %dma_start3A : memref<1x128xi32, #tpu.memory_space<hbm>> -> memref<128xi32, #tpu.memory_space<hbm>>
    %dma_start3A_6 = tpu.memref_slice %arg3[%add3A, %multiple_of3A_4] : memref<32x10112xi32, #tpu.memory_space<hbm>> -> memref<1x128xi32, #tpu.memory_space<hbm>>
    %dma_start3A_7 = tpu.memref_squeeze %dma_start3A_6 : memref<1x128xi32, #tpu.memory_space<hbm>> -> memref<128xi32, #tpu.memory_space<hbm>>
    tpu.enqueue_dma source(%dma_start3A_7 : memref<128xi32, #tpu.memory_space<hbm>>) target(%arg9 : memref<128xi32, #tpu.memory_space<vmem>>) target_semaphore(%arg22 : memref<!tpu.dma_semaphore, #tpu.memory_space<semaphore_mem>>)
    %multiple_of3A_8 = arith.constant 0 : i32
    %multiple_of3A_9 = tpu.assume_multiple %multiple_of3A_8, 128 : i32
    %dma_start3A_10 = tpu.memref_slice %arg4[%add3A, %multiple_of3A_9] : memref<32x10112xi32, #tpu.memory_space<hbm>> -> memref<1x128xi32, #tpu.memory_space<hbm>>
    %dma_start3A_11 = tpu.memref_squeeze %dma_start3A_10 : memref<1x128xi32, #tpu.memory_space<hbm>> -> memref<128xi32, #tpu.memory_space<hbm>>
    %dma_start3A_12 = tpu.memref_slice %arg4[%add3A, %multiple_of3A_9] : memref<32x10112xi32, #tpu.memory_space<hbm>> -> memref<1x128xi32, #tpu.memory_space<hbm>>
    %dma_start3A_13 = tpu.memref_squeeze %dma_start3A_12 : memref<1x128xi32, #tpu.memory_space<hbm>> -> memref<128xi32, #tpu.memory_space<hbm>>
    tpu.enqueue_dma source(%dma_start3A_13 : memref<128xi32, #tpu.memory_space<hbm>>) target(%arg13 : memref<128xi32, #tpu.memory_space<vmem>>) target_semaphore(%arg22 : memref<!tpu.dma_semaphore, #tpu.memory_space<semaphore_mem>>)
    %multiple_of3A_14 = arith.constant 128 : i32
    %multiple_of3A_15 = tpu.assume_multiple %multiple_of3A_14, 128 : i32
    %dma_start3A_16 = tpu.memref_slice %arg3[%add3A, %multiple_of3A_15] : memref<32x10112xi32, #tpu.memory_space<hbm>> -> memref<1x128xi32, #tpu.memory_space<hbm>>
    %dma_start3A_17 = tpu.memref_squeeze %dma_start3A_16 : memref<1x128xi32, #tpu.memory_space<hbm>> -> memref<128xi32, #tpu.memory_space<hbm>>
    %dma_start3A_18 = tpu.memref_slice %arg3[%add3A, %multiple_of3A_15] : memref<32x10112xi32, #tpu.memory_space<hbm>> -> memref<1x128xi32, #tpu.memory_space<hbm>>
    %dma_start3A_19 = tpu.memref_squeeze %dma_start3A_18 : memref<1x128xi32, #tpu.memory_space<hbm>> -> memref<128xi32, #tpu.memory_space<hbm>>
    tpu.enqueue_dma source(%dma_start3A_19 : memref<128xi32, #tpu.memory_space<hbm>>) target(%arg10 : memref<128xi32, #tpu.memory_space<vmem>>) target_semaphore(%arg23 : memref<!tpu.dma_semaphore, #tpu.memory_space<semaphore_mem>>)
    %multiple_of3A_20 = arith.constant 128 : i32
    %multiple_of3A_21 = tpu.assume_multiple %multiple_of3A_20, 128 : i32
    %dma_start3A_22 = tpu.memref_slice %arg4[%add3A, %multiple_of3A_21] : memref<32x10112xi32, #tpu.memory_space<hbm>> -> memref<1x128xi32, #tpu.memory_space<hbm>>
    %dma_start3A_23 = tpu.memref_squeeze %dma_start3A_22 : memref<1x128xi32, #tpu.memory_space<hbm>> -> memref<128xi32, #tpu.memory_space<hbm>>
    %dma_start3A_24 = tpu.memref_slice %arg4[%add3A, %multiple_of3A_21] : memref<32x10112xi32, #tpu.memory_space<hbm>> -> memref<1x128xi32, #tpu.memory_space<hbm>>
    %dma_start3A_25 = tpu.memref_squeeze %dma_start3A_24 : memref<1x128xi32, #tpu.memory_space<hbm>> -> memref<128xi32, #tpu.memory_space<hbm>>
    tpu.enqueue_dma source(%dma_start3A_25 : memref<128xi32, #tpu.memory_space<hbm>>) target(%arg14 : memref<128xi32, #tpu.memory_space<vmem>>) target_semaphore(%arg23 : memref<!tpu.dma_semaphore, #tpu.memory_space<semaphore_mem>>)
    %multiple_of3A_26 = arith.constant 256 : i32
    %multiple_of3A_27 = tpu.assume_multiple %multiple_of3A_26, 128 : i32
    %dma_start3A_28 = tpu.memref_slice %arg3[%add3A, %multiple_of3A_27] : memref<32x10112xi32, #tpu.memory_space<hbm>> -> memref<1x128xi32, #tpu.memory_space<hbm>>
    %dma_start3A_29 = tpu.memref_squeeze %dma_start3A_28 : memref<1x128xi32, #tpu.memory_space<hbm>> -> memref<128xi32, #tpu.memory_space<hbm>>
    %dma_start3A_30 = tpu.memref_slice %arg3[%add3A, %multiple_of3A_27] : memref<32x10112xi32, #tpu.memory_space<hbm>> -> memref<1x128xi32, #tpu.memory_space<hbm>>
    %dma_start3A_31 = tpu.memref_squeeze %dma_start3A_30 : memref<1x128xi32, #tpu.memory_space<hbm>> -> memref<128xi32, #tpu.memory_space<hbm>>
    tpu.enqueue_dma source(%dma_start3A_31 : memref<128xi32, #tpu.memory_space<hbm>>) target(%arg11 : memref<128xi32, #tpu.memory_space<vmem>>) target_semaphore(%arg24 : memref<!tpu.dma_semaphore, #tpu.memory_space<semaphore_mem>>)
    %multiple_of3A_32 = arith.constant 256 : i32
    %multiple_of3A_33 = tpu.assume_multiple %multiple_of3A_32, 128 : i32
    %dma_start3A_34 = tpu.memref_slice %arg4[%add3A, %multiple_of3A_33] : memref<32x10112xi32, #tpu.memory_space<hbm>> -> memref<1x128xi32, #tpu.memory_space<hbm>>
    %dma_start3A_35 = tpu.memref_squeeze %dma_start3A_34 : memref<1x128xi32, #tpu.memory_space<hbm>> -> memref<128xi32, #tpu.memory_space<hbm>>
    %dma_start3A_36 = tpu.memref_slice %arg4[%add3A, %multiple_of3A_33] : memref<32x10112xi32, #tpu.memory_space<hbm>> -> memref<1x128xi32, #tpu.memory_space<hbm>>
    %dma_start3A_37 = tpu.memref_squeeze %dma_start3A_36 : memref<1x128xi32, #tpu.memory_space<hbm>> -> memref<128xi32, #tpu.memory_space<hbm>>
    tpu.enqueue_dma source(%dma_start3A_37 : memref<128xi32, #tpu.memory_space<hbm>>) target(%arg15 : memref<128xi32, #tpu.memory_space<vmem>>) target_semaphore(%arg24 : memref<!tpu.dma_semaphore, #tpu.memory_space<semaphore_mem>>)
    "tpu.region"() ({
      %run_scoped3A = tpu.sem_alloc : memref<!tpu.dma_semaphore, #tpu.memory_space<semaphore_mem>>
      %dma_start3A_403 = arith.constant 0 : i32
      %dma_start3A_404 = tpu.memref_slice %arg20[%multiple_of3A, %dma_start3A_403] : memref<10240x128xf32, #tpu.memory_space<vmem_shared>> -> memref<640x128xf32, #tpu.memory_space<vmem_shared>>
      tpu.enqueue_dma source(%arg5 : memref<640x128xf32, #tpu.memory_space<hbm>>) target(%dma_start3A_404 : memref<640x128xf32, #tpu.memory_space<vmem_shared>>) target_semaphore(%run_scoped3A : memref<!tpu.dma_semaphore, #tpu.memory_space<semaphore_mem>>)
      %dma_wait3A_405 = arith.constant 0 : i32
      %dma_wait3A_406 = tpu.memref_slice %arg20[%multiple_of3A, %dma_wait3A_405] : memref<10240x128xf32, #tpu.memory_space<vmem_shared>> -> memref<640x128xf32, #tpu.memory_space<vmem_shared>>
      tpu.wait_dma2 semaphore(%run_scoped3A : memref<!tpu.dma_semaphore, #tpu.memory_space<semaphore_mem>>) src(%arg5 : memref<640x128xf32, #tpu.memory_space<hbm>>) dst(%dma_wait3A_406 : memref<640x128xf32, #tpu.memory_space<vmem_shared>>)
      tpu.yield
    }) : () -> ()
    %multiple_of3A_38 = arith.constant 0 : i32
    %multiple_of3A_39 = tpu.assume_multiple %multiple_of3A_38, 128 : i32
    %dma_wait3A = tpu.memref_slice %arg3[%add3A, %multiple_of3A_39] : memref<32x10112xi32, #tpu.memory_space<hbm>> -> memref<1x128xi32, #tpu.memory_space<hbm>>
    %dma_wait3A_40 = tpu.memref_squeeze %dma_wait3A : memref<1x128xi32, #tpu.memory_space<hbm>> -> memref<128xi32, #tpu.memory_space<hbm>>
    %dma_wait3A_41 = tpu.memref_slice %arg3[%add3A, %multiple_of3A_39] : memref<32x10112xi32, #tpu.memory_space<hbm>> -> memref<1x128xi32, #tpu.memory_space<hbm>>
    %dma_wait3A_42 = tpu.memref_squeeze %dma_wait3A_41 : memref<1x128xi32, #tpu.memory_space<hbm>> -> memref<128xi32, #tpu.memory_space<hbm>>
    tpu.wait_dma2 semaphore(%arg22 : memref<!tpu.dma_semaphore, #tpu.memory_space<semaphore_mem>>) src(%dma_wait3A_42 : memref<128xi32, #tpu.memory_space<hbm>>) dst(%arg9 : memref<128xi32, #tpu.memory_space<vmem>>)
    %multiple_of3A_43 = arith.constant 0 : i32
    %multiple_of3A_44 = tpu.assume_multiple %multiple_of3A_43, 128 : i32
    %dma_wait3A_45 = tpu.memref_slice %arg4[%add3A, %multiple_of3A_44] : memref<32x10112xi32, #tpu.memory_space<hbm>> -> memref<1x128xi32, #tpu.memory_space<hbm>>
    %dma_wait3A_46 = tpu.memref_squeeze %dma_wait3A_45 : memref<1x128xi32, #tpu.memory_space<hbm>> -> memref<128xi32, #tpu.memory_space<hbm>>
    %dma_wait3A_47 = tpu.memref_slice %arg4[%add3A, %multiple_of3A_44] : memref<32x10112xi32, #tpu.memory_space<hbm>> -> memref<1x128xi32, #tpu.memory_space<hbm>>
    %dma_wait3A_48 = tpu.memref_squeeze %dma_wait3A_47 : memref<1x128xi32, #tpu.memory_space<hbm>> -> memref<128xi32, #tpu.memory_space<hbm>>
    tpu.wait_dma2 semaphore(%arg22 : memref<!tpu.dma_semaphore, #tpu.memory_space<semaphore_mem>>) src(%dma_wait3A_48 : memref<128xi32, #tpu.memory_space<hbm>>) dst(%arg13 : memref<128xi32, #tpu.memory_space<vmem>>)
    %dma_start3A_49 = arith.constant 0 : i32
    %dma_start3A_50 = arith.constant 0 : i32
    %dma_start3A_51 = tpu.memref_slice %arg2[%dma_start3A_49, %dma_start3A_50] : memref<10000x128xf32, #tpu.memory_space<hbm>> -> memref<10000x128xf32, #tpu.memory_space<hbm>>
    tpu.enqueue_indirect_dma source(%dma_start3A_51 : memref<10000x128xf32, #tpu.memory_space<hbm>>) target(%arg17 : memref<128x128xf32, #tpu.memory_space<vmem>>) offsets(%arg9 : memref<128xi32, #tpu.memory_space<vmem>>) semaphore(%arg26 : memref<!tpu.dma_semaphore, #tpu.memory_space<semaphore_mem>>)
    %barrier3A = arith.constant 0 : index
    tpu.barrier barrier_id(%barrier3A)
    %multiple_of3A_52 = arith.constant 384 : i32
    %multiple_of3A_53 = tpu.assume_multiple %multiple_of3A_52, 128 : i32
    %dma_start3A_54 = tpu.memref_slice %arg3[%add3A, %multiple_of3A_53] : memref<32x10112xi32, #tpu.memory_space<hbm>> -> memref<1x128xi32, #tpu.memory_space<hbm>>
    %dma_start3A_55 = tpu.memref_squeeze %dma_start3A_54 : memref<1x128xi32, #tpu.memory_space<hbm>> -> memref<128xi32, #tpu.memory_space<hbm>>
    %dma_start3A_56 = tpu.memref_slice %arg3[%add3A, %multiple_of3A_53] : memref<32x10112xi32, #tpu.memory_space<hbm>> -> memref<1x128xi32, #tpu.memory_space<hbm>>
    %dma_start3A_57 = tpu.memref_squeeze %dma_start3A_56 : memref<1x128xi32, #tpu.memory_space<hbm>> -> memref<128xi32, #tpu.memory_space<hbm>>
    tpu.enqueue_dma source(%dma_start3A_57 : memref<128xi32, #tpu.memory_space<hbm>>) target(%arg12 : memref<128xi32, #tpu.memory_space<vmem>>) target_semaphore(%arg25 : memref<!tpu.dma_semaphore, #tpu.memory_space<semaphore_mem>>)
    %multiple_of3A_58 = arith.constant 384 : i32
    %multiple_of3A_59 = tpu.assume_multiple %multiple_of3A_58, 128 : i32
    %dma_start3A_60 = tpu.memref_slice %arg4[%add3A, %multiple_of3A_59] : memref<32x10112xi32, #tpu.memory_space<hbm>> -> memref<1x128xi32, #tpu.memory_space<hbm>>
    %dma_start3A_61 = tpu.memref_squeeze %dma_start3A_60 : memref<1x128xi32, #tpu.memory_space<hbm>> -> memref<128xi32, #tpu.memory_space<hbm>>
    %dma_start3A_62 = tpu.memref_slice %arg4[%add3A, %multiple_of3A_59] : memref<32x10112xi32, #tpu.memory_space<hbm>> -> memref<1x128xi32, #tpu.memory_space<hbm>>
    %dma_start3A_63 = tpu.memref_squeeze %dma_start3A_62 : memref<1x128xi32, #tpu.memory_space<hbm>> -> memref<128xi32, #tpu.memory_space<hbm>>
    tpu.enqueue_dma source(%dma_start3A_63 : memref<128xi32, #tpu.memory_space<hbm>>) target(%arg16 : memref<128xi32, #tpu.memory_space<vmem>>) target_semaphore(%arg25 : memref<!tpu.dma_semaphore, #tpu.memory_space<semaphore_mem>>)
    %multiple_of3A_64 = arith.constant 128 : i32
    %multiple_of3A_65 = tpu.assume_multiple %multiple_of3A_64, 128 : i32
    %dma_wait3A_66 = tpu.memref_slice %arg3[%add3A, %multiple_of3A_65] : memref<32x10112xi32, #tpu.memory_space<hbm>> -> memref<1x128xi32, #tpu.memory_space<hbm>>
    %dma_wait3A_67 = tpu.memref_squeeze %dma_wait3A_66 : memref<1x128xi32, #tpu.memory_space<hbm>> -> memref<128xi32, #tpu.memory_space<hbm>>
    %dma_wait3A_68 = tpu.memref_slice %arg3[%add3A, %multiple_of3A_65] : memref<32x10112xi32, #tpu.memory_space<hbm>> -> memref<1x128xi32, #tpu.memory_space<hbm>>
    %dma_wait3A_69 = tpu.memref_squeeze %dma_wait3A_68 : memref<1x128xi32, #tpu.memory_space<hbm>> -> memref<128xi32, #tpu.memory_space<hbm>>
    tpu.wait_dma2 semaphore(%arg23 : memref<!tpu.dma_semaphore, #tpu.memory_space<semaphore_mem>>) src(%dma_wait3A_69 : memref<128xi32, #tpu.memory_space<hbm>>) dst(%arg10 : memref<128xi32, #tpu.memory_space<vmem>>)
    %multiple_of3A_70 = arith.constant 128 : i32
    %multiple_of3A_71 = tpu.assume_multiple %multiple_of3A_70, 128 : i32
    %dma_wait3A_72 = tpu.memref_slice %arg4[%add3A, %multiple_of3A_71] : memref<32x10112xi32, #tpu.memory_space<hbm>> -> memref<1x128xi32, #tpu.memory_space<hbm>>
    %dma_wait3A_73 = tpu.memref_squeeze %dma_wait3A_72 : memref<1x128xi32, #tpu.memory_space<hbm>> -> memref<128xi32, #tpu.memory_space<hbm>>
    %dma_wait3A_74 = tpu.memref_slice %arg4[%add3A, %multiple_of3A_71] : memref<32x10112xi32, #tpu.memory_space<hbm>> -> memref<1x128xi32, #tpu.memory_space<hbm>>
    %dma_wait3A_75 = tpu.memref_squeeze %dma_wait3A_74 : memref<1x128xi32, #tpu.memory_space<hbm>> -> memref<128xi32, #tpu.memory_space<hbm>>
    tpu.wait_dma2 semaphore(%arg23 : memref<!tpu.dma_semaphore, #tpu.memory_space<semaphore_mem>>) src(%dma_wait3A_75 : memref<128xi32, #tpu.memory_space<hbm>>) dst(%arg14 : memref<128xi32, #tpu.memory_space<vmem>>)
    %dma_start3A_76 = arith.constant 0 : i32
    %dma_start3A_77 = arith.constant 0 : i32
    %dma_start3A_78 = tpu.memref_slice %arg2[%dma_start3A_76, %dma_start3A_77] : memref<10000x128xf32, #tpu.memory_space<hbm>> -> memref<10000x128xf32, #tpu.memory_space<hbm>>
    tpu.enqueue_indirect_dma source(%dma_start3A_78 : memref<10000x128xf32, #tpu.memory_space<hbm>>) target(%arg18 : memref<128x128xf32, #tpu.memory_space<vmem>>) offsets(%arg10 : memref<128xi32, #tpu.memory_space<vmem>>) semaphore(%arg27 : memref<!tpu.dma_semaphore, #tpu.memory_space<semaphore_mem>>)
    %dma_wait3A_79 = arith.constant 0 : i32
    %dma_wait3A_80 = arith.constant 0 : i32
    %dma_wait3A_81 = tpu.memref_slice %arg2[%dma_wait3A_79, %dma_wait3A_80] : memref<10000x128xf32, #tpu.memory_space<hbm>> -> memref<10000x128xf32, #tpu.memory_space<hbm>>
    tpu.wait_indirect_dma semaphore(%arg26 : memref<!tpu.dma_semaphore, #tpu.memory_space<semaphore_mem>>) src(%dma_wait3A_81 : memref<10000x128xf32, #tpu.memory_space<hbm>>) dst(%arg17 : memref<128x128xf32, #tpu.memory_space<vmem>>)
    %dma_start3A_82 = arith.constant 0 : i32
    %dma_start3A_83 = arith.constant 0 : i32
    %dma_start3A_84 = tpu.memref_slice %arg20[%dma_start3A_82, %dma_start3A_83] : memref<10240x128xf32, #tpu.memory_space<vmem_shared>> -> memref<10240x128xf32, #tpu.memory_space<vmem_shared>>
    tpu.enqueue_indirect_dma source(%arg17 : memref<128x128xf32, #tpu.memory_space<vmem>>) target(%dma_start3A_84 : memref<10240x128xf32, #tpu.memory_space<vmem_shared>>) offsets(%arg13 : memref<128xi32, #tpu.memory_space<vmem>>) semaphore(%arg28 : memref<!tpu.dma_semaphore, #tpu.memory_space<semaphore_mem>>) {add = true}
    %dma_wait3A_85 = arith.constant 0 : i32
    %dma_wait3A_86 = arith.constant 0 : i32
    %dma_wait3A_87 = tpu.memref_slice %arg20[%dma_wait3A_85, %dma_wait3A_86] : memref<10240x128xf32, #tpu.memory_space<vmem_shared>> -> memref<10240x128xf32, #tpu.memory_space<vmem_shared>>
    tpu.wait_indirect_dma semaphore(%arg28 : memref<!tpu.dma_semaphore, #tpu.memory_space<semaphore_mem>>) src(%arg17 : memref<128x128xf32, #tpu.memory_space<vmem>>) dst(%dma_wait3A_87 : memref<10240x128xf32, #tpu.memory_space<vmem_shared>>)
    %multiple_of3A_88 = arith.constant 512 : i32
    %multiple_of3A_89 = tpu.assume_multiple %multiple_of3A_88, 128 : i32
    %dma_start3A_90 = tpu.memref_slice %arg3[%add3A, %multiple_of3A_89] : memref<32x10112xi32, #tpu.memory_space<hbm>> -> memref<1x128xi32, #tpu.memory_space<hbm>>
    %dma_start3A_91 = tpu.memref_squeeze %dma_start3A_90 : memref<1x128xi32, #tpu.memory_space<hbm>> -> memref<128xi32, #tpu.memory_space<hbm>>
    %dma_start3A_92 = tpu.memref_slice %arg3[%add3A, %multiple_of3A_89] : memref<32x10112xi32, #tpu.memory_space<hbm>> -> memref<1x128xi32, #tpu.memory_space<hbm>>
    %dma_start3A_93 = tpu.memref_squeeze %dma_start3A_92 : memref<1x128xi32, #tpu.memory_space<hbm>> -> memref<128xi32, #tpu.memory_space<hbm>>
    tpu.enqueue_dma source(%dma_start3A_93 : memref<128xi32, #tpu.memory_space<hbm>>) target(%arg9 : memref<128xi32, #tpu.memory_space<vmem>>) target_semaphore(%arg22 : memref<!tpu.dma_semaphore, #tpu.memory_space<semaphore_mem>>)
    %multiple_of3A_94 = arith.constant 512 : i32
    %multiple_of3A_95 = tpu.assume_multiple %multiple_of3A_94, 128 : i32
    %dma_start3A_96 = tpu.memref_slice %arg4[%add3A, %multiple_of3A_95] : memref<32x10112xi32, #tpu.memory_space<hbm>> -> memref<1x128xi32, #tpu.memory_space<hbm>>
    %dma_start3A_97 = tpu.memref_squeeze %dma_start3A_96 : memref<1x128xi32, #tpu.memory_space<hbm>> -> memref<128xi32, #tpu.memory_space<hbm>>
    %dma_start3A_98 = tpu.memref_slice %arg4[%add3A, %multiple_of3A_95] : memref<32x10112xi32, #tpu.memory_space<hbm>> -> memref<1x128xi32, #tpu.memory_space<hbm>>
    %dma_start3A_99 = tpu.memref_squeeze %dma_start3A_98 : memref<1x128xi32, #tpu.memory_space<hbm>> -> memref<128xi32, #tpu.memory_space<hbm>>
    tpu.enqueue_dma source(%dma_start3A_99 : memref<128xi32, #tpu.memory_space<hbm>>) target(%arg13 : memref<128xi32, #tpu.memory_space<vmem>>) target_semaphore(%arg22 : memref<!tpu.dma_semaphore, #tpu.memory_space<semaphore_mem>>)
    %multiple_of3A_100 = arith.constant 256 : i32
    %multiple_of3A_101 = tpu.assume_multiple %multiple_of3A_100, 128 : i32
    %dma_wait3A_102 = tpu.memref_slice %arg3[%add3A, %multiple_of3A_101] : memref<32x10112xi32, #tpu.memory_space<hbm>> -> memref<1x128xi32, #tpu.memory_space<hbm>>
    %dma_wait3A_103 = tpu.memref_squeeze %dma_wait3A_102 : memref<1x128xi32, #tpu.memory_space<hbm>> -> memref<128xi32, #tpu.memory_space<hbm>>
    %dma_wait3A_104 = tpu.memref_slice %arg3[%add3A, %multiple_of3A_101] : memref<32x10112xi32, #tpu.memory_space<hbm>> -> memref<1x128xi32, #tpu.memory_space<hbm>>
    %dma_wait3A_105 = tpu.memref_squeeze %dma_wait3A_104 : memref<1x128xi32, #tpu.memory_space<hbm>> -> memref<128xi32, #tpu.memory_space<hbm>>
    tpu.wait_dma2 semaphore(%arg24 : memref<!tpu.dma_semaphore, #tpu.memory_space<semaphore_mem>>) src(%dma_wait3A_105 : memref<128xi32, #tpu.memory_space<hbm>>) dst(%arg11 : memref<128xi32, #tpu.memory_space<vmem>>)
    %multiple_of3A_106 = arith.constant 256 : i32
    %multiple_of3A_107 = tpu.assume_multiple %multiple_of3A_106, 128 : i32
    %dma_wait3A_108 = tpu.memref_slice %arg4[%add3A, %multiple_of3A_107] : memref<32x10112xi32, #tpu.memory_space<hbm>> -> memref<1x128xi32, #tpu.memory_space<hbm>>
    %dma_wait3A_109 = tpu.memref_squeeze %dma_wait3A_108 : memref<1x128xi32, #tpu.memory_space<hbm>> -> memref<128xi32, #tpu.memory_space<hbm>>
    %dma_wait3A_110 = tpu.memref_slice %arg4[%add3A, %multiple_of3A_107] : memref<32x10112xi32, #tpu.memory_space<hbm>> -> memref<1x128xi32, #tpu.memory_space<hbm>>
    %dma_wait3A_111 = tpu.memref_squeeze %dma_wait3A_110 : memref<1x128xi32, #tpu.memory_space<hbm>> -> memref<128xi32, #tpu.memory_space<hbm>>
    tpu.wait_dma2 semaphore(%arg24 : memref<!tpu.dma_semaphore, #tpu.memory_space<semaphore_mem>>) src(%dma_wait3A_111 : memref<128xi32, #tpu.memory_space<hbm>>) dst(%arg15 : memref<128xi32, #tpu.memory_space<vmem>>)
    %dma_start3A_112 = arith.constant 0 : i32
    %dma_start3A_113 = arith.constant 0 : i32
    %dma_start3A_114 = tpu.memref_slice %arg2[%dma_start3A_112, %dma_start3A_113] : memref<10000x128xf32, #tpu.memory_space<hbm>> -> memref<10000x128xf32, #tpu.memory_space<hbm>>
    tpu.enqueue_indirect_dma source(%dma_start3A_114 : memref<10000x128xf32, #tpu.memory_space<hbm>>) target(%arg17 : memref<128x128xf32, #tpu.memory_space<vmem>>) offsets(%arg11 : memref<128xi32, #tpu.memory_space<vmem>>) semaphore(%arg26 : memref<!tpu.dma_semaphore, #tpu.memory_space<semaphore_mem>>)
    %dma_wait3A_115 = arith.constant 0 : i32
    %dma_wait3A_116 = arith.constant 0 : i32
    %dma_wait3A_117 = tpu.memref_slice %arg2[%dma_wait3A_115, %dma_wait3A_116] : memref<10000x128xf32, #tpu.memory_space<hbm>> -> memref<10000x128xf32, #tpu.memory_space<hbm>>
    tpu.wait_indirect_dma semaphore(%arg27 : memref<!tpu.dma_semaphore, #tpu.memory_space<semaphore_mem>>) src(%dma_wait3A_117 : memref<10000x128xf32, #tpu.memory_space<hbm>>) dst(%arg18 : memref<128x128xf32, #tpu.memory_space<vmem>>)
    %dma_start3A_118 = arith.constant 0 : i32
    %dma_start3A_119 = arith.constant 0 : i32
    %dma_start3A_120 = tpu.memref_slice %arg20[%dma_start3A_118, %dma_start3A_119] : memref<10240x128xf32, #tpu.memory_space<vmem_shared>> -> memref<10240x128xf32, #tpu.memory_space<vmem_shared>>
    tpu.enqueue_indirect_dma source(%arg18 : memref<128x128xf32, #tpu.memory_space<vmem>>) target(%dma_start3A_120 : memref<10240x128xf32, #tpu.memory_space<vmem_shared>>) offsets(%arg14 : memref<128xi32, #tpu.memory_space<vmem>>) semaphore(%arg29 : memref<!tpu.dma_semaphore, #tpu.memory_space<semaphore_mem>>) {add = true}
    %dma_wait3A_121 = arith.constant 0 : i32
    %dma_wait3A_122 = arith.constant 0 : i32
    %dma_wait3A_123 = tpu.memref_slice %arg20[%dma_wait3A_121, %dma_wait3A_122] : memref<10240x128xf32, #tpu.memory_space<vmem_shared>> -> memref<10240x128xf32, #tpu.memory_space<vmem_shared>>
    tpu.wait_indirect_dma semaphore(%arg29 : memref<!tpu.dma_semaphore, #tpu.memory_space<semaphore_mem>>) src(%arg18 : memref<128x128xf32, #tpu.memory_space<vmem>>) dst(%dma_wait3A_123 : memref<10240x128xf32, #tpu.memory_space<vmem_shared>>)
    %multiple_of3A_124 = arith.constant 640 : i32
    %multiple_of3A_125 = tpu.assume_multiple %multiple_of3A_124, 128 : i32
    %dma_start3A_126 = tpu.memref_slice %arg3[%add3A, %multiple_of3A_125] : memref<32x10112xi32, #tpu.memory_space<hbm>> -> memref<1x128xi32, #tpu.memory_space<hbm>>
    %dma_start3A_127 = tpu.memref_squeeze %dma_start3A_126 : memref<1x128xi32, #tpu.memory_space<hbm>> -> memref<128xi32, #tpu.memory_space<hbm>>
    %dma_start3A_128 = tpu.memref_slice %arg3[%add3A, %multiple_of3A_125] : memref<32x10112xi32, #tpu.memory_space<hbm>> -> memref<1x128xi32, #tpu.memory_space<hbm>>
    %dma_start3A_129 = tpu.memref_squeeze %dma_start3A_128 : memref<1x128xi32, #tpu.memory_space<hbm>> -> memref<128xi32, #tpu.memory_space<hbm>>
    tpu.enqueue_dma source(%dma_start3A_129 : memref<128xi32, #tpu.memory_space<hbm>>) target(%arg10 : memref<128xi32, #tpu.memory_space<vmem>>) target_semaphore(%arg23 : memref<!tpu.dma_semaphore, #tpu.memory_space<semaphore_mem>>)
    %multiple_of3A_130 = arith.constant 640 : i32
    %multiple_of3A_131 = tpu.assume_multiple %multiple_of3A_130, 128 : i32
    %dma_start3A_132 = tpu.memref_slice %arg4[%add3A, %multiple_of3A_131] : memref<32x10112xi32, #tpu.memory_space<hbm>> -> memref<1x128xi32, #tpu.memory_space<hbm>>
    %dma_start3A_133 = tpu.memref_squeeze %dma_start3A_132 : memref<1x128xi32, #tpu.memory_space<hbm>> -> memref<128xi32, #tpu.memory_space<hbm>>
    %dma_start3A_134 = tpu.memref_slice %arg4[%add3A, %multiple_of3A_131] : memref<32x10112xi32, #tpu.memory_space<hbm>> -> memref<1x128xi32, #tpu.memory_space<hbm>>
    %dma_start3A_135 = tpu.memref_squeeze %dma_start3A_134 : memref<1x128xi32, #tpu.memory_space<hbm>> -> memref<128xi32, #tpu.memory_space<hbm>>
    tpu.enqueue_dma source(%dma_start3A_135 : memref<128xi32, #tpu.memory_space<hbm>>) target(%arg14 : memref<128xi32, #tpu.memory_space<vmem>>) target_semaphore(%arg23 : memref<!tpu.dma_semaphore, #tpu.memory_space<semaphore_mem>>)
    %multiple_of3A_136 = arith.constant 384 : i32
    %multiple_of3A_137 = tpu.assume_multiple %multiple_of3A_136, 128 : i32
    %dma_wait3A_138 = tpu.memref_slice %arg3[%add3A, %multiple_of3A_137] : memref<32x10112xi32, #tpu.memory_space<hbm>> -> memref<1x128xi32, #tpu.memory_space<hbm>>
    %dma_wait3A_139 = tpu.memref_squeeze %dma_wait3A_138 : memref<1x128xi32, #tpu.memory_space<hbm>> -> memref<128xi32, #tpu.memory_space<hbm>>
    %dma_wait3A_140 = tpu.memref_slice %arg3[%add3A, %multiple_of3A_137] : memref<32x10112xi32, #tpu.memory_space<hbm>> -> memref<1x128xi32, #tpu.memory_space<hbm>>
    %dma_wait3A_141 = tpu.memref_squeeze %dma_wait3A_140 : memref<1x128xi32, #tpu.memory_space<hbm>> -> memref<128xi32, #tpu.memory_space<hbm>>
    tpu.wait_dma2 semaphore(%arg25 : memref<!tpu.dma_semaphore, #tpu.memory_space<semaphore_mem>>) src(%dma_wait3A_141 : memref<128xi32, #tpu.memory_space<hbm>>) dst(%arg12 : memref<128xi32, #tpu.memory_space<vmem>>)
    %multiple_of3A_142 = arith.constant 384 : i32
    %multiple_of3A_143 = tpu.assume_multiple %multiple_of3A_142, 128 : i32
    %dma_wait3A_144 = tpu.memref_slice %arg4[%add3A, %multiple_of3A_143] : memref<32x10112xi32, #tpu.memory_space<hbm>> -> memref<1x128xi32, #tpu.memory_space<hbm>>
    %dma_wait3A_145 = tpu.memref_squeeze %dma_wait3A_144 : memref<1x128xi32, #tpu.memory_space<hbm>> -> memref<128xi32, #tpu.memory_space<hbm>>
    %dma_wait3A_146 = tpu.memref_slice %arg4[%add3A, %multiple_of3A_143] : memref<32x10112xi32, #tpu.memory_space<hbm>> -> memref<1x128xi32, #tpu.memory_space<hbm>>
    %dma_wait3A_147 = tpu.memref_squeeze %dma_wait3A_146 : memref<1x128xi32, #tpu.memory_space<hbm>> -> memref<128xi32, #tpu.memory_space<hbm>>
    tpu.wait_dma2 semaphore(%arg25 : memref<!tpu.dma_semaphore, #tpu.memory_space<semaphore_mem>>) src(%dma_wait3A_147 : memref<128xi32, #tpu.memory_space<hbm>>) dst(%arg16 : memref<128xi32, #tpu.memory_space<vmem>>)
    %dma_start3A_148 = arith.constant 0 : i32
    %dma_start3A_149 = arith.constant 0 : i32
    %dma_start3A_150 = tpu.memref_slice %arg2[%dma_start3A_148, %dma_start3A_149] : memref<10000x128xf32, #tpu.memory_space<hbm>> -> memref<10000x128xf32, #tpu.memory_space<hbm>>
    tpu.enqueue_indirect_dma source(%dma_start3A_150 : memref<10000x128xf32, #tpu.memory_space<hbm>>) target(%arg18 : memref<128x128xf32, #tpu.memory_space<vmem>>) offsets(%arg12 : memref<128xi32, #tpu.memory_space<vmem>>) semaphore(%arg27 : memref<!tpu.dma_semaphore, #tpu.memory_space<semaphore_mem>>)
    %dma_wait3A_151 = arith.constant 0 : i32
    %dma_wait3A_152 = arith.constant 0 : i32
    %dma_wait3A_153 = tpu.memref_slice %arg2[%dma_wait3A_151, %dma_wait3A_152] : memref<10000x128xf32, #tpu.memory_space<hbm>> -> memref<10000x128xf32, #tpu.memory_space<hbm>>
    tpu.wait_indirect_dma semaphore(%arg26 : memref<!tpu.dma_semaphore, #tpu.memory_space<semaphore_mem>>) src(%dma_wait3A_153 : memref<10000x128xf32, #tpu.memory_space<hbm>>) dst(%arg17 : memref<128x128xf32, #tpu.memory_space<vmem>>)
    %dma_start3A_154 = arith.constant 0 : i32
    %dma_start3A_155 = arith.constant 0 : i32
    %dma_start3A_156 = tpu.memref_slice %arg20[%dma_start3A_154, %dma_start3A_155] : memref<10240x128xf32, #tpu.memory_space<vmem_shared>> -> memref<10240x128xf32, #tpu.memory_space<vmem_shared>>
    tpu.enqueue_indirect_dma source(%arg17 : memref<128x128xf32, #tpu.memory_space<vmem>>) target(%dma_start3A_156 : memref<10240x128xf32, #tpu.memory_space<vmem_shared>>) offsets(%arg15 : memref<128xi32, #tpu.memory_space<vmem>>) semaphore(%arg28 : memref<!tpu.dma_semaphore, #tpu.memory_space<semaphore_mem>>) {add = true}
    %dma_wait3A_157 = arith.constant 0 : i32
    %dma_wait3A_158 = arith.constant 0 : i32
    %dma_wait3A_159 = tpu.memref_slice %arg20[%dma_wait3A_157, %dma_wait3A_158] : memref<10240x128xf32, #tpu.memory_space<vmem_shared>> -> memref<10240x128xf32, #tpu.memory_space<vmem_shared>>
    tpu.wait_indirect_dma semaphore(%arg28 : memref<!tpu.dma_semaphore, #tpu.memory_space<semaphore_mem>>) src(%arg17 : memref<128x128xf32, #tpu.memory_space<vmem>>) dst(%dma_wait3A_159 : memref<10240x128xf32, #tpu.memory_space<vmem_shared>>)
    %multiple_of3A_160 = arith.constant 768 : i32
    %multiple_of3A_161 = tpu.assume_multiple %multiple_of3A_160, 128 : i32
    %dma_start3A_162 = tpu.memref_slice %arg3[%add3A, %multiple_of3A_161] : memref<32x10112xi32, #tpu.memory_space<hbm>> -> memref<1x128xi32, #tpu.memory_space<hbm>>
    %dma_start3A_163 = tpu.memref_squeeze %dma_start3A_162 : memref<1x128xi32, #tpu.memory_space<hbm>> -> memref<128xi32, #tpu.memory_space<hbm>>
    %dma_start3A_164 = tpu.memref_slice %arg3[%add3A, %multiple_of3A_161] : memref<32x10112xi32, #tpu.memory_space<hbm>> -> memref<1x128xi32, #tpu.memory_space<hbm>>
    %dma_start3A_165 = tpu.memref_squeeze %dma_start3A_164 : memref<1x128xi32, #tpu.memory_space<hbm>> -> memref<128xi32, #tpu.memory_space<hbm>>
    tpu.enqueue_dma source(%dma_start3A_165 : memref<128xi32, #tpu.memory_space<hbm>>) target(%arg11 : memref<128xi32, #tpu.memory_space<vmem>>) target_semaphore(%arg24 : memref<!tpu.dma_semaphore, #tpu.memory_space<semaphore_mem>>)
    %multiple_of3A_166 = arith.constant 768 : i32
    %multiple_of3A_167 = tpu.assume_multiple %multiple_of3A_166, 128 : i32
    %dma_start3A_168 = tpu.memref_slice %arg4[%add3A, %multiple_of3A_167] : memref<32x10112xi32, #tpu.memory_space<hbm>> -> memref<1x128xi32, #tpu.memory_space<hbm>>
    %dma_start3A_169 = tpu.memref_squeeze %dma_start3A_168 : memref<1x128xi32, #tpu.memory_space<hbm>> -> memref<128xi32, #tpu.memory_space<hbm>>
    %dma_start3A_170 = tpu.memref_slice %arg4[%add3A, %multiple_of3A_167] : memref<32x10112xi32, #tpu.memory_space<hbm>> -> memref<1x128xi32, #tpu.memory_space<hbm>>
    %dma_start3A_171 = tpu.memref_squeeze %dma_start3A_170 : memref<1x128xi32, #tpu.memory_space<hbm>> -> memref<128xi32, #tpu.memory_space<hbm>>
    tpu.enqueue_dma source(%dma_start3A_171 : memref<128xi32, #tpu.memory_space<hbm>>) target(%arg15 : memref<128xi32, #tpu.memory_space<vmem>>) target_semaphore(%arg24 : memref<!tpu.dma_semaphore, #tpu.memory_space<semaphore_mem>>)
    %multiple_of3A_172 = arith.constant 512 : i32
    %multiple_of3A_173 = tpu.assume_multiple %multiple_of3A_172, 128 : i32
    %dma_wait3A_174 = tpu.memref_slice %arg3[%add3A, %multiple_of3A_173] : memref<32x10112xi32, #tpu.memory_space<hbm>> -> memref<1x128xi32, #tpu.memory_space<hbm>>
    %dma_wait3A_175 = tpu.memref_squeeze %dma_wait3A_174 : memref<1x128xi32, #tpu.memory_space<hbm>> -> memref<128xi32, #tpu.memory_space<hbm>>
    %dma_wait3A_176 = tpu.memref_slice %arg3[%add3A, %multiple_of3A_173] : memref<32x10112xi32, #tpu.memory_space<hbm>> -> memref<1x128xi32, #tpu.memory_space<hbm>>
    %dma_wait3A_177 = tpu.memref_squeeze %dma_wait3A_176 : memref<1x128xi32, #tpu.memory_space<hbm>> -> memref<128xi32, #tpu.memory_space<hbm>>
    tpu.wait_dma2 semaphore(%arg22 : memref<!tpu.dma_semaphore, #tpu.memory_space<semaphore_mem>>) src(%dma_wait3A_177 : memref<128xi32, #tpu.memory_space<hbm>>) dst(%arg9 : memref<128xi32, #tpu.memory_space<vmem>>)
    %multiple_of3A_178 = arith.constant 512 : i32
    %multiple_of3A_179 = tpu.assume_multiple %multiple_of3A_178, 128 : i32
    %dma_wait3A_180 = tpu.memref_slice %arg4[%add3A, %multiple_of3A_179] : memref<32x10112xi32, #tpu.memory_space<hbm>> -> memref<1x128xi32, #tpu.memory_space<hbm>>
    %dma_wait3A_181 = tpu.memref_squeeze %dma_wait3A_180 : memref<1x128xi32, #tpu.memory_space<hbm>> -> memref<128xi32, #tpu.memory_space<hbm>>
    %dma_wait3A_182 = tpu.memref_slice %arg4[%add3A, %multiple_of3A_179] : memref<32x10112xi32, #tpu.memory_space<hbm>> -> memref<1x128xi32, #tpu.memory_space<hbm>>
    %dma_wait3A_183 = tpu.memref_squeeze %dma_wait3A_182 : memref<1x128xi32, #tpu.memory_space<hbm>> -> memref<128xi32, #tpu.memory_space<hbm>>
    tpu.wait_dma2 semaphore(%arg22 : memref<!tpu.dma_semaphore, #tpu.memory_space<semaphore_mem>>) src(%dma_wait3A_183 : memref<128xi32, #tpu.memory_space<hbm>>) dst(%arg13 : memref<128xi32, #tpu.memory_space<vmem>>)
    %dma_start3A_184 = arith.constant 0 : i32
    %dma_start3A_185 = arith.constant 0 : i32
    %dma_start3A_186 = tpu.memref_slice %arg2[%dma_start3A_184, %dma_start3A_185] : memref<10000x128xf32, #tpu.memory_space<hbm>> -> memref<10000x128xf32, #tpu.memory_space<hbm>>
    tpu.enqueue_indirect_dma source(%dma_start3A_186 : memref<10000x128xf32, #tpu.memory_space<hbm>>) target(%arg17 : memref<128x128xf32, #tpu.memory_space<vmem>>) offsets(%arg9 : memref<128xi32, #tpu.memory_space<vmem>>) semaphore(%arg26 : memref<!tpu.dma_semaphore, #tpu.memory_space<semaphore_mem>>)
    %dma_wait3A_187 = arith.constant 0 : i32
    %dma_wait3A_188 = arith.constant 0 : i32
    %dma_wait3A_189 = tpu.memref_slice %arg2[%dma_wait3A_187, %dma_wait3A_188] : memref<10000x128xf32, #tpu.memory_space<hbm>> -> memref<10000x128xf32, #tpu.memory_space<hbm>>
    tpu.wait_indirect_dma semaphore(%arg27 : memref<!tpu.dma_semaphore, #tpu.memory_space<semaphore_mem>>) src(%dma_wait3A_189 : memref<10000x128xf32, #tpu.memory_space<hbm>>) dst(%arg18 : memref<128x128xf32, #tpu.memory_space<vmem>>)
    %dma_start3A_190 = arith.constant 0 : i32
    %dma_start3A_191 = arith.constant 0 : i32
    %dma_start3A_192 = tpu.memref_slice %arg20[%dma_start3A_190, %dma_start3A_191] : memref<10240x128xf32, #tpu.memory_space<vmem_shared>> -> memref<10240x128xf32, #tpu.memory_space<vmem_shared>>
    tpu.enqueue_indirect_dma source(%arg18 : memref<128x128xf32, #tpu.memory_space<vmem>>) target(%dma_start3A_192 : memref<10240x128xf32, #tpu.memory_space<vmem_shared>>) offsets(%arg16 : memref<128xi32, #tpu.memory_space<vmem>>) semaphore(%arg29 : memref<!tpu.dma_semaphore, #tpu.memory_space<semaphore_mem>>) {add = true}
    %scan3A = arith.constant 0 : i32
    %scan3A_193 = arith.constant 1 : i32
    %scan3A_194 = arith.constant 17 : i32
    %scan3A_195 = arith.addi %scan3A_193, %scan3A_194 : i32
    %scan3A_196 = arith.constant 1 : i32
    scf.for %scan3A_403 = %scan3A_193 to %scan3A_195 step %scan3A_196  : i32 {
      %mul3A_404 = arith.constant 4 : i32
      %mul3A_405 = arith.muli %scan3A_403, %mul3A_404 : i32
      %add3A_406 = arith.constant 0 : i32
      %add3A_407 = arith.addi %mul3A_405, %add3A_406 : i32
      %dma_wait3A_408 = arith.constant 0 : i32
      %dma_wait3A_409 = arith.constant 0 : i32
      %dma_wait3A_410 = tpu.memref_slice %arg20[%dma_wait3A_408, %dma_wait3A_409] : memref<10240x128xf32, #tpu.memory_space<vmem_shared>> -> memref<10240x128xf32, #tpu.memory_space<vmem_shared>>
      tpu.wait_indirect_dma semaphore(%arg29 : memref<!tpu.dma_semaphore, #tpu.memory_space<semaphore_mem>>) src(%arg18 : memref<128x128xf32, #tpu.memory_space<vmem>>) dst(%dma_wait3A_410 : memref<10240x128xf32, #tpu.memory_space<vmem_shared>>)
      %add3A_411 = arith.constant 3 : i32
      %add3A_412 = arith.addi %add3A_407, %add3A_411 : i32
      %mul3A_413 = arith.constant 128 : i32
      %mul3A_414 = arith.muli %add3A_412, %mul3A_413 : i32
      %multiple_of3A_415 = tpu.assume_multiple %mul3A_414, 128 : i32
      %dma_start3A_416 = tpu.memref_slice %arg3[%add3A, %multiple_of3A_415] : memref<32x10112xi32, #tpu.memory_space<hbm>> -> memref<1x128xi32, #tpu.memory_space<hbm>>
      %dma_start3A_417 = tpu.memref_squeeze %dma_start3A_416 : memref<1x128xi32, #tpu.memory_space<hbm>> -> memref<128xi32, #tpu.memory_space<hbm>>
      %dma_start3A_418 = tpu.memref_slice %arg3[%add3A, %multiple_of3A_415] : memref<32x10112xi32, #tpu.memory_space<hbm>> -> memref<1x128xi32, #tpu.memory_space<hbm>>
      %dma_start3A_419 = tpu.memref_squeeze %dma_start3A_418 : memref<1x128xi32, #tpu.memory_space<hbm>> -> memref<128xi32, #tpu.memory_space<hbm>>
      tpu.enqueue_dma source(%dma_start3A_419 : memref<128xi32, #tpu.memory_space<hbm>>) target(%arg12 : memref<128xi32, #tpu.memory_space<vmem>>) target_semaphore(%arg25 : memref<!tpu.dma_semaphore, #tpu.memory_space<semaphore_mem>>)
      %mul3A_420 = arith.constant 128 : i32
      %mul3A_421 = arith.muli %add3A_412, %mul3A_420 : i32
      %multiple_of3A_422 = tpu.assume_multiple %mul3A_421, 128 : i32
      %dma_start3A_423 = tpu.memref_slice %arg4[%add3A, %multiple_of3A_422] : memref<32x10112xi32, #tpu.memory_space<hbm>> -> memref<1x128xi32, #tpu.memory_space<hbm>>
      %dma_start3A_424 = tpu.memref_squeeze %dma_start3A_423 : memref<1x128xi32, #tpu.memory_space<hbm>> -> memref<128xi32, #tpu.memory_space<hbm>>
      %dma_start3A_425 = tpu.memref_slice %arg4[%add3A, %multiple_of3A_422] : memref<32x10112xi32, #tpu.memory_space<hbm>> -> memref<1x128xi32, #tpu.memory_space<hbm>>
      %dma_start3A_426 = tpu.memref_squeeze %dma_start3A_425 : memref<1x128xi32, #tpu.memory_space<hbm>> -> memref<128xi32, #tpu.memory_space<hbm>>
      tpu.enqueue_dma source(%dma_start3A_426 : memref<128xi32, #tpu.memory_space<hbm>>) target(%arg16 : memref<128xi32, #tpu.memory_space<vmem>>) target_semaphore(%arg25 : memref<!tpu.dma_semaphore, #tpu.memory_space<semaphore_mem>>)
      %add3A_427 = arith.constant 1 : i32
      %add3A_428 = arith.addi %add3A_407, %add3A_427 : i32
      %mul3A_429 = arith.constant 128 : i32
      %mul3A_430 = arith.muli %add3A_428, %mul3A_429 : i32
      %multiple_of3A_431 = tpu.assume_multiple %mul3A_430, 128 : i32
      %dma_wait3A_432 = tpu.memref_slice %arg3[%add3A, %multiple_of3A_431] : memref<32x10112xi32, #tpu.memory_space<hbm>> -> memref<1x128xi32, #tpu.memory_space<hbm>>
      %dma_wait3A_433 = tpu.memref_squeeze %dma_wait3A_432 : memref<1x128xi32, #tpu.memory_space<hbm>> -> memref<128xi32, #tpu.memory_space<hbm>>
      %dma_wait3A_434 = tpu.memref_slice %arg3[%add3A, %multiple_of3A_431] : memref<32x10112xi32, #tpu.memory_space<hbm>> -> memref<1x128xi32, #tpu.memory_space<hbm>>
      %dma_wait3A_435 = tpu.memref_squeeze %dma_wait3A_434 : memref<1x128xi32, #tpu.memory_space<hbm>> -> memref<128xi32, #tpu.memory_space<hbm>>
      tpu.wait_dma2 semaphore(%arg23 : memref<!tpu.dma_semaphore, #tpu.memory_space<semaphore_mem>>) src(%dma_wait3A_435 : memref<128xi32, #tpu.memory_space<hbm>>) dst(%arg10 : memref<128xi32, #tpu.memory_space<vmem>>)
      %mul3A_436 = arith.constant 128 : i32
      %mul3A_437 = arith.muli %add3A_428, %mul3A_436 : i32
      %multiple_of3A_438 = tpu.assume_multiple %mul3A_437, 128 : i32
      %dma_wait3A_439 = tpu.memref_slice %arg4[%add3A, %multiple_of3A_438] : memref<32x10112xi32, #tpu.memory_space<hbm>> -> memref<1x128xi32, #tpu.memory_space<hbm>>
      %dma_wait3A_440 = tpu.memref_squeeze %dma_wait3A_439 : memref<1x128xi32, #tpu.memory_space<hbm>> -> memref<128xi32, #tpu.memory_space<hbm>>
      %dma_wait3A_441 = tpu.memref_slice %arg4[%add3A, %multiple_of3A_438] : memref<32x10112xi32, #tpu.memory_space<hbm>> -> memref<1x128xi32, #tpu.memory_space<hbm>>
      %dma_wait3A_442 = tpu.memref_squeeze %dma_wait3A_441 : memref<1x128xi32, #tpu.memory_space<hbm>> -> memref<128xi32, #tpu.memory_space<hbm>>
      tpu.wait_dma2 semaphore(%arg23 : memref<!tpu.dma_semaphore, #tpu.memory_space<semaphore_mem>>) src(%dma_wait3A_442 : memref<128xi32, #tpu.memory_space<hbm>>) dst(%arg14 : memref<128xi32, #tpu.memory_space<vmem>>)
      %dma_start3A_443 = arith.constant 0 : i32
      %dma_start3A_444 = arith.constant 0 : i32
      %dma_start3A_445 = tpu.memref_slice %arg2[%dma_start3A_443, %dma_start3A_444] : memref<10000x128xf32, #tpu.memory_space<hbm>> -> memref<10000x128xf32, #tpu.memory_space<hbm>>
      tpu.enqueue_indirect_dma source(%dma_start3A_445 : memref<10000x128xf32, #tpu.memory_space<hbm>>) target(%arg18 : memref<128x128xf32, #tpu.memory_space<vmem>>) offsets(%arg10 : memref<128xi32, #tpu.memory_space<vmem>>) semaphore(%arg27 : memref<!tpu.dma_semaphore, #tpu.memory_space<semaphore_mem>>)
      %dma_wait3A_446 = arith.constant 0 : i32
      %dma_wait3A_447 = arith.constant 0 : i32
      %dma_wait3A_448 = tpu.memref_slice %arg2[%dma_wait3A_446, %dma_wait3A_447] : memref<10000x128xf32, #tpu.memory_space<hbm>> -> memref<10000x128xf32, #tpu.memory_space<hbm>>
      tpu.wait_indirect_dma semaphore(%arg26 : memref<!tpu.dma_semaphore, #tpu.memory_space<semaphore_mem>>) src(%dma_wait3A_448 : memref<10000x128xf32, #tpu.memory_space<hbm>>) dst(%arg17 : memref<128x128xf32, #tpu.memory_space<vmem>>)
      %dma_start3A_449 = arith.constant 0 : i32
      %dma_start3A_450 = arith.constant 0 : i32
      %dma_start3A_451 = tpu.memref_slice %arg20[%dma_start3A_449, %dma_start3A_450] : memref<10240x128xf32, #tpu.memory_space<vmem_shared>> -> memref<10240x128xf32, #tpu.memory_space<vmem_shared>>
      tpu.enqueue_indirect_dma source(%arg17 : memref<128x128xf32, #tpu.memory_space<vmem>>) target(%dma_start3A_451 : memref<10240x128xf32, #tpu.memory_space<vmem_shared>>) offsets(%arg13 : memref<128xi32, #tpu.memory_space<vmem>>) semaphore(%arg28 : memref<!tpu.dma_semaphore, #tpu.memory_space<semaphore_mem>>) {add = true}
      %mul3A_452 = arith.constant 4 : i32
      %mul3A_453 = arith.muli %scan3A_403, %mul3A_452 : i32
      %add3A_454 = arith.constant 1 : i32
      %add3A_455 = arith.addi %mul3A_453, %add3A_454 : i32
      %dma_wait3A_456 = arith.constant 0 : i32
      %dma_wait3A_457 = arith.constant 0 : i32
      %dma_wait3A_458 = tpu.memref_slice %arg20[%dma_wait3A_456, %dma_wait3A_457] : memref<10240x128xf32, #tpu.memory_space<vmem_shared>> -> memref<10240x128xf32, #tpu.memory_space<vmem_shared>>
      tpu.wait_indirect_dma semaphore(%arg28 : memref<!tpu.dma_semaphore, #tpu.memory_space<semaphore_mem>>) src(%arg17 : memref<128x128xf32, #tpu.memory_space<vmem>>) dst(%dma_wait3A_458 : memref<10240x128xf32, #tpu.memory_space<vmem_shared>>)
      %add3A_459 = arith.constant 3 : i32
      %add3A_460 = arith.addi %add3A_455, %add3A_459 : i32
      %mul3A_461 = arith.constant 128 : i32
      %mul3A_462 = arith.muli %add3A_460, %mul3A_461 : i32
      %multiple_of3A_463 = tpu.assume_multiple %mul3A_462, 128 : i32
      %dma_start3A_464 = tpu.memref_slice %arg3[%add3A, %multiple_of3A_463] : memref<32x10112xi32, #tpu.memory_space<hbm>> -> memref<1x128xi32, #tpu.memory_space<hbm>>
      %dma_start3A_465 = tpu.memref_squeeze %dma_start3A_464 : memref<1x128xi32, #tpu.memory_space<hbm>> -> memref<128xi32, #tpu.memory_space<hbm>>
      %dma_start3A_466 = tpu.memref_slice %arg3[%add3A, %multiple_of3A_463] : memref<32x10112xi32, #tpu.memory_space<hbm>> -> memref<1x128xi32, #tpu.memory_space<hbm>>
      %dma_start3A_467 = tpu.memref_squeeze %dma_start3A_466 : memref<1x128xi32, #tpu.memory_space<hbm>> -> memref<128xi32, #tpu.memory_space<hbm>>
      tpu.enqueue_dma source(%dma_start3A_467 : memref<128xi32, #tpu.memory_space<hbm>>) target(%arg9 : memref<128xi32, #tpu.memory_space<vmem>>) target_semaphore(%arg22 : memref<!tpu.dma_semaphore, #tpu.memory_space<semaphore_mem>>)
      %mul3A_468 = arith.constant 128 : i32
      %mul3A_469 = arith.muli %add3A_460, %mul3A_468 : i32
      %multiple_of3A_470 = tpu.assume_multiple %mul3A_469, 128 : i32
      %dma_start3A_471 = tpu.memref_slice %arg4[%add3A, %multiple_of3A_470] : memref<32x10112xi32, #tpu.memory_space<hbm>> -> memref<1x128xi32, #tpu.memory_space<hbm>>
      %dma_start3A_472 = tpu.memref_squeeze %dma_start3A_471 : memref<1x128xi32, #tpu.memory_space<hbm>> -> memref<128xi32, #tpu.memory_space<hbm>>
      %dma_start3A_473 = tpu.memref_slice %arg4[%add3A, %multiple_of3A_470] : memref<32x10112xi32, #tpu.memory_space<hbm>> -> memref<1x128xi32, #tpu.memory_space<hbm>>
      %dma_start3A_474 = tpu.memref_squeeze %dma_start3A_473 : memref<1x128xi32, #tpu.memory_space<hbm>> -> memref<128xi32, #tpu.memory_space<hbm>>
      tpu.enqueue_dma source(%dma_start3A_474 : memref<128xi32, #tpu.memory_space<hbm>>) target(%arg13 : memref<128xi32, #tpu.memory_space<vmem>>) target_semaphore(%arg22 : memref<!tpu.dma_semaphore, #tpu.memory_space<semaphore_mem>>)
      %add3A_475 = arith.constant 1 : i32
      %add3A_476 = arith.addi %add3A_455, %add3A_475 : i32
      %mul3A_477 = arith.constant 128 : i32
      %mul3A_478 = arith.muli %add3A_476, %mul3A_477 : i32
      %multiple_of3A_479 = tpu.assume_multiple %mul3A_478, 128 : i32
      %dma_wait3A_480 = tpu.memref_slice %arg3[%add3A, %multiple_of3A_479] : memref<32x10112xi32, #tpu.memory_space<hbm>> -> memref<1x128xi32, #tpu.memory_space<hbm>>
      %dma_wait3A_481 = tpu.memref_squeeze %dma_wait3A_480 : memref<1x128xi32, #tpu.memory_space<hbm>> -> memref<128xi32, #tpu.memory_space<hbm>>
      %dma_wait3A_482 = tpu.memref_slice %arg3[%add3A, %multiple_of3A_479] : memref<32x10112xi32, #tpu.memory_space<hbm>> -> memref<1x128xi32, #tpu.memory_space<hbm>>
      %dma_wait3A_483 = tpu.memref_squeeze %dma_wait3A_482 : memref<1x128xi32, #tpu.memory_space<hbm>> -> memref<128xi32, #tpu.memory_space<hbm>>
      tpu.wait_dma2 semaphore(%arg24 : memref<!tpu.dma_semaphore, #tpu.memory_space<semaphore_mem>>) src(%dma_wait3A_483 : memref<128xi32, #tpu.memory_space<hbm>>) dst(%arg11 : memref<128xi32, #tpu.memory_space<vmem>>)
      %mul3A_484 = arith.constant 128 : i32
      %mul3A_485 = arith.muli %add3A_476, %mul3A_484 : i32
      %multiple_of3A_486 = tpu.assume_multiple %mul3A_485, 128 : i32
      %dma_wait3A_487 = tpu.memref_slice %arg4[%add3A, %multiple_of3A_486] : memref<32x10112xi32, #tpu.memory_space<hbm>> -> memref<1x128xi32, #tpu.memory_space<hbm>>
      %dma_wait3A_488 = tpu.memref_squeeze %dma_wait3A_487 : memref<1x128xi32, #tpu.memory_space<hbm>> -> memref<128xi32, #tpu.memory_space<hbm>>
      %dma_wait3A_489 = tpu.memref_slice %arg4[%add3A, %multiple_of3A_486] : memref<32x10112xi32, #tpu.memory_space<hbm>> -> memref<1x128xi32, #tpu.memory_space<hbm>>
      %dma_wait3A_490 = tpu.memref_squeeze %dma_wait3A_489 : memref<1x128xi32, #tpu.memory_space<hbm>> -> memref<128xi32, #tpu.memory_space<hbm>>
      tpu.wait_dma2 semaphore(%arg24 : memref<!tpu.dma_semaphore, #tpu.memory_space<semaphore_mem>>) src(%dma_wait3A_490 : memref<128xi32, #tpu.memory_space<hbm>>) dst(%arg15 : memref<128xi32, #tpu.memory_space<vmem>>)
      %dma_start3A_491 = arith.constant 0 : i32
      %dma_start3A_492 = arith.constant 0 : i32
      %dma_start3A_493 = tpu.memref_slice %arg2[%dma_start3A_491, %dma_start3A_492] : memref<10000x128xf32, #tpu.memory_space<hbm>> -> memref<10000x128xf32, #tpu.memory_space<hbm>>
      tpu.enqueue_indirect_dma source(%dma_start3A_493 : memref<10000x128xf32, #tpu.memory_space<hbm>>) target(%arg17 : memref<128x128xf32, #tpu.memory_space<vmem>>) offsets(%arg11 : memref<128xi32, #tpu.memory_space<vmem>>) semaphore(%arg26 : memref<!tpu.dma_semaphore, #tpu.memory_space<semaphore_mem>>)
      %dma_wait3A_494 = arith.constant 0 : i32
      %dma_wait3A_495 = arith.constant 0 : i32
      %dma_wait3A_496 = tpu.memref_slice %arg2[%dma_wait3A_494, %dma_wait3A_495] : memref<10000x128xf32, #tpu.memory_space<hbm>> -> memref<10000x128xf32, #tpu.memory_space<hbm>>
      tpu.wait_indirect_dma semaphore(%arg27 : memref<!tpu.dma_semaphore, #tpu.memory_space<semaphore_mem>>) src(%dma_wait3A_496 : memref<10000x128xf32, #tpu.memory_space<hbm>>) dst(%arg18 : memref<128x128xf32, #tpu.memory_space<vmem>>)
      %dma_start3A_497 = arith.constant 0 : i32
      %dma_start3A_498 = arith.constant 0 : i32
      %dma_start3A_499 = tpu.memref_slice %arg20[%dma_start3A_497, %dma_start3A_498] : memref<10240x128xf32, #tpu.memory_space<vmem_shared>> -> memref<10240x128xf32, #tpu.memory_space<vmem_shared>>
      tpu.enqueue_indirect_dma source(%arg18 : memref<128x128xf32, #tpu.memory_space<vmem>>) target(%dma_start3A_499 : memref<10240x128xf32, #tpu.memory_space<vmem_shared>>) offsets(%arg14 : memref<128xi32, #tpu.memory_space<vmem>>) semaphore(%arg29 : memref<!tpu.dma_semaphore, #tpu.memory_space<semaphore_mem>>) {add = true}
      %mul3A_500 = arith.constant 4 : i32
      %mul3A_501 = arith.muli %scan3A_403, %mul3A_500 : i32
      %add3A_502 = arith.constant 2 : i32
      %add3A_503 = arith.addi %mul3A_501, %add3A_502 : i32
      %dma_wait3A_504 = arith.constant 0 : i32
      %dma_wait3A_505 = arith.constant 0 : i32
      %dma_wait3A_506 = tpu.memref_slice %arg20[%dma_wait3A_504, %dma_wait3A_505] : memref<10240x128xf32, #tpu.memory_space<vmem_shared>> -> memref<10240x128xf32, #tpu.memory_space<vmem_shared>>
      tpu.wait_indirect_dma semaphore(%arg29 : memref<!tpu.dma_semaphore, #tpu.memory_space<semaphore_mem>>) src(%arg18 : memref<128x128xf32, #tpu.memory_space<vmem>>) dst(%dma_wait3A_506 : memref<10240x128xf32, #tpu.memory_space<vmem_shared>>)
      %add3A_507 = arith.constant 3 : i32
      %add3A_508 = arith.addi %add3A_503, %add3A_507 : i32
      %mul3A_509 = arith.constant 128 : i32
      %mul3A_510 = arith.muli %add3A_508, %mul3A_509 : i32
      %multiple_of3A_511 = tpu.assume_multiple %mul3A_510, 128 : i32
      %dma_start3A_512 = tpu.memref_slice %arg3[%add3A, %multiple_of3A_511] : memref<32x10112xi32, #tpu.memory_space<hbm>> -> memref<1x128xi32, #tpu.memory_space<hbm>>
      %dma_start3A_513 = tpu.memref_squeeze %dma_start3A_512 : memref<1x128xi32, #tpu.memory_space<hbm>> -> memref<128xi32, #tpu.memory_space<hbm>>
      %dma_start3A_514 = tpu.memref_slice %arg3[%add3A, %multiple_of3A_511] : memref<32x10112xi32, #tpu.memory_space<hbm>> -> memref<1x128xi32, #tpu.memory_space<hbm>>
      %dma_start3A_515 = tpu.memref_squeeze %dma_start3A_514 : memref<1x128xi32, #tpu.memory_space<hbm>> -> memref<128xi32, #tpu.memory_space<hbm>>
      tpu.enqueue_dma source(%dma_start3A_515 : memref<128xi32, #tpu.memory_space<hbm>>) target(%arg10 : memref<128xi32, #tpu.memory_space<vmem>>) target_semaphore(%arg23 : memref<!tpu.dma_semaphore, #tpu.memory_space<semaphore_mem>>)
      %mul3A_516 = arith.constant 128 : i32
      %mul3A_517 = arith.muli %add3A_508, %mul3A_516 : i32
      %multiple_of3A_518 = tpu.assume_multiple %mul3A_517, 128 : i32
      %dma_start3A_519 = tpu.memref_slice %arg4[%add3A, %multiple_of3A_518] : memref<32x10112xi32, #tpu.memory_space<hbm>> -> memref<1x128xi32, #tpu.memory_space<hbm>>
      %dma_start3A_520 = tpu.memref_squeeze %dma_start3A_519 : memref<1x128xi32, #tpu.memory_space<hbm>> -> memref<128xi32, #tpu.memory_space<hbm>>
      %dma_start3A_521 = tpu.memref_slice %arg4[%add3A, %multiple_of3A_518] : memref<32x10112xi32, #tpu.memory_space<hbm>> -> memref<1x128xi32, #tpu.memory_space<hbm>>
      %dma_start3A_522 = tpu.memref_squeeze %dma_start3A_521 : memref<1x128xi32, #tpu.memory_space<hbm>> -> memref<128xi32, #tpu.memory_space<hbm>>
      tpu.enqueue_dma source(%dma_start3A_522 : memref<128xi32, #tpu.memory_space<hbm>>) target(%arg14 : memref<128xi32, #tpu.memory_space<vmem>>) target_semaphore(%arg23 : memref<!tpu.dma_semaphore, #tpu.memory_space<semaphore_mem>>)
      %add3A_523 = arith.constant 1 : i32
      %add3A_524 = arith.addi %add3A_503, %add3A_523 : i32
      %mul3A_525 = arith.constant 128 : i32
      %mul3A_526 = arith.muli %add3A_524, %mul3A_525 : i32
      %multiple_of3A_527 = tpu.assume_multiple %mul3A_526, 128 : i32
      %dma_wait3A_528 = tpu.memref_slice %arg3[%add3A, %multiple_of3A_527] : memref<32x10112xi32, #tpu.memory_space<hbm>> -> memref<1x128xi32, #tpu.memory_space<hbm>>
      %dma_wait3A_529 = tpu.memref_squeeze %dma_wait3A_528 : memref<1x128xi32, #tpu.memory_space<hbm>> -> memref<128xi32, #tpu.memory_space<hbm>>
      %dma_wait3A_530 = tpu.memref_slice %arg3[%add3A, %multiple_of3A_527] : memref<32x10112xi32, #tpu.memory_space<hbm>> -> memref<1x128xi32, #tpu.memory_space<hbm>>
      %dma_wait3A_531 = tpu.memref_squeeze %dma_wait3A_530 : memref<1x128xi32, #tpu.memory_space<hbm>> -> memref<128xi32, #tpu.memory_space<hbm>>
      tpu.wait_dma2 semaphore(%arg25 : memref<!tpu.dma_semaphore, #tpu.memory_space<semaphore_mem>>) src(%dma_wait3A_531 : memref<128xi32, #tpu.memory_space<hbm>>) dst(%arg12 : memref<128xi32, #tpu.memory_space<vmem>>)
      %mul3A_532 = arith.constant 128 : i32
      %mul3A_533 = arith.muli %add3A_524, %mul3A_532 : i32
      %multiple_of3A_534 = tpu.assume_multiple %mul3A_533, 128 : i32
      %dma_wait3A_535 = tpu.memref_slice %arg4[%add3A, %multiple_of3A_534] : memref<32x10112xi32, #tpu.memory_space<hbm>> -> memref<1x128xi32, #tpu.memory_space<hbm>>
      %dma_wait3A_536 = tpu.memref_squeeze %dma_wait3A_535 : memref<1x128xi32, #tpu.memory_space<hbm>> -> memref<128xi32, #tpu.memory_space<hbm>>
      %dma_wait3A_537 = tpu.memref_slice %arg4[%add3A, %multiple_of3A_534] : memref<32x10112xi32, #tpu.memory_space<hbm>> -> memref<1x128xi32, #tpu.memory_space<hbm>>
      %dma_wait3A_538 = tpu.memref_squeeze %dma_wait3A_537 : memref<1x128xi32, #tpu.memory_space<hbm>> -> memref<128xi32, #tpu.memory_space<hbm>>
      tpu.wait_dma2 semaphore(%arg25 : memref<!tpu.dma_semaphore, #tpu.memory_space<semaphore_mem>>) src(%dma_wait3A_538 : memref<128xi32, #tpu.memory_space<hbm>>) dst(%arg16 : memref<128xi32, #tpu.memory_space<vmem>>)
      %dma_start3A_539 = arith.constant 0 : i32
      %dma_start3A_540 = arith.constant 0 : i32
      %dma_start3A_541 = tpu.memref_slice %arg2[%dma_start3A_539, %dma_start3A_540] : memref<10000x128xf32, #tpu.memory_space<hbm>> -> memref<10000x128xf32, #tpu.memory_space<hbm>>
      tpu.enqueue_indirect_dma source(%dma_start3A_541 : memref<10000x128xf32, #tpu.memory_space<hbm>>) target(%arg18 : memref<128x128xf32, #tpu.memory_space<vmem>>) offsets(%arg12 : memref<128xi32, #tpu.memory_space<vmem>>) semaphore(%arg27 : memref<!tpu.dma_semaphore, #tpu.memory_space<semaphore_mem>>)
      %dma_wait3A_542 = arith.constant 0 : i32
      %dma_wait3A_543 = arith.constant 0 : i32
      %dma_wait3A_544 = tpu.memref_slice %arg2[%dma_wait3A_542, %dma_wait3A_543] : memref<10000x128xf32, #tpu.memory_space<hbm>> -> memref<10000x128xf32, #tpu.memory_space<hbm>>
      tpu.wait_indirect_dma semaphore(%arg26 : memref<!tpu.dma_semaphore, #tpu.memory_space<semaphore_mem>>) src(%dma_wait3A_544 : memref<10000x128xf32, #tpu.memory_space<hbm>>) dst(%arg17 : memref<128x128xf32, #tpu.memory_space<vmem>>)
      %dma_start3A_545 = arith.constant 0 : i32
      %dma_start3A_546 = arith.constant 0 : i32
      %dma_start3A_547 = tpu.memref_slice %arg20[%dma_start3A_545, %dma_start3A_546] : memref<10240x128xf32, #tpu.memory_space<vmem_shared>> -> memref<10240x128xf32, #tpu.memory_space<vmem_shared>>
      tpu.enqueue_indirect_dma source(%arg17 : memref<128x128xf32, #tpu.memory_space<vmem>>) target(%dma_start3A_547 : memref<10240x128xf32, #tpu.memory_space<vmem_shared>>) offsets(%arg15 : memref<128xi32, #tpu.memory_space<vmem>>) semaphore(%arg28 : memref<!tpu.dma_semaphore, #tpu.memory_space<semaphore_mem>>) {add = true}
      %mul3A_548 = arith.constant 4 : i32
      %mul3A_549 = arith.muli %scan3A_403, %mul3A_548 : i32
      %add3A_550 = arith.constant 3 : i32
      %add3A_551 = arith.addi %mul3A_549, %add3A_550 : i32
      %dma_wait3A_552 = arith.constant 0 : i32
      %dma_wait3A_553 = arith.constant 0 : i32
      %dma_wait3A_554 = tpu.memref_slice %arg20[%dma_wait3A_552, %dma_wait3A_553] : memref<10240x128xf32, #tpu.memory_space<vmem_shared>> -> memref<10240x128xf32, #tpu.memory_space<vmem_shared>>
      tpu.wait_indirect_dma semaphore(%arg28 : memref<!tpu.dma_semaphore, #tpu.memory_space<semaphore_mem>>) src(%arg17 : memref<128x128xf32, #tpu.memory_space<vmem>>) dst(%dma_wait3A_554 : memref<10240x128xf32, #tpu.memory_space<vmem_shared>>)
      %add3A_555 = arith.constant 3 : i32
      %add3A_556 = arith.addi %add3A_551, %add3A_555 : i32
      %mul3A_557 = arith.constant 128 : i32
      %mul3A_558 = arith.muli %add3A_556, %mul3A_557 : i32
      %multiple_of3A_559 = tpu.assume_multiple %mul3A_558, 128 : i32
      %dma_start3A_560 = tpu.memref_slice %arg3[%add3A, %multiple_of3A_559] : memref<32x10112xi32, #tpu.memory_space<hbm>> -> memref<1x128xi32, #tpu.memory_space<hbm>>
      %dma_start3A_561 = tpu.memref_squeeze %dma_start3A_560 : memref<1x128xi32, #tpu.memory_space<hbm>> -> memref<128xi32, #tpu.memory_space<hbm>>
      %dma_start3A_562 = tpu.memref_slice %arg3[%add3A, %multiple_of3A_559] : memref<32x10112xi32, #tpu.memory_space<hbm>> -> memref<1x128xi32, #tpu.memory_space<hbm>>
      %dma_start3A_563 = tpu.memref_squeeze %dma_start3A_562 : memref<1x128xi32, #tpu.memory_space<hbm>> -> memref<128xi32, #tpu.memory_space<hbm>>
      tpu.enqueue_dma source(%dma_start3A_563 : memref<128xi32, #tpu.memory_space<hbm>>) target(%arg11 : memref<128xi32, #tpu.memory_space<vmem>>) target_semaphore(%arg24 : memref<!tpu.dma_semaphore, #tpu.memory_space<semaphore_mem>>)
      %mul3A_564 = arith.constant 128 : i32
      %mul3A_565 = arith.muli %add3A_556, %mul3A_564 : i32
      %multiple_of3A_566 = tpu.assume_multiple %mul3A_565, 128 : i32
      %dma_start3A_567 = tpu.memref_slice %arg4[%add3A, %multiple_of3A_566] : memref<32x10112xi32, #tpu.memory_space<hbm>> -> memref<1x128xi32, #tpu.memory_space<hbm>>
      %dma_start3A_568 = tpu.memref_squeeze %dma_start3A_567 : memref<1x128xi32, #tpu.memory_space<hbm>> -> memref<128xi32, #tpu.memory_space<hbm>>
      %dma_start3A_569 = tpu.memref_slice %arg4[%add3A, %multiple_of3A_566] : memref<32x10112xi32, #tpu.memory_space<hbm>> -> memref<1x128xi32, #tpu.memory_space<hbm>>
      %dma_start3A_570 = tpu.memref_squeeze %dma_start3A_569 : memref<1x128xi32, #tpu.memory_space<hbm>> -> memref<128xi32, #tpu.memory_space<hbm>>
      tpu.enqueue_dma source(%dma_start3A_570 : memref<128xi32, #tpu.memory_space<hbm>>) target(%arg15 : memref<128xi32, #tpu.memory_space<vmem>>) target_semaphore(%arg24 : memref<!tpu.dma_semaphore, #tpu.memory_space<semaphore_mem>>)
      %add3A_571 = arith.constant 1 : i32
      %add3A_572 = arith.addi %add3A_551, %add3A_571 : i32
      %mul3A_573 = arith.constant 128 : i32
      %mul3A_574 = arith.muli %add3A_572, %mul3A_573 : i32
      %multiple_of3A_575 = tpu.assume_multiple %mul3A_574, 128 : i32
      %dma_wait3A_576 = tpu.memref_slice %arg3[%add3A, %multiple_of3A_575] : memref<32x10112xi32, #tpu.memory_space<hbm>> -> memref<1x128xi32, #tpu.memory_space<hbm>>
      %dma_wait3A_577 = tpu.memref_squeeze %dma_wait3A_576 : memref<1x128xi32, #tpu.memory_space<hbm>> -> memref<128xi32, #tpu.memory_space<hbm>>
      %dma_wait3A_578 = tpu.memref_slice %arg3[%add3A, %multiple_of3A_575] : memref<32x10112xi32, #tpu.memory_space<hbm>> -> memref<1x128xi32, #tpu.memory_space<hbm>>
      %dma_wait3A_579 = tpu.memref_squeeze %dma_wait3A_578 : memref<1x128xi32, #tpu.memory_space<hbm>> -> memref<128xi32, #tpu.memory_space<hbm>>
      tpu.wait_dma2 semaphore(%arg22 : memref<!tpu.dma_semaphore, #tpu.memory_space<semaphore_mem>>) src(%dma_wait3A_579 : memref<128xi32, #tpu.memory_space<hbm>>) dst(%arg9 : memref<128xi32, #tpu.memory_space<vmem>>)
      %mul3A_580 = arith.constant 128 : i32
      %mul3A_581 = arith.muli %add3A_572, %mul3A_580 : i32
      %multiple_of3A_582 = tpu.assume_multiple %mul3A_581, 128 : i32
      %dma_wait3A_583 = tpu.memref_slice %arg4[%add3A, %multiple_of3A_582] : memref<32x10112xi32, #tpu.memory_space<hbm>> -> memref<1x128xi32, #tpu.memory_space<hbm>>
      %dma_wait3A_584 = tpu.memref_squeeze %dma_wait3A_583 : memref<1x128xi32, #tpu.memory_space<hbm>> -> memref<128xi32, #tpu.memory_space<hbm>>
      %dma_wait3A_585 = tpu.memref_slice %arg4[%add3A, %multiple_of3A_582] : memref<32x10112xi32, #tpu.memory_space<hbm>> -> memref<1x128xi32, #tpu.memory_space<hbm>>
      %dma_wait3A_586 = tpu.memref_squeeze %dma_wait3A_585 : memref<1x128xi32, #tpu.memory_space<hbm>> -> memref<128xi32, #tpu.memory_space<hbm>>
      tpu.wait_dma2 semaphore(%arg22 : memref<!tpu.dma_semaphore, #tpu.memory_space<semaphore_mem>>) src(%dma_wait3A_586 : memref<128xi32, #tpu.memory_space<hbm>>) dst(%arg13 : memref<128xi32, #tpu.memory_space<vmem>>)
      %dma_start3A_587 = arith.constant 0 : i32
      %dma_start3A_588 = arith.constant 0 : i32
      %dma_start3A_589 = tpu.memref_slice %arg2[%dma_start3A_587, %dma_start3A_588] : memref<10000x128xf32, #tpu.memory_space<hbm>> -> memref<10000x128xf32, #tpu.memory_space<hbm>>
      tpu.enqueue_indirect_dma source(%dma_start3A_589 : memref<10000x128xf32, #tpu.memory_space<hbm>>) target(%arg17 : memref<128x128xf32, #tpu.memory_space<vmem>>) offsets(%arg9 : memref<128xi32, #tpu.memory_space<vmem>>) semaphore(%arg26 : memref<!tpu.dma_semaphore, #tpu.memory_space<semaphore_mem>>)
      %dma_wait3A_590 = arith.constant 0 : i32
      %dma_wait3A_591 = arith.constant 0 : i32
      %dma_wait3A_592 = tpu.memref_slice %arg2[%dma_wait3A_590, %dma_wait3A_591] : memref<10000x128xf32, #tpu.memory_space<hbm>> -> memref<10000x128xf32, #tpu.memory_space<hbm>>
      tpu.wait_indirect_dma semaphore(%arg27 : memref<!tpu.dma_semaphore, #tpu.memory_space<semaphore_mem>>) src(%dma_wait3A_592 : memref<10000x128xf32, #tpu.memory_space<hbm>>) dst(%arg18 : memref<128x128xf32, #tpu.memory_space<vmem>>)
      %dma_start3A_593 = arith.constant 0 : i32
      %dma_start3A_594 = arith.constant 0 : i32
      %dma_start3A_595 = tpu.memref_slice %arg20[%dma_start3A_593, %dma_start3A_594] : memref<10240x128xf32, #tpu.memory_space<vmem_shared>> -> memref<10240x128xf32, #tpu.memory_space<vmem_shared>>
      tpu.enqueue_indirect_dma source(%arg18 : memref<128x128xf32, #tpu.memory_space<vmem>>) target(%dma_start3A_595 : memref<10240x128xf32, #tpu.memory_space<vmem_shared>>) offsets(%arg16 : memref<128xi32, #tpu.memory_space<vmem>>) semaphore(%arg29 : memref<!tpu.dma_semaphore, #tpu.memory_space<semaphore_mem>>) {add = true}
    }
    %scan3A_197 = arith.constant 17 : i32
    %dma_wait3A_198 = arith.constant 0 : i32
    %dma_wait3A_199 = arith.constant 0 : i32
    %dma_wait3A_200 = tpu.memref_slice %arg20[%dma_wait3A_198, %dma_wait3A_199] : memref<10240x128xf32, #tpu.memory_space<vmem_shared>> -> memref<10240x128xf32, #tpu.memory_space<vmem_shared>>
    tpu.wait_indirect_dma semaphore(%arg29 : memref<!tpu.dma_semaphore, #tpu.memory_space<semaphore_mem>>) src(%arg18 : memref<128x128xf32, #tpu.memory_space<vmem>>) dst(%dma_wait3A_200 : memref<10240x128xf32, #tpu.memory_space<vmem_shared>>)
    %multiple_of3A_201 = arith.constant 9600 : i32
    %multiple_of3A_202 = tpu.assume_multiple %multiple_of3A_201, 128 : i32
    %dma_start3A_203 = tpu.memref_slice %arg3[%add3A, %multiple_of3A_202] : memref<32x10112xi32, #tpu.memory_space<hbm>> -> memref<1x128xi32, #tpu.memory_space<hbm>>
    %dma_start3A_204 = tpu.memref_squeeze %dma_start3A_203 : memref<1x128xi32, #tpu.memory_space<hbm>> -> memref<128xi32, #tpu.memory_space<hbm>>
    %dma_start3A_205 = tpu.memref_slice %arg3[%add3A, %multiple_of3A_202] : memref<32x10112xi32, #tpu.memory_space<hbm>> -> memref<1x128xi32, #tpu.memory_space<hbm>>
    %dma_start3A_206 = tpu.memref_squeeze %dma_start3A_205 : memref<1x128xi32, #tpu.memory_space<hbm>> -> memref<128xi32, #tpu.memory_space<hbm>>
    tpu.enqueue_dma source(%dma_start3A_206 : memref<128xi32, #tpu.memory_space<hbm>>) target(%arg12 : memref<128xi32, #tpu.memory_space<vmem>>) target_semaphore(%arg25 : memref<!tpu.dma_semaphore, #tpu.memory_space<semaphore_mem>>)
    %multiple_of3A_207 = arith.constant 9600 : i32
    %multiple_of3A_208 = tpu.assume_multiple %multiple_of3A_207, 128 : i32
    %dma_start3A_209 = tpu.memref_slice %arg4[%add3A, %multiple_of3A_208] : memref<32x10112xi32, #tpu.memory_space<hbm>> -> memref<1x128xi32, #tpu.memory_space<hbm>>
    %dma_start3A_210 = tpu.memref_squeeze %dma_start3A_209 : memref<1x128xi32, #tpu.memory_space<hbm>> -> memref<128xi32, #tpu.memory_space<hbm>>
    %dma_start3A_211 = tpu.memref_slice %arg4[%add3A, %multiple_of3A_208] : memref<32x10112xi32, #tpu.memory_space<hbm>> -> memref<1x128xi32, #tpu.memory_space<hbm>>
    %dma_start3A_212 = tpu.memref_squeeze %dma_start3A_211 : memref<1x128xi32, #tpu.memory_space<hbm>> -> memref<128xi32, #tpu.memory_space<hbm>>
    tpu.enqueue_dma source(%dma_start3A_212 : memref<128xi32, #tpu.memory_space<hbm>>) target(%arg16 : memref<128xi32, #tpu.memory_space<vmem>>) target_semaphore(%arg25 : memref<!tpu.dma_semaphore, #tpu.memory_space<semaphore_mem>>)
    %multiple_of3A_213 = arith.constant 9344 : i32
    %multiple_of3A_214 = tpu.assume_multiple %multiple_of3A_213, 128 : i32
    %dma_wait3A_215 = tpu.memref_slice %arg3[%add3A, %multiple_of3A_214] : memref<32x10112xi32, #tpu.memory_space<hbm>> -> memref<1x128xi32, #tpu.memory_space<hbm>>
    %dma_wait3A_216 = tpu.memref_squeeze %dma_wait3A_215 : memref<1x128xi32, #tpu.memory_space<hbm>> -> memref<128xi32, #tpu.memory_space<hbm>>
    %dma_wait3A_217 = tpu.memref_slice %arg3[%add3A, %multiple_of3A_214] : memref<32x10112xi32, #tpu.memory_space<hbm>> -> memref<1x128xi32, #tpu.memory_space<hbm>>
    %dma_wait3A_218 = tpu.memref_squeeze %dma_wait3A_217 : memref<1x128xi32, #tpu.memory_space<hbm>> -> memref<128xi32, #tpu.memory_space<hbm>>
    tpu.wait_dma2 semaphore(%arg23 : memref<!tpu.dma_semaphore, #tpu.memory_space<semaphore_mem>>) src(%dma_wait3A_218 : memref<128xi32, #tpu.memory_space<hbm>>) dst(%arg10 : memref<128xi32, #tpu.memory_space<vmem>>)
    %multiple_of3A_219 = arith.constant 9344 : i32
    %multiple_of3A_220 = tpu.assume_multiple %multiple_of3A_219, 128 : i32
    %dma_wait3A_221 = tpu.memref_slice %arg4[%add3A, %multiple_of3A_220] : memref<32x10112xi32, #tpu.memory_space<hbm>> -> memref<1x128xi32, #tpu.memory_space<hbm>>
    %dma_wait3A_222 = tpu.memref_squeeze %dma_wait3A_221 : memref<1x128xi32, #tpu.memory_space<hbm>> -> memref<128xi32, #tpu.memory_space<hbm>>
    %dma_wait3A_223 = tpu.memref_slice %arg4[%add3A, %multiple_of3A_220] : memref<32x10112xi32, #tpu.memory_space<hbm>> -> memref<1x128xi32, #tpu.memory_space<hbm>>
    %dma_wait3A_224 = tpu.memref_squeeze %dma_wait3A_223 : memref<1x128xi32, #tpu.memory_space<hbm>> -> memref<128xi32, #tpu.memory_space<hbm>>
    tpu.wait_dma2 semaphore(%arg23 : memref<!tpu.dma_semaphore, #tpu.memory_space<semaphore_mem>>) src(%dma_wait3A_224 : memref<128xi32, #tpu.memory_space<hbm>>) dst(%arg14 : memref<128xi32, #tpu.memory_space<vmem>>)
    %dma_start3A_225 = arith.constant 0 : i32
    %dma_start3A_226 = arith.constant 0 : i32
    %dma_start3A_227 = tpu.memref_slice %arg2[%dma_start3A_225, %dma_start3A_226] : memref<10000x128xf32, #tpu.memory_space<hbm>> -> memref<10000x128xf32, #tpu.memory_space<hbm>>
    tpu.enqueue_indirect_dma source(%dma_start3A_227 : memref<10000x128xf32, #tpu.memory_space<hbm>>) target(%arg18 : memref<128x128xf32, #tpu.memory_space<vmem>>) offsets(%arg10 : memref<128xi32, #tpu.memory_space<vmem>>) semaphore(%arg27 : memref<!tpu.dma_semaphore, #tpu.memory_space<semaphore_mem>>)
    %dma_wait3A_228 = arith.constant 0 : i32
    %dma_wait3A_229 = arith.constant 0 : i32
    %dma_wait3A_230 = tpu.memref_slice %arg2[%dma_wait3A_228, %dma_wait3A_229] : memref<10000x128xf32, #tpu.memory_space<hbm>> -> memref<10000x128xf32, #tpu.memory_space<hbm>>
    tpu.wait_indirect_dma semaphore(%arg26 : memref<!tpu.dma_semaphore, #tpu.memory_space<semaphore_mem>>) src(%dma_wait3A_230 : memref<10000x128xf32, #tpu.memory_space<hbm>>) dst(%arg17 : memref<128x128xf32, #tpu.memory_space<vmem>>)
    %dma_start3A_231 = arith.constant 0 : i32
    %dma_start3A_232 = arith.constant 0 : i32
    %dma_start3A_233 = tpu.memref_slice %arg20[%dma_start3A_231, %dma_start3A_232] : memref<10240x128xf32, #tpu.memory_space<vmem_shared>> -> memref<10240x128xf32, #tpu.memory_space<vmem_shared>>
    tpu.enqueue_indirect_dma source(%arg17 : memref<128x128xf32, #tpu.memory_space<vmem>>) target(%dma_start3A_233 : memref<10240x128xf32, #tpu.memory_space<vmem_shared>>) offsets(%arg13 : memref<128xi32, #tpu.memory_space<vmem>>) semaphore(%arg28 : memref<!tpu.dma_semaphore, #tpu.memory_space<semaphore_mem>>) {add = true}
    %dma_wait3A_234 = arith.constant 0 : i32
    %dma_wait3A_235 = arith.constant 0 : i32
    %dma_wait3A_236 = tpu.memref_slice %arg20[%dma_wait3A_234, %dma_wait3A_235] : memref<10240x128xf32, #tpu.memory_space<vmem_shared>> -> memref<10240x128xf32, #tpu.memory_space<vmem_shared>>
    tpu.wait_indirect_dma semaphore(%arg28 : memref<!tpu.dma_semaphore, #tpu.memory_space<semaphore_mem>>) src(%arg17 : memref<128x128xf32, #tpu.memory_space<vmem>>) dst(%dma_wait3A_236 : memref<10240x128xf32, #tpu.memory_space<vmem_shared>>)
    %multiple_of3A_237 = arith.constant 9728 : i32
    %multiple_of3A_238 = tpu.assume_multiple %multiple_of3A_237, 128 : i32
    %dma_start3A_239 = tpu.memref_slice %arg3[%add3A, %multiple_of3A_238] : memref<32x10112xi32, #tpu.memory_space<hbm>> -> memref<1x128xi32, #tpu.memory_space<hbm>>
    %dma_start3A_240 = tpu.memref_squeeze %dma_start3A_239 : memref<1x128xi32, #tpu.memory_space<hbm>> -> memref<128xi32, #tpu.memory_space<hbm>>
    %dma_start3A_241 = tpu.memref_slice %arg3[%add3A, %multiple_of3A_238] : memref<32x10112xi32, #tpu.memory_space<hbm>> -> memref<1x128xi32, #tpu.memory_space<hbm>>
    %dma_start3A_242 = tpu.memref_squeeze %dma_start3A_241 : memref<1x128xi32, #tpu.memory_space<hbm>> -> memref<128xi32, #tpu.memory_space<hbm>>
    tpu.enqueue_dma source(%dma_start3A_242 : memref<128xi32, #tpu.memory_space<hbm>>) target(%arg9 : memref<128xi32, #tpu.memory_space<vmem>>) target_semaphore(%arg22 : memref<!tpu.dma_semaphore, #tpu.memory_space<semaphore_mem>>)
    %multiple_of3A_243 = arith.constant 9728 : i32
    %multiple_of3A_244 = tpu.assume_multiple %multiple_of3A_243, 128 : i32
    %dma_start3A_245 = tpu.memref_slice %arg4[%add3A, %multiple_of3A_244] : memref<32x10112xi32, #tpu.memory_space<hbm>> -> memref<1x128xi32, #tpu.memory_space<hbm>>
    %dma_start3A_246 = tpu.memref_squeeze %dma_start3A_245 : memref<1x128xi32, #tpu.memory_space<hbm>> -> memref<128xi32, #tpu.memory_space<hbm>>
    %dma_start3A_247 = tpu.memref_slice %arg4[%add3A, %multiple_of3A_244] : memref<32x10112xi32, #tpu.memory_space<hbm>> -> memref<1x128xi32, #tpu.memory_space<hbm>>
    %dma_start3A_248 = tpu.memref_squeeze %dma_start3A_247 : memref<1x128xi32, #tpu.memory_space<hbm>> -> memref<128xi32, #tpu.memory_space<hbm>>
    tpu.enqueue_dma source(%dma_start3A_248 : memref<128xi32, #tpu.memory_space<hbm>>) target(%arg13 : memref<128xi32, #tpu.memory_space<vmem>>) target_semaphore(%arg22 : memref<!tpu.dma_semaphore, #tpu.memory_space<semaphore_mem>>)
    %multiple_of3A_249 = arith.constant 9472 : i32
    %multiple_of3A_250 = tpu.assume_multiple %multiple_of3A_249, 128 : i32
    %dma_wait3A_251 = tpu.memref_slice %arg3[%add3A, %multiple_of3A_250] : memref<32x10112xi32, #tpu.memory_space<hbm>> -> memref<1x128xi32, #tpu.memory_space<hbm>>
    %dma_wait3A_252 = tpu.memref_squeeze %dma_wait3A_251 : memref<1x128xi32, #tpu.memory_space<hbm>> -> memref<128xi32, #tpu.memory_space<hbm>>
    %dma_wait3A_253 = tpu.memref_slice %arg3[%add3A, %multiple_of3A_250] : memref<32x10112xi32, #tpu.memory_space<hbm>> -> memref<1x128xi32, #tpu.memory_space<hbm>>
    %dma_wait3A_254 = tpu.memref_squeeze %dma_wait3A_253 : memref<1x128xi32, #tpu.memory_space<hbm>> -> memref<128xi32, #tpu.memory_space<hbm>>
    tpu.wait_dma2 semaphore(%arg24 : memref<!tpu.dma_semaphore, #tpu.memory_space<semaphore_mem>>) src(%dma_wait3A_254 : memref<128xi32, #tpu.memory_space<hbm>>) dst(%arg11 : memref<128xi32, #tpu.memory_space<vmem>>)
    %multiple_of3A_255 = arith.constant 9472 : i32
    %multiple_of3A_256 = tpu.assume_multiple %multiple_of3A_255, 128 : i32
    %dma_wait3A_257 = tpu.memref_slice %arg4[%add3A, %multiple_of3A_256] : memref<32x10112xi32, #tpu.memory_space<hbm>> -> memref<1x128xi32, #tpu.memory_space<hbm>>
    %dma_wait3A_258 = tpu.memref_squeeze %dma_wait3A_257 : memref<1x128xi32, #tpu.memory_space<hbm>> -> memref<128xi32, #tpu.memory_space<hbm>>
    %dma_wait3A_259 = tpu.memref_slice %arg4[%add3A, %multiple_of3A_256] : memref<32x10112xi32, #tpu.memory_space<hbm>> -> memref<1x128xi32, #tpu.memory_space<hbm>>
    %dma_wait3A_260 = tpu.memref_squeeze %dma_wait3A_259 : memref<1x128xi32, #tpu.memory_space<hbm>> -> memref<128xi32, #tpu.memory_space<hbm>>
    tpu.wait_dma2 semaphore(%arg24 : memref<!tpu.dma_semaphore, #tpu.memory_space<semaphore_mem>>) src(%dma_wait3A_260 : memref<128xi32, #tpu.memory_space<hbm>>) dst(%arg15 : memref<128xi32, #tpu.memory_space<vmem>>)
    %dma_start3A_261 = arith.constant 0 : i32
    %dma_start3A_262 = arith.constant 0 : i32
    %dma_start3A_263 = tpu.memref_slice %arg2[%dma_start3A_261, %dma_start3A_262] : memref<10000x128xf32, #tpu.memory_space<hbm>> -> memref<10000x128xf32, #tpu.memory_space<hbm>>
    tpu.enqueue_indirect_dma source(%dma_start3A_263 : memref<10000x128xf32, #tpu.memory_space<hbm>>) target(%arg17 : memref<128x128xf32, #tpu.memory_space<vmem>>) offsets(%arg11 : memref<128xi32, #tpu.memory_space<vmem>>) semaphore(%arg26 : memref<!tpu.dma_semaphore, #tpu.memory_space<semaphore_mem>>)
    %dma_wait3A_264 = arith.constant 0 : i32
    %dma_wait3A_265 = arith.constant 0 : i32
    %dma_wait3A_266 = tpu.memref_slice %arg2[%dma_wait3A_264, %dma_wait3A_265] : memref<10000x128xf32, #tpu.memory_space<hbm>> -> memref<10000x128xf32, #tpu.memory_space<hbm>>
    tpu.wait_indirect_dma semaphore(%arg27 : memref<!tpu.dma_semaphore, #tpu.memory_space<semaphore_mem>>) src(%dma_wait3A_266 : memref<10000x128xf32, #tpu.memory_space<hbm>>) dst(%arg18 : memref<128x128xf32, #tpu.memory_space<vmem>>)
    %dma_start3A_267 = arith.constant 0 : i32
    %dma_start3A_268 = arith.constant 0 : i32
    %dma_start3A_269 = tpu.memref_slice %arg20[%dma_start3A_267, %dma_start3A_268] : memref<10240x128xf32, #tpu.memory_space<vmem_shared>> -> memref<10240x128xf32, #tpu.memory_space<vmem_shared>>
    tpu.enqueue_indirect_dma source(%arg18 : memref<128x128xf32, #tpu.memory_space<vmem>>) target(%dma_start3A_269 : memref<10240x128xf32, #tpu.memory_space<vmem_shared>>) offsets(%arg14 : memref<128xi32, #tpu.memory_space<vmem>>) semaphore(%arg29 : memref<!tpu.dma_semaphore, #tpu.memory_space<semaphore_mem>>) {add = true}
    %dma_wait3A_270 = arith.constant 0 : i32
    %dma_wait3A_271 = arith.constant 0 : i32
    %dma_wait3A_272 = tpu.memref_slice %arg20[%dma_wait3A_270, %dma_wait3A_271] : memref<10240x128xf32, #tpu.memory_space<vmem_shared>> -> memref<10240x128xf32, #tpu.memory_space<vmem_shared>>
    tpu.wait_indirect_dma semaphore(%arg29 : memref<!tpu.dma_semaphore, #tpu.memory_space<semaphore_mem>>) src(%arg18 : memref<128x128xf32, #tpu.memory_space<vmem>>) dst(%dma_wait3A_272 : memref<10240x128xf32, #tpu.memory_space<vmem_shared>>)
    %multiple_of3A_273 = arith.constant 9856 : i32
    %multiple_of3A_274 = tpu.assume_multiple %multiple_of3A_273, 128 : i32
    %dma_start3A_275 = tpu.memref_slice %arg3[%add3A, %multiple_of3A_274] : memref<32x10112xi32, #tpu.memory_space<hbm>> -> memref<1x128xi32, #tpu.memory_space<hbm>>
    %dma_start3A_276 = tpu.memref_squeeze %dma_start3A_275 : memref<1x128xi32, #tpu.memory_space<hbm>> -> memref<128xi32, #tpu.memory_space<hbm>>
    %dma_start3A_277 = tpu.memref_slice %arg3[%add3A, %multiple_of3A_274] : memref<32x10112xi32, #tpu.memory_space<hbm>> -> memref<1x128xi32, #tpu.memory_space<hbm>>
    %dma_start3A_278 = tpu.memref_squeeze %dma_start3A_277 : memref<1x128xi32, #tpu.memory_space<hbm>> -> memref<128xi32, #tpu.memory_space<hbm>>
    tpu.enqueue_dma source(%dma_start3A_278 : memref<128xi32, #tpu.memory_space<hbm>>) target(%arg10 : memref<128xi32, #tpu.memory_space<vmem>>) target_semaphore(%arg23 : memref<!tpu.dma_semaphore, #tpu.memory_space<semaphore_mem>>)
    %multiple_of3A_279 = arith.constant 9856 : i32
    %multiple_of3A_280 = tpu.assume_multiple %multiple_of3A_279, 128 : i32
    %dma_start3A_281 = tpu.memref_slice %arg4[%add3A, %multiple_of3A_280] : memref<32x10112xi32, #tpu.memory_space<hbm>> -> memref<1x128xi32, #tpu.memory_space<hbm>>
    %dma_start3A_282 = tpu.memref_squeeze %dma_start3A_281 : memref<1x128xi32, #tpu.memory_space<hbm>> -> memref<128xi32, #tpu.memory_space<hbm>>
    %dma_start3A_283 = tpu.memref_slice %arg4[%add3A, %multiple_of3A_280] : memref<32x10112xi32, #tpu.memory_space<hbm>> -> memref<1x128xi32, #tpu.memory_space<hbm>>
    %dma_start3A_284 = tpu.memref_squeeze %dma_start3A_283 : memref<1x128xi32, #tpu.memory_space<hbm>> -> memref<128xi32, #tpu.memory_space<hbm>>
    tpu.enqueue_dma source(%dma_start3A_284 : memref<128xi32, #tpu.memory_space<hbm>>) target(%arg14 : memref<128xi32, #tpu.memory_space<vmem>>) target_semaphore(%arg23 : memref<!tpu.dma_semaphore, #tpu.memory_space<semaphore_mem>>)
    %multiple_of3A_285 = arith.constant 9600 : i32
    %multiple_of3A_286 = tpu.assume_multiple %multiple_of3A_285, 128 : i32
    %dma_wait3A_287 = tpu.memref_slice %arg3[%add3A, %multiple_of3A_286] : memref<32x10112xi32, #tpu.memory_space<hbm>> -> memref<1x128xi32, #tpu.memory_space<hbm>>
    %dma_wait3A_288 = tpu.memref_squeeze %dma_wait3A_287 : memref<1x128xi32, #tpu.memory_space<hbm>> -> memref<128xi32, #tpu.memory_space<hbm>>
    %dma_wait3A_289 = tpu.memref_slice %arg3[%add3A, %multiple_of3A_286] : memref<32x10112xi32, #tpu.memory_space<hbm>> -> memref<1x128xi32, #tpu.memory_space<hbm>>
    %dma_wait3A_290 = tpu.memref_squeeze %dma_wait3A_289 : memref<1x128xi32, #tpu.memory_space<hbm>> -> memref<128xi32, #tpu.memory_space<hbm>>
    tpu.wait_dma2 semaphore(%arg25 : memref<!tpu.dma_semaphore, #tpu.memory_space<semaphore_mem>>) src(%dma_wait3A_290 : memref<128xi32, #tpu.memory_space<hbm>>) dst(%arg12 : memref<128xi32, #tpu.memory_space<vmem>>)
    %multiple_of3A_291 = arith.constant 9600 : i32
    %multiple_of3A_292 = tpu.assume_multiple %multiple_of3A_291, 128 : i32
    %dma_wait3A_293 = tpu.memref_slice %arg4[%add3A, %multiple_of3A_292] : memref<32x10112xi32, #tpu.memory_space<hbm>> -> memref<1x128xi32, #tpu.memory_space<hbm>>
    %dma_wait3A_294 = tpu.memref_squeeze %dma_wait3A_293 : memref<1x128xi32, #tpu.memory_space<hbm>> -> memref<128xi32, #tpu.memory_space<hbm>>
    %dma_wait3A_295 = tpu.memref_slice %arg4[%add3A, %multiple_of3A_292] : memref<32x10112xi32, #tpu.memory_space<hbm>> -> memref<1x128xi32, #tpu.memory_space<hbm>>
    %dma_wait3A_296 = tpu.memref_squeeze %dma_wait3A_295 : memref<1x128xi32, #tpu.memory_space<hbm>> -> memref<128xi32, #tpu.memory_space<hbm>>
    tpu.wait_dma2 semaphore(%arg25 : memref<!tpu.dma_semaphore, #tpu.memory_space<semaphore_mem>>) src(%dma_wait3A_296 : memref<128xi32, #tpu.memory_space<hbm>>) dst(%arg16 : memref<128xi32, #tpu.memory_space<vmem>>)
    %dma_start3A_297 = arith.constant 0 : i32
    %dma_start3A_298 = arith.constant 0 : i32
    %dma_start3A_299 = tpu.memref_slice %arg2[%dma_start3A_297, %dma_start3A_298] : memref<10000x128xf32, #tpu.memory_space<hbm>> -> memref<10000x128xf32, #tpu.memory_space<hbm>>
    tpu.enqueue_indirect_dma source(%dma_start3A_299 : memref<10000x128xf32, #tpu.memory_space<hbm>>) target(%arg18 : memref<128x128xf32, #tpu.memory_space<vmem>>) offsets(%arg12 : memref<128xi32, #tpu.memory_space<vmem>>) semaphore(%arg27 : memref<!tpu.dma_semaphore, #tpu.memory_space<semaphore_mem>>)
    %dma_wait3A_300 = arith.constant 0 : i32
    %dma_wait3A_301 = arith.constant 0 : i32
    %dma_wait3A_302 = tpu.memref_slice %arg2[%dma_wait3A_300, %dma_wait3A_301] : memref<10000x128xf32, #tpu.memory_space<hbm>> -> memref<10000x128xf32, #tpu.memory_space<hbm>>
    tpu.wait_indirect_dma semaphore(%arg26 : memref<!tpu.dma_semaphore, #tpu.memory_space<semaphore_mem>>) src(%dma_wait3A_302 : memref<10000x128xf32, #tpu.memory_space<hbm>>) dst(%arg17 : memref<128x128xf32, #tpu.memory_space<vmem>>)
    %dma_start3A_303 = arith.constant 0 : i32
    %dma_start3A_304 = arith.constant 0 : i32
    %dma_start3A_305 = tpu.memref_slice %arg20[%dma_start3A_303, %dma_start3A_304] : memref<10240x128xf32, #tpu.memory_space<vmem_shared>> -> memref<10240x128xf32, #tpu.memory_space<vmem_shared>>
    tpu.enqueue_indirect_dma source(%arg17 : memref<128x128xf32, #tpu.memory_space<vmem>>) target(%dma_start3A_305 : memref<10240x128xf32, #tpu.memory_space<vmem_shared>>) offsets(%arg15 : memref<128xi32, #tpu.memory_space<vmem>>) semaphore(%arg28 : memref<!tpu.dma_semaphore, #tpu.memory_space<semaphore_mem>>) {add = true}
    %dma_wait3A_306 = arith.constant 0 : i32
    %dma_wait3A_307 = arith.constant 0 : i32
    %dma_wait3A_308 = tpu.memref_slice %arg20[%dma_wait3A_306, %dma_wait3A_307] : memref<10240x128xf32, #tpu.memory_space<vmem_shared>> -> memref<10240x128xf32, #tpu.memory_space<vmem_shared>>
    tpu.wait_indirect_dma semaphore(%arg28 : memref<!tpu.dma_semaphore, #tpu.memory_space<semaphore_mem>>) src(%arg17 : memref<128x128xf32, #tpu.memory_space<vmem>>) dst(%dma_wait3A_308 : memref<10240x128xf32, #tpu.memory_space<vmem_shared>>)
    %multiple_of3A_309 = arith.constant 9984 : i32
    %multiple_of3A_310 = tpu.assume_multiple %multiple_of3A_309, 128 : i32
    %dma_start3A_311 = tpu.memref_slice %arg3[%add3A, %multiple_of3A_310] : memref<32x10112xi32, #tpu.memory_space<hbm>> -> memref<1x128xi32, #tpu.memory_space<hbm>>
    %dma_start3A_312 = tpu.memref_squeeze %dma_start3A_311 : memref<1x128xi32, #tpu.memory_space<hbm>> -> memref<128xi32, #tpu.memory_space<hbm>>
    %dma_start3A_313 = tpu.memref_slice %arg3[%add3A, %multiple_of3A_310] : memref<32x10112xi32, #tpu.memory_space<hbm>> -> memref<1x128xi32, #tpu.memory_space<hbm>>
    %dma_start3A_314 = tpu.memref_squeeze %dma_start3A_313 : memref<1x128xi32, #tpu.memory_space<hbm>> -> memref<128xi32, #tpu.memory_space<hbm>>
    tpu.enqueue_dma source(%dma_start3A_314 : memref<128xi32, #tpu.memory_space<hbm>>) target(%arg11 : memref<128xi32, #tpu.memory_space<vmem>>) target_semaphore(%arg24 : memref<!tpu.dma_semaphore, #tpu.memory_space<semaphore_mem>>)
    %multiple_of3A_315 = arith.constant 9984 : i32
    %multiple_of3A_316 = tpu.assume_multiple %multiple_of3A_315, 128 : i32
    %dma_start3A_317 = tpu.memref_slice %arg4[%add3A, %multiple_of3A_316] : memref<32x10112xi32, #tpu.memory_space<hbm>> -> memref<1x128xi32, #tpu.memory_space<hbm>>
    %dma_start3A_318 = tpu.memref_squeeze %dma_start3A_317 : memref<1x128xi32, #tpu.memory_space<hbm>> -> memref<128xi32, #tpu.memory_space<hbm>>
    %dma_start3A_319 = tpu.memref_slice %arg4[%add3A, %multiple_of3A_316] : memref<32x10112xi32, #tpu.memory_space<hbm>> -> memref<1x128xi32, #tpu.memory_space<hbm>>
    %dma_start3A_320 = tpu.memref_squeeze %dma_start3A_319 : memref<1x128xi32, #tpu.memory_space<hbm>> -> memref<128xi32, #tpu.memory_space<hbm>>
    tpu.enqueue_dma source(%dma_start3A_320 : memref<128xi32, #tpu.memory_space<hbm>>) target(%arg15 : memref<128xi32, #tpu.memory_space<vmem>>) target_semaphore(%arg24 : memref<!tpu.dma_semaphore, #tpu.memory_space<semaphore_mem>>)
    %multiple_of3A_321 = arith.constant 9728 : i32
    %multiple_of3A_322 = tpu.assume_multiple %multiple_of3A_321, 128 : i32
    %dma_wait3A_323 = tpu.memref_slice %arg3[%add3A, %multiple_of3A_322] : memref<32x10112xi32, #tpu.memory_space<hbm>> -> memref<1x128xi32, #tpu.memory_space<hbm>>
    %dma_wait3A_324 = tpu.memref_squeeze %dma_wait3A_323 : memref<1x128xi32, #tpu.memory_space<hbm>> -> memref<128xi32, #tpu.memory_space<hbm>>
    %dma_wait3A_325 = tpu.memref_slice %arg3[%add3A, %multiple_of3A_322] : memref<32x10112xi32, #tpu.memory_space<hbm>> -> memref<1x128xi32, #tpu.memory_space<hbm>>
    %dma_wait3A_326 = tpu.memref_squeeze %dma_wait3A_325 : memref<1x128xi32, #tpu.memory_space<hbm>> -> memref<128xi32, #tpu.memory_space<hbm>>
    tpu.wait_dma2 semaphore(%arg22 : memref<!tpu.dma_semaphore, #tpu.memory_space<semaphore_mem>>) src(%dma_wait3A_326 : memref<128xi32, #tpu.memory_space<hbm>>) dst(%arg9 : memref<128xi32, #tpu.memory_space<vmem>>)
    %multiple_of3A_327 = arith.constant 9728 : i32
    %multiple_of3A_328 = tpu.assume_multiple %multiple_of3A_327, 128 : i32
    %dma_wait3A_329 = tpu.memref_slice %arg4[%add3A, %multiple_of3A_328] : memref<32x10112xi32, #tpu.memory_space<hbm>> -> memref<1x128xi32, #tpu.memory_space<hbm>>
    %dma_wait3A_330 = tpu.memref_squeeze %dma_wait3A_329 : memref<1x128xi32, #tpu.memory_space<hbm>> -> memref<128xi32, #tpu.memory_space<hbm>>
    %dma_wait3A_331 = tpu.memref_slice %arg4[%add3A, %multiple_of3A_328] : memref<32x10112xi32, #tpu.memory_space<hbm>> -> memref<1x128xi32, #tpu.memory_space<hbm>>
    %dma_wait3A_332 = tpu.memref_squeeze %dma_wait3A_331 : memref<1x128xi32, #tpu.memory_space<hbm>> -> memref<128xi32, #tpu.memory_space<hbm>>
    tpu.wait_dma2 semaphore(%arg22 : memref<!tpu.dma_semaphore, #tpu.memory_space<semaphore_mem>>) src(%dma_wait3A_332 : memref<128xi32, #tpu.memory_space<hbm>>) dst(%arg13 : memref<128xi32, #tpu.memory_space<vmem>>)
    %dma_start3A_333 = arith.constant 0 : i32
    %dma_start3A_334 = arith.constant 0 : i32
    %dma_start3A_335 = tpu.memref_slice %arg2[%dma_start3A_333, %dma_start3A_334] : memref<10000x128xf32, #tpu.memory_space<hbm>> -> memref<10000x128xf32, #tpu.memory_space<hbm>>
    tpu.enqueue_indirect_dma source(%dma_start3A_335 : memref<10000x128xf32, #tpu.memory_space<hbm>>) target(%arg17 : memref<128x128xf32, #tpu.memory_space<vmem>>) offsets(%arg9 : memref<128xi32, #tpu.memory_space<vmem>>) semaphore(%arg26 : memref<!tpu.dma_semaphore, #tpu.memory_space<semaphore_mem>>)
    %dma_wait3A_336 = arith.constant 0 : i32
    %dma_wait3A_337 = arith.constant 0 : i32
    %dma_wait3A_338 = tpu.memref_slice %arg2[%dma_wait3A_336, %dma_wait3A_337] : memref<10000x128xf32, #tpu.memory_space<hbm>> -> memref<10000x128xf32, #tpu.memory_space<hbm>>
    tpu.wait_indirect_dma semaphore(%arg27 : memref<!tpu.dma_semaphore, #tpu.memory_space<semaphore_mem>>) src(%dma_wait3A_338 : memref<10000x128xf32, #tpu.memory_space<hbm>>) dst(%arg18 : memref<128x128xf32, #tpu.memory_space<vmem>>)
    %dma_start3A_339 = arith.constant 0 : i32
    %dma_start3A_340 = arith.constant 0 : i32
    %dma_start3A_341 = tpu.memref_slice %arg20[%dma_start3A_339, %dma_start3A_340] : memref<10240x128xf32, #tpu.memory_space<vmem_shared>> -> memref<10240x128xf32, #tpu.memory_space<vmem_shared>>
    tpu.enqueue_indirect_dma source(%arg18 : memref<128x128xf32, #tpu.memory_space<vmem>>) target(%dma_start3A_341 : memref<10240x128xf32, #tpu.memory_space<vmem_shared>>) offsets(%arg16 : memref<128xi32, #tpu.memory_space<vmem>>) semaphore(%arg29 : memref<!tpu.dma_semaphore, #tpu.memory_space<semaphore_mem>>) {add = true}
    %dma_wait3A_342 = arith.constant 0 : i32
    %dma_wait3A_343 = arith.constant 0 : i32
    %dma_wait3A_344 = tpu.memref_slice %arg20[%dma_wait3A_342, %dma_wait3A_343] : memref<10240x128xf32, #tpu.memory_space<vmem_shared>> -> memref<10240x128xf32, #tpu.memory_space<vmem_shared>>
    tpu.wait_indirect_dma semaphore(%arg29 : memref<!tpu.dma_semaphore, #tpu.memory_space<semaphore_mem>>) src(%arg18 : memref<128x128xf32, #tpu.memory_space<vmem>>) dst(%dma_wait3A_344 : memref<10240x128xf32, #tpu.memory_space<vmem_shared>>)
    %multiple_of3A_345 = arith.constant 9856 : i32
    %multiple_of3A_346 = tpu.assume_multiple %multiple_of3A_345, 128 : i32
    %dma_wait3A_347 = tpu.memref_slice %arg3[%add3A, %multiple_of3A_346] : memref<32x10112xi32, #tpu.memory_space<hbm>> -> memref<1x128xi32, #tpu.memory_space<hbm>>
    %dma_wait3A_348 = tpu.memref_squeeze %dma_wait3A_347 : memref<1x128xi32, #tpu.memory_space<hbm>> -> memref<128xi32, #tpu.memory_space<hbm>>
    %dma_wait3A_349 = tpu.memref_slice %arg3[%add3A, %multiple_of3A_346] : memref<32x10112xi32, #tpu.memory_space<hbm>> -> memref<1x128xi32, #tpu.memory_space<hbm>>
    %dma_wait3A_350 = tpu.memref_squeeze %dma_wait3A_349 : memref<1x128xi32, #tpu.memory_space<hbm>> -> memref<128xi32, #tpu.memory_space<hbm>>
    tpu.wait_dma2 semaphore(%arg23 : memref<!tpu.dma_semaphore, #tpu.memory_space<semaphore_mem>>) src(%dma_wait3A_350 : memref<128xi32, #tpu.memory_space<hbm>>) dst(%arg10 : memref<128xi32, #tpu.memory_space<vmem>>)
    %multiple_of3A_351 = arith.constant 9856 : i32
    %multiple_of3A_352 = tpu.assume_multiple %multiple_of3A_351, 128 : i32
    %dma_wait3A_353 = tpu.memref_slice %arg4[%add3A, %multiple_of3A_352] : memref<32x10112xi32, #tpu.memory_space<hbm>> -> memref<1x128xi32, #tpu.memory_space<hbm>>
    %dma_wait3A_354 = tpu.memref_squeeze %dma_wait3A_353 : memref<1x128xi32, #tpu.memory_space<hbm>> -> memref<128xi32, #tpu.memory_space<hbm>>
    %dma_wait3A_355 = tpu.memref_slice %arg4[%add3A, %multiple_of3A_352] : memref<32x10112xi32, #tpu.memory_space<hbm>> -> memref<1x128xi32, #tpu.memory_space<hbm>>
    %dma_wait3A_356 = tpu.memref_squeeze %dma_wait3A_355 : memref<1x128xi32, #tpu.memory_space<hbm>> -> memref<128xi32, #tpu.memory_space<hbm>>
    tpu.wait_dma2 semaphore(%arg23 : memref<!tpu.dma_semaphore, #tpu.memory_space<semaphore_mem>>) src(%dma_wait3A_356 : memref<128xi32, #tpu.memory_space<hbm>>) dst(%arg14 : memref<128xi32, #tpu.memory_space<vmem>>)
    %dma_start3A_357 = arith.constant 0 : i32
    %dma_start3A_358 = arith.constant 0 : i32
    %dma_start3A_359 = tpu.memref_slice %arg2[%dma_start3A_357, %dma_start3A_358] : memref<10000x128xf32, #tpu.memory_space<hbm>> -> memref<10000x128xf32, #tpu.memory_space<hbm>>
    tpu.enqueue_indirect_dma source(%dma_start3A_359 : memref<10000x128xf32, #tpu.memory_space<hbm>>) target(%arg18 : memref<128x128xf32, #tpu.memory_space<vmem>>) offsets(%arg10 : memref<128xi32, #tpu.memory_space<vmem>>) semaphore(%arg27 : memref<!tpu.dma_semaphore, #tpu.memory_space<semaphore_mem>>)
    %dma_wait3A_360 = arith.constant 0 : i32
    %dma_wait3A_361 = arith.constant 0 : i32
    %dma_wait3A_362 = tpu.memref_slice %arg2[%dma_wait3A_360, %dma_wait3A_361] : memref<10000x128xf32, #tpu.memory_space<hbm>> -> memref<10000x128xf32, #tpu.memory_space<hbm>>
    tpu.wait_indirect_dma semaphore(%arg26 : memref<!tpu.dma_semaphore, #tpu.memory_space<semaphore_mem>>) src(%dma_wait3A_362 : memref<10000x128xf32, #tpu.memory_space<hbm>>) dst(%arg17 : memref<128x128xf32, #tpu.memory_space<vmem>>)
    %dma_start3A_363 = arith.constant 0 : i32
    %dma_start3A_364 = arith.constant 0 : i32
    %dma_start3A_365 = tpu.memref_slice %arg20[%dma_start3A_363, %dma_start3A_364] : memref<10240x128xf32, #tpu.memory_space<vmem_shared>> -> memref<10240x128xf32, #tpu.memory_space<vmem_shared>>
    tpu.enqueue_indirect_dma source(%arg17 : memref<128x128xf32, #tpu.memory_space<vmem>>) target(%dma_start3A_365 : memref<10240x128xf32, #tpu.memory_space<vmem_shared>>) offsets(%arg13 : memref<128xi32, #tpu.memory_space<vmem>>) semaphore(%arg28 : memref<!tpu.dma_semaphore, #tpu.memory_space<semaphore_mem>>) {add = true}
    %dma_wait3A_366 = arith.constant 0 : i32
    %dma_wait3A_367 = arith.constant 0 : i32
    %dma_wait3A_368 = tpu.memref_slice %arg20[%dma_wait3A_366, %dma_wait3A_367] : memref<10240x128xf32, #tpu.memory_space<vmem_shared>> -> memref<10240x128xf32, #tpu.memory_space<vmem_shared>>
    tpu.wait_indirect_dma semaphore(%arg28 : memref<!tpu.dma_semaphore, #tpu.memory_space<semaphore_mem>>) src(%arg17 : memref<128x128xf32, #tpu.memory_space<vmem>>) dst(%dma_wait3A_368 : memref<10240x128xf32, #tpu.memory_space<vmem_shared>>)
    %multiple_of3A_369 = arith.constant 9984 : i32
    %multiple_of3A_370 = tpu.assume_multiple %multiple_of3A_369, 128 : i32
    %dma_wait3A_371 = tpu.memref_slice %arg3[%add3A, %multiple_of3A_370] : memref<32x10112xi32, #tpu.memory_space<hbm>> -> memref<1x128xi32, #tpu.memory_space<hbm>>
    %dma_wait3A_372 = tpu.memref_squeeze %dma_wait3A_371 : memref<1x128xi32, #tpu.memory_space<hbm>> -> memref<128xi32, #tpu.memory_space<hbm>>
    %dma_wait3A_373 = tpu.memref_slice %arg3[%add3A, %multiple_of3A_370] : memref<32x10112xi32, #tpu.memory_space<hbm>> -> memref<1x128xi32, #tpu.memory_space<hbm>>
    %dma_wait3A_374 = tpu.memref_squeeze %dma_wait3A_373 : memref<1x128xi32, #tpu.memory_space<hbm>> -> memref<128xi32, #tpu.memory_space<hbm>>
    tpu.wait_dma2 semaphore(%arg24 : memref<!tpu.dma_semaphore, #tpu.memory_space<semaphore_mem>>) src(%dma_wait3A_374 : memref<128xi32, #tpu.memory_space<hbm>>) dst(%arg11 : memref<128xi32, #tpu.memory_space<vmem>>)
    %multiple_of3A_375 = arith.constant 9984 : i32
    %multiple_of3A_376 = tpu.assume_multiple %multiple_of3A_375, 128 : i32
    %dma_wait3A_377 = tpu.memref_slice %arg4[%add3A, %multiple_of3A_376] : memref<32x10112xi32, #tpu.memory_space<hbm>> -> memref<1x128xi32, #tpu.memory_space<hbm>>
    %dma_wait3A_378 = tpu.memref_squeeze %dma_wait3A_377 : memref<1x128xi32, #tpu.memory_space<hbm>> -> memref<128xi32, #tpu.memory_space<hbm>>
    %dma_wait3A_379 = tpu.memref_slice %arg4[%add3A, %multiple_of3A_376] : memref<32x10112xi32, #tpu.memory_space<hbm>> -> memref<1x128xi32, #tpu.memory_space<hbm>>
    %dma_wait3A_380 = tpu.memref_squeeze %dma_wait3A_379 : memref<1x128xi32, #tpu.memory_space<hbm>> -> memref<128xi32, #tpu.memory_space<hbm>>
    tpu.wait_dma2 semaphore(%arg24 : memref<!tpu.dma_semaphore, #tpu.memory_space<semaphore_mem>>) src(%dma_wait3A_380 : memref<128xi32, #tpu.memory_space<hbm>>) dst(%arg15 : memref<128xi32, #tpu.memory_space<vmem>>)
    %dma_start3A_381 = arith.constant 0 : i32
    %dma_start3A_382 = arith.constant 0 : i32
    %dma_start3A_383 = tpu.memref_slice %arg2[%dma_start3A_381, %dma_start3A_382] : memref<10000x128xf32, #tpu.memory_space<hbm>> -> memref<10000x128xf32, #tpu.memory_space<hbm>>
    tpu.enqueue_indirect_dma source(%dma_start3A_383 : memref<10000x128xf32, #tpu.memory_space<hbm>>) target(%arg17 : memref<128x128xf32, #tpu.memory_space<vmem>>) offsets(%arg11 : memref<128xi32, #tpu.memory_space<vmem>>) semaphore(%arg26 : memref<!tpu.dma_semaphore, #tpu.memory_space<semaphore_mem>>)
    %dma_wait3A_384 = arith.constant 0 : i32
    %dma_wait3A_385 = arith.constant 0 : i32
    %dma_wait3A_386 = tpu.memref_slice %arg2[%dma_wait3A_384, %dma_wait3A_385] : memref<10000x128xf32, #tpu.memory_space<hbm>> -> memref<10000x128xf32, #tpu.memory_space<hbm>>
    tpu.wait_indirect_dma semaphore(%arg27 : memref<!tpu.dma_semaphore, #tpu.memory_space<semaphore_mem>>) src(%dma_wait3A_386 : memref<10000x128xf32, #tpu.memory_space<hbm>>) dst(%arg18 : memref<128x128xf32, #tpu.memory_space<vmem>>)
    %dma_start3A_387 = arith.constant 0 : i32
    %dma_start3A_388 = arith.constant 0 : i32
    %dma_start3A_389 = tpu.memref_slice %arg20[%dma_start3A_387, %dma_start3A_388] : memref<10240x128xf32, #tpu.memory_space<vmem_shared>> -> memref<10240x128xf32, #tpu.memory_space<vmem_shared>>
    tpu.enqueue_indirect_dma source(%arg18 : memref<128x128xf32, #tpu.memory_space<vmem>>) target(%dma_start3A_389 : memref<10240x128xf32, #tpu.memory_space<vmem_shared>>) offsets(%arg14 : memref<128xi32, #tpu.memory_space<vmem>>) semaphore(%arg29 : memref<!tpu.dma_semaphore, #tpu.memory_space<semaphore_mem>>) {add = true}
    %dma_wait3A_390 = arith.constant 0 : i32
    %dma_wait3A_391 = arith.constant 0 : i32
    %dma_wait3A_392 = tpu.memref_slice %arg20[%dma_wait3A_390, %dma_wait3A_391] : memref<10240x128xf32, #tpu.memory_space<vmem_shared>> -> memref<10240x128xf32, #tpu.memory_space<vmem_shared>>
    tpu.wait_indirect_dma semaphore(%arg29 : memref<!tpu.dma_semaphore, #tpu.memory_space<semaphore_mem>>) src(%arg18 : memref<128x128xf32, #tpu.memory_space<vmem>>) dst(%dma_wait3A_392 : memref<10240x128xf32, #tpu.memory_space<vmem_shared>>)
    %dma_wait3A_393 = arith.constant 0 : i32
    %dma_wait3A_394 = arith.constant 0 : i32
    %dma_wait3A_395 = tpu.memref_slice %arg2[%dma_wait3A_393, %dma_wait3A_394] : memref<10000x128xf32, #tpu.memory_space<hbm>> -> memref<10000x128xf32, #tpu.memory_space<hbm>>
    tpu.wait_indirect_dma semaphore(%arg26 : memref<!tpu.dma_semaphore, #tpu.memory_space<semaphore_mem>>) src(%dma_wait3A_395 : memref<10000x128xf32, #tpu.memory_space<hbm>>) dst(%arg17 : memref<128x128xf32, #tpu.memory_space<vmem>>)
    %dma_start3A_396 = arith.constant 0 : i32
    %dma_start3A_397 = arith.constant 0 : i32
    %dma_start3A_398 = tpu.memref_slice %arg20[%dma_start3A_396, %dma_start3A_397] : memref<10240x128xf32, #tpu.memory_space<vmem_shared>> -> memref<10240x128xf32, #tpu.memory_space<vmem_shared>>
    tpu.enqueue_indirect_dma source(%arg17 : memref<128x128xf32, #tpu.memory_space<vmem>>) target(%dma_start3A_398 : memref<10240x128xf32, #tpu.memory_space<vmem_shared>>) offsets(%arg15 : memref<128xi32, #tpu.memory_space<vmem>>) semaphore(%arg28 : memref<!tpu.dma_semaphore, #tpu.memory_space<semaphore_mem>>) {add = true}
    %dma_wait3A_399 = arith.constant 0 : i32
    %dma_wait3A_400 = arith.constant 0 : i32
    %dma_wait3A_401 = tpu.memref_slice %arg20[%dma_wait3A_399, %dma_wait3A_400] : memref<10240x128xf32, #tpu.memory_space<vmem_shared>> -> memref<10240x128xf32, #tpu.memory_space<vmem_shared>>
    tpu.wait_indirect_dma semaphore(%arg28 : memref<!tpu.dma_semaphore, #tpu.memory_space<semaphore_mem>>) src(%arg17 : memref<128x128xf32, #tpu.memory_space<vmem>>) dst(%dma_wait3A_401 : memref<10240x128xf32, #tpu.memory_space<vmem_shared>>)
    %barrier3A_402 = arith.constant 0 : index
    tpu.barrier barrier_id(%barrier3A_402)
    "tpu.region"() ({
      %run_scoped3A = tpu.sem_alloc : memref<!tpu.dma_semaphore, #tpu.memory_space<semaphore_mem>>
      %dma_start3A_403 = arith.constant 0 : i32
      %dma_start3A_404 = tpu.memref_slice %arg8[%arg0, %multiple_of3A, %dma_start3A_403] : memref<2x10240x128xf32, #tpu.memory_space<hbm>> -> memref<1x640x128xf32, #tpu.memory_space<hbm>>
      %dma_start3A_405 = tpu.memref_squeeze %dma_start3A_404 : memref<1x640x128xf32, #tpu.memory_space<hbm>> -> memref<640x128xf32, #tpu.memory_space<hbm>>
      %dma_start3A_406 = arith.constant 0 : i32
      %dma_start3A_407 = tpu.memref_slice %arg20[%multiple_of3A, %dma_start3A_406] : memref<10240x128xf32, #tpu.memory_space<vmem_shared>> -> memref<640x128xf32, #tpu.memory_space<vmem_shared>>
      tpu.enqueue_dma source(%dma_start3A_407 : memref<640x128xf32, #tpu.memory_space<vmem_shared>>) target(%dma_start3A_405 : memref<640x128xf32, #tpu.memory_space<hbm>>) target_semaphore(%run_scoped3A : memref<!tpu.dma_semaphore, #tpu.memory_space<semaphore_mem>>)
      %dma_wait3A_408 = arith.constant 0 : i32
      %dma_wait3A_409 = tpu.memref_slice %arg8[%arg0, %multiple_of3A, %dma_wait3A_408] : memref<2x10240x128xf32, #tpu.memory_space<hbm>> -> memref<1x640x128xf32, #tpu.memory_space<hbm>>
      %dma_wait3A_410 = tpu.memref_squeeze %dma_wait3A_409 : memref<1x640x128xf32, #tpu.memory_space<hbm>> -> memref<640x128xf32, #tpu.memory_space<hbm>>
      %dma_wait3A_411 = arith.constant 0 : i32
      %dma_wait3A_412 = tpu.memref_slice %arg20[%multiple_of3A, %dma_wait3A_411] : memref<10240x128xf32, #tpu.memory_space<vmem_shared>> -> memref<640x128xf32, #tpu.memory_space<vmem_shared>>
      tpu.wait_dma2 semaphore(%run_scoped3A : memref<!tpu.dma_semaphore, #tpu.memory_space<semaphore_mem>>) src(%dma_wait3A_412 : memref<640x128xf32, #tpu.memory_space<vmem_shared>>) dst(%dma_wait3A_410 : memref<640x128xf32, #tpu.memory_space<hbm>>)
      tpu.yield
    }) : () -> ()
    return
  }
}

module attributes {stable_mosaic.version = 14 : i64} {
  func.func @_tc_self_body(%arg0: i32, %arg1: memref<1000x128xf32, #tpu.memory_space<vmem>>, %arg2: memref<128x128xf32, #tpu.memory_space<vmem>>, %arg3: memref<1x128xf32, #tpu.memory_space<vmem>>, %arg4: memref<1000x128xf32, #tpu.memory_space<vmem>>) attributes {dimension_semantics = [#tpu.dimension_semantics<arbitrary>], iteration_bounds = array<i64: 10>, scalar_prefetch = 0 : i64, scratch_operands = 0 : i64, tpu.core_type = #tpu.core_type<tc>, window_params = [{transform_indices = @transform_0, window_bounds = array<i64: 1000, 128>}, {pipeline_mode = #tpu.pipeline_mode<synchronous>, transform_indices = @transform_1, window_bounds = array<i64: 128, 128>}, {pipeline_mode = #tpu.pipeline_mode<synchronous>, transform_indices = @transform_2, window_bounds = array<i64: 1, 128>}, {transform_indices = @transform_3, window_bounds = array<i64: 1000, 128>}]} {
    %get3A = arith.constant 0 : index
    %get3A_0 = arith.constant 0 : index
    %get3A_1 = vector.load %arg1[%get3A, %get3A_0] : memref<1000x128xf32, #tpu.memory_space<vmem>>, vector<1000x128xf32>
    %get3A_2 = arith.constant 0 : index
    %get3A_3 = arith.constant 0 : index
    %get3A_4 = vector.load %arg2[%get3A_2, %get3A_3] : memref<128x128xf32, #tpu.memory_space<vmem>>, vector<128x128xf32>
    %dot_general3A = arith.constant dense<0.000000e+00> : vector<1000x128xf32>
    %dot_general3A_5 = tpu.matmul %get3A_1, %get3A_4, %dot_general3A {dimension_numbers = #tpu.dot_dimension_numbers<[1], [0], [0], [1], [0, 0, 1, 1], [], []>, transpose_lhs_hint = false} : vector<1000x128xf32>, vector<128x128xf32>, vector<1000x128xf32> -> vector<1000x128xf32>
    %get3A_6 = arith.constant 0 : index
    %get3A_7 = arith.constant 0 : index
    %get3A_8 = vector.load %arg3[%get3A_6, %get3A_7] : memref<1x128xf32, #tpu.memory_space<vmem>>, vector<1x128xf32>
    %add3A = vector.broadcast %get3A_8 : vector<1x128xf32> to vector<1000x128xf32>
    %add3A_9 = arith.addf %dot_general3A_5, %add3A : vector<1000x128xf32>
    %swap3A = arith.constant 0 : index
    %swap3A_10 = arith.constant 0 : index
    %swap3A_11 = vector.load %arg4[%swap3A, %swap3A_10] : memref<1000x128xf32, #tpu.memory_space<vmem>>, vector<1000x128xf32>
    tpu.vector_store %arg4[%swap3A, %swap3A_10], %add3A_9 {strides = array<i32>} : memref<1000x128xf32, #tpu.memory_space<vmem>>, vector<1000x128xf32>,
    return
  }
  func.func @transform_0(%arg0: i32) -> (i32, i32) {
    %c0_i32 = arith.constant 0 : i32
    %c0_i32_0 = arith.constant 0 : i32
    return %arg0, %c0_i32 : i32, i32
  }
  func.func @transform_1(%arg0: i32) -> (i32, i32) {
    %c0_i32 = arith.constant 0 : i32
    %c0_i32_0 = arith.constant 0 : i32
    %c0_i32_1 = arith.constant 0 : i32
    return %c0_i32, %c0_i32_0 : i32, i32
  }
  func.func @transform_2(%arg0: i32) -> (i32, i32) {
    %c0_i32 = arith.constant 0 : i32
    %c0_i32_0 = arith.constant 0 : i32
    %c0_i32_1 = arith.constant 0 : i32
    return %c0_i32, %c0_i32_0 : i32, i32
  }
  func.func @transform_3(%arg0: i32) -> (i32, i32) {
    %c0_i32 = arith.constant 0 : i32
    %c0_i32_0 = arith.constant 0 : i32
    return %arg0, %c0_i32 : i32, i32
  }
}

module attributes {stable_mosaic.version = 14 : i64} {
  func.func @_tc_mean_body(%arg0: i32, %arg1: memref<1000x128xf32, #tpu.memory_space<vmem>>, %arg2: memref<2x1000x128xf32, #tpu.memory_space<vmem>>, %arg3: memref<2x1000x1xf32, #tpu.memory_space<vmem>>, %arg4: memref<128x128xf32, #tpu.memory_space<vmem>>, %arg5: memref<1000x128xf32, #tpu.memory_space<vmem>>) attributes {dimension_semantics = [#tpu.dimension_semantics<arbitrary>], iteration_bounds = array<i64: 10>, scalar_prefetch = 0 : i64, scratch_operands = 0 : i64, tpu.core_type = #tpu.core_type<tc>, window_params = [{transform_indices = @transform_0, window_bounds = array<i64: 1000, 128>}, {transform_indices = @transform_1, window_bounds = array<i64: 2, 1000, 128>}, {transform_indices = @transform_2, window_bounds = array<i64: 2, 1000, 1>}, {pipeline_mode = #tpu.pipeline_mode<synchronous>, transform_indices = @transform_3, window_bounds = array<i64: 128, 128>}, {transform_indices = @transform_4, window_bounds = array<i64: 1000, 128>}]} {
    %get3A = arith.constant 0 : index
    %get3A_0 = arith.constant 0 : index
    %get3A_1 = arith.constant 0 : index
    %get3A_2 = vector.load %arg3[%get3A, %get3A_0, %get3A_1] : memref<2x1000x1xf32, #tpu.memory_space<vmem>>, vector<1x1000x1xf32>
    %get3A_3 = vector.shape_cast %get3A_2 : vector<1x1000x1xf32> to vector<1000x1xf32>
    %get3A_4 = arith.constant 1 : index
    %get3A_5 = arith.constant 0 : index
    %get3A_6 = arith.constant 0 : index
    %get3A_7 = vector.load %arg3[%get3A_4, %get3A_5, %get3A_6] : memref<2x1000x1xf32, #tpu.memory_space<vmem>>, vector<1x1000x1xf32>
    %get3A_8 = vector.shape_cast %get3A_7 : vector<1x1000x1xf32> to vector<1000x1xf32>
    %add3A = arith.addf %get3A_3, %get3A_8 : vector<1000x1xf32>
    %max3A = arith.constant 1.000000e+00 : f32
    %max3A_9 = vector.broadcast %max3A : f32 to vector<1000x1xf32>
    %max3A_10 = arith.maximumf %add3A, %max3A_9 : vector<1000x1xf32>
    %div3A = arith.constant 1.000000e+00 : f32
    %div3A_11 = vector.broadcast %div3A : f32 to vector<1000x1xf32>
    %div3A_12 = arith.divf %div3A_11, %max3A_10 : vector<1000x1xf32>
    %get3A_13 = arith.constant 0 : index
    %get3A_14 = arith.constant 0 : index
    %get3A_15 = arith.constant 0 : index
    %get3A_16 = vector.load %arg2[%get3A_13, %get3A_14, %get3A_15] : memref<2x1000x128xf32, #tpu.memory_space<vmem>>, vector<1x1000x128xf32>
    %get3A_17 = vector.shape_cast %get3A_16 : vector<1x1000x128xf32> to vector<1000x128xf32>
    %get3A_18 = arith.constant 1 : index
    %get3A_19 = arith.constant 0 : index
    %get3A_20 = arith.constant 0 : index
    %get3A_21 = vector.load %arg2[%get3A_18, %get3A_19, %get3A_20] : memref<2x1000x128xf32, #tpu.memory_space<vmem>>, vector<1x1000x128xf32>
    %get3A_22 = vector.shape_cast %get3A_21 : vector<1x1000x128xf32> to vector<1000x128xf32>
    %add3A_23 = arith.addf %get3A_17, %get3A_22 : vector<1000x128xf32>
    %mul3A = vector.broadcast %div3A_12 : vector<1000x1xf32> to vector<1000x128xf32>
    %mul3A_24 = arith.mulf %add3A_23, %mul3A : vector<1000x128xf32>
    %get3A_25 = arith.constant 0 : index
    %get3A_26 = arith.constant 0 : index
    %get3A_27 = vector.load %arg1[%get3A_25, %get3A_26] : memref<1000x128xf32, #tpu.memory_space<vmem>>, vector<1000x128xf32>
    %get3A_28 = arith.constant 0 : index
    %get3A_29 = arith.constant 0 : index
    %get3A_30 = vector.load %arg4[%get3A_28, %get3A_29] : memref<128x128xf32, #tpu.memory_space<vmem>>, vector<128x128xf32>
    %dot_general3A = arith.constant dense<0.000000e+00> : vector<1000x128xf32>
    %dot_general3A_31 = tpu.matmul %mul3A_24, %get3A_30, %dot_general3A {dimension_numbers = #tpu.dot_dimension_numbers<[1], [0], [0], [1], [0, 0, 1, 1], [], []>, transpose_lhs_hint = false} : vector<1000x128xf32>, vector<128x128xf32>, vector<1000x128xf32> -> vector<1000x128xf32>
    %add3A_32 = arith.addf %get3A_27, %dot_general3A_31 : vector<1000x128xf32>
    %max3A_33 = arith.constant 0.000000e+00 : f32
    %max3A_34 = vector.broadcast %max3A_33 : f32 to vector<1000x128xf32>
    %max3A_35 = arith.maximumf %add3A_32, %max3A_34 : vector<1000x128xf32>
    %swap3A = arith.constant 0 : index
    %swap3A_36 = arith.constant 0 : index
    %swap3A_37 = vector.load %arg5[%swap3A, %swap3A_36] : memref<1000x128xf32, #tpu.memory_space<vmem>>, vector<1000x128xf32>
    tpu.vector_store %arg5[%swap3A, %swap3A_36], %max3A_35 {strides = array<i32>} : memref<1000x128xf32, #tpu.memory_space<vmem>>, vector<1000x128xf32>,
    return
  }
  func.func @transform_0(%arg0: i32) -> (i32, i32) {
    %c0_i32 = arith.constant 0 : i32
    %c0_i32_0 = arith.constant 0 : i32
    return %arg0, %c0_i32 : i32, i32
  }
  func.func @transform_1(%arg0: i32) -> (i32, i32, i32) {
    %c0_i32 = arith.constant 0 : i32
    %c0_i32_0 = arith.constant 0 : i32
    %c0_i32_1 = arith.constant 0 : i32
    return %c0_i32, %arg0, %c0_i32_0 : i32, i32, i32
  }
  func.func @transform_2(%arg0: i32) -> (i32, i32, i32) {
    %c0_i32 = arith.constant 0 : i32
    %c0_i32_0 = arith.constant 0 : i32
    %c0_i32_1 = arith.constant 0 : i32
    return %c0_i32, %arg0, %c0_i32_0 : i32, i32, i32
  }
  func.func @transform_3(%arg0: i32) -> (i32, i32) {
    %c0_i32 = arith.constant 0 : i32
    %c0_i32_0 = arith.constant 0 : i32
    %c0_i32_1 = arith.constant 0 : i32
    return %c0_i32, %c0_i32_0 : i32, i32
  }
  func.func @transform_4(%arg0: i32) -> (i32, i32) {
    %c0_i32 = arith.constant 0 : i32
    %c0_i32_0 = arith.constant 0 : i32
    return %arg0, %c0_i32 : i32, i32
  }
}

module attributes {stable_mosaic.version = 14 : i64} {
  func.func @_tc_mean_body(%arg0: i32, %arg1: memref<1000x128xf32, #tpu.memory_space<vmem>>, %arg2: memref<2x1000x128xf32, #tpu.memory_space<vmem>>, %arg3: memref<2x1000x1xf32, #tpu.memory_space<vmem>>, %arg4: memref<128x128xf32, #tpu.memory_space<vmem>>, %arg5: memref<1000x128xf32, #tpu.memory_space<vmem>>) attributes {dimension_semantics = [#tpu.dimension_semantics<arbitrary>], iteration_bounds = array<i64: 10>, scalar_prefetch = 0 : i64, scratch_operands = 0 : i64, tpu.core_type = #tpu.core_type<tc>, window_params = [{transform_indices = @transform_0, window_bounds = array<i64: 1000, 128>}, {transform_indices = @transform_1, window_bounds = array<i64: 2, 1000, 128>}, {transform_indices = @transform_2, window_bounds = array<i64: 2, 1000, 1>}, {pipeline_mode = #tpu.pipeline_mode<synchronous>, transform_indices = @transform_3, window_bounds = array<i64: 128, 128>}, {transform_indices = @transform_4, window_bounds = array<i64: 1000, 128>}]} {
    %get3A = arith.constant 0 : index
    %get3A_0 = arith.constant 0 : index
    %get3A_1 = arith.constant 0 : index
    %get3A_2 = vector.load %arg3[%get3A, %get3A_0, %get3A_1] : memref<2x1000x1xf32, #tpu.memory_space<vmem>>, vector<1x1000x1xf32>
    %get3A_3 = vector.shape_cast %get3A_2 : vector<1x1000x1xf32> to vector<1000x1xf32>
    %get3A_4 = arith.constant 1 : index
    %get3A_5 = arith.constant 0 : index
    %get3A_6 = arith.constant 0 : index
    %get3A_7 = vector.load %arg3[%get3A_4, %get3A_5, %get3A_6] : memref<2x1000x1xf32, #tpu.memory_space<vmem>>, vector<1x1000x1xf32>
    %get3A_8 = vector.shape_cast %get3A_7 : vector<1x1000x1xf32> to vector<1000x1xf32>
    %add3A = arith.addf %get3A_3, %get3A_8 : vector<1000x1xf32>
    %max3A = arith.constant 1.000000e+00 : f32
    %max3A_9 = vector.broadcast %max3A : f32 to vector<1000x1xf32>
    %max3A_10 = arith.maximumf %add3A, %max3A_9 : vector<1000x1xf32>
    %div3A = arith.constant 1.000000e+00 : f32
    %div3A_11 = vector.broadcast %div3A : f32 to vector<1000x1xf32>
    %div3A_12 = arith.divf %div3A_11, %max3A_10 : vector<1000x1xf32>
    %get3A_13 = arith.constant 0 : index
    %get3A_14 = arith.constant 0 : index
    %get3A_15 = arith.constant 0 : index
    %get3A_16 = vector.load %arg2[%get3A_13, %get3A_14, %get3A_15] : memref<2x1000x128xf32, #tpu.memory_space<vmem>>, vector<1x1000x128xf32>
    %get3A_17 = vector.shape_cast %get3A_16 : vector<1x1000x128xf32> to vector<1000x128xf32>
    %get3A_18 = arith.constant 1 : index
    %get3A_19 = arith.constant 0 : index
    %get3A_20 = arith.constant 0 : index
    %get3A_21 = vector.load %arg2[%get3A_18, %get3A_19, %get3A_20] : memref<2x1000x128xf32, #tpu.memory_space<vmem>>, vector<1x1000x128xf32>
    %get3A_22 = vector.shape_cast %get3A_21 : vector<1x1000x128xf32> to vector<1000x128xf32>
    %add3A_23 = arith.addf %get3A_17, %get3A_22 : vector<1000x128xf32>
    %mul3A = vector.broadcast %div3A_12 : vector<1000x1xf32> to vector<1000x128xf32>
    %mul3A_24 = arith.mulf %add3A_23, %mul3A : vector<1000x128xf32>
    %get3A_25 = arith.constant 0 : index
    %get3A_26 = arith.constant 0 : index
    %get3A_27 = vector.load %arg1[%get3A_25, %get3A_26] : memref<1000x128xf32, #tpu.memory_space<vmem>>, vector<1000x128xf32>
    %get3A_28 = arith.constant 0 : index
    %get3A_29 = arith.constant 0 : index
    %get3A_30 = vector.load %arg4[%get3A_28, %get3A_29] : memref<128x128xf32, #tpu.memory_space<vmem>>, vector<128x128xf32>
    %dot_general3A = arith.constant dense<0.000000e+00> : vector<1000x128xf32>
    %dot_general3A_31 = tpu.matmul %mul3A_24, %get3A_30, %dot_general3A {dimension_numbers = #tpu.dot_dimension_numbers<[1], [0], [0], [1], [0, 0, 1, 1], [], []>, transpose_lhs_hint = false} : vector<1000x128xf32>, vector<128x128xf32>, vector<1000x128xf32> -> vector<1000x128xf32>
    %add3A_32 = arith.addf %get3A_27, %dot_general3A_31 : vector<1000x128xf32>
    %max3A_33 = arith.constant 0.000000e+00 : f32
    %max3A_34 = vector.broadcast %max3A_33 : f32 to vector<1000x128xf32>
    %max3A_35 = arith.maximumf %add3A_32, %max3A_34 : vector<1000x128xf32>
    %swap3A = arith.constant 0 : index
    %swap3A_36 = arith.constant 0 : index
    %swap3A_37 = vector.load %arg5[%swap3A, %swap3A_36] : memref<1000x128xf32, #tpu.memory_space<vmem>>, vector<1000x128xf32>
    tpu.vector_store %arg5[%swap3A, %swap3A_36], %max3A_35 {strides = array<i32>} : memref<1000x128xf32, #tpu.memory_space<vmem>>, vector<1000x128xf32>,
    return
  }
  func.func @transform_0(%arg0: i32) -> (i32, i32) {
    %c0_i32 = arith.constant 0 : i32
    %c0_i32_0 = arith.constant 0 : i32
    return %arg0, %c0_i32 : i32, i32
  }
  func.func @transform_1(%arg0: i32) -> (i32, i32, i32) {
    %c0_i32 = arith.constant 0 : i32
    %c0_i32_0 = arith.constant 0 : i32
    %c0_i32_1 = arith.constant 0 : i32
    return %c0_i32, %arg0, %c0_i32_0 : i32, i32, i32
  }
  func.func @transform_2(%arg0: i32) -> (i32, i32, i32) {
    %c0_i32 = arith.constant 0 : i32
    %c0_i32_0 = arith.constant 0 : i32
    %c0_i32_1 = arith.constant 0 : i32
    return %c0_i32, %arg0, %c0_i32_0 : i32, i32, i32
  }
  func.func @transform_3(%arg0: i32) -> (i32, i32) {
    %c0_i32 = arith.constant 0 : i32
    %c0_i32_0 = arith.constant 0 : i32
    %c0_i32_1 = arith.constant 0 : i32
    return %c0_i32, %c0_i32_0 : i32, i32
  }
  func.func @transform_4(%arg0: i32) -> (i32, i32) {
    %c0_i32 = arith.constant 0 : i32
    %c0_i32_0 = arith.constant 0 : i32
    return %arg0, %c0_i32 : i32, i32
  }
}

</mosaic_0001>

<sc_bundles>
// kernel: kernel.11.cloned.1.call-start
scs
__scs_entry_jumppad:
0x0: {  	(pc) =	sbr.rel $0x88, $3  }
0x1: {  	(tag) =	ssettag $0x0;
	lr =	simm.s32 $0x1  }
0x2: {  	[smem:$0x3F99] =	sst lr;
	_ =	strace $0xD0000000  }
0x3: {  	_ = 	snop  }
0x4: {  	_ = 	snop  }
0x5: {  	_ = 	snop  }
0x6: {  	_ = 	snop  }
0x7: {  	_ = 	snop  }
__scs_overlays_trampoline_lowered:
0x8: {  	[smem:$0x3FA8] =	sst s0  }
0x9: {  	[smem:$0x3FA9] =	sst s1  }
0xa: {  	[smem:$0x3FAA] =	sst s2  }
0xb: {  	[smem:$0x3FAB] =	sst s3  }
0xc: {  	[smem:$0x3FAC] =	sst s4  }
0xd: {  	[smem:$0x3FAD] =	sst s5  }
0xe: {  	[smem:$0x3FAE] =	sst s6  }
0xf: {  	[smem:$0x3FAF] =	sst s7  }
0x10: {  	[smem:$0x3FB0] =	sst s8  }
0x11: {  	[smem:$0x3FB1] =	sst s9;
	s0 =	simm.s32 @!p0 $0x0  }
0x12: {  	s1 =	sld [smem:$0x3F97];
	s0 =	simm.s32 @p0 $0x1  }
0x13: {  	[smem:$0x3FB2] =	sst s0;
	s0 =	simm.s32 @!p1 $0x0  }
0x14: {  	s2 =	sld [smem:$0x3F96];
	s0 =	simm.s32 @p1 $0x1  }
0x15: {  	[smem:$0x3FB3] =	sst s0;
	s0 =	simm.s32 @!p2 $0x0  }
0x16: {  	s3 =	sld [smem:$0x3FDB];
	s0 =	simm.s32 @p2 $0x1  }
0x17: {  	s4 =	simm.s32 $0x1BF5;
	[smem:$0x3FB5] =	sst s0  }
0x18: {  	s0 =	sld [smem:$0x3F98];
	_ =	swait.ge [sflag:s4], $0x0  }
0x19: {  	s7 =	sld [smem:$0x3F99]  }
0x1a: {  	s8 =	sadd.s32 $0xFFFFE003, lr  }
0x1b: {  	s9 =	sadd.s32 $0xFFFFFEF7, lr;
	s5 =	simm.s32 $0xFFFFFFFF;
	p2 =	slt.u32 s8, $0xFFFFF086  }
0x1c: {  	p1 =	slt.u32 s9, $0xF7A;
	s5 =	simm.s32 @!p2 $0x0  }
0x1d: {  	s5 =	simm.s32 @p1 $0x1;
	p0 =	seq.s32 s7, s2  }
0x1e: {  	s7 =	smul.u32 @!p0 $0xF7A, s2;
	p2 =	seq.s32 @!p0 s5, $0x0  }
0x1f: {  	s9 =	smul.u32 $0xF7A, s1;
	s8 =	simm.s32 @!p0 $0x1BF5;
	p2 =	por !p2, p0  }
0x20: {  	[sflag:s8] =	ssyncset.s32 @!p0 $0xFFFFF086;
	s6 =	sadd.s32 @!p0 s3, s7;
	s7 =	simm.s32 @!p0 $0x108  }
0x21: {  	s3 =	sadd.s32 s3, s9;
	s6 =	sadd.s32 @!p0 $0x88, s6;
	s7 =	simm.s32 @p2 $0x1082  }
0x22: {  	[simem:s7], [sflag:s8] =	dma.local @!p0 [hbm:s6], $0xF7A  }
0x23: {  	s9 =	sor.u32 $0xD0000000, s2;
	s6 =	simm.s32 $0x108;
	_ =	swait.ge @!p0 [sflag:s8], $0x0  }
0x24: {  	s3 =	sadd.s32 $0x88, s3;
	s6 =	simm.s32 @!p1 $0x1082;
	[sflag:s4] =	ssyncset.s32 $0xFFFFF086  }
0x25: {  	[simem:s6], [sflag:s4] =	dma.local [hbm:s3], $0xF7A  }
0x26: {  	[smem:$0x3F99] =	sst s1;
	(tag) =	ssettag s2;
	_ =	strace s9  }
0x27: {  	s1 =	sld [smem:$0x3FA9]  }
0x28: {  	s2 =	sld [smem:$0x3FAA]  }
0x29: {  	s4 =	sld [smem:$0x3FAC]  }
0x2a: {  	p0 =	seq.s32 s5, $0x0;
	s5 =	sld [smem:$0x3FAD]  }
0x2b: {  	s6 =	sld [smem:$0x3FAE]  }
0x2c: {  	s7 =	sld [smem:$0x3FAF]  }
0x2d: {  	s3 =	simm.s32 $0x108;
	s8 =	sld [smem:$0x3FB0]  }
0x2e: {  	s3 =	simm.s32 @!p0 $0x1082;
	s9 =	sld [smem:$0x3FB1]  }
0x2f: {  	lr =	sadd.s32 s0, s3;
	s0 =	sld [smem:$0x3FA8]  }
0x30: {  	s3 =	sld [smem:$0x3FAB]  }
0x31: {  	[smem:$0x3FB4] =	sst s10  }
0x32: {  	s10 =	sld [smem:$0x3FB2];
	_ =	sdelay $0x3  }
0x33: {  	p0 =	seq.s32 s10, $0x1;
	s10 =	sld [smem:$0x3FB4];
	_ =	sdelay $0x3  }
0x34: {  	[smem:$0x3FB4] =	sst s10  }
0x35: {  	s10 =	sld [smem:$0x3FB3];
	_ =	sdelay $0x3  }
0x36: {  	p1 =	seq.s32 s10, $0x1;
	s10 =	sld [smem:$0x3FB4];
	_ =	sdelay $0x3  }
0x37: {  	[smem:$0x3FB4] =	sst s10  }
0x38: {  	s10 =	sld [smem:$0x3FB5]  }
0x39: {  	_ = 	snop;
	(pc) =	sbr.ind lr, $3  }
0x3a: {  	_ = 	snop  }
0x3b: {  	_ = 	snop  }
0x3c: {  	p2 =	seq.s32 s10, $0x1;
	s10 =	sld [smem:$0x3FB4]  }
0x3d: {  	_ =	shalt  }
0x3e: {  	_ =	shalt  }
0x3f: {  	_ =	shalt  }
0x40: {  	_ =	shalt  }
0x41: {  	_ =	shalt  }
0x42: {  	_ =	shalt  }
0x43: {  	_ =	shalt  }
0x44: {  	_ =	shalt  }
0x45: {  	_ =	shalt  }
0x46: {  	_ =	shalt  }
0x47: {  	_ =	shalt  }
0x48: {  	_ =	shalt  }
0x49: {  	_ =	shalt  }
0x4a: {  	_ =	shalt  }
0x4b: {  	_ =	shalt  }
0x4c: {  	_ =	shalt  }
0x4d: {  	_ =	shalt  }
0x4e: {  	_ =	shalt  }
0x4f: {  	_ =	shalt  }
0x50: {  	_ =	shalt  }
0x51: {  	_ =	shalt  }
0x52: {  	_ =	shalt  }
0x53: {  	_ =	shalt  }
0x54: {  	_ =	shalt  }
0x55: {  	_ =	shalt  }
0x56: {  	_ =	shalt  }
0x57: {  	_ =	shalt  }
0x58: {  	_ =	shalt  }
0x59: {  	_ =	shalt  }
0x5a: {  	_ =	shalt  }
0x5b: {  	_ =	shalt  }
0x5c: {  	_ =	shalt  }
0x5d: {  	_ =	shalt  }
0x5e: {  	_ =	shalt  }
0x5f: {  	_ =	shalt  }
0x60: {  	_ =	shalt  }
0x61: {  	_ =	shalt  }
0x62: {  	_ =	shalt  }
0x63: {  	_ =	shalt  }
0x64: {  	_ =	shalt  }
0x65: {  	_ =	shalt  }
0x66: {  	_ =	shalt  }
0x67: {  	_ =	shalt  }
0x68: {  	_ =	shalt  }
0x69: {  	_ =	shalt  }
0x6a: {  	_ =	shalt  }
0x6b: {  	_ =	shalt  }
0x6c: {  	_ =	shalt  }
0x6d: {  	_ =	shalt  }
0x6e: {  	_ =	shalt  }
0x6f: {  	_ =	shalt  }
0x70: {  	_ =	shalt  }
0x71: {  	_ =	shalt  }
0x72: {  	_ =	shalt  }
0x73: {  	_ =	shalt  }
0x74: {  	_ =	shalt  }
0x75: {  	_ =	shalt  }
0x76: {  	_ =	shalt  }
0x77: {  	_ =	shalt  }
0x78: {  	_ =	shalt  }
0x79: {  	_ =	shalt  }
0x7a: {  	_ =	shalt  }
0x7b: {  	_ =	shalt  }
0x7c: {  	_ =	shalt  }
0x7d: {  	_ =	shalt  }
0x7e: {  	_ =	shalt  }
0x7f: {  	_ =	shalt  }
0x80: {  	_ =	shalt  }
0x81: {  	_ =	shalt  }
0x82: {  	_ =	shalt  }
0x83: {  	_ =	shalt  }
0x84: {  	_ =	shalt  }
0x85: {  	_ =	shalt  }
0x86: {  	_ =	shalt  }
0x87: {  	_ =	shalt  }
.Lfunc_end0:
.L_simem_size_0:
called_computation.1_lowered:
.L_overlay_start_0:
0x88: {  	s2 =	sld [smem:$0x3FD9]  }
0x89: {  	s3 =	sld [smem:$0x3FFE];
	_ =	sdelay $0x1  }
0x8a: {  	s1 =	srdreg.scid  }
0x8b: {  	s0 =	sand.u32 $0x1, s1  }
0x8c: {  	s17 =	sshll.u32 s0, $0xA;
	s2 =	sadd.s32 s3, s2  }
0x8d: {  	s2 =	sadd.s32 s2, s17  }
0x8e: {  	[smem:$0x3FC0] =	sst s2  }
0x8f: {  	_ = 	snop  }
0x90: {  	s2 =	sld [smem:$0x3FD0];
	(tm) =	ssettm $0x1  }
0x91: {  	s18 =	sld [smem:$0x3FFB];
	_ =	sdelay $0x3  }
0x92: {  	_ =	strace s18  }
0x93: {  	s3 =	sld [smem:$0x3FFC];
	_ =	sdelay $0x3  }
0x94: {  	_ =	strace s3  }
0x95: {  	s3 =	sld [smem:$0x3FFD];
	_ =	sdelay $0x3  }
0x96: {  	_ =	strace s3  }
0x97: {  	_ =	strace $0x8FFFFFFF  }
0x98: {  	s19 =	sld [smem:$0x3FDB];
	_ =	sdelay $0x1  }
0x99: {  	s4 =	simm.s32 $_scs_section_size  }
0x9a: {  	s5 =	simm.s32 $_size__tile_overlayer_lowered;
	s6 =	simm.s32 $_tile_overlayer_lowered  }
0x9b: {  	s22 =	simm.s32 $0x1BFF;
	s21 =	sshll.u32 s6, $0x1;
	s3 =	sadd.s32 s4, s19  }
0x9c: {  	s7 =	simm.s32 $0x0;
	s20 =	sshll.u32 s5, $0x1;
	s5 =	sadd.s32 s21, s3  }
0x9d: {  	[timem:s7], [sflag:s22] =	dma.local [hbm:s5], s20  }
0x9e: {  	_ =	swait.ge [sflag:s22], s20  }
0x9f: {  	s4 =	ssub.s32 $0x0, s20;
	[sflag:s22] =	ssyncset.done $0x0  }
0xa0: {  	[sflag:s22] =	ssyncadd.s32 s4;
	_ =	sdelay $0x1  }
0xa1: {  	s23 =	simm.s32 $0x1B8B  }
0xa2: {  	_ =	swait.ge [sflag:s23], $0x1  }
0xa3: {  	[sflag:s23] =	ssyncset.done $0x0  }
0xa4: {  	s25 =	simm.s32 $0x1B8E;
	s24 =	sld [smem:$0x3FFE];
	[sflag:s23] =	ssyncadd.s32 $0xFFFFFFFF  }
0xa5: {  	s26 =	simm.s32 $execute0_lowered;
	[smem:$0x3FD2] =	sst s25  }
0xa6: {  	s5 =	sshll.u32 s26, $0x1;
	_ =	strace $0x80000049;
	[dreg:$0x1] =	wrdreg $0xFFFFFFFF  }
0xa7: {  	s28 =	simm.s32 $_size_execute0_lowered;
	s3 =	sadd.s32 s3, s5;
	[dreg:$0x0] =	wrdreg $0x0  }
0xa8: {  	s5 =	sshll.u32 s28, $0x1;
	[dreg:$0x2] =	wrdreg s3  }
0xa9: {  	[dreg:$0x3] =	wrdreg s5  }
0xaa: {  	[dreg:$0x4] =	wrdreg $0xC0  }
0xab: {  	_ =	task [dreg:s7], $0x5FFFF  }
0xac: {  	[dreg:$0x1] =	wrdreg $0xFFFFFFFF  }
0xad: {  	[dreg:$0x0] =	wrdreg $0x60  }
0xae: {  	[dreg:$0x2] =	wrdreg s2  }
0xaf: {  	[dreg:$0x3] =	wrdreg s24  }
0xb0: {  	[dreg:$0x4] =	wrdreg $0x84000  }
0xb1: {  	[dreg:$0x5] =	wrdreg $0x9  }
0xb2: {  	_ =	task.clear_ibuf [dreg:s7], $0x6FFFF;
	_ =	strace $0x90000049  }
0xb3: {  	s29 =	simm.s32 $0x9;
	_ =	strace $0x8000004B  }
0xb4: {  	_ =	swait.ge [sflag:s29], $0x1  }
0xb5: {  	[sflag:s29] =	ssyncadd.s32 $0xFFFFFFFF  }
0xb6: {  	_ =	strace $0x9000004B  }
0xb7: {  	_ =	sfence  }
0xb8: {  	s30 =	sld [smem:$0x0];
	_ =	sdelay $0x2  }
0xb9: {  	s31 =	sshll.u32 s1, $0xD;
	s1 =	sshrl.u32 s1, $0x2  }
0xba: {  	s3 =	sand.u32 $0x4000, s31;
	s1 =	sadd.s32 s1, s30  }
0xbb: {  	s0 =	sor.u32 s3, s0;
	s1 =	sshll.u32 s1, $0x11  }
0xbc: {  	s0 =	sor.u32 s1, s0  }
0xbd: {  	s0 =	sadd.s32 $0x8F2B, s0  }
0xbe: {  	[sflag:s0] =	ssyncadd.remote.s32 $0x1  }
0xbf: {  	_ =	sfence.sel $0xFFFF  }
0xc0: {  	[dreg:$0x0] =	wrdreg $0xFFFFFFFF;
	(pc) =	sbr.abs _section_cstart, $3  }
0xc1: {  	[dreg:$0x1] =	wrdreg $0xFFFFFFFF  }
0xc2: {  	_ =	task.clear_ibuf [dreg:s7], $0x2FFFF;
	_ =	strace $0x9FFFFFFF  }
0xc3: {  	(tm) =	ssettm $0x7FFFFFFF  }
tec
execute0_lowered:
.L_overlay_start_1:
0x0: {  	(tag) =	ssettag $0x1  }
0x1: {  	s1 =	rddreg [dreg:$0x0]  }
0x2: {  	s0 =	rddreg [dreg:$0x1]  }
0x3: {  	s2 =	rddreg [dreg:$0x2]  }
0x4: {  	s3 =	srdreg.scid;
	s4 =	simm.s32 $0x0;
	s14 =	stileid.u32  }
0x5: {  	s28 =	simm.s32 $0x4;
	s29 =	simm.s32 $0x0;
	s3 =	sand.u32 $0x1, s3  }
0x6: {  	[smem:$0x7FF] =	sst s4;
	s8 =	smul.u32 $0x14000, s14;
	s10 =	sshll.u32 s14, $0x7  }
0x7: {  	s11 =	sadd.s32 $0x16000, s0;
	s13 =	smul.u32 $0x50000, s14;
	s30 =	sshll.u32 s14, $0x6  }
0x8: {  	s5 =	sshll.u32 s3, $0x4;
	_ =	strace $0x8000004A;
	s7 =	smul.u32 $0x140000, s3  }
0x9: {  	[dreg:$0xa] =	wrdreg s11;
	s16 =	sand.u32 $0x380, s10;
	s3 =	ssub.s32 $0x2, s3  }
0xa: {  	s15 =	sor.u32 $0x1C09, s30;
	s10 =	sor.u32 $0xC00, s10;
	s6 =	sor.u32 s14, s5  }
0xb: {  	s5 =	sadd.s32 $0x2400, s0;
	s18 =	sshrl.u32 s3, $0x1;
	s9 =	sshrl.u32 s6, $0x3  }
0xc: {  	s25 =	sshrl.u32 s13, $0x2;
	s7 =	sadd.s32 s8, s7;
	s9 =	smul.u32 $0x13C00, s9  }
0xd: {  	s6 =	sadd.s32 $0xC200, s0;
	s3 =	ssub.s32 s3, s18;
	s17 =	sshrl.u32 s7, $0x3  }
0xe: {  	s0 =	sadd.s32 s17, s0;
	s7 =	sor.u32 s16, s9;
	s9 =	sadd.s32 s9, s10  }
0xf: {  	s0 =	sadd.s32 $0x18C00, s0;
	s19 =	sshrl.u32 s7, $0x3;
	s21 =	sadd.s32 $0x400, s7  }
0x10: {  	s12 =	sadd.s32 $0x800, s7;
	s26 =	sadd.s32 $0xC00, s7;
	s31 =	sadd.s32 $0x2800, s7  }
0x11: {  	s17 =	sadd.s32 $0x2400, s7;
	[smem:$0x7FB] =	sst s0;
	s20 =	sadd.s32 s5, s19  }
0x12: {  	s8 =	sshrl.u32 s21, $0x3;
	s11 =	sadd.s32 s6, s19;
	[dreg:$0xb] =	wrdreg s20  }
0x13: {  	s23 =	sshrl.u32 s12, $0x3;
	[dreg:$0xc] =	wrdreg s11;
	s22 =	sadd.s32 s5, s8  }
0x14: {  	s14 =	sshrl.u32 s31, $0x3;
	s8 =	sadd.s32 s6, s8;
	[dreg:$0xd] =	wrdreg s22  }
0x15: {  	s19 =	sshrl.u32 s17, $0x3;
	s24 =	sadd.s32 s5, s23;
	[dreg:$0xe] =	wrdreg s8  }
0x16: {  	s21 =	sadd.s32 $0x2000, s7;
	s11 =	sadd.s32 s6, s23;
	[dreg:$0xf] =	wrdreg s24  }
0x17: {  	s31 =	sadd.s32 $0x1400, s7;
	s16 =	sadd.s32 s14, s6;
	[dreg:$0x10] =	wrdreg s11  }
0x18: {  	s18 =	sadd.s32 s14, s5;
	s20 =	sadd.s32 s19, s6;
	[dreg:$0x4] =	wrdreg s16  }
0x19: {  	s23 =	sshrl.u32 s21, $0x3;
	s8 =	sadd.s32 s25, s2;
	[dreg:$0x5] =	wrdreg s18  }
0x1a: {  	[dreg:$0x6] =	wrdreg s20;
	s22 =	sadd.s32 s19, s5;
	s24 =	sadd.s32 $0x1000, s7  }
0x1b: {  	s25 =	sadd.s32 s23, s6;
	s16 =	sadd.s32 $0x1800, s7;
	s18 =	sadd.s32 $0x12C00, s7  }
0x1c: {  	s20 =	sadd.s32 $0x13000, s7;
	s11 =	simm.s32 $0x280;
	[dreg:$0x11] =	wrdreg s8  }
0x1d: {  	s8 =	sshrl.u32 s26, $0x3;
	[dreg:$0x7] =	wrdreg s22;
	s12 =	sshrl.u32 s24, $0x3  }
0x1e: {  	[dreg:$0x8] =	wrdreg s25;
	s26 =	sadd.s32 s23, s5;
	s17 =	sshrl.u32 s16, $0x3  }
0x1f: {  	s10 =	sshrl.u32 s18, $0x3;
	s21 =	sshrl.u32 s20, $0x3;
	s24 =	sadd.s32 $0x13400, s7  }
0x20: {  	s7 =	sadd.s32 $0x13800, s7;
	s13 =	sadd.s32 s5, s8;
	[dreg:$0x9] =	wrdreg s26  }
0x21: {  	s16 =	simm.s32 $0x1;
	s8 =	sadd.s32 s6, s8;
	[dreg:$0x12] =	wrdreg s13  }
0x22: {  	s18 =	simm.s32 $0x180;
	s30 =	sadd.s32 s5, s12;
	[dreg:$0x13] =	wrdreg s8  }
0x23: {  	s20 =	simm.s32 $0x2;
	s19 =	sadd.s32 s5, s17;
	[dreg:$0x14] =	wrdreg s30  }
0x24: {  	s22 =	sadd.s32 s5, s10;
	s10 =	sadd.s32 s6, s10;
	[dreg:$0x18] =	wrdreg s19  }
0x25: {  	s23 =	sadd.s32 s5, s21;
	s25 =	sshrl.u32 s24, $0x3;
	[dreg:$0x1a] =	wrdreg s22  }
0x26: {  	s7 =	sshrl.u32 s7, $0x3;
	s24 =	simm.s32 $0x3;
	[dreg:$0x1b] =	wrdreg s10  }
0x27: {  	s13 =	sadd.s32 s6, s12;
	s8 =	sshrl.u32 s31, $0x3;
	[dreg:$0x1c] =	wrdreg s23  }
0x28: {  	s10 =	sadd.s32 s5, s25;
	s26 =	sadd.s32 s5, s7;
	[dreg:$0x15] =	wrdreg s13  }
0x29: {  	s7 =	sadd.s32 s6, s7;
	s30 =	smax.u32 s3, $0x1;
	[dreg:$0x1e] =	wrdreg s10  }
0x2a: {  	s31 =	sadd.s32 $0x1000, s9;
	s9 =	simm.s32 $0x200;
	[smem:$0x7F9] =	sst s26  }
0x2b: {  	s12 =	simm.s32 $0x100;
	s19 =	simm.s32 $0x380;
	[smem:$0x7FA] =	sst s7  }
0x2c: {  	s22 =	simm.s32 $0x5;
	s23 =	simm.s32 $0x7;
	[smem:$0x7FC] =	sst s30  }
0x2d: {  	s14 =	sadd.s32 s5, s8;
	s8 =	sadd.s32 s6, s8;
	[smem:$0x7FD] =	sst s31  }
0x2e: {  	s10 =	simm.s32 $0x80;
	s13 =	simm.s32 $0x300;
	[dreg:$0x16] =	wrdreg s14  }
0x2f: {  	s26 =	simm.s32 $0x8;
	[dreg:$0x17] =	wrdreg s8;
	s8 =	sadd.s32 s6, s17  }
0x30: {  	s14 =	simm.s32 $0x9;
	[dreg:$0x19] =	wrdreg s8;
	s8 =	sadd.s32 s6, s21  }
0x31: {  	s17 =	simm.s32 $0x400;
	[dreg:$0x1d] =	wrdreg s8;
	s8 =	sadd.s32 s6, s25  }
0x32: {  	s21 =	simm.s32 $0x4400;
	s25 =	simm.s32 $0x6;
	[dreg:$0x1f] =	wrdreg s8  }
.LBB2_1:
0x33: {  	s0 =	rddreg [dreg:$0xb]  }
0x34: {  	s7 =	rddreg [dreg:$0xc]  }
0x35: {  	s8 =	rddreg [dreg:$0xd]  }
0x36: {  	[tilespmem:s4], [sflag:$0x1] =	stream.linear.gather [hbm4b:s0+s4], $0x80, $0x38;
	[tilespmem:$0x1C400] =	vst v63  }
0x37: {  	s3 =	rddreg [dreg:$0xe]  }
0x38: {  	[tilespmem:s9], [sflag:$0x1] =	stream.linear.gather [hbm4b:s7+s4], $0x80, $0x38;
	[tilespmem:$0x1C400] =	vst v63  }
0x39: {  	s7 =	rddreg [dreg:$0xf]  }
0x3a: {  	[tilespmem:s10], [sflag:$0x2] =	stream.linear.gather [hbm4b:s8+s4], $0x80, $0x38;
	[tilespmem:$0x1C400] =	vst v63  }
0x3b: {  	s8 =	rddreg [dreg:$0x10]  }
0x3c: {  	[tilespmem:s11], [sflag:$0x2] =	stream.linear.gather [hbm4b:s3+s4], $0x80, $0x38;
	[tilespmem:$0x1C400] =	vst v63  }
0x3d: {  	s3 =	rddreg [dreg:$0x11]  }
0x3e: {  	[tilespmem:s12], [sflag:$0x3] =	stream.linear.gather [hbm4b:s7+s4], $0x80, $0x38;
	[tilespmem:$0x1C400] =	vst v63  }
0x3f: {  	s30 =	sshrl.u32 s3, $0x3;
	s7 =	rddreg [dreg:$0xa]  }
0x40: {  	[tilespmem:s13], [sflag:$0x3] =	stream.linear.gather [hbm4b:s8+s4], $0x80, $0x38;
	[tilespmem:$0x1C400] =	vst v63  }
0x41: {  	[spmem:s30], [sflag:s15] =	dma.local [hbm:s7], $0x2800  }
0x42: {  	_ =	swait.ge [sflag:s14], $0x2800  }
0x43: {  	[sflag:s14] =	ssyncset.done $0x0  }
0x44: {  	[sflag:s14] =	ssyncadd.s32 $0xFFFFD800  }
0x45: {  	_ =	swait.ge [sflag:s16], $0x80  }
0x46: {  	[sflag:s16] =	ssyncset.done $0x0  }
0x47: {  	[sflag:s16] =	ssyncadd.s32 $0xFFFFFF80  }
0x48: {  	_ =	swait.ge [sflag:s16], $0x80  }
0x49: {  	[sflag:s16] =	ssyncset.done $0x0  }
0x4a: {  	[sflag:s16] =	ssyncadd.s32 $0xFFFFFF80  }
0x4b: {  	[tilespmem:s17], [sflag:$0x5] =	stream.indirect.gather [hbm4b:s1+s10], $0x80, s4, s10, $0xb8;
	[tilespmem:$0x1C400] =	vst v63  }
0x4c: {  	[bflag:$0x0] =	sbarrier.arrive $0xFFFF  }
0x4d: {  	s3 =	rddreg [dreg:$0x12]  }
0x4e: {  	[tilespmem:s18], [sflag:$0x4] =	stream.linear.gather [hbm4b:s3+s4], $0x80, $0x38;
	[tilespmem:$0x1C400] =	vst v63  }
0x4f: {  	s7 =	rddreg [dreg:$0x13]  }
0x50: {  	[tilespmem:s19], [sflag:$0x4] =	stream.linear.gather [hbm4b:s7+s4], $0x80, $0x38;
	[tilespmem:$0x1C400] =	vst v63  }
0x51: {  	_ =	swait.ge [sflag:s20], $0x80  }
0x52: {  	[sflag:s20] =	ssyncset.done $0x0  }
0x53: {  	[sflag:s20] =	ssyncadd.s32 $0xFFFFFF80  }
0x54: {  	_ =	swait.ge [sflag:s20], $0x80  }
0x55: {  	[sflag:s20] =	ssyncset.done $0x0  }
0x56: {  	[sflag:s20] =	ssyncadd.s32 $0xFFFFFF80  }
0x57: {  	[tilespmem:s21], [sflag:$0x6] =	stream.indirect.gather [hbm4b:s1+s10], $0x80, s10, s10, $0xb8;
	[tilespmem:$0x1C400] =	vst v63  }
0x58: {  	_ =	swait.ge [sflag:s22], $0x4000  }
0x59: {  	[sflag:s22] =	ssyncset.done $0x0  }
0x5a: {  	[sflag:s22] =	ssyncadd.s32 $0xFFFFC000  }
0x5b: {  	[spmem:s2] =	stream.indirect.scatter.add.f32 [tilespmem:s17], [sflag:$0x7], $0x80, s9, s10, $0xb8;
	[tilespmem:$0x1C400] =	vst v63  }
0x5c: {  	_ =	swait.ge [sflag:s23], $0x4000  }
0x5d: {  	[sflag:s23] =	ssyncset.done $0x0  }
0x5e: {  	s8 =	smov.u32 s15;
	s15 =	rddreg [dreg:$0x14];
	[sflag:s23] =	ssyncadd.s32 $0xFFFFC000  }
0x5f: {  	[tilespmem:s4], [sflag:$0x1] =	stream.linear.gather [hbm4b:s15+s4], $0x80, $0x38;
	[tilespmem:$0x1C400] =	vst v63  }
0x60: {  	s3 =	rddreg [dreg:$0x15]  }
0x61: {  	[tilespmem:s9], [sflag:$0x1] =	stream.linear.gather [hbm4b:s3+s4], $0x80, $0x38;
	[tilespmem:$0x1C400] =	vst v63  }
0x62: {  	_ =	swait.ge [sflag:s24], $0x80  }
0x63: {  	[sflag:s24] =	ssyncset.done $0x0  }
0x64: {  	[sflag:s24] =	ssyncadd.s32 $0xFFFFFF80  }
0x65: {  	_ =	swait.ge [sflag:s24], $0x80  }
0x66: {  	[sflag:s24] =	ssyncset.done $0x0  }
0x67: {  	[sflag:s24] =	ssyncadd.s32 $0xFFFFFF80  }
0x68: {  	[tilespmem:s17], [sflag:$0x5] =	stream.indirect.gather [hbm4b:s1+s10], $0x80, s12, s10, $0xb8;
	[tilespmem:$0x1C400] =	vst v63  }
0x69: {  	_ =	swait.ge [sflag:s25], $0x4000  }
0x6a: {  	[sflag:s25] =	ssyncset.done $0x0  }
0x6b: {  	[sflag:s25] =	ssyncadd.s32 $0xFFFFC000  }
0x6c: {  	[spmem:s2] =	stream.indirect.scatter.add.f32 [tilespmem:s21], [sflag:$0x8], $0x80, s11, s10, $0xb8;
	[tilespmem:$0x1C400] =	vst v63  }
0x6d: {  	_ =	swait.ge [sflag:s26], $0x4000  }
0x6e: {  	[sflag:s26] =	ssyncset.done $0x0  }
0x6f: {  	s7 =	rddreg [dreg:$0x16];
	[sflag:s26] =	ssyncadd.s32 $0xFFFFC000  }
0x70: {  	[tilespmem:s10], [sflag:$0x2] =	stream.linear.gather [hbm4b:s7+s4], $0x80, $0x38;
	[tilespmem:$0x1C400] =	vst v63  }
0x71: {  	s15 =	rddreg [dreg:$0x17]  }
0x72: {  	[tilespmem:s11], [sflag:$0x2] =	stream.linear.gather [hbm4b:s15+s4], $0x80, $0x38;
	[tilespmem:$0x1C400] =	vst v63  }
0x73: {  	_ =	swait.ge [sflag:s28], $0x80  }
0x74: {  	[sflag:s28] =	ssyncset.done $0x0  }
0x75: {  	[sflag:s28] =	ssyncadd.s32 $0xFFFFFF80  }
0x76: {  	_ =	swait.ge [sflag:s28], $0x80  }
0x77: {  	[sflag:s28] =	ssyncset.done $0x0  }
0x78: {  	[sflag:s28] =	ssyncadd.s32 $0xFFFFFF80  }
0x79: {  	[tilespmem:s21], [sflag:$0x6] =	stream.indirect.gather [hbm4b:s1+s10], $0x80, s18, s10, $0xb8;
	[tilespmem:$0x1C400] =	vst v63  }
0x7a: {  	_ =	swait.ge [sflag:s22], $0x4000  }
0x7b: {  	[sflag:s22] =	ssyncset.done $0x0  }
0x7c: {  	[sflag:s22] =	ssyncadd.s32 $0xFFFFC000  }
0x7d: {  	[spmem:s2] =	stream.indirect.scatter.add.f32 [tilespmem:s17], [sflag:$0x7], $0x80, s13, s10, $0xb8;
	[tilespmem:$0x1C400] =	vst v63  }
0x7e: {  	_ =	swait.ge [sflag:s23], $0x4000  }
0x7f: {  	[sflag:s23] =	ssyncset.done $0x0  }
0x80: {  	s3 =	rddreg [dreg:$0x18];
	[sflag:s23] =	ssyncadd.s32 $0xFFFFC000  }
0x81: {  	[tilespmem:s12], [sflag:$0x3] =	stream.linear.gather [hbm4b:s3+s4], $0x80, $0x38;
	[tilespmem:$0x1C400] =	vst v63  }
0x82: {  	s7 =	rddreg [dreg:$0x19]  }
0x83: {  	[tilespmem:s13], [sflag:$0x3] =	stream.linear.gather [hbm4b:s7+s4], $0x80, $0x38;
	[tilespmem:$0x1C400] =	vst v63  }
0x84: {  	_ =	swait.ge [sflag:s16], $0x80  }
0x85: {  	[sflag:s16] =	ssyncset.done $0x0  }
0x86: {  	[sflag:s16] =	ssyncadd.s32 $0xFFFFFF80  }
0x87: {  	_ =	swait.ge [sflag:s16], $0x80  }
0x88: {  	[sflag:s16] =	ssyncset.done $0x0  }
0x89: {  	[sflag:s16] =	ssyncadd.s32 $0xFFFFFF80  }
0x8a: {  	[tilespmem:s17], [sflag:$0x5] =	stream.indirect.gather [hbm4b:s1+s10], $0x80, s4, s10, $0xb8;
	[tilespmem:$0x1C400] =	vst v63  }
0x8b: {  	_ =	swait.ge [sflag:s25], $0x4000  }
0x8c: {  	[sflag:s25] =	ssyncset.done $0x0  }
0x8d: {  	[sflag:s25] =	ssyncadd.s32 $0xFFFFC000  }
0x8e: {  	[spmem:s2] =	stream.indirect.scatter.add.f32 [tilespmem:s21], [sflag:$0x8], $0x80, s19, s10, $0xb8;
	[tilespmem:$0x1C400] =	vst v63  }
0x8f: {  	_ =	swait.ge [sflag:s26], $0x4000  }
0x90: {  	s7 =	sld [smem:$0x7FD];
	_ =	sdelay $0x2  }
0x91: {  	[sflag:s26] =	ssyncset.done $0x0;
	s15 =	sshrl.u32 s7, $0x3  }
0x92: {  	[sflag:s26] =	ssyncadd.s32 $0xFFFFC000;
	s3 =	sadd.s32 s5, s15  }
0x93: {  	[tilespmem:s18], [sflag:$0x4] =	stream.linear.gather [hbm4b:s3+s4], $0x80, $0x38;
	[tilespmem:$0x1C400] =	vst v63  }
0x94: {  	s0 =	sadd.s32 s6, s15  }
0x95: {  	[tilespmem:s19], [sflag:$0x4] =	stream.linear.gather [hbm4b:s0+s4], $0x80, $0x38;
	[tilespmem:$0x1C400] =	vst v63  }
0x96: {  	_ =	swait.ge [sflag:s20], $0x80  }
0x97: {  	[sflag:s20] =	ssyncset.done $0x0  }
0x98: {  	[sflag:s20] =	ssyncadd.s32 $0xFFFFFF80  }
0x99: {  	_ =	swait.ge [sflag:s20], $0x80  }
0x9a: {  	[sflag:s20] =	ssyncset.done $0x0  }
0x9b: {  	[sflag:s20] =	ssyncadd.s32 $0xFFFFFF80  }
0x9c: {  	[tilespmem:s21], [sflag:$0x6] =	stream.indirect.gather [hbm4b:s1+s10], $0x80, s10, s10, $0xb8;
	[tilespmem:$0x1C400] =	vst v63  }
0x9d: {  	_ =	swait.ge [sflag:s22], $0x4000  }
0x9e: {  	[sflag:s22] =	ssyncset.done $0x0  }
0x9f: {  	[sflag:s22] =	ssyncadd.s32 $0xFFFFC000  }
0xa0: {  	[spmem:s2] =	stream.indirect.scatter.add.f32 [tilespmem:s17], [sflag:$0x7], $0x80, s9, s10, $0xb8;
	[tilespmem:$0x1C400] =	vst v63  }
0xa1: {  	_ =	swait.ge [sflag:s23], $0x4000  }
0xa2: {  	s3 =	rddreg [dreg:$0x9];
	[sflag:s23] =	ssyncset.done $0x0  }
0xa3: {  	s15 =	rddreg [dreg:$0x8];
	[sflag:s23] =	ssyncadd.s32 $0xFFFFC000;
	s0 =	sadd.s32 $0x0, s3  }
0xa4: {  	[tilespmem:s4], [sflag:$0x1] =	stream.linear.gather [hbm4b:s0+s4], $0x80, $0x38;
	[tilespmem:$0x1C400] =	vst v63  }
0xa5: {  	s15 =	sadd.s32 $0x0, s15  }
0xa6: {  	[tilespmem:s9], [sflag:$0x1] =	stream.linear.gather [hbm4b:s15+s4], $0x80, $0x38;
	[tilespmem:$0x1C400] =	vst v63  }
0xa7: {  	_ =	swait.ge [sflag:s24], $0x80  }
0xa8: {  	[sflag:s24] =	ssyncset.done $0x0  }
0xa9: {  	[sflag:s24] =	ssyncadd.s32 $0xFFFFFF80  }
0xaa: {  	_ =	swait.ge [sflag:s24], $0x80  }
0xab: {  	[sflag:s24] =	ssyncset.done $0x0  }
0xac: {  	[sflag:s24] =	ssyncadd.s32 $0xFFFFFF80  }
0xad: {  	[tilespmem:s17], [sflag:$0x5] =	stream.indirect.gather [hbm4b:s1+s10], $0x80, s12, s10, $0xb8;
	[tilespmem:$0x1C400] =	vst v63  }
0xae: {  	_ =	swait.ge [sflag:s25], $0x4000  }
0xaf: {  	[sflag:s25] =	ssyncset.done $0x0  }
0xb0: {  	[sflag:s25] =	ssyncadd.s32 $0xFFFFC000  }
0xb1: {  	[spmem:s2] =	stream.indirect.scatter.add.f32 [tilespmem:s21], [sflag:$0x8], $0x80, s11, s10, $0xb8;
	[tilespmem:$0x1C400] =	vst v63  }
0xb2: {  	_ =	swait.ge [sflag:s26], $0x4000  }
0xb3: {  	s3 =	rddreg [dreg:$0x7];
	[sflag:s26] =	ssyncset.done $0x0  }
0xb4: {  	s15 =	rddreg [dreg:$0x6];
	[sflag:s26] =	ssyncadd.s32 $0xFFFFC000;
	s0 =	sadd.s32 $0x0, s3  }
0xb5: {  	[tilespmem:s10], [sflag:$0x2] =	stream.linear.gather [hbm4b:s0+s4], $0x80, $0x38;
	[tilespmem:$0x1C400] =	vst v63  }
0xb6: {  	s15 =	sadd.s32 $0x0, s15  }
0xb7: {  	[tilespmem:s11], [sflag:$0x2] =	stream.linear.gather [hbm4b:s15+s4], $0x80, $0x38;
	[tilespmem:$0x1C400] =	vst v63  }
0xb8: {  	_ =	swait.ge [sflag:s28], $0x80  }
0xb9: {  	[sflag:s28] =	ssyncset.done $0x0  }
0xba: {  	[sflag:s28] =	ssyncadd.s32 $0xFFFFFF80  }
0xbb: {  	_ =	swait.ge [sflag:s28], $0x80  }
0xbc: {  	[sflag:s28] =	ssyncset.done $0x0  }
0xbd: {  	[sflag:s28] =	ssyncadd.s32 $0xFFFFFF80  }
0xbe: {  	[tilespmem:s21], [sflag:$0x6] =	stream.indirect.gather [hbm4b:s1+s10], $0x80, s18, s10, $0xb8;
	[tilespmem:$0x1C400] =	vst v63  }
0xbf: {  	_ =	swait.ge [sflag:s22], $0x4000  }
0xc0: {  	[sflag:s22] =	ssyncset.done $0x0  }
0xc1: {  	[sflag:s22] =	ssyncadd.s32 $0xFFFFC000  }
0xc2: {  	[spmem:s2] =	stream.indirect.scatter.add.f32 [tilespmem:s17], [sflag:$0x7], $0x80, s13, s10, $0xb8;
	[tilespmem:$0x1C400] =	vst v63  }
0xc3: {  	_ =	swait.ge [sflag:s23], $0x4000  }
0xc4: {  	s3 =	rddreg [dreg:$0x5];
	[sflag:s23] =	ssyncset.done $0x0  }
0xc5: {  	s15 =	rddreg [dreg:$0x4];
	[sflag:s23] =	ssyncadd.s32 $0xFFFFC000;
	s0 =	sadd.s32 $0x0, s3  }
0xc6: {  	[tilespmem:s12], [sflag:$0x3] =	stream.linear.gather [hbm4b:s0+s4], $0x80, $0x38;
	[tilespmem:$0x1C400] =	vst v63  }
0xc7: {  	s15 =	sadd.s32 $0x0, s15  }
0xc8: {  	[tilespmem:s13], [sflag:$0x3] =	stream.linear.gather [hbm4b:s15+s4], $0x80, $0x38;
	[tilespmem:$0x1C400] =	vst v63  }
0xc9: {  	_ =	swait.ge [sflag:s16], $0x80  }
0xca: {  	[sflag:s16] =	ssyncset.done $0x0  }
0xcb: {  	[sflag:s16] =	ssyncadd.s32 $0xFFFFFF80  }
0xcc: {  	_ =	swait.ge [sflag:s16], $0x80  }
0xcd: {  	[sflag:s16] =	ssyncset.done $0x0  }
0xce: {  	[sflag:s16] =	ssyncadd.s32 $0xFFFFFF80  }
0xcf: {  	[tilespmem:s17], [sflag:$0x5] =	stream.indirect.gather [hbm4b:s1+s10], $0x80, s4, s10, $0xb8;
	[tilespmem:$0x1C400] =	vst v63  }
0xd0: {  	_ =	swait.ge [sflag:s25], $0x4000  }
0xd1: {  	[sflag:s25] =	ssyncset.done $0x0  }
0xd2: {  	s31 =	simm.s32 $0x200;
	s0 =	sadd.s32 $0x1000, s7;
	[sflag:s25] =	ssyncadd.s32 $0xFFFFC000  }
.LBB2_2:
0xd3: {  	[spmem:s2] =	stream.indirect.scatter.add.f32 [tilespmem:s21], [sflag:$0x8], $0x80, s19, s10, $0xb8;
	[tilespmem:$0x1C400] =	vst v63  }
0xd4: {  	_ =	swait.ge [sflag:s26], $0x4000  }
0xd5: {  	s7 =	sshrl.u32 s0, $0x3;
	[sflag:s26] =	ssyncset.done $0x0  }
0xd6: {  	s15 =	sadd.s32 s5, s7;
	[sflag:s26] =	ssyncadd.s32 $0xFFFFC000  }
0xd7: {  	[tilespmem:s18], [sflag:$0x4] =	stream.linear.gather [hbm4b:s15+s4], $0x80, $0x38;
	[tilespmem:$0x1C400] =	vst v63  }
0xd8: {  	s7 =	sadd.s32 s6, s7  }
0xd9: {  	[tilespmem:s19], [sflag:$0x4] =	stream.linear.gather [hbm4b:s7+s4], $0x80, $0x38;
	[tilespmem:$0x1C400] =	vst v63  }
0xda: {  	_ =	swait.ge [sflag:s20], $0x80  }
0xdb: {  	[sflag:s20] =	ssyncset.done $0x0  }
0xdc: {  	[sflag:s20] =	ssyncadd.s32 $0xFFFFFF80  }
0xdd: {  	_ =	swait.ge [sflag:s20], $0x80  }
0xde: {  	[sflag:s20] =	ssyncset.done $0x0  }
0xdf: {  	[sflag:s20] =	ssyncadd.s32 $0xFFFFFF80  }
0xe0: {  	[tilespmem:s21], [sflag:$0x6] =	stream.indirect.gather [hbm4b:s1+s10], $0x80, s10, s10, $0xb8;
	[tilespmem:$0x1C400] =	vst v63  }
0xe1: {  	_ =	swait.ge [sflag:s22], $0x4000  }
0xe2: {  	[sflag:s22] =	ssyncset.done $0x0  }
0xe3: {  	[sflag:s22] =	ssyncadd.s32 $0xFFFFC000  }
0xe4: {  	[spmem:s2] =	stream.indirect.scatter.add.f32 [tilespmem:s17], [sflag:$0x7], $0x80, s9, s10, $0xb8;
	[tilespmem:$0x1C400] =	vst v63  }
0xe5: {  	_ =	swait.ge [sflag:s23], $0x4000  }
0xe6: {  	s3 =	smov.u32 s31;
	s7 =	rddreg [dreg:$0x9];
	[sflag:s23] =	ssyncset.done $0x0  }
0xe7: {  	s15 =	rddreg [dreg:$0x8];
	[sflag:s23] =	ssyncadd.s32 $0xFFFFC000;
	s7 =	sadd.s32 s3, s7  }
0xe8: {  	[tilespmem:s4], [sflag:$0x1] =	stream.linear.gather [hbm4b:s7+s4], $0x80, $0x38;
	[tilespmem:$0x1C400] =	vst v63  }
0xe9: {  	s15 =	sadd.s32 s3, s15  }
0xea: {  	[tilespmem:s9], [sflag:$0x1] =	stream.linear.gather [hbm4b:s15+s4], $0x80, $0x38;
	[tilespmem:$0x1C400] =	vst v63  }
0xeb: {  	_ =	swait.ge [sflag:s24], $0x80  }
0xec: {  	[sflag:s24] =	ssyncset.done $0x0  }
0xed: {  	[sflag:s24] =	ssyncadd.s32 $0xFFFFFF80  }
0xee: {  	_ =	swait.ge [sflag:s24], $0x80  }
0xef: {  	[sflag:s24] =	ssyncset.done $0x0  }
0xf0: {  	[sflag:s24] =	ssyncadd.s32 $0xFFFFFF80  }
0xf1: {  	[tilespmem:s17], [sflag:$0x5] =	stream.indirect.gather [hbm4b:s1+s10], $0x80, s12, s10, $0xb8;
	[tilespmem:$0x1C400] =	vst v63  }
0xf2: {  	_ =	swait.ge [sflag:s25], $0x4000  }
0xf3: {  	[sflag:s25] =	ssyncset.done $0x0  }
0xf4: {  	[sflag:s25] =	ssyncadd.s32 $0xFFFFC000  }
0xf5: {  	[spmem:s2] =	stream.indirect.scatter.add.f32 [tilespmem:s21], [sflag:$0x8], $0x80, s11, s10, $0xb8;
	[tilespmem:$0x1C400] =	vst v63  }
0xf6: {  	_ =	swait.ge [sflag:s26], $0x4000  }
0xf7: {  	s7 =	rddreg [dreg:$0x7];
	[sflag:s26] =	ssyncset.done $0x0  }
0xf8: {  	s15 =	rddreg [dreg:$0x6];
	[sflag:s26] =	ssyncadd.s32 $0xFFFFC000;
	s7 =	sadd.s32 s3, s7  }
0xf9: {  	[tilespmem:s10], [sflag:$0x2] =	stream.linear.gather [hbm4b:s7+s4], $0x80, $0x38;
	[tilespmem:$0x1C400] =	vst v63  }
0xfa: {  	s15 =	sadd.s32 s3, s15  }
0xfb: {  	[tilespmem:s11], [sflag:$0x2] =	stream.linear.gather [hbm4b:s15+s4], $0x80, $0x38;
	[tilespmem:$0x1C400] =	vst v63  }
0xfc: {  	_ =	swait.ge [sflag:s28], $0x80  }
0xfd: {  	[sflag:s28] =	ssyncset.done $0x0  }
0xfe: {  	[sflag:s28] =	ssyncadd.s32 $0xFFFFFF80  }
0xff: {  	_ =	swait.ge [sflag:s28], $0x80  }
0x100: {  	[sflag:s28] =	ssyncset.done $0x0  }
0x101: {  	[sflag:s28] =	ssyncadd.s32 $0xFFFFFF80  }
0x102: {  	[tilespmem:s21], [sflag:$0x6] =	stream.indirect.gather [hbm4b:s1+s10], $0x80, s18, s10, $0xb8;
	[tilespmem:$0x1C400] =	vst v63  }
0x103: {  	_ =	swait.ge [sflag:s22], $0x4000  }
0x104: {  	[sflag:s22] =	ssyncset.done $0x0  }
0x105: {  	[sflag:s22] =	ssyncadd.s32 $0xFFFFC000  }
0x106: {  	[spmem:s2] =	stream.indirect.scatter.add.f32 [tilespmem:s17], [sflag:$0x7], $0x80, s13, s10, $0xb8;
	[tilespmem:$0x1C400] =	vst v63  }
0x107: {  	_ =	swait.ge [sflag:s23], $0x4000  }
0x108: {  	s7 =	rddreg [dreg:$0x5];
	[sflag:s23] =	ssyncset.done $0x0  }
0x109: {  	s15 =	rddreg [dreg:$0x4];
	[sflag:s23] =	ssyncadd.s32 $0xFFFFC000;
	s7 =	sadd.s32 s3, s7  }
0x10a: {  	[tilespmem:s12], [sflag:$0x3] =	stream.linear.gather [hbm4b:s7+s4], $0x80, $0x38;
	[tilespmem:$0x1C400] =	vst v63  }
0x10b: {  	s3 =	sadd.s32 s3, s15  }
0x10c: {  	[tilespmem:s13], [sflag:$0x3] =	stream.linear.gather [hbm4b:s3+s4], $0x80, $0x38;
	[tilespmem:$0x1C400] =	vst v63  }
0x10d: {  	_ =	swait.ge [sflag:s16], $0x80  }
0x10e: {  	[sflag:s16] =	ssyncset.done $0x0  }
0x10f: {  	[sflag:s16] =	ssyncadd.s32 $0xFFFFFF80  }
0x110: {  	_ =	swait.ge [sflag:s16], $0x80  }
0x111: {  	p0 =	sne.s32 s31, $0x2000;
	[sflag:s16] =	ssyncset.done $0x0  }
.Ltmp0:
0x112: {  	[sflag:s16] =	ssyncadd.s32 $0xFFFFFF80;
	(pc) =	sbr.rel @p0 .LBB2_2-.Ltmp0, $4  }
0x113: {  	[tilespmem:s17], [sflag:$0x5] =	stream.indirect.gather [hbm4b:s1+s10], $0x80, s4, s10, $0xb8;
	[tilespmem:$0x1C400] =	vst v63  }
0x114: {  	_ =	swait.ge [sflag:s25], $0x4000  }
0x115: {  	[sflag:s25] =	ssyncset.done $0x0  }
0x116: {  	s31 =	sadd.s32 $0x200, s31;
	s0 =	sadd.s32 $0x1000, s0;
	[sflag:s25] =	ssyncadd.s32 $0xFFFFC000  }
0x117: {  	[spmem:s2] =	stream.indirect.scatter.add.f32 [tilespmem:s21], [sflag:$0x8], $0x80, s19, s10, $0xb8;
	[tilespmem:$0x1C400] =	vst v63  }
0x118: {  	_ =	swait.ge [sflag:s26], $0x4000  }
0x119: {  	[sflag:s26] =	ssyncset.done $0x0  }
0x11a: {  	s0 =	rddreg [dreg:$0x1a];
	[sflag:s26] =	ssyncadd.s32 $0xFFFFC000  }
0x11b: {  	[tilespmem:s18], [sflag:$0x4] =	stream.linear.gather [hbm4b:s0+s4], $0x80, $0x38;
	[tilespmem:$0x1C400] =	vst v63  }
0x11c: {  	s15 =	rddreg [dreg:$0x1b]  }
0x11d: {  	[tilespmem:s19], [sflag:$0x4] =	stream.linear.gather [hbm4b:s15+s4], $0x80, $0x38;
	[tilespmem:$0x1C400] =	vst v63  }
0x11e: {  	_ =	swait.ge [sflag:s20], $0x80  }
0x11f: {  	[sflag:s20] =	ssyncset.done $0x0  }
0x120: {  	[sflag:s20] =	ssyncadd.s32 $0xFFFFFF80  }
0x121: {  	_ =	swait.ge [sflag:s20], $0x80  }
0x122: {  	[sflag:s20] =	ssyncset.done $0x0  }
0x123: {  	[sflag:s20] =	ssyncadd.s32 $0xFFFFFF80  }
0x124: {  	[tilespmem:s21], [sflag:$0x6] =	stream.indirect.gather [hbm4b:s1+s10], $0x80, s10, s10, $0xb8;
	[tilespmem:$0x1C400] =	vst v63  }
0x125: {  	_ =	swait.ge [sflag:s22], $0x4000  }
0x126: {  	[sflag:s22] =	ssyncset.done $0x0  }
0x127: {  	[sflag:s22] =	ssyncadd.s32 $0xFFFFC000  }
0x128: {  	[spmem:s2] =	stream.indirect.scatter.add.f32 [tilespmem:s17], [sflag:$0x7], $0x80, s9, s10, $0xb8;
	[tilespmem:$0x1C400] =	vst v63  }
0x129: {  	_ =	swait.ge [sflag:s23], $0x4000  }
0x12a: {  	[sflag:s23] =	ssyncset.done $0x0  }
0x12b: {  	s31 =	rddreg [dreg:$0x1c];
	[sflag:s23] =	ssyncadd.s32 $0xFFFFC000  }
0x12c: {  	[tilespmem:s4], [sflag:$0x1] =	stream.linear.gather [hbm4b:s31+s4], $0x80, $0x38;
	[tilespmem:$0x1C400] =	vst v63  }
0x12d: {  	s3 =	rddreg [dreg:$0x1d]  }
0x12e: {  	[tilespmem:s9], [sflag:$0x1] =	stream.linear.gather [hbm4b:s3+s4], $0x80, $0x38;
	[tilespmem:$0x1C400] =	vst v63  }
0x12f: {  	_ =	swait.ge [sflag:s24], $0x80  }
0x130: {  	[sflag:s24] =	ssyncset.done $0x0  }
0x131: {  	[sflag:s24] =	ssyncadd.s32 $0xFFFFFF80  }
0x132: {  	_ =	swait.ge [sflag:s24], $0x80  }
0x133: {  	[sflag:s24] =	ssyncset.done $0x0  }
0x134: {  	[sflag:s24] =	ssyncadd.s32 $0xFFFFFF80  }
0x135: {  	[tilespmem:s17], [sflag:$0x5] =	stream.indirect.gather [hbm4b:s1+s10], $0x80, s12, s10, $0xb8;
	[tilespmem:$0x1C400] =	vst v63  }
0x136: {  	_ =	swait.ge [sflag:s25], $0x4000  }
0x137: {  	[sflag:s25] =	ssyncset.done $0x0  }
0x138: {  	[sflag:s25] =	ssyncadd.s32 $0xFFFFC000  }
0x139: {  	[spmem:s2] =	stream.indirect.scatter.add.f32 [tilespmem:s21], [sflag:$0x8], $0x80, s11, s10, $0xb8;
	[tilespmem:$0x1C400] =	vst v63  }
0x13a: {  	_ =	swait.ge [sflag:s26], $0x4000  }
0x13b: {  	[sflag:s26] =	ssyncset.done $0x0  }
0x13c: {  	s7 =	rddreg [dreg:$0x1e];
	[sflag:s26] =	ssyncadd.s32 $0xFFFFC000  }
0x13d: {  	[tilespmem:s10], [sflag:$0x2] =	stream.linear.gather [hbm4b:s7+s4], $0x80, $0x38;
	[tilespmem:$0x1C400] =	vst v63  }
0x13e: {  	s15 =	rddreg [dreg:$0x1f]  }
0x13f: {  	[tilespmem:s11], [sflag:$0x2] =	stream.linear.gather [hbm4b:s15+s4], $0x80, $0x38;
	[tilespmem:$0x1C400] =	vst v63  }
0x140: {  	_ =	swait.ge [sflag:s28], $0x80  }
0x141: {  	[sflag:s28] =	ssyncset.done $0x0  }
0x142: {  	[sflag:s28] =	ssyncadd.s32 $0xFFFFFF80  }
0x143: {  	_ =	swait.ge [sflag:s28], $0x80  }
0x144: {  	[sflag:s28] =	ssyncset.done $0x0  }
0x145: {  	[sflag:s28] =	ssyncadd.s32 $0xFFFFFF80  }
0x146: {  	[tilespmem:s21], [sflag:$0x6] =	stream.indirect.gather [hbm4b:s1+s10], $0x80, s18, s10, $0xb8;
	[tilespmem:$0x1C400] =	vst v63  }
0x147: {  	_ =	swait.ge [sflag:s22], $0x4000  }
0x148: {  	[sflag:s22] =	ssyncset.done $0x0  }
0x149: {  	[sflag:s22] =	ssyncadd.s32 $0xFFFFC000  }
0x14a: {  	[spmem:s2] =	stream.indirect.scatter.add.f32 [tilespmem:s17], [sflag:$0x7], $0x80, s13, s10, $0xb8;
	[tilespmem:$0x1C400] =	vst v63  }
0x14b: {  	_ =	swait.ge [sflag:s23], $0x4000  }
0x14c: {  	s31 =	sld [smem:$0x7F9]  }
0x14d: {  	[sflag:s23] =	ssyncset.done $0x0  }
0x14e: {  	s3 =	sld [smem:$0x7FA];
	[sflag:s23] =	ssyncadd.s32 $0xFFFFC000  }
0x14f: {  	[tilespmem:s12], [sflag:$0x3] =	stream.linear.gather [hbm4b:s31+s4], $0x80, $0x38;
	[tilespmem:$0x1C400] =	vst v63  }
0x150: {  	_ = 	snop  }
0x151: {  	[tilespmem:s13], [sflag:$0x3] =	stream.linear.gather [hbm4b:s3+s4], $0x80, $0x38;
	[tilespmem:$0x1C400] =	vst v63  }
0x152: {  	_ =	swait.ge [sflag:s16], $0x80  }
0x153: {  	[sflag:s16] =	ssyncset.done $0x0  }
0x154: {  	[sflag:s16] =	ssyncadd.s32 $0xFFFFFF80  }
0x155: {  	_ =	swait.ge [sflag:s16], $0x80  }
0x156: {  	[sflag:s16] =	ssyncset.done $0x0  }
0x157: {  	[sflag:s16] =	ssyncadd.s32 $0xFFFFFF80  }
0x158: {  	[tilespmem:s17], [sflag:$0x5] =	stream.indirect.gather [hbm4b:s1+s10], $0x80, s4, s10, $0xb8;
	[tilespmem:$0x1C400] =	vst v63  }
0x159: {  	_ =	swait.ge [sflag:s25], $0x4000  }
0x15a: {  	[sflag:s25] =	ssyncset.done $0x0  }
0x15b: {  	[sflag:s25] =	ssyncadd.s32 $0xFFFFC000  }
0x15c: {  	[spmem:s2] =	stream.indirect.scatter.add.f32 [tilespmem:s21], [sflag:$0x8], $0x80, s19, s10, $0xb8;
	[tilespmem:$0x1C400] =	vst v63  }
0x15d: {  	_ =	swait.ge [sflag:s26], $0x4000  }
0x15e: {  	[sflag:s26] =	ssyncset.done $0x0  }
0x15f: {  	[sflag:s26] =	ssyncadd.s32 $0xFFFFC000  }
0x160: {  	_ =	swait.ge [sflag:s20], $0x80  }
0x161: {  	[sflag:s20] =	ssyncset.done $0x0  }
0x162: {  	[sflag:s20] =	ssyncadd.s32 $0xFFFFFF80  }
0x163: {  	_ =	swait.ge [sflag:s20], $0x80  }
0x164: {  	[sflag:s20] =	ssyncset.done $0x0  }
0x165: {  	[sflag:s20] =	ssyncadd.s32 $0xFFFFFF80  }
0x166: {  	[tilespmem:s21], [sflag:$0x6] =	stream.indirect.gather [hbm4b:s1+s10], $0x80, s10, s10, $0xb8;
	[tilespmem:$0x1C400] =	vst v63  }
0x167: {  	_ =	swait.ge [sflag:s22], $0x4000  }
0x168: {  	[sflag:s22] =	ssyncset.done $0x0  }
0x169: {  	[sflag:s22] =	ssyncadd.s32 $0xFFFFC000  }
0x16a: {  	[spmem:s2] =	stream.indirect.scatter.add.f32 [tilespmem:s17], [sflag:$0x7], $0x80, s9, s10, $0xb8;
	[tilespmem:$0x1C400] =	vst v63  }
0x16b: {  	_ =	swait.ge [sflag:s23], $0x4000  }
0x16c: {  	[sflag:s23] =	ssyncset.done $0x0  }
0x16d: {  	[sflag:s23] =	ssyncadd.s32 $0xFFFFC000  }
0x16e: {  	_ =	swait.ge [sflag:s24], $0x80  }
0x16f: {  	[sflag:s24] =	ssyncset.done $0x0  }
0x170: {  	[sflag:s24] =	ssyncadd.s32 $0xFFFFFF80  }
0x171: {  	_ =	swait.ge [sflag:s24], $0x80  }
0x172: {  	[sflag:s24] =	ssyncset.done $0x0  }
0x173: {  	[sflag:s24] =	ssyncadd.s32 $0xFFFFFF80  }
0x174: {  	[tilespmem:s17], [sflag:$0x5] =	stream.indirect.gather [hbm4b:s1+s10], $0x80, s12, s10, $0xb8;
	[tilespmem:$0x1C400] =	vst v63  }
0x175: {  	_ =	swait.ge [sflag:s25], $0x4000  }
0x176: {  	[sflag:s25] =	ssyncset.done $0x0  }
0x177: {  	[sflag:s25] =	ssyncadd.s32 $0xFFFFC000  }
0x178: {  	[spmem:s2] =	stream.indirect.scatter.add.f32 [tilespmem:s21], [sflag:$0x8], $0x80, s11, s10, $0xb8;
	[tilespmem:$0x1C400] =	vst v63  }
0x179: {  	_ =	swait.ge [sflag:s26], $0x4000  }
0x17a: {  	[sflag:s26] =	ssyncset.done $0x0  }
0x17b: {  	[sflag:s26] =	ssyncadd.s32 $0xFFFFC000  }
0x17c: {  	_ =	swait.ge [sflag:s22], $0x4000  }
0x17d: {  	[sflag:s22] =	ssyncset.done $0x0  }
0x17e: {  	[sflag:s22] =	ssyncadd.s32 $0xFFFFC000  }
0x17f: {  	[spmem:s2] =	stream.indirect.scatter.add.f32 [tilespmem:s17], [sflag:$0x7], $0x80, s13, s10, $0xb8;
	[tilespmem:$0x1C400] =	vst v63  }
0x180: {  	_ =	swait.ge [sflag:s23], $0x4000  }
0x181: {  	[sflag:s23] =	ssyncset.done $0x0  }
0x182: {  	[sflag:s23] =	ssyncadd.s32 $0xFFFFC000  }
0x183: {  	[bflag:$0x0] =	sbarrier.arrive $0xFFFF  }
0x184: {  	s7 =	sld [smem:$0x7FB];
	_ =	sdelay $0x2  }
0x185: {  	[hbm:s7], [sflag:s8] =	dma.local [spmem:s30], $0x2800  }
0x186: {  	_ =	swait.ge [sflag:s14], $0x2800  }
0x187: {  	s31 =	sld [smem:$0x7FC];
	_ =	sdelay $0x1  }
0x188: {  	s29 =	sadd.s32 $0x1, s29  }
0x189: {  	p0 =	sne.s32 s29, s31  }
.Ltmp1:
0x18a: {  	_ = 	snop;
	(pc) =	sbr.rel @p0 .LBB2_1-.Ltmp1, $3  }
0x18b: {  	_ =	sdelay $0x1  }
0x18c: {  	[sflag:s14] =	ssyncset.done $0x0  }
0x18d: {  	s15 =	smov.u32 s8;
	[sflag:s14] =	ssyncadd.s32 $0xFFFFD800  }
0x18e: {  	_ =	sfence.sel $0x180000  }
0x18f: {  	[bflag:$0x0] =	sbarrier.arrive $0xFFFF  }
0x190: {  	_ =	strace $0x9000004A  }
0x191: {  	s0 =	stileid.u32;
	[bflag:$0x2] =	sbarrier.arrive $0xFFFF  }
0x192: {  	p0 =	sne.s32 s0, $0x0;
	s0 =	rddreg [dreg:$0x3]  }
0x193: {  	s0 =	sadd.s32 @!p0 $0x100000, s0  }
0x194: {  	[sflag:s0] =	ssyncadd.tile.s32 @!p0 $0x1;
	_ =	shalt  }
.Lfunc_end2:
_tile_overlayer_lowered:
.L_overlay_start_2:
0x195: {  	(tag) =	ssettag $0x2  }
0x196: {  	s0 =	rddreg [dreg:$0x0];
	s2 =	stileid.u32  }
0x197: {  	s1 =	rddreg [dreg:$0x1];
	p0 =	sne.s32 s2, $0x0  }
0x198: {  	s3 =	rddreg [dreg:$0x2];
	[bflag:$0x3] =	sbarrier.arrive $0xFFFF;
	s2 =	simm.s32 @!p0 $0x1C09  }
0x199: {  	[timem:s3], [sflag:s2] =	dma.local @!p0 [hbm:s0], s1  }
0x19a: {  	s0 =	simm.s32 @!p0 $0x9  }
0x19b: {  	_ =	swait.ge @!p0 [sflag:s0], s1  }
0x19c: {  	s1 =	ssub.s32 @!p0 $0x0, s1;
	[sflag:s0] =	ssyncset.done @!p0 $0x0  }
0x19d: {  	[sflag:s0] =	ssyncadd.s32 @!p0 s1  }
0x19e: {  	[bflag:$0x3] =	sbarrier.arrive $0xFFFF  }
0x19f: {  	_ =	shalt  }

// kernel: kernel.8.cloned.1.call-start
scs
__scs_entry_jumppad:
0x0: {  	(pc) =	sbr.rel $0x88, $3  }
0x1: {  	(tag) =	ssettag $0x0;
	lr =	simm.s32 $0x1  }
0x2: {  	[smem:$0x3F99] =	sst lr;
	_ =	strace $0xD0000000  }
0x3: {  	_ = 	snop  }
0x4: {  	_ = 	snop  }
0x5: {  	_ = 	snop  }
0x6: {  	_ = 	snop  }
0x7: {  	_ = 	snop  }
__scs_overlays_trampoline_lowered:
0x8: {  	[smem:$0x3FA8] =	sst s0  }
0x9: {  	[smem:$0x3FA9] =	sst s1  }
0xa: {  	[smem:$0x3FAA] =	sst s2  }
0xb: {  	[smem:$0x3FAB] =	sst s3  }
0xc: {  	[smem:$0x3FAC] =	sst s4  }
0xd: {  	[smem:$0x3FAD] =	sst s5  }
0xe: {  	[smem:$0x3FAE] =	sst s6  }
0xf: {  	[smem:$0x3FAF] =	sst s7  }
0x10: {  	[smem:$0x3FB0] =	sst s8  }
0x11: {  	[smem:$0x3FB1] =	sst s9;
	s0 =	simm.s32 @!p0 $0x0  }
0x12: {  	s1 =	sld [smem:$0x3F97];
	s0 =	simm.s32 @p0 $0x1  }
0x13: {  	[smem:$0x3FB2] =	sst s0;
	s0 =	simm.s32 @!p1 $0x0  }
0x14: {  	s2 =	sld [smem:$0x3F96];
	s0 =	simm.s32 @p1 $0x1  }
0x15: {  	[smem:$0x3FB3] =	sst s0;
	s0 =	simm.s32 @!p2 $0x0  }
0x16: {  	s3 =	sld [smem:$0x3FDB];
	s0 =	simm.s32 @p2 $0x1  }
0x17: {  	s4 =	simm.s32 $0x1BF5;
	[smem:$0x3FB5] =	sst s0  }
0x18: {  	s0 =	sld [smem:$0x3F98];
	_ =	swait.ge [sflag:s4], $0x0  }
0x19: {  	s7 =	sld [smem:$0x3F99]  }
0x1a: {  	s8 =	sadd.s32 $0xFFFFE003, lr  }
0x1b: {  	s9 =	sadd.s32 $0xFFFFFEF7, lr;
	s5 =	simm.s32 $0xFFFFFFFF;
	p2 =	slt.u32 s8, $0xFFFFF086  }
0x1c: {  	p1 =	slt.u32 s9, $0xF7A;
	s5 =	simm.s32 @!p2 $0x0  }
0x1d: {  	s5 =	simm.s32 @p1 $0x1;
	p0 =	seq.s32 s7, s2  }
0x1e: {  	s7 =	smul.u32 @!p0 $0xF7A, s2;
	p2 =	seq.s32 @!p0 s5, $0x0  }
0x1f: {  	s9 =	smul.u32 $0xF7A, s1;
	s8 =	simm.s32 @!p0 $0x1BF5;
	p2 =	por !p2, p0  }
0x20: {  	[sflag:s8] =	ssyncset.s32 @!p0 $0xFFFFF086;
	s6 =	sadd.s32 @!p0 s3, s7;
	s7 =	simm.s32 @!p0 $0x108  }
0x21: {  	s3 =	sadd.s32 s3, s9;
	s6 =	sadd.s32 @!p0 $0x88, s6;
	s7 =	simm.s32 @p2 $0x1082  }
0x22: {  	[simem:s7], [sflag:s8] =	dma.local @!p0 [hbm:s6], $0xF7A  }
0x23: {  	s9 =	sor.u32 $0xD0000000, s2;
	s6 =	simm.s32 $0x108;
	_ =	swait.ge @!p0 [sflag:s8], $0x0  }
0x24: {  	s3 =	sadd.s32 $0x88, s3;
	s6 =	simm.s32 @!p1 $0x1082;
	[sflag:s4] =	ssyncset.s32 $0xFFFFF086  }
0x25: {  	[simem:s6], [sflag:s4] =	dma.local [hbm:s3], $0xF7A  }
0x26: {  	[smem:$0x3F99] =	sst s1;
	(tag) =	ssettag s2;
	_ =	strace s9  }
0x27: {  	s1 =	sld [smem:$0x3FA9]  }
0x28: {  	s2 =	sld [smem:$0x3FAA]  }
0x29: {  	s4 =	sld [smem:$0x3FAC]  }
0x2a: {  	p0 =	seq.s32 s5, $0x0;
	s5 =	sld [smem:$0x3FAD]  }
0x2b: {  	s6 =	sld [smem:$0x3FAE]  }
0x2c: {  	s7 =	sld [smem:$0x3FAF]  }
0x2d: {  	s3 =	simm.s32 $0x108;
	s8 =	sld [smem:$0x3FB0]  }
0x2e: {  	s3 =	simm.s32 @!p0 $0x1082;
	s9 =	sld [smem:$0x3FB1]  }
0x2f: {  	lr =	sadd.s32 s0, s3;
	s0 =	sld [smem:$0x3FA8]  }
0x30: {  	s3 =	sld [smem:$0x3FAB]  }
0x31: {  	[smem:$0x3FB4] =	sst s10  }
0x32: {  	s10 =	sld [smem:$0x3FB2];
	_ =	sdelay $0x3  }
0x33: {  	p0 =	seq.s32 s10, $0x1;
	s10 =	sld [smem:$0x3FB4];
	_ =	sdelay $0x3  }
0x34: {  	[smem:$0x3FB4] =	sst s10  }
0x35: {  	s10 =	sld [smem:$0x3FB3];
	_ =	sdelay $0x3  }
0x36: {  	p1 =	seq.s32 s10, $0x1;
	s10 =	sld [smem:$0x3FB4];
	_ =	sdelay $0x3  }
0x37: {  	[smem:$0x3FB4] =	sst s10  }
0x38: {  	s10 =	sld [smem:$0x3FB5]  }
0x39: {  	_ = 	snop;
	(pc) =	sbr.ind lr, $3  }
0x3a: {  	_ = 	snop  }
0x3b: {  	_ = 	snop  }
0x3c: {  	p2 =	seq.s32 s10, $0x1;
	s10 =	sld [smem:$0x3FB4]  }
0x3d: {  	_ =	shalt  }
0x3e: {  	_ =	shalt  }
0x3f: {  	_ =	shalt  }
0x40: {  	_ =	shalt  }
0x41: {  	_ =	shalt  }
0x42: {  	_ =	shalt  }
0x43: {  	_ =	shalt  }
0x44: {  	_ =	shalt  }
0x45: {  	_ =	shalt  }
0x46: {  	_ =	shalt  }
0x47: {  	_ =	shalt  }
0x48: {  	_ =	shalt  }
0x49: {  	_ =	shalt  }
0x4a: {  	_ =	shalt  }
0x4b: {  	_ =	shalt  }
0x4c: {  	_ =	shalt  }
0x4d: {  	_ =	shalt  }
0x4e: {  	_ =	shalt  }
0x4f: {  	_ =	shalt  }
0x50: {  	_ =	shalt  }
0x51: {  	_ =	shalt  }
0x52: {  	_ =	shalt  }
0x53: {  	_ =	shalt  }
0x54: {  	_ =	shalt  }
0x55: {  	_ =	shalt  }
0x56: {  	_ =	shalt  }
0x57: {  	_ =	shalt  }
0x58: {  	_ =	shalt  }
0x59: {  	_ =	shalt  }
0x5a: {  	_ =	shalt  }
0x5b: {  	_ =	shalt  }
0x5c: {  	_ =	shalt  }
0x5d: {  	_ =	shalt  }
0x5e: {  	_ =	shalt  }
0x5f: {  	_ =	shalt  }
0x60: {  	_ =	shalt  }
0x61: {  	_ =	shalt  }
0x62: {  	_ =	shalt  }
0x63: {  	_ =	shalt  }
0x64: {  	_ =	shalt  }
0x65: {  	_ =	shalt  }
0x66: {  	_ =	shalt  }
0x67: {  	_ =	shalt  }
0x68: {  	_ =	shalt  }
0x69: {  	_ =	shalt  }
0x6a: {  	_ =	shalt  }
0x6b: {  	_ =	shalt  }
0x6c: {  	_ =	shalt  }
0x6d: {  	_ =	shalt  }
0x6e: {  	_ =	shalt  }
0x6f: {  	_ =	shalt  }
0x70: {  	_ =	shalt  }
0x71: {  	_ =	shalt  }
0x72: {  	_ =	shalt  }
0x73: {  	_ =	shalt  }
0x74: {  	_ =	shalt  }
0x75: {  	_ =	shalt  }
0x76: {  	_ =	shalt  }
0x77: {  	_ =	shalt  }
0x78: {  	_ =	shalt  }
0x79: {  	_ =	shalt  }
0x7a: {  	_ =	shalt  }
0x7b: {  	_ =	shalt  }
0x7c: {  	_ =	shalt  }
0x7d: {  	_ =	shalt  }
0x7e: {  	_ =	shalt  }
0x7f: {  	_ =	shalt  }
0x80: {  	_ =	shalt  }
0x81: {  	_ =	shalt  }
0x82: {  	_ =	shalt  }
0x83: {  	_ =	shalt  }
0x84: {  	_ =	shalt  }
0x85: {  	_ =	shalt  }
0x86: {  	_ =	shalt  }
0x87: {  	_ =	shalt  }
.Lfunc_end0:
.L_simem_size_0:
called_computation_lowered:
.L_overlay_start_0:
0x88: {  	s2 =	sld [smem:$0x3FD9]  }
0x89: {  	s3 =	sld [smem:$0x3FFE];
	_ =	sdelay $0x1  }
0x8a: {  	s1 =	srdreg.scid  }
0x8b: {  	s0 =	sand.u32 $0x1, s1  }
0x8c: {  	s17 =	sshll.u32 s0, $0xA;
	s2 =	sadd.s32 s3, s2  }
0x8d: {  	s2 =	sadd.s32 s2, s17  }
0x8e: {  	[smem:$0x3FC0] =	sst s2  }
0x8f: {  	_ = 	snop  }
0x90: {  	s2 =	sld [smem:$0x3FC9]  }
0x91: {  	s18 =	sld [smem:$0x3FD0];
	(tm) =	ssettm $0x1  }
0x92: {  	s4 =	sld [smem:$0x3FFB];
	_ =	sdelay $0x3  }
0x93: {  	_ =	strace s4  }
0x94: {  	s4 =	sld [smem:$0x3FFC];
	_ =	sdelay $0x3  }
0x95: {  	_ =	strace s4  }
0x96: {  	s4 =	sld [smem:$0x3FFD];
	_ =	sdelay $0x3  }
0x97: {  	_ =	strace s4  }
0x98: {  	_ =	strace $0x8FFFFFFF  }
0x99: {  	s19 =	sld [smem:$0x3FDB];
	_ =	sdelay $0x1  }
0x9a: {  	s5 =	simm.s32 $_scs_section_size  }
0x9b: {  	s6 =	simm.s32 $_size__tile_overlayer_lowered;
	s7 =	simm.s32 $_tile_overlayer_lowered  }
0x9c: {  	s22 =	simm.s32 $0x1BFF;
	s21 =	sshll.u32 s7, $0x1;
	s4 =	sadd.s32 s5, s19  }
0x9d: {  	s8 =	simm.s32 $0x0;
	s20 =	sshll.u32 s6, $0x1;
	s6 =	sadd.s32 s21, s4  }
0x9e: {  	[timem:s8], [sflag:s22] =	dma.local [hbm:s6], s20  }
0x9f: {  	_ =	swait.ge [sflag:s22], s20  }
0xa0: {  	s5 =	ssub.s32 $0x0, s20;
	[sflag:s22] =	ssyncset.done $0x0  }
0xa1: {  	[sflag:s22] =	ssyncadd.s32 s5;
	_ =	sdelay $0x1  }
0xa2: {  	s23 =	simm.s32 $0x1B8B  }
0xa3: {  	_ =	swait.ge [sflag:s23], $0x1  }
0xa4: {  	[sflag:s23] =	ssyncset.done $0x0  }
0xa5: {  	s25 =	simm.s32 $0x1B8E;
	s24 =	sld [smem:$0x3FFE];
	[sflag:s23] =	ssyncadd.s32 $0xFFFFFFFF  }
0xa6: {  	s26 =	simm.s32 $execute0_lowered;
	[smem:$0x3FD2] =	sst s25  }
0xa7: {  	s6 =	sshll.u32 s26, $0x1;
	_ =	strace $0x80000046;
	[dreg:$0x1] =	wrdreg $0xFFFFFFFF  }
0xa8: {  	s28 =	simm.s32 $_size_execute0_lowered;
	s4 =	sadd.s32 s4, s6;
	[dreg:$0x0] =	wrdreg $0x0  }
0xa9: {  	s6 =	sshll.u32 s28, $0x1;
	[dreg:$0x2] =	wrdreg s4  }
0xaa: {  	[dreg:$0x3] =	wrdreg s6  }
0xab: {  	[dreg:$0x4] =	wrdreg $0xC0  }
0xac: {  	_ =	task [dreg:s8], $0x5FFFF  }
0xad: {  	[dreg:$0x1] =	wrdreg $0xFFFFFFFF  }
0xae: {  	[dreg:$0x0] =	wrdreg $0x60  }
0xaf: {  	[dreg:$0x2] =	wrdreg s2  }
0xb0: {  	[dreg:$0x3] =	wrdreg s24  }
0xb1: {  	[dreg:$0x4] =	wrdreg s18  }
0xb2: {  	[dreg:$0x5] =	wrdreg $0x84800  }
0xb3: {  	[dreg:$0x6] =	wrdreg $0x1C4800  }
0xb4: {  	[dreg:$0x7] =	wrdreg $0x9  }
0xb5: {  	_ =	task.clear_ibuf [dreg:s8], $0x8FFFF;
	_ =	strace $0x90000046  }
0xb6: {  	s29 =	simm.s32 $0x9;
	_ =	strace $0x80000048  }
0xb7: {  	_ =	swait.ge [sflag:s29], $0x1  }
0xb8: {  	[sflag:s29] =	ssyncadd.s32 $0xFFFFFFFF  }
0xb9: {  	_ =	strace $0x90000048  }
0xba: {  	_ =	sfence  }
0xbb: {  	s30 =	sld [smem:$0x0];
	_ =	sdelay $0x2  }
0xbc: {  	s31 =	sshll.u32 s1, $0xD;
	s1 =	sshrl.u32 s1, $0x2  }
0xbd: {  	s3 =	sand.u32 $0x4000, s31;
	s1 =	sadd.s32 s1, s30  }
0xbe: {  	s0 =	sor.u32 s3, s0;
	s1 =	sshll.u32 s1, $0x11  }
0xbf: {  	s0 =	sor.u32 s1, s0  }
0xc0: {  	s0 =	sadd.s32 $0x8F2B, s0  }
0xc1: {  	[sflag:s0] =	ssyncadd.remote.s32 $0x1  }
0xc2: {  	_ =	sfence.sel $0xFFFF  }
0xc3: {  	[dreg:$0x0] =	wrdreg $0xFFFFFFFF;
	(pc) =	sbr.abs _section_cstart, $3  }
0xc4: {  	[dreg:$0x1] =	wrdreg $0xFFFFFFFF  }
0xc5: {  	_ =	task.clear_ibuf [dreg:s8], $0x2FFFF;
	_ =	strace $0x9FFFFFFF  }
0xc6: {  	(tm) =	ssettm $0x7FFFFFFF  }
0xc7: {  	_ =	shalt  }
tec
execute0_lowered:
.L_overlay_start_1:
0x0: {  	(tag) =	ssettag $0x1  }
0x1: {  	s1 =	rddreg [dreg:$0x0]  }
0x2: {  	s0 =	rddreg [dreg:$0x1]  }
0x3: {  	s9 =	rddreg [dreg:$0x2]  }
0x4: {  	s2 =	rddreg [dreg:$0x3]  }
0x5: {  	s3 =	rddreg [dreg:$0x4]  }
0x6: {  	s4 =	simm.s32 $0x0;
	s5 =	srdreg.scid;
	s16 =	stileid.u32  }
0x7: {  	s28 =	simm.s32 $0x2;
	s29 =	simm.s32 $0x4400;
	s30 =	simm.s32 $0x5  }
0x8: {  	s31 =	simm.s32 $0x7;
	[smem:$0x7FF] =	sst s4;
	s6 =	sadd.s32 $0x2400, s0  }
0x9: {  	s10 =	sand.u32 $0x1, s5;
	s7 =	sadd.s32 $0xC200, s0;
	s11 =	smul.u32 $0x14000, s16  }
0xa: {  	s12 =	sadd.s32 $0x16000, s0;
	s20 =	sadd.s32 $0x18800, s0;
	s21 =	sadd.s32 $0x18A00, s0  }
0xb: {  	_ =	strace $0x80000047;
	s5 =	smul.u32 $0x140000, s10;
	[dreg:$0xc] =	wrdreg s12  }
0xc: {  	s8 =	sshll.u32 s10, $0x4;
	[dreg:$0xd] =	wrdreg s20;
	s12 =	sshll.u32 s16, $0x7  }
0xd: {  	[dreg:$0xe] =	wrdreg s21;
	s23 =	ssub.s32 $0x2, s10;
	s8 =	sor.u32 s16, s8  }
0xe: {  	s10 =	sshll.u32 s10, $0x7;
	s8 =	sshrl.u32 s8, $0x3;
	s5 =	sadd.s32 s11, s5  }
0xf: {  	s22 =	sand.u32 $0x380, s12;
	s11 =	smul.u32 $0x13C00, s8;
	s5 =	sshrl.u32 s5, $0x3  }
0x10: {  	s13 =	sshrl.u32 s23, $0x1;
	s12 =	sor.u32 $0xC00, s12;
	s0 =	sadd.s32 s5, s0  }
0x11: {  	s5 =	ssub.s32 s23, s13;
	s23 =	smul.u32 $0x50000, s16;
	s8 =	sor.u32 s22, s11  }
0x12: {  	s0 =	sadd.s32 $0x18C00, s0;
	s14 =	sshrl.u32 s8, $0x3;
	s15 =	sadd.s32 $0x400, s8  }
0x13: {  	s17 =	sadd.s32 $0x800, s8;
	s18 =	sadd.s32 $0x2800, s8;
	s21 =	sadd.s32 $0x2400, s8  }
0x14: {  	[smem:$0x7FB] =	sst s0;
	s0 =	simm.s32 $0x9;
	s24 =	sadd.s32 s6, s14  }
0x15: {  	s25 =	sshrl.u32 s15, $0x3;
	s14 =	sadd.s32 s7, s14;
	[dreg:$0xf] =	wrdreg s24  }
0x16: {  	s15 =	smul.u32 $0x500, s16;
	[dreg:$0x10] =	wrdreg s14;
	s26 =	sadd.s32 s6, s25  }
0x17: {  	s13 =	sadd.s32 s7, s25;
	s14 =	sshrl.u32 s18, $0x3;
	[dreg:$0x11] =	wrdreg s26  }
0x18: {  	s25 =	sadd.s32 $0x2000, s8;
	s18 =	sadd.s32 $0x1000, s8;
	[dreg:$0x12] =	wrdreg s13  }
0x19: {  	s13 =	sshrl.u32 s17, $0x3;
	s10 =	sor.u32 s10, s15;
	s20 =	sadd.s32 s14, s7  }
0x1a: {  	s22 =	sadd.s32 s14, s6;
	s26 =	sshrl.u32 s23, $0x2;
	s15 =	sshll.u32 s16, $0x6  }
0x1b: {  	s16 =	smul.u32 $0xA00, s16;
	s17 =	sadd.s32 $0xC00, s8;
	[dreg:$0x6] =	wrdreg s20  }
0x1c: {  	s23 =	sadd.s32 $0x1400, s8;
	s19 =	sadd.s32 s6, s13;
	[dreg:$0x7] =	wrdreg s22  }
0x1d: {  	s10 =	sshrl.u32 s10, $0x3;
	s13 =	sadd.s32 s7, s13;
	[dreg:$0x13] =	wrdreg s19  }
0x1e: {  	s9 =	sadd.s32 s9, s10;
	s10 =	sshrl.u32 s21, $0x3;
	[dreg:$0x15] =	wrdreg s13  }
0x1f: {  	s13 =	sadd.s32 s26, s2;
	s21 =	sor.u32 $0x1C0B, s15;
	[dreg:$0x14] =	wrdreg s9  }
0x20: {  	s19 =	sshrl.u32 s18, $0x3;
	s24 =	sadd.s32 s10, s7;
	[dreg:$0x16] =	wrdreg s13  }
0x21: {  	s10 =	sadd.s32 s10, s6;
	s9 =	sshrl.u32 s25, $0x3;
	[dreg:$0x17] =	wrdreg s21  }
0x22: {  	s22 =	sadd.s32 s6, s19;
	s25 =	sadd.s32 $0x1800, s8;
	[dreg:$0x8] =	wrdreg s24  }
0x23: {  	s13 =	sadd.s32 $0x12C00, s8;
	[dreg:$0x9] =	wrdreg s10;
	s14 =	sadd.s32 s9, s7  }
0x24: {  	s9 =	sadd.s32 s9, s6;
	s10 =	sadd.s32 s11, s12;
	[dreg:$0x1b] =	wrdreg s22  }
0x25: {  	s11 =	sshrl.u32 s17, $0x3;
	s24 =	sshrl.u32 s23, $0x3;
	[dreg:$0xa] =	wrdreg s14  }
0x26: {  	s17 =	sadd.s32 $0x13000, s8;
	[dreg:$0xb] =	wrdreg s9;
	s9 =	sshrl.u32 s16, $0x2  }
0x27: {  	s20 =	sadd.s32 s6, s11;
	s11 =	sadd.s32 s7, s11;
	s26 =	sadd.s32 s6, s24  }
0x28: {  	s14 =	sshrl.u32 s13, $0x3;
	s18 =	sshrl.u32 s17, $0x3;
	[dreg:$0x19] =	wrdreg s20  }
0x29: {  	s17 =	simm.s32 $0x280;
	s9 =	sadd.s32 s9, s3;
	[dreg:$0x1a] =	wrdreg s11  }
0x2a: {  	s11 =	sshrl.u32 s25, $0x3;
	[dreg:$0x1d] =	wrdreg s26;
	s16 =	sadd.s32 s6, s14  }
0x2b: {  	s20 =	sadd.s32 s6, s18;
	s25 =	smax.u32 s5, $0x1;
	[dreg:$0x18] =	wrdreg s9  }
0x2c: {  	s26 =	sadd.s32 $0x1000, s10;
	s5 =	simm.s32 $0x3;
	[smem:$0x7F3] =	sst s16  }
0x2d: {  	s10 =	simm.s32 $0xA;
	s9 =	sadd.s32 s7, s19;
	[smem:$0x7F5] =	sst s20  }
0x2e: {  	s15 =	sadd.s32 s6, s11;
	s11 =	sadd.s32 s7, s11;
	[smem:$0x7FC] =	sst s25  }
0x2f: {  	s19 =	sadd.s32 $0x13400, s8;
	s8 =	sadd.s32 $0x13800, s8;
	[smem:$0x7FD] =	sst s26  }
0x30: {  	s16 =	simm.s32 $0x80;
	s20 =	simm.s32 $0x300;
	[dreg:$0x1c] =	wrdreg s9  }
0x31: {  	s25 =	simm.s32 $0x180;
	s26 =	simm.s32 $0x380;
	[dreg:$0x1f] =	wrdreg s15  }
0x32: {  	s9 =	sadd.s32 s7, s24;
	[smem:$0x7F2] =	sst s11;
	s11 =	sshrl.u32 s19, $0x3  }
0x33: {  	s8 =	sshrl.u32 s8, $0x3;
	[dreg:$0x1e] =	wrdreg s9;
	s9 =	sadd.s32 s7, s14  }
0x34: {  	s15 =	simm.s32 $0x200;
	s22 =	sadd.s32 s6, s11;
	[smem:$0x7F4] =	sst s9  }
0x35: {  	s19 =	simm.s32 $0x0;
	s23 =	sadd.s32 s7, s11;
	[smem:$0x7F7] =	sst s22  }
0x36: {  	s24 =	sadd.s32 s6, s8;
	s8 =	sadd.s32 s7, s8;
	[smem:$0x7F8] =	sst s23  }
0x37: {  	s14 =	simm.s32 $0xB;
	s11 =	simm.s32 $0x4;
	[smem:$0x7F9] =	sst s24  }
0x38: {  	s9 =	sadd.s32 s7, s18;
	[smem:$0x7FA] =	sst s8;
	s18 =	simm.s32 $0x100  }
0x39: {  	s22 =	simm.s32 $0x8400;
	s23 =	simm.s32 $0x1;
	s24 =	simm.s32 $0x400  }
0x3a: {  	s8 =	simm.s32 $0x6;
	[smem:$0x7F6] =	sst s9;
	s9 =	simm.s32 $0x8  }
.LBB2_1:
0x3b: {  	[smem:$0x7EF] =	sst s19  }
0x3c: {  	s12 =	rddreg [dreg:$0xf]  }
0x3d: {  	s13 =	rddreg [dreg:$0x10]  }
0x3e: {  	[tilespmem:s4], [sflag:$0x1] =	stream.linear.gather [hbm4b:s12+s4], $0x80, $0x38;
	[tilespmem:$0x1C700] =	vst v63  }
0x3f: {  	s19 =	rddreg [dreg:$0x11]  }
0x40: {  	[tilespmem:s15], [sflag:$0x1] =	stream.linear.gather [hbm4b:s13+s4], $0x80, $0x38;
	[tilespmem:$0x1C700] =	vst v63  }
0x41: {  	s13 =	rddreg [dreg:$0x12]  }
0x42: {  	[tilespmem:s16], [sflag:$0x2] =	stream.linear.gather [hbm4b:s19+s4], $0x80, $0x38;
	[tilespmem:$0x1C700] =	vst v63  }
0x43: {  	s19 =	rddreg [dreg:$0x13]  }
0x44: {  	[tilespmem:s17], [sflag:$0x2] =	stream.linear.gather [hbm4b:s13+s4], $0x80, $0x38;
	[tilespmem:$0x1C700] =	vst v63  }
0x45: {  	s13 =	rddreg [dreg:$0x15]  }
0x46: {  	[tilespmem:s18], [sflag:$0x3] =	stream.linear.gather [hbm4b:s19+s4], $0x80, $0x38;
	[tilespmem:$0x1C700] =	vst v63  }
0x47: {  	s19 =	rddreg [dreg:$0x16]  }
0x48: {  	[tilespmem:s20], [sflag:$0x3] =	stream.linear.gather [hbm4b:s13+s4], $0x80, $0x38;
	[tilespmem:$0x1C700] =	vst v63  }
0x49: {  	s12 =	sshrl.u32 s19, $0x3;
	s13 =	rddreg [dreg:$0xc]  }
0x4a: {  	[smem:$0x7F0] =	sst s12  }
0x4b: {  	[spmem:s12], [sflag:s21] =	dma.local [hbm:s13], $0x2800  }
0x4c: {  	_ =	swait.ge [sflag:s14], $0x2800  }
0x4d: {  	s13 =	rddreg [dreg:$0x18]  }
0x4e: {  	[sflag:s14] =	ssyncset.done $0x0;
	s19 =	rddreg [dreg:$0xd];
	s13 =	sshrl.u32 s13, $0x3  }
0x4f: {  	[sflag:s14] =	ssyncadd.s32 $0xFFFFD800;
	[smem:$0x7F1] =	sst s13  }
0x50: {  	[spmem:s13], [sflag:s21] =	dma.local [hbm:s19], $0x50  }
0x51: {  	_ =	swait.ge [sflag:s14], $0x50  }
0x52: {  	[sflag:s14] =	ssyncset.done $0x0  }
0x53: {  	s13 =	rddreg [dreg:$0xe];
	[sflag:s14] =	ssyncadd.s32 $0xFFFFFFB0  }
0x54: {  	[tilespmem:s22], [sflag:$0xB] =	stream.linear.gather [hbm4b:s13+s4], $0x80, $0x38;
	[tilespmem:$0x1C700] =	vst v63  }
0x55: {  	_ =	swait.ge [sflag:s14], $0x80  }
0x56: {  	[sflag:s14] =	ssyncset.done $0x0  }
0x57: {  	[sflag:s14] =	ssyncadd.s32 $0xFFFFFF80  }
0x58: {  	_ =	swait.ge [sflag:s23], $0x80  }
0x59: {  	[sflag:s23] =	ssyncset.done $0x0  }
0x5a: {  	[sflag:s23] =	ssyncadd.s32 $0xFFFFFF80  }
0x5b: {  	_ =	swait.ge [sflag:s23], $0x80  }
0x5c: {  	[sflag:s23] =	ssyncset.done $0x0  }
0x5d: {  	[sflag:s23] =	ssyncadd.s32 $0xFFFFFF80  }
0x5e: {  	[tilespmem:s24], [sflag:$0x5] =	stream.indirect.gather [hbm4b:s1+s16], $0x80, s4, s16, $0xb8;
	[tilespmem:$0x1C700] =	vst v63  }
0x5f: {  	[bflag:$0x0] =	sbarrier.arrive $0xFFFF  }
0x60: {  	s19 =	rddreg [dreg:$0x19]  }
0x61: {  	[tilespmem:s25], [sflag:$0x4] =	stream.linear.gather [hbm4b:s19+s4], $0x80, $0x38;
	[tilespmem:$0x1C700] =	vst v63  }
0x62: {  	s21 =	rddreg [dreg:$0x1a]  }
0x63: {  	[tilespmem:s26], [sflag:$0x4] =	stream.linear.gather [hbm4b:s21+s4], $0x80, $0x38;
	[tilespmem:$0x1C700] =	vst v63  }
0x64: {  	_ =	swait.ge [sflag:s28], $0x80  }
0x65: {  	[sflag:s28] =	ssyncset.done $0x0  }
0x66: {  	[sflag:s28] =	ssyncadd.s32 $0xFFFFFF80  }
0x67: {  	_ =	swait.ge [sflag:s28], $0x80  }
0x68: {  	[sflag:s28] =	ssyncset.done $0x0  }
0x69: {  	[sflag:s28] =	ssyncadd.s32 $0xFFFFFF80  }
0x6a: {  	[tilespmem:s29], [sflag:$0x6] =	stream.indirect.gather [hbm4b:s1+s16], $0x80, s16, s16, $0xb8;
	[tilespmem:$0x1C700] =	vst v63  }
0x6b: {  	_ =	swait.ge [sflag:s30], $0x4000  }
0x6c: {  	[sflag:s30] =	ssyncset.done $0x0  }
0x6d: {  	[sflag:s30] =	ssyncadd.s32 $0xFFFFC000  }
0x6e: {  	[spmem:s2] =	stream.indirect.scatter.add.f32 [tilespmem:s24], [sflag:$0x7], $0x80, s15, s16, $0xb8;
	[tilespmem:$0x1C700] =	vst v63  }
0x6f: {  	_ = 	snop  }
0x70: {  	[spmem:s3] =	stream.indirect.scatter.add.f32 [tilespmem:s22], [sflag:$0x9], $0x1, s15, s16, $0xb8;
	[tilespmem:$0x1C700] =	vst v63  }
0x71: {  	_ =	swait.ge [sflag:s31], $0x4000  }
0x72: {  	[sflag:s31] =	ssyncset.done $0x0  }
0x73: {  	[sflag:s31] =	ssyncadd.s32 $0xFFFFC000  }
0x74: {  	_ =	swait.ge [sflag:s0], $0x80  }
0x75: {  	[sflag:s0] =	ssyncset.done $0x0  }
0x76: {  	s13 =	rddreg [dreg:$0x1b];
	[sflag:s0] =	ssyncadd.s32 $0xFFFFFF80  }
0x77: {  	[tilespmem:s4], [sflag:$0x1] =	stream.linear.gather [hbm4b:s13+s4], $0x80, $0x38;
	[tilespmem:$0x1C700] =	vst v63  }
0x78: {  	s14 =	rddreg [dreg:$0x1c]  }
0x79: {  	[tilespmem:s15], [sflag:$0x1] =	stream.linear.gather [hbm4b:s14+s4], $0x80, $0x38;
	[tilespmem:$0x1C700] =	vst v63  }
0x7a: {  	_ =	swait.ge [sflag:s5], $0x80  }
0x7b: {  	[sflag:s5] =	ssyncset.done $0x0  }
0x7c: {  	[sflag:s5] =	ssyncadd.s32 $0xFFFFFF80  }
0x7d: {  	_ =	swait.ge [sflag:s5], $0x80  }
0x7e: {  	[sflag:s5] =	ssyncset.done $0x0  }
0x7f: {  	[sflag:s5] =	ssyncadd.s32 $0xFFFFFF80  }
0x80: {  	[tilespmem:s24], [sflag:$0x5] =	stream.indirect.gather [hbm4b:s1+s16], $0x80, s18, s16, $0xb8;
	[tilespmem:$0x1C700] =	vst v63  }
0x81: {  	_ =	swait.ge [sflag:s8], $0x4000  }
0x82: {  	[sflag:s8] =	ssyncset.done $0x0  }
0x83: {  	[sflag:s8] =	ssyncadd.s32 $0xFFFFC000  }
0x84: {  	[spmem:s2] =	stream.indirect.scatter.add.f32 [tilespmem:s29], [sflag:$0x8], $0x80, s17, s16, $0xb8;
	[tilespmem:$0x1C700] =	vst v63  }
0x85: {  	_ = 	snop  }
0x86: {  	[spmem:s3] =	stream.indirect.scatter.add.f32 [tilespmem:s22], [sflag:$0xA], $0x1, s17, s16, $0xb8;
	[tilespmem:$0x1C700] =	vst v63  }
0x87: {  	_ =	swait.ge [sflag:s9], $0x4000  }
0x88: {  	[sflag:s9] =	ssyncset.done $0x0  }
0x89: {  	[sflag:s9] =	ssyncadd.s32 $0xFFFFC000  }
0x8a: {  	_ =	swait.ge [sflag:s10], $0x80  }
0x8b: {  	[sflag:s10] =	ssyncset.done $0x0  }
0x8c: {  	s19 =	rddreg [dreg:$0x1d];
	[sflag:s10] =	ssyncadd.s32 $0xFFFFFF80  }
0x8d: {  	[tilespmem:s16], [sflag:$0x2] =	stream.linear.gather [hbm4b:s19+s4], $0x80, $0x38;
	[tilespmem:$0x1C700] =	vst v63  }
0x8e: {  	s21 =	rddreg [dreg:$0x1e]  }
0x8f: {  	[tilespmem:s17], [sflag:$0x2] =	stream.linear.gather [hbm4b:s21+s4], $0x80, $0x38;
	[tilespmem:$0x1C700] =	vst v63  }
0x90: {  	_ =	swait.ge [sflag:s11], $0x80  }
0x91: {  	[sflag:s11] =	ssyncset.done $0x0  }
0x92: {  	[sflag:s11] =	ssyncadd.s32 $0xFFFFFF80  }
0x93: {  	_ =	swait.ge [sflag:s11], $0x80  }
0x94: {  	[sflag:s11] =	ssyncset.done $0x0  }
0x95: {  	[sflag:s11] =	ssyncadd.s32 $0xFFFFFF80  }
0x96: {  	[tilespmem:s29], [sflag:$0x6] =	stream.indirect.gather [hbm4b:s1+s16], $0x80, s25, s16, $0xb8;
	[tilespmem:$0x1C700] =	vst v63  }
0x97: {  	_ =	swait.ge [sflag:s30], $0x4000  }
0x98: {  	[sflag:s30] =	ssyncset.done $0x0  }
0x99: {  	[sflag:s30] =	ssyncadd.s32 $0xFFFFC000  }
0x9a: {  	[spmem:s2] =	stream.indirect.scatter.add.f32 [tilespmem:s24], [sflag:$0x7], $0x80, s20, s16, $0xb8;
	[tilespmem:$0x1C700] =	vst v63  }
0x9b: {  	_ = 	snop  }
0x9c: {  	[spmem:s3] =	stream.indirect.scatter.add.f32 [tilespmem:s22], [sflag:$0x9], $0x1, s20, s16, $0xb8;
	[tilespmem:$0x1C700] =	vst v63  }
0x9d: {  	_ =	swait.ge [sflag:s31], $0x4000  }
0x9e: {  	[sflag:s31] =	ssyncset.done $0x0  }
0x9f: {  	[sflag:s31] =	ssyncadd.s32 $0xFFFFC000  }
0xa0: {  	_ =	swait.ge [sflag:s0], $0x80  }
0xa1: {  	[sflag:s0] =	ssyncset.done $0x0;
	s13 =	rddreg [dreg:$0x1f]  }
0xa2: {  	s14 =	sld [smem:$0x7F2];
	[sflag:s0] =	ssyncadd.s32 $0xFFFFFF80  }
0xa3: {  	[tilespmem:s18], [sflag:$0x3] =	stream.linear.gather [hbm4b:s13+s4], $0x80, $0x38;
	[tilespmem:$0x1C700] =	vst v63  }
0xa4: {  	_ = 	snop  }
0xa5: {  	[tilespmem:s20], [sflag:$0x3] =	stream.linear.gather [hbm4b:s14+s4], $0x80, $0x38;
	[tilespmem:$0x1C700] =	vst v63  }
0xa6: {  	_ =	swait.ge [sflag:s23], $0x80  }
0xa7: {  	[sflag:s23] =	ssyncset.done $0x0  }
0xa8: {  	[sflag:s23] =	ssyncadd.s32 $0xFFFFFF80  }
0xa9: {  	_ =	swait.ge [sflag:s23], $0x80  }
0xaa: {  	[sflag:s23] =	ssyncset.done $0x0  }
0xab: {  	[sflag:s23] =	ssyncadd.s32 $0xFFFFFF80  }
0xac: {  	[tilespmem:s24], [sflag:$0x5] =	stream.indirect.gather [hbm4b:s1+s16], $0x80, s4, s16, $0xb8;
	[tilespmem:$0x1C700] =	vst v63  }
0xad: {  	_ =	swait.ge [sflag:s8], $0x4000  }
0xae: {  	[sflag:s8] =	ssyncset.done $0x0  }
0xaf: {  	[sflag:s8] =	ssyncadd.s32 $0xFFFFC000  }
0xb0: {  	[spmem:s2] =	stream.indirect.scatter.add.f32 [tilespmem:s29], [sflag:$0x8], $0x80, s26, s16, $0xb8;
	[tilespmem:$0x1C700] =	vst v63  }
0xb1: {  	_ = 	snop  }
0xb2: {  	[spmem:s3] =	stream.indirect.scatter.add.f32 [tilespmem:s22], [sflag:$0xA], $0x1, s26, s16, $0xb8;
	[tilespmem:$0x1C700] =	vst v63  }
0xb3: {  	_ =	swait.ge [sflag:s9], $0x4000  }
0xb4: {  	[sflag:s9] =	ssyncset.done $0x0  }
0xb5: {  	[sflag:s9] =	ssyncadd.s32 $0xFFFFC000  }
0xb6: {  	_ =	swait.ge [sflag:s10], $0x80  }
0xb7: {  	s12 =	sld [smem:$0x7FD];
	_ =	sdelay $0x2  }
0xb8: {  	[sflag:s10] =	ssyncset.done $0x0;
	s19 =	sshrl.u32 s12, $0x3  }
0xb9: {  	[sflag:s10] =	ssyncadd.s32 $0xFFFFFF80;
	s21 =	sadd.s32 s6, s19  }
0xba: {  	[tilespmem:s25], [sflag:$0x4] =	stream.linear.gather [hbm4b:s21+s4], $0x80, $0x38;
	[tilespmem:$0x1C700] =	vst v63  }
0xbb: {  	s13 =	sadd.s32 s7, s19  }
0xbc: {  	[tilespmem:s26], [sflag:$0x4] =	stream.linear.gather [hbm4b:s13+s4], $0x80, $0x38;
	[tilespmem:$0x1C700] =	vst v63  }
0xbd: {  	_ =	swait.ge [sflag:s28], $0x80  }
0xbe: {  	[sflag:s28] =	ssyncset.done $0x0  }
0xbf: {  	[sflag:s28] =	ssyncadd.s32 $0xFFFFFF80  }
0xc0: {  	_ =	swait.ge [sflag:s28], $0x80  }
0xc1: {  	[sflag:s28] =	ssyncset.done $0x0  }
0xc2: {  	[sflag:s28] =	ssyncadd.s32 $0xFFFFFF80  }
0xc3: {  	[tilespmem:s29], [sflag:$0x6] =	stream.indirect.gather [hbm4b:s1+s16], $0x80, s16, s16, $0xb8;
	[tilespmem:$0x1C700] =	vst v63  }
0xc4: {  	_ =	swait.ge [sflag:s30], $0x4000  }
0xc5: {  	[sflag:s30] =	ssyncset.done $0x0  }
0xc6: {  	[sflag:s30] =	ssyncadd.s32 $0xFFFFC000  }
0xc7: {  	[spmem:s2] =	stream.indirect.scatter.add.f32 [tilespmem:s24], [sflag:$0x7], $0x80, s15, s16, $0xb8;
	[tilespmem:$0x1C700] =	vst v63  }
0xc8: {  	_ = 	snop  }
0xc9: {  	[spmem:s3] =	stream.indirect.scatter.add.f32 [tilespmem:s22], [sflag:$0x9], $0x1, s15, s16, $0xb8;
	[tilespmem:$0x1C700] =	vst v63  }
0xca: {  	_ =	swait.ge [sflag:s31], $0x4000  }
0xcb: {  	[sflag:s31] =	ssyncset.done $0x0  }
0xcc: {  	[sflag:s31] =	ssyncadd.s32 $0xFFFFC000  }
0xcd: {  	_ =	swait.ge [sflag:s0], $0x80  }
0xce: {  	s14 =	rddreg [dreg:$0xb];
	[sflag:s0] =	ssyncset.done $0x0  }
0xcf: {  	s19 =	rddreg [dreg:$0xa];
	[sflag:s0] =	ssyncadd.s32 $0xFFFFFF80;
	s13 =	sadd.s32 $0x0, s14  }
0xd0: {  	[tilespmem:s4], [sflag:$0x1] =	stream.linear.gather [hbm4b:s13+s4], $0x80, $0x38;
	[tilespmem:$0x1C700] =	vst v63  }
0xd1: {  	s21 =	sadd.s32 $0x0, s19  }
0xd2: {  	[tilespmem:s15], [sflag:$0x1] =	stream.linear.gather [hbm4b:s21+s4], $0x80, $0x38;
	[tilespmem:$0x1C700] =	vst v63  }
0xd3: {  	_ =	swait.ge [sflag:s5], $0x80  }
0xd4: {  	[sflag:s5] =	ssyncset.done $0x0  }
0xd5: {  	[sflag:s5] =	ssyncadd.s32 $0xFFFFFF80  }
0xd6: {  	_ =	swait.ge [sflag:s5], $0x80  }
0xd7: {  	[sflag:s5] =	ssyncset.done $0x0  }
0xd8: {  	[sflag:s5] =	ssyncadd.s32 $0xFFFFFF80  }
0xd9: {  	[tilespmem:s24], [sflag:$0x5] =	stream.indirect.gather [hbm4b:s1+s16], $0x80, s18, s16, $0xb8;
	[tilespmem:$0x1C700] =	vst v63  }
0xda: {  	_ =	swait.ge [sflag:s8], $0x4000  }
0xdb: {  	[sflag:s8] =	ssyncset.done $0x0  }
0xdc: {  	[sflag:s8] =	ssyncadd.s32 $0xFFFFC000  }
0xdd: {  	[spmem:s2] =	stream.indirect.scatter.add.f32 [tilespmem:s29], [sflag:$0x8], $0x80, s17, s16, $0xb8;
	[tilespmem:$0x1C700] =	vst v63  }
0xde: {  	_ = 	snop  }
0xdf: {  	[spmem:s3] =	stream.indirect.scatter.add.f32 [tilespmem:s22], [sflag:$0xA], $0x1, s17, s16, $0xb8;
	[tilespmem:$0x1C700] =	vst v63  }
0xe0: {  	_ =	swait.ge [sflag:s9], $0x4000  }
0xe1: {  	[sflag:s9] =	ssyncset.done $0x0  }
0xe2: {  	[sflag:s9] =	ssyncadd.s32 $0xFFFFC000  }
0xe3: {  	_ =	swait.ge [sflag:s10], $0x80  }
0xe4: {  	s14 =	rddreg [dreg:$0x9];
	[sflag:s10] =	ssyncset.done $0x0  }
0xe5: {  	s19 =	rddreg [dreg:$0x8];
	[sflag:s10] =	ssyncadd.s32 $0xFFFFFF80;
	s13 =	sadd.s32 $0x0, s14  }
0xe6: {  	[tilespmem:s16], [sflag:$0x2] =	stream.linear.gather [hbm4b:s13+s4], $0x80, $0x38;
	[tilespmem:$0x1C700] =	vst v63  }
0xe7: {  	s21 =	sadd.s32 $0x0, s19  }
0xe8: {  	[tilespmem:s17], [sflag:$0x2] =	stream.linear.gather [hbm4b:s21+s4], $0x80, $0x38;
	[tilespmem:$0x1C700] =	vst v63  }
0xe9: {  	_ =	swait.ge [sflag:s11], $0x80  }
0xea: {  	[sflag:s11] =	ssyncset.done $0x0  }
0xeb: {  	[sflag:s11] =	ssyncadd.s32 $0xFFFFFF80  }
0xec: {  	_ =	swait.ge [sflag:s11], $0x80  }
0xed: {  	[sflag:s11] =	ssyncset.done $0x0  }
0xee: {  	[sflag:s11] =	ssyncadd.s32 $0xFFFFFF80  }
0xef: {  	[tilespmem:s29], [sflag:$0x6] =	stream.indirect.gather [hbm4b:s1+s16], $0x80, s25, s16, $0xb8;
	[tilespmem:$0x1C700] =	vst v63  }
0xf0: {  	_ =	swait.ge [sflag:s30], $0x4000  }
0xf1: {  	[sflag:s30] =	ssyncset.done $0x0  }
0xf2: {  	[sflag:s30] =	ssyncadd.s32 $0xFFFFC000  }
0xf3: {  	[spmem:s2] =	stream.indirect.scatter.add.f32 [tilespmem:s24], [sflag:$0x7], $0x80, s20, s16, $0xb8;
	[tilespmem:$0x1C700] =	vst v63  }
0xf4: {  	_ = 	snop  }
0xf5: {  	[spmem:s3] =	stream.indirect.scatter.add.f32 [tilespmem:s22], [sflag:$0x9], $0x1, s20, s16, $0xb8;
	[tilespmem:$0x1C700] =	vst v63  }
0xf6: {  	_ =	swait.ge [sflag:s31], $0x4000  }
0xf7: {  	[sflag:s31] =	ssyncset.done $0x0  }
0xf8: {  	[sflag:s31] =	ssyncadd.s32 $0xFFFFC000  }
0xf9: {  	_ =	swait.ge [sflag:s0], $0x80  }
0xfa: {  	s14 =	rddreg [dreg:$0x7];
	[sflag:s0] =	ssyncset.done $0x0  }
0xfb: {  	s19 =	rddreg [dreg:$0x6];
	[sflag:s0] =	ssyncadd.s32 $0xFFFFFF80;
	s13 =	sadd.s32 $0x0, s14  }
0xfc: {  	[tilespmem:s18], [sflag:$0x3] =	stream.linear.gather [hbm4b:s13+s4], $0x80, $0x38;
	[tilespmem:$0x1C700] =	vst v63  }
0xfd: {  	s21 =	sadd.s32 $0x0, s19  }
0xfe: {  	[tilespmem:s20], [sflag:$0x3] =	stream.linear.gather [hbm4b:s21+s4], $0x80, $0x38;
	[tilespmem:$0x1C700] =	vst v63  }
0xff: {  	_ =	swait.ge [sflag:s23], $0x80  }
0x100: {  	[sflag:s23] =	ssyncset.done $0x0  }
0x101: {  	[sflag:s23] =	ssyncadd.s32 $0xFFFFFF80  }
0x102: {  	_ =	swait.ge [sflag:s23], $0x80  }
0x103: {  	[sflag:s23] =	ssyncset.done $0x0  }
0x104: {  	[sflag:s23] =	ssyncadd.s32 $0xFFFFFF80  }
0x105: {  	[tilespmem:s24], [sflag:$0x5] =	stream.indirect.gather [hbm4b:s1+s16], $0x80, s4, s16, $0xb8;
	[tilespmem:$0x1C700] =	vst v63  }
0x106: {  	_ =	swait.ge [sflag:s8], $0x4000  }
0x107: {  	[sflag:s8] =	ssyncset.done $0x0  }
0x108: {  	s14 =	sadd.s32 $0x1000, s12;
	s13 =	simm.s32 $0x200;
	[sflag:s8] =	ssyncadd.s32 $0xFFFFC000  }
0x109: {  	[spmem:s2] =	stream.indirect.scatter.add.f32 [tilespmem:s29], [sflag:$0x8], $0x80, s26, s16, $0xb8;
	[tilespmem:$0x1C700] =	vst v63  }
.LBB2_2:
0x10a: {  	[spmem:s3] =	stream.indirect.scatter.add.f32 [tilespmem:s22], [sflag:$0xA], $0x1, s26, s16, $0xb8;
	[tilespmem:$0x1C700] =	vst v63  }
0x10b: {  	_ =	swait.ge [sflag:s9], $0x4000  }
0x10c: {  	[sflag:s9] =	ssyncset.done $0x0  }
0x10d: {  	[sflag:s9] =	ssyncadd.s32 $0xFFFFC000  }
0x10e: {  	_ =	swait.ge [sflag:s10], $0x80  }
0x10f: {  	s12 =	sshrl.u32 s14, $0x3;
	[sflag:s10] =	ssyncset.done $0x0  }
0x110: {  	s21 =	sadd.s32 s6, s12;
	[sflag:s10] =	ssyncadd.s32 $0xFFFFFF80  }
0x111: {  	[tilespmem:s25], [sflag:$0x4] =	stream.linear.gather [hbm4b:s21+s4], $0x80, $0x38;
	[tilespmem:$0x1C700] =	vst v63  }
0x112: {  	s12 =	sadd.s32 s7, s12  }
0x113: {  	[tilespmem:s26], [sflag:$0x4] =	stream.linear.gather [hbm4b:s12+s4], $0x80, $0x38;
	[tilespmem:$0x1C700] =	vst v63  }
0x114: {  	_ =	swait.ge [sflag:s28], $0x80  }
0x115: {  	[sflag:s28] =	ssyncset.done $0x0  }
0x116: {  	[sflag:s28] =	ssyncadd.s32 $0xFFFFFF80  }
0x117: {  	_ =	swait.ge [sflag:s28], $0x80  }
0x118: {  	[sflag:s28] =	ssyncset.done $0x0  }
0x119: {  	[sflag:s28] =	ssyncadd.s32 $0xFFFFFF80  }
0x11a: {  	[tilespmem:s29], [sflag:$0x6] =	stream.indirect.gather [hbm4b:s1+s16], $0x80, s16, s16, $0xb8;
	[tilespmem:$0x1C700] =	vst v63  }
0x11b: {  	_ =	swait.ge [sflag:s30], $0x4000  }
0x11c: {  	[sflag:s30] =	ssyncset.done $0x0  }
0x11d: {  	[sflag:s30] =	ssyncadd.s32 $0xFFFFC000  }
0x11e: {  	[spmem:s2] =	stream.indirect.scatter.add.f32 [tilespmem:s24], [sflag:$0x7], $0x80, s15, s16, $0xb8;
	[tilespmem:$0x1C700] =	vst v63  }
0x11f: {  	_ = 	snop  }
0x120: {  	[spmem:s3] =	stream.indirect.scatter.add.f32 [tilespmem:s22], [sflag:$0x9], $0x1, s15, s16, $0xb8;
	[tilespmem:$0x1C700] =	vst v63  }
0x121: {  	_ =	swait.ge [sflag:s31], $0x4000  }
0x122: {  	[sflag:s31] =	ssyncset.done $0x0  }
0x123: {  	[sflag:s31] =	ssyncadd.s32 $0xFFFFC000  }
0x124: {  	_ =	swait.ge [sflag:s0], $0x80  }
0x125: {  	s19 =	smov.u32 s13;
	s12 =	rddreg [dreg:$0xb];
	[sflag:s0] =	ssyncset.done $0x0  }
0x126: {  	s21 =	rddreg [dreg:$0xa];
	[sflag:s0] =	ssyncadd.s32 $0xFFFFFF80;
	s12 =	sadd.s32 s19, s12  }
0x127: {  	[tilespmem:s4], [sflag:$0x1] =	stream.linear.gather [hbm4b:s12+s4], $0x80, $0x38;
	[tilespmem:$0x1C700] =	vst v63  }
0x128: {  	s21 =	sadd.s32 s19, s21  }
0x129: {  	[tilespmem:s15], [sflag:$0x1] =	stream.linear.gather [hbm4b:s21+s4], $0x80, $0x38;
	[tilespmem:$0x1C700] =	vst v63  }
0x12a: {  	_ =	swait.ge [sflag:s5], $0x80  }
0x12b: {  	[sflag:s5] =	ssyncset.done $0x0  }
0x12c: {  	[sflag:s5] =	ssyncadd.s32 $0xFFFFFF80  }
0x12d: {  	_ =	swait.ge [sflag:s5], $0x80  }
0x12e: {  	[sflag:s5] =	ssyncset.done $0x0  }
0x12f: {  	[sflag:s5] =	ssyncadd.s32 $0xFFFFFF80  }
0x130: {  	[tilespmem:s24], [sflag:$0x5] =	stream.indirect.gather [hbm4b:s1+s16], $0x80, s18, s16, $0xb8;
	[tilespmem:$0x1C700] =	vst v63  }
0x131: {  	_ =	swait.ge [sflag:s8], $0x4000  }
0x132: {  	[sflag:s8] =	ssyncset.done $0x0  }
0x133: {  	[sflag:s8] =	ssyncadd.s32 $0xFFFFC000  }
0x134: {  	[spmem:s2] =	stream.indirect.scatter.add.f32 [tilespmem:s29], [sflag:$0x8], $0x80, s17, s16, $0xb8;
	[tilespmem:$0x1C700] =	vst v63  }
0x135: {  	_ = 	snop  }
0x136: {  	[spmem:s3] =	stream.indirect.scatter.add.f32 [tilespmem:s22], [sflag:$0xA], $0x1, s17, s16, $0xb8;
	[tilespmem:$0x1C700] =	vst v63  }
0x137: {  	_ =	swait.ge [sflag:s9], $0x4000  }
0x138: {  	[sflag:s9] =	ssyncset.done $0x0  }
0x139: {  	[sflag:s9] =	ssyncadd.s32 $0xFFFFC000  }
0x13a: {  	_ =	swait.ge [sflag:s10], $0x80  }
0x13b: {  	s12 =	rddreg [dreg:$0x9];
	[sflag:s10] =	ssyncset.done $0x0  }
0x13c: {  	s21 =	rddreg [dreg:$0x8];
	[sflag:s10] =	ssyncadd.s32 $0xFFFFFF80;
	s12 =	sadd.s32 s19, s12  }
0x13d: {  	[tilespmem:s16], [sflag:$0x2] =	stream.linear.gather [hbm4b:s12+s4], $0x80, $0x38;
	[tilespmem:$0x1C700] =	vst v63  }
0x13e: {  	s21 =	sadd.s32 s19, s21  }
0x13f: {  	[tilespmem:s17], [sflag:$0x2] =	stream.linear.gather [hbm4b:s21+s4], $0x80, $0x38;
	[tilespmem:$0x1C700] =	vst v63  }
0x140: {  	_ =	swait.ge [sflag:s11], $0x80  }
0x141: {  	[sflag:s11] =	ssyncset.done $0x0  }
0x142: {  	[sflag:s11] =	ssyncadd.s32 $0xFFFFFF80  }
0x143: {  	_ =	swait.ge [sflag:s11], $0x80  }
0x144: {  	[sflag:s11] =	ssyncset.done $0x0  }
0x145: {  	[sflag:s11] =	ssyncadd.s32 $0xFFFFFF80  }
0x146: {  	[tilespmem:s29], [sflag:$0x6] =	stream.indirect.gather [hbm4b:s1+s16], $0x80, s25, s16, $0xb8;
	[tilespmem:$0x1C700] =	vst v63  }
0x147: {  	_ =	swait.ge [sflag:s30], $0x4000  }
0x148: {  	[sflag:s30] =	ssyncset.done $0x0  }
0x149: {  	[sflag:s30] =	ssyncadd.s32 $0xFFFFC000  }
0x14a: {  	[spmem:s2] =	stream.indirect.scatter.add.f32 [tilespmem:s24], [sflag:$0x7], $0x80, s20, s16, $0xb8;
	[tilespmem:$0x1C700] =	vst v63  }
0x14b: {  	_ = 	snop  }
0x14c: {  	[spmem:s3] =	stream.indirect.scatter.add.f32 [tilespmem:s22], [sflag:$0x9], $0x1, s20, s16, $0xb8;
	[tilespmem:$0x1C700] =	vst v63  }
0x14d: {  	_ =	swait.ge [sflag:s31], $0x4000  }
0x14e: {  	[sflag:s31] =	ssyncset.done $0x0  }
0x14f: {  	[sflag:s31] =	ssyncadd.s32 $0xFFFFC000  }
0x150: {  	_ =	swait.ge [sflag:s0], $0x80  }
0x151: {  	s12 =	rddreg [dreg:$0x7];
	[sflag:s0] =	ssyncset.done $0x0  }
0x152: {  	s21 =	rddreg [dreg:$0x6];
	[sflag:s0] =	ssyncadd.s32 $0xFFFFFF80;
	s12 =	sadd.s32 s19, s12  }
0x153: {  	[tilespmem:s18], [sflag:$0x3] =	stream.linear.gather [hbm4b:s12+s4], $0x80, $0x38;
	[tilespmem:$0x1C700] =	vst v63  }
0x154: {  	s21 =	sadd.s32 s19, s21  }
0x155: {  	[tilespmem:s20], [sflag:$0x3] =	stream.linear.gather [hbm4b:s21+s4], $0x80, $0x38;
	[tilespmem:$0x1C700] =	vst v63  }
0x156: {  	_ =	swait.ge [sflag:s23], $0x80  }
0x157: {  	[sflag:s23] =	ssyncset.done $0x0  }
0x158: {  	[sflag:s23] =	ssyncadd.s32 $0xFFFFFF80  }
0x159: {  	_ =	swait.ge [sflag:s23], $0x80  }
0x15a: {  	[sflag:s23] =	ssyncset.done $0x0  }
0x15b: {  	p0 =	sne.s32 s13, $0x2000;
	[sflag:s23] =	ssyncadd.s32 $0xFFFFFF80  }
0x15c: {  	[tilespmem:s24], [sflag:$0x5] =	stream.indirect.gather [hbm4b:s1+s16], $0x80, s4, s16, $0xb8;
	[tilespmem:$0x1C700] =	vst v63  }
.Ltmp0:
0x15d: {  	_ = 	snop;
	(pc) =	sbr.rel @p0 .LBB2_2-.Ltmp0, $4  }
0x15e: {  	_ =	swait.ge [sflag:s8], $0x4000  }
0x15f: {  	[sflag:s8] =	ssyncset.done $0x0  }
0x160: {  	s13 =	sadd.s32 $0x200, s13;
	s14 =	sadd.s32 $0x1000, s14;
	[sflag:s8] =	ssyncadd.s32 $0xFFFFC000  }
0x161: {  	[spmem:s2] =	stream.indirect.scatter.add.f32 [tilespmem:s29], [sflag:$0x8], $0x80, s26, s16, $0xb8;
	[tilespmem:$0x1C700] =	vst v63  }
0x162: {  	[spmem:s3] =	stream.indirect.scatter.add.f32 [tilespmem:s22], [sflag:$0xA], $0x1, s26, s16, $0xb8;
	[tilespmem:$0x1C700] =	vst v63  }
0x163: {  	_ =	swait.ge [sflag:s9], $0x4000  }
0x164: {  	[sflag:s9] =	ssyncset.done $0x0  }
0x165: {  	[sflag:s9] =	ssyncadd.s32 $0xFFFFC000  }
0x166: {  	_ =	swait.ge [sflag:s10], $0x80  }
0x167: {  	s12 =	sld [smem:$0x7F3]  }
0x168: {  	[sflag:s10] =	ssyncset.done $0x0  }
0x169: {  	s21 =	sld [smem:$0x7F4];
	[sflag:s10] =	ssyncadd.s32 $0xFFFFFF80  }
0x16a: {  	[tilespmem:s25], [sflag:$0x4] =	stream.linear.gather [hbm4b:s12+s4], $0x80, $0x38;
	[tilespmem:$0x1C700] =	vst v63  }
0x16b: {  	_ = 	snop  }
0x16c: {  	[tilespmem:s26], [sflag:$0x4] =	stream.linear.gather [hbm4b:s21+s4], $0x80, $0x38;
	[tilespmem:$0x1C700] =	vst v63  }
0x16d: {  	_ =	swait.ge [sflag:s28], $0x80  }
0x16e: {  	[sflag:s28] =	ssyncset.done $0x0  }
0x16f: {  	[sflag:s28] =	ssyncadd.s32 $0xFFFFFF80  }
0x170: {  	_ =	swait.ge [sflag:s28], $0x80  }
0x171: {  	[sflag:s28] =	ssyncset.done $0x0  }
0x172: {  	[sflag:s28] =	ssyncadd.s32 $0xFFFFFF80  }
0x173: {  	[tilespmem:s29], [sflag:$0x6] =	stream.indirect.gather [hbm4b:s1+s16], $0x80, s16, s16, $0xb8;
	[tilespmem:$0x1C700] =	vst v63  }
0x174: {  	_ =	swait.ge [sflag:s30], $0x4000  }
0x175: {  	[sflag:s30] =	ssyncset.done $0x0  }
0x176: {  	[sflag:s30] =	ssyncadd.s32 $0xFFFFC000  }
0x177: {  	[spmem:s2] =	stream.indirect.scatter.add.f32 [tilespmem:s24], [sflag:$0x7], $0x80, s15, s16, $0xb8;
	[tilespmem:$0x1C700] =	vst v63  }
0x178: {  	_ = 	snop  }
0x179: {  	[spmem:s3] =	stream.indirect.scatter.add.f32 [tilespmem:s22], [sflag:$0x9], $0x1, s15, s16, $0xb8;
	[tilespmem:$0x1C700] =	vst v63  }
0x17a: {  	_ =	swait.ge [sflag:s31], $0x4000  }
0x17b: {  	[sflag:s31] =	ssyncset.done $0x0  }
0x17c: {  	[sflag:s31] =	ssyncadd.s32 $0xFFFFC000  }
0x17d: {  	_ =	swait.ge [sflag:s0], $0x80  }
0x17e: {  	s13 =	sld [smem:$0x7F5]  }
0x17f: {  	[sflag:s0] =	ssyncset.done $0x0  }
0x180: {  	s14 =	sld [smem:$0x7F6];
	[sflag:s0] =	ssyncadd.s32 $0xFFFFFF80  }
0x181: {  	[tilespmem:s4], [sflag:$0x1] =	stream.linear.gather [hbm4b:s13+s4], $0x80, $0x38;
	[tilespmem:$0x1C700] =	vst v63  }
0x182: {  	_ = 	snop  }
0x183: {  	[tilespmem:s15], [sflag:$0x1] =	stream.linear.gather [hbm4b:s14+s4], $0x80, $0x38;
	[tilespmem:$0x1C700] =	vst v63  }
0x184: {  	_ =	swait.ge [sflag:s5], $0x80  }
0x185: {  	[sflag:s5] =	ssyncset.done $0x0  }
0x186: {  	[sflag:s5] =	ssyncadd.s32 $0xFFFFFF80  }
0x187: {  	_ =	swait.ge [sflag:s5], $0x80  }
0x188: {  	[sflag:s5] =	ssyncset.done $0x0  }
0x189: {  	[sflag:s5] =	ssyncadd.s32 $0xFFFFFF80  }
0x18a: {  	[tilespmem:s24], [sflag:$0x5] =	stream.indirect.gather [hbm4b:s1+s16], $0x80, s18, s16, $0xb8;
	[tilespmem:$0x1C700] =	vst v63  }
0x18b: {  	_ =	swait.ge [sflag:s8], $0x4000  }
0x18c: {  	[sflag:s8] =	ssyncset.done $0x0  }
0x18d: {  	[sflag:s8] =	ssyncadd.s32 $0xFFFFC000  }
0x18e: {  	[spmem:s2] =	stream.indirect.scatter.add.f32 [tilespmem:s29], [sflag:$0x8], $0x80, s17, s16, $0xb8;
	[tilespmem:$0x1C700] =	vst v63  }
0x18f: {  	_ = 	snop  }
0x190: {  	[spmem:s3] =	stream.indirect.scatter.add.f32 [tilespmem:s22], [sflag:$0xA], $0x1, s17, s16, $0xb8;
	[tilespmem:$0x1C700] =	vst v63  }
0x191: {  	_ =	swait.ge [sflag:s9], $0x4000  }
0x192: {  	[sflag:s9] =	ssyncset.done $0x0  }
0x193: {  	[sflag:s9] =	ssyncadd.s32 $0xFFFFC000  }
0x194: {  	_ =	swait.ge [sflag:s10], $0x80  }
0x195: {  	s19 =	sld [smem:$0x7F7]  }
0x196: {  	[sflag:s10] =	ssyncset.done $0x0  }
0x197: {  	s21 =	sld [smem:$0x7F8];
	[sflag:s10] =	ssyncadd.s32 $0xFFFFFF80  }
0x198: {  	[tilespmem:s16], [sflag:$0x2] =	stream.linear.gather [hbm4b:s19+s4], $0x80, $0x38;
	[tilespmem:$0x1C700] =	vst v63  }
0x199: {  	_ = 	snop  }
0x19a: {  	[tilespmem:s17], [sflag:$0x2] =	stream.linear.gather [hbm4b:s21+s4], $0x80, $0x38;
	[tilespmem:$0x1C700] =	vst v63  }
0x19b: {  	_ =	swait.ge [sflag:s11], $0x80  }
0x19c: {  	[sflag:s11] =	ssyncset.done $0x0  }
0x19d: {  	[sflag:s11] =	ssyncadd.s32 $0xFFFFFF80  }
0x19e: {  	_ =	swait.ge [sflag:s11], $0x80  }
0x19f: {  	[sflag:s11] =	ssyncset.done $0x0  }
0x1a0: {  	[sflag:s11] =	ssyncadd.s32 $0xFFFFFF80  }
0x1a1: {  	[tilespmem:s29], [sflag:$0x6] =	stream.indirect.gather [hbm4b:s1+s16], $0x80, s25, s16, $0xb8;
	[tilespmem:$0x1C700] =	vst v63  }
0x1a2: {  	_ =	swait.ge [sflag:s30], $0x4000  }
0x1a3: {  	[sflag:s30] =	ssyncset.done $0x0  }
0x1a4: {  	[sflag:s30] =	ssyncadd.s32 $0xFFFFC000  }
0x1a5: {  	[spmem:s2] =	stream.indirect.scatter.add.f32 [tilespmem:s24], [sflag:$0x7], $0x80, s20, s16, $0xb8;
	[tilespmem:$0x1C700] =	vst v63  }
0x1a6: {  	_ = 	snop  }
0x1a7: {  	[spmem:s3] =	stream.indirect.scatter.add.f32 [tilespmem:s22], [sflag:$0x9], $0x1, s20, s16, $0xb8;
	[tilespmem:$0x1C700] =	vst v63  }
0x1a8: {  	_ =	swait.ge [sflag:s31], $0x4000  }
0x1a9: {  	[sflag:s31] =	ssyncset.done $0x0  }
0x1aa: {  	[sflag:s31] =	ssyncadd.s32 $0xFFFFC000  }
0x1ab: {  	_ =	swait.ge [sflag:s0], $0x80  }
0x1ac: {  	s13 =	sld [smem:$0x7F9]  }
0x1ad: {  	[sflag:s0] =	ssyncset.done $0x0  }
0x1ae: {  	s14 =	sld [smem:$0x7FA];
	[sflag:s0] =	ssyncadd.s32 $0xFFFFFF80  }
0x1af: {  	[tilespmem:s18], [sflag:$0x3] =	stream.linear.gather [hbm4b:s13+s4], $0x80, $0x38;
	[tilespmem:$0x1C700] =	vst v63  }
0x1b0: {  	_ = 	snop  }
0x1b1: {  	[tilespmem:s20], [sflag:$0x3] =	stream.linear.gather [hbm4b:s14+s4], $0x80, $0x38;
	[tilespmem:$0x1C700] =	vst v63  }
0x1b2: {  	_ =	swait.ge [sflag:s23], $0x80  }
0x1b3: {  	[sflag:s23] =	ssyncset.done $0x0  }
0x1b4: {  	[sflag:s23] =	ssyncadd.s32 $0xFFFFFF80  }
0x1b5: {  	_ =	swait.ge [sflag:s23], $0x80  }
0x1b6: {  	[sflag:s23] =	ssyncset.done $0x0  }
0x1b7: {  	[sflag:s23] =	ssyncadd.s32 $0xFFFFFF80  }
0x1b8: {  	[tilespmem:s24], [sflag:$0x5] =	stream.indirect.gather [hbm4b:s1+s16], $0x80, s4, s16, $0xb8;
	[tilespmem:$0x1C700] =	vst v63  }
0x1b9: {  	_ =	swait.ge [sflag:s8], $0x4000  }
0x1ba: {  	[sflag:s8] =	ssyncset.done $0x0  }
0x1bb: {  	[sflag:s8] =	ssyncadd.s32 $0xFFFFC000  }
0x1bc: {  	[spmem:s2] =	stream.indirect.scatter.add.f32 [tilespmem:s29], [sflag:$0x8], $0x80, s26, s16, $0xb8;
	[tilespmem:$0x1C700] =	vst v63  }
0x1bd: {  	_ = 	snop  }
0x1be: {  	[spmem:s3] =	stream.indirect.scatter.add.f32 [tilespmem:s22], [sflag:$0xA], $0x1, s26, s16, $0xb8;
	[tilespmem:$0x1C700] =	vst v63  }
0x1bf: {  	_ =	swait.ge [sflag:s9], $0x4000  }
0x1c0: {  	[sflag:s9] =	ssyncset.done $0x0  }
0x1c1: {  	[sflag:s9] =	ssyncadd.s32 $0xFFFFC000  }
0x1c2: {  	_ =	swait.ge [sflag:s10], $0x80  }
0x1c3: {  	[sflag:s10] =	ssyncset.done $0x0  }
0x1c4: {  	[sflag:s10] =	ssyncadd.s32 $0xFFFFFF80  }
0x1c5: {  	_ =	swait.ge [sflag:s28], $0x80  }
0x1c6: {  	[sflag:s28] =	ssyncset.done $0x0  }
0x1c7: {  	[sflag:s28] =	ssyncadd.s32 $0xFFFFFF80  }
0x1c8: {  	_ =	swait.ge [sflag:s28], $0x80  }
0x1c9: {  	[sflag:s28] =	ssyncset.done $0x0  }
0x1ca: {  	[sflag:s28] =	ssyncadd.s32 $0xFFFFFF80  }
0x1cb: {  	[tilespmem:s29], [sflag:$0x6] =	stream.indirect.gather [hbm4b:s1+s16], $0x80, s16, s16, $0xb8;
	[tilespmem:$0x1C700] =	vst v63  }
0x1cc: {  	_ =	swait.ge [sflag:s30], $0x4000  }
0x1cd: {  	[sflag:s30] =	ssyncset.done $0x0  }
0x1ce: {  	[sflag:s30] =	ssyncadd.s32 $0xFFFFC000  }
0x1cf: {  	[spmem:s2] =	stream.indirect.scatter.add.f32 [tilespmem:s24], [sflag:$0x7], $0x80, s15, s16, $0xb8;
	[tilespmem:$0x1C700] =	vst v63  }
0x1d0: {  	_ = 	snop  }
0x1d1: {  	[spmem:s3] =	stream.indirect.scatter.add.f32 [tilespmem:s22], [sflag:$0x9], $0x1, s15, s16, $0xb8;
	[tilespmem:$0x1C700] =	vst v63  }
0x1d2: {  	_ =	swait.ge [sflag:s31], $0x4000  }
0x1d3: {  	[sflag:s31] =	ssyncset.done $0x0  }
0x1d4: {  	[sflag:s31] =	ssyncadd.s32 $0xFFFFC000  }
0x1d5: {  	_ =	swait.ge [sflag:s0], $0x80  }
0x1d6: {  	[sflag:s0] =	ssyncset.done $0x0  }
0x1d7: {  	[sflag:s0] =	ssyncadd.s32 $0xFFFFFF80  }
0x1d8: {  	_ =	swait.ge [sflag:s5], $0x80  }
0x1d9: {  	[sflag:s5] =	ssyncset.done $0x0  }
0x1da: {  	[sflag:s5] =	ssyncadd.s32 $0xFFFFFF80  }
0x1db: {  	_ =	swait.ge [sflag:s5], $0x80  }
0x1dc: {  	[sflag:s5] =	ssyncset.done $0x0  }
0x1dd: {  	[sflag:s5] =	ssyncadd.s32 $0xFFFFFF80  }
0x1de: {  	[tilespmem:s24], [sflag:$0x5] =	stream.indirect.gather [hbm4b:s1+s16], $0x80, s18, s16, $0xb8;
	[tilespmem:$0x1C700] =	vst v63  }
0x1df: {  	_ =	swait.ge [sflag:s8], $0x4000  }
0x1e0: {  	[sflag:s8] =	ssyncset.done $0x0  }
0x1e1: {  	[sflag:s8] =	ssyncadd.s32 $0xFFFFC000  }
0x1e2: {  	[spmem:s2] =	stream.indirect.scatter.add.f32 [tilespmem:s29], [sflag:$0x8], $0x80, s17, s16, $0xb8;
	[tilespmem:$0x1C700] =	vst v63  }
0x1e3: {  	_ = 	snop  }
0x1e4: {  	[spmem:s3] =	stream.indirect.scatter.add.f32 [tilespmem:s22], [sflag:$0xA], $0x1, s17, s16, $0xb8;
	[tilespmem:$0x1C700] =	vst v63  }
0x1e5: {  	_ =	swait.ge [sflag:s9], $0x4000  }
0x1e6: {  	[sflag:s9] =	ssyncset.done $0x0  }
0x1e7: {  	[sflag:s9] =	ssyncadd.s32 $0xFFFFC000  }
0x1e8: {  	_ =	swait.ge [sflag:s10], $0x80  }
0x1e9: {  	[sflag:s10] =	ssyncset.done $0x0  }
0x1ea: {  	[sflag:s10] =	ssyncadd.s32 $0xFFFFFF80  }
0x1eb: {  	_ =	swait.ge [sflag:s30], $0x4000  }
0x1ec: {  	[sflag:s30] =	ssyncset.done $0x0  }
0x1ed: {  	[sflag:s30] =	ssyncadd.s32 $0xFFFFC000  }
0x1ee: {  	[spmem:s2] =	stream.indirect.scatter.add.f32 [tilespmem:s24], [sflag:$0x7], $0x80, s20, s16, $0xb8;
	[tilespmem:$0x1C700] =	vst v63  }
0x1ef: {  	_ = 	snop  }
0x1f0: {  	[spmem:s3] =	stream.indirect.scatter.add.f32 [tilespmem:s22], [sflag:$0x9], $0x1, s20, s16, $0xb8;
	[tilespmem:$0x1C700] =	vst v63  }
0x1f1: {  	_ =	swait.ge [sflag:s31], $0x4000  }
0x1f2: {  	[sflag:s31] =	ssyncset.done $0x0  }
0x1f3: {  	[sflag:s31] =	ssyncadd.s32 $0xFFFFC000  }
0x1f4: {  	_ =	swait.ge [sflag:s0], $0x80  }
0x1f5: {  	[sflag:s0] =	ssyncset.done $0x0  }
0x1f6: {  	[sflag:s0] =	ssyncadd.s32 $0xFFFFFF80  }
0x1f7: {  	[bflag:$0x0] =	sbarrier.arrive $0xFFFF  }
0x1f8: {  	s19 =	sld [smem:$0x7FB]  }
0x1f9: {  	s14 =	sld [smem:$0x7F0];
	_ =	sdelay $0x1  }
0x1fa: {  	s21 =	simm.s32 $0xB;
	s13 =	rddreg [dreg:$0x17]  }
0x1fb: {  	[hbm:s19], [sflag:s13] =	dma.local [spmem:s14], $0x2800  }
0x1fc: {  	_ =	swait.ge [sflag:s21], $0x2800  }
0x1fd: {  	s13 =	sld [smem:$0x7F1]  }
0x1fe: {  	s19 =	simm.s32 $0x20;
	[sflag:s21] =	ssyncset.done $0x0;
	s12 =	rddreg [dreg:$0x14]  }
0x1ff: {  	s14 =	rddreg [dreg:$0x17];
	[sflag:s21] =	ssyncadd.s32 $0xFFFFD800;
	s21 =	simm.s32 $0x10  }
0x200: {  	[hbm:s12@s19], [sflag:s14] =	dma.strided [spmem:s13@s21], $0x50, s23, $0x10   }
0x201: {  	s14 =	simm.s32 $0xB  }
0x202: {  	s21 =	rddreg [dreg:$0x17];
	_ =	swait.ge [sflag:s14], $0x50  }
0x203: {  	s12 =	sld [smem:$0x7EF]  }
0x204: {  	s13 =	sld [smem:$0x7FC];
	_ =	sdelay $0x1  }
0x205: {  	s19 =	sadd.s32 $0x1, s12  }
0x206: {  	p0 =	sne.s32 s19, s13  }
.Ltmp1:
0x207: {  	_ = 	snop;
	(pc) =	sbr.rel @p0 .LBB2_1-.Ltmp1, $3  }
0x208: {  	_ =	sdelay $0x1  }
0x209: {  	[sflag:s14] =	ssyncset.done $0x0  }
0x20a: {  	[sflag:s14] =	ssyncadd.s32 $0xFFFFFFB0  }
0x20b: {  	_ =	sfence.sel $0x180000  }
0x20c: {  	[bflag:$0x0] =	sbarrier.arrive $0xFFFF  }
0x20d: {  	_ =	strace $0x90000047  }
0x20e: {  	s0 =	stileid.u32;
	[bflag:$0x2] =	sbarrier.arrive $0xFFFF  }
0x20f: {  	p0 =	sne.s32 s0, $0x0;
	s0 =	rddreg [dreg:$0x5]  }
0x210: {  	s0 =	sadd.s32 @!p0 $0x100000, s0  }
0x211: {  	[sflag:s0] =	ssyncadd.tile.s32 @!p0 $0x1;
	_ =	shalt  }
.Lfunc_end2:
_tile_overlayer_lowered:
.L_overlay_start_2:
0x212: {  	(tag) =	ssettag $0x2  }
0x213: {  	s0 =	rddreg [dreg:$0x0];
	s2 =	stileid.u32  }
0x214: {  	s1 =	rddreg [dreg:$0x1];
	p0 =	sne.s32 s2, $0x0  }
0x215: {  	s3 =	rddreg [dreg:$0x2];
	[bflag:$0x3] =	sbarrier.arrive $0xFFFF;
	s2 =	simm.s32 @!p0 $0x1C0B  }
0x216: {  	[timem:s3], [sflag:s2] =	dma.local @!p0 [hbm:s0], s1  }
0x217: {  	s0 =	simm.s32 @!p0 $0xB  }
0x218: {  	_ =	swait.ge @!p0 [sflag:s0], s1  }
0x219: {  	s1 =	ssub.s32 @!p0 $0x0, s1;
	[sflag:s0] =	ssyncset.done @!p0 $0x0  }
0x21a: {  	[sflag:s0] =	ssyncadd.s32 @!p0 s1  }
0x21b: {  	[bflag:$0x3] =	sbarrier.arrive $0xFFFF  }
0x21c: {  	_ =	shalt  }

</sc_bundles>
